<compile_context>
chip_gen: v7x
topology: tpu7x:2x2x1
jax: 0.10.2.dev20260603
libtpu: 0.0.44.dev20260713+nightly
codegen_flags: <defaults>
</compile_context>

<pallas_src>
import functools

import jax
import jax.numpy as jnp
from jax import lax
from jax.experimental import pallas as pl
from jax.experimental.pallas import tpu as pltpu
from jax.experimental.pallas import tpu_sc as plsc

N = 10000
E = 160000
D = 256
H = 256
G = 64

NC = 2
NS = 16
NW = NC * NS
EREAL = E // NW
EPW = 5008
NV = EPW // 16
MPAD = N + 80
PADDST = MPAD - 1
CAP = 512
GRP = 8



def _k1_side(x, W, av, bv, batch, o_asrc, o_adst, o_mark, o_soh):
    f32 = jnp.float32
    i32 = jnp.int32
    wsrc = jnp.dot(W, av, preferred_element_type=f32)
    wdst = jnp.dot(W, bv, preferred_element_type=f32)
    a_src = jnp.dot(x, wsrc, preferred_element_type=f32)
    a_dst = jnp.dot(x, wdst, preferred_element_type=f32)
    o_asrc[...] = a_src

    gcol = lax.broadcasted_iota(i32, (G, 1), 0)
    eqg = (gcol == batch).astype(f32)
    ones_col = jnp.ones((N, 1), f32)
    counts = jnp.dot(eqg, ones_col, preferred_element_type=f32)
    g_r = lax.broadcasted_iota(i32, (G, G), 0)
    g_c = lax.broadcasted_iota(i32, (G, G), 1)
    lt = (g_c <= g_r).astype(f32)
    cum = jnp.dot(lt, counts, preferred_element_type=f32)
    sel = cum.astype(i32) - 1
    selw = jnp.where(sel < 0, sel + N, sel)

    n2 = lax.broadcasted_iota(i32, (G, MPAD), 1)
    ohsel = (selw == n2).astype(f32)
    eqm = lax.dot_general(ohsel, ohsel, (((1,), (1,)), ((), ())),
                          preferred_element_type=f32)
    slt = (g_c < g_r).astype(f32)
    dup_before = jnp.dot(eqm * slt, jnp.ones((G, 1), f32),
                         preferred_element_type=f32)
    winner = dup_before < 0.5
    sel_mark = jnp.where(winner, selw, N + gcol)
    ohm = (sel_mark == n2).astype(f32)
    jp1 = (gcol + 1).astype(f32)
    markv = lax.dot_general(ohm, jp1, (((0,), (0,)), ((), ())),
                            preferred_element_type=f32)
    o_mark[...] = markv.astype(i32) - 1
    slot_p1 = jnp.dot(ohsel, markv, preferred_element_type=f32)
    slot_of_g = slot_p1.astype(i32) - 1
    o_soh[...] = (slot_of_g == g_c).astype(f32)
    o_adst[...] = jnp.dot(ohm[:, :N], a_dst, preferred_element_type=f32)


def _k1_body(xu_ref, wu_ref, au_ref, bu_ref, batu_ref,
             xd_ref, wd_ref, ad_ref, bd_ref, batd_ref,
             o_asrc_u, o_adst_u, o_mark_u, o_soh_u,
             o_asrc_d, o_adst_d, o_mark_d, o_soh_d):
    _k1_side(xu_ref[...], wu_ref[...], au_ref[...], bu_ref[...],
             batu_ref[...], o_asrc_u, o_adst_u, o_mark_u, o_soh_u)
    _k1_side(xd_ref[...], wd_ref[...], ad_ref[...], bd_ref[...],
             batd_ref[...], o_asrc_d, o_adst_d, o_mark_d, o_soh_d)


_k1 = pl.pallas_call(
    _k1_body,
    out_shape=(
        jax.ShapeDtypeStruct((N, 1), jnp.float32),
        jax.ShapeDtypeStruct((G, 1), jnp.float32),
        jax.ShapeDtypeStruct((MPAD, 1), jnp.int32),
        jax.ShapeDtypeStruct((G, G), jnp.float32),
        jax.ShapeDtypeStruct((N, 1), jnp.float32),
        jax.ShapeDtypeStruct((G, 1), jnp.float32),
        jax.ShapeDtypeStruct((MPAD, 1), jnp.int32),
        jax.ShapeDtypeStruct((G, G), jnp.float32),
    ),
)



def _k2_body(src_up, dst_up, src_dn, dst_dn, asrc_up, asrc_dn,
             adst_up, adst_dn, mark_up, mark_dn, x_up, x_dn,
             o_num_up, o_den_up, o_num_dn, o_den_dn,
             e_src, e_dst, t_asrc, t_mark, t_adst,
             hit_src, hit_slot, hit_e, rowbuf, numer_v, denom_v,
             sem):
    i32 = jnp.int32
    f32 = jnp.float32
    cid = lax.axis_index("c")
    sid = lax.axis_index("s")
    wid = sid * NC + cid
    base_e = wid * EREAL
    iota16 = lax.iota(i32, 16)
    zf = jnp.zeros((16,), f32)
    zi = jnp.zeros((16,), i32)
    lane0 = iota16 == 0
    tailmask = iota16 >= (EREAL - (NV - 1) * 16)

    sides = (
        (src_up, dst_up, asrc_up, adst_up, mark_up, x_up, o_num_up, o_den_up),
        (src_dn, dst_dn, asrc_dn, adst_dn, mark_dn, x_dn, o_num_dn, o_den_dn),
    )
    for sidx, (srcR, dstR, asrcR, adstR, markR, xR, onumR, odenR) in enumerate(sides):
      with jax.named_scope(f"stage{sidx}"):
        cps = [
            pltpu.async_copy(srcR.at[pl.ds(base_e, EREAL)],
                             e_src.at[pl.ds(0, EREAL)], sem),
            pltpu.async_copy(dstR.at[pl.ds(base_e, EREAL)],
                             e_dst.at[pl.ds(0, EREAL)], sem),
            pltpu.async_copy(asrcR, t_asrc, sem),
            pltpu.async_copy(markR, t_mark, sem),
            pltpu.async_copy(adstR, t_adst, sem),
        ]

        def _znum(i, c):
            numer_v[pl.ds(i * 16, 16)] = zf
            return c
        lax.fori_loop(0, (G * H) // 16, _znum, 0)
        for i in range(G // 16):
            denom_v[pl.ds(i * 16, 16)] = zf
        for i in range(CAP // 16):
            hit_src[pl.ds(i * 16, 16)] = zi
        for cp in cps:
            cp.wait()
        tb = (NV - 1) * 16
        plsc.store_scatter(e_src, [iota16 + tb], zi, mask=tailmask)
        plsc.store_scatter(e_dst, [iota16 + tb],
                           jnp.full((16,), PADDST, i32), mask=tailmask)

      with jax.named_scope(f"p1_{sidx}"):
        def _p1(i, cnt):
            dvec = e_dst[pl.ds(i * 16, 16)]
            svec = e_src[pl.ds(i * 16, 16)]
            slot = plsc.load_gather(t_mark, [dvec])
            hit = slot >= 0
            slotc = jnp.maximum(slot, 0)
            a_s = plsc.load_gather(t_asrc, [svec], mask=hit)
            a_d = plsc.load_gather(t_adst, [slotc], mask=hit)
            al = a_s + a_d
            al = jnp.where(al >= 0.0, al, 0.2 * al)
            e = jnp.where(hit, jnp.exp(al), 0.0)
            pos = cnt + plsc.cumsum(hit.astype(i32)) - 1
            pos = jnp.minimum(jnp.maximum(pos, 0), CAP - 1)
            plsc.store_scatter(hit_src, [pos], svec, mask=hit)
            plsc.store_scatter(hit_slot, [pos], slot, mask=hit)
            plsc.store_scatter(hit_e, [pos], e, mask=hit)
            return cnt + plsc.all_reduce_population_count(hit)
        cnt = lax.fori_loop(0, NV, _p1, jnp.zeros((16,), i32))
        nh = jnp.minimum(jnp.max(cnt), CAP)

      with jax.named_scope(f"p2_{sidx}"):
        def _grp(g, carry):
            gb = g * GRP
            with jax.named_scope(f"dma{sidx}"):
                cps = [
                    pltpu.async_copy(
                        xR.at[hit_src[pl.ds(gb + k, 16)][0]],
                        rowbuf.at[k], sem)
                    for k in range(GRP)
                ]
                for cp in cps:
                    cp.wait()
            nthis = jnp.minimum(nh - gb, GRP)

            def _ph(r, carry2):
                slot_s = hit_slot[pl.ds(gb + r, 16)][0]
                e_bc = jnp.full((16,), hit_e[pl.ds(gb + r, 16)][0],
                                jnp.float32)
                nbase = slot_s * H
                for f in range(H // 16):
                    row = rowbuf[r, pl.ds(f * 16, 16)]
                    plsc.addupdate(numer_v.at[pl.ds(nbase + f * 16, 16)],
                                   e_bc * row)
                plsc.addupdate_scatter(denom_v,
                                       [jnp.full((16,), slot_s, i32)],
                                       e_bc, mask=lane0)
                return carry2
            lax.fori_loop(0, nthis, _ph, 0)
            return carry
        lax.fori_loop(0, (nh + GRP - 1) // GRP, _grp, 0)

      with jax.named_scope(f"out{sidx}"):
        pltpu.sync_copy(numer_v, onumR.at[wid])
        pltpu.sync_copy(denom_v, odenR.at[wid])


_k2 = functools.partial(
    pl.kernel,
    mesh=plsc.VectorSubcoreMesh(core_axis_name="c", subcore_axis_name="s",
                                num_cores=NC, num_subcores=NS),
    compiler_params=pltpu.CompilerParams(needs_layout_passes=False),
    out_type=(
        jax.ShapeDtypeStruct((NW, G * H), jnp.float32),
        jax.ShapeDtypeStruct((NW, G), jnp.float32),
        jax.ShapeDtypeStruct((NW, G * H), jnp.float32),
        jax.ShapeDtypeStruct((NW, G), jnp.float32),
    ),
    scratch_types=[
        pltpu.VMEM((EPW,), jnp.int32),
        pltpu.VMEM((EPW,), jnp.int32),
        pltpu.VMEM((N,), jnp.float32),
        pltpu.VMEM((MPAD,), jnp.int32),
        pltpu.VMEM((G,), jnp.float32),
        pltpu.VMEM((CAP + 16,), jnp.int32),
        pltpu.VMEM((CAP + 16,), jnp.int32),
        pltpu.VMEM((CAP + 16,), jnp.float32),
        pltpu.VMEM((GRP, D), jnp.float32),
        pltpu.VMEM((G * H,), jnp.float32),
        pltpu.VMEM((G,), jnp.float32),
        pltpu.SemaphoreType.DMA,
    ],
)(_k2_body)



def _k3_body(nu_ref, du_ref, sohu_ref, wu_ref, bu_ref,
             nd_ref, dd_ref, sohd_ref, wd_ref, bd_ref,
             mw_ref, mb_ref, o_ref):
    f32 = jnp.float32

    def side(n_ref, d_ref, soh_ref, w_ref, b_ref):
        nsum = jnp.sum(n_ref[...], axis=0)
        dsum = lax.dot_general(d_ref[...], jnp.ones((NW, 1), f32),
                               (((0,), (0,)), ((), ())),
                               preferred_element_type=f32)
        xacc = nsum / (dsum + 1e-16)
        out = jnp.dot(xacc, w_ref[...], preferred_element_type=f32) + b_ref[...]
        emb = jax.nn.sigmoid(out)
        return jnp.dot(soh_ref[...], emb, preferred_element_type=f32)

    r = (side(nu_ref, du_ref, sohu_ref, wu_ref, bu_ref)
         + side(nd_ref, dd_ref, sohd_ref, wd_ref, bd_ref))
    o_ref[...] = jnp.dot(r, mw_ref[...], preferred_element_type=f32) + mb_ref[...]


_k3 = pl.pallas_call(
    _k3_body,
    out_shape=jax.ShapeDtypeStruct((G, 1), jnp.float32),
)



def kernel(up_x, up_edge_index, up_batch, down_x, down_edge_index, down_batch,
           W_up, att_src_up, att_dst_up, bias_up,
           W_down, att_src_down, att_dst_down, bias_down,
           mlp_W, mlp_b):
    i32 = jnp.int32

    (asr_u, ads_u, mark_u, soh_u,
     asr_d, ads_d, mark_d, soh_d) = _k1(
        up_x, W_up, att_src_up.reshape(H, 1), att_dst_up.reshape(H, 1),
        up_batch.astype(i32).reshape(1, N),
        down_x, W_down, att_src_down.reshape(H, 1),
        att_dst_down.reshape(H, 1), down_batch.astype(i32).reshape(1, N))

    n_u, d_u, n_d, d_d = _k2(
        up_edge_index[0].astype(i32), up_edge_index[1].astype(i32),
        down_edge_index[0].astype(i32), down_edge_index[1].astype(i32),
        asr_u.reshape(N), asr_d.reshape(N),
        ads_u.reshape(G), ads_d.reshape(G),
        mark_u.reshape(MPAD), mark_d.reshape(MPAD),
        up_x, down_x)

    return _k3(
        n_u.reshape(NW, G, H), d_u, soh_u, W_up, bias_up.reshape(1, H),
        n_d.reshape(NW, G, H), d_d, soh_d, W_down, bias_down.reshape(1, H),
        mlp_W, mlp_b.reshape(1, 1))

# --- scband reference (transcript-rebuilt; emitter-appended) ---
"""Pipeline reference for scband-event-critic-net-36172214567100 (READ-ONLY COPY).

The authoritative reference and input builder live on the scoring server;
editing this copy changes nothing except your own understanding.
"""

import jax, jax.numpy as jnp
import numpy as np

N = 10000
E = 160000
D = 256
H = 256
G = 64


def gat_conv(x, edge_index, W, att_src, att_dst, bias):
    # PyG GATConv, heads=1, add_self_loops=False, negative_slope=0.2
    h = x @ W  # [N, H]
    src = edge_index[0]
    dst = edge_index[1]
    a_src = h @ att_src  # [N]
    a_dst = h @ att_dst  # [N]
    alpha = jax.nn.leaky_relu(a_src[src] + a_dst[dst], negative_slope=0.2)  # [E]
    amax = jax.ops.segment_max(alpha, dst, num_segments=N)
    amax = jnp.where(jnp.isfinite(amax), amax, 0.0)
    e = jnp.exp(alpha - amax[dst])
    denom = jax.ops.segment_sum(e, dst, num_segments=N)
    coef = e / (denom[dst] + 1e-16)
    out = jax.ops.segment_sum(h[src] * coef[:, None], dst, num_segments=N)
    return out + bias


def readout(x_conv, batch):
    num_nodes_per_graph = jax.ops.segment_sum(jnp.ones((N,), dtype=jnp.int64), batch, num_segments=G)
    self_index = jnp.cumsum(num_nodes_per_graph) - 1  # last node of each graph
    return jax.nn.sigmoid(x_conv[self_index])


def setup_inputs(seed: int = 0) -> dict:
    key = jax.random.key(seed)
    ks = jax.random.split(key, 16)
    up_x = jax.random.normal(ks[0], (N, D), dtype=jnp.float32)
    up_edge_index = jax.random.randint(ks[1], (2, E), 0, N, dtype=jnp.int64)
    up_batch = jnp.sort(jax.random.randint(ks[2], (N,), 0, G, dtype=jnp.int64))
    down_x = jax.random.normal(ks[3], (N, D), dtype=jnp.float32)
    down_edge_index = jax.random.randint(ks[4], (2, E), 0, N, dtype=jnp.int64)
    down_batch = jnp.sort(jax.random.randint(ks[5], (N,), 0, G, dtype=jnp.int64))
    sd = 1.0 / np.sqrt(D)
    sh = 1.0 / np.sqrt(H)
    W_up = jax.random.normal(ks[6], (D, H), dtype=jnp.float32) * sd
    att_src_up = jax.random.normal(ks[7], (H,), dtype=jnp.float32) * sh
    att_dst_up = jax.random.normal(ks[8], (H,), dtype=jnp.float32) * sh
    bias_up = jnp.zeros((H,), dtype=jnp.float32)
    W_down = jax.random.normal(ks[9], (D, H), dtype=jnp.float32) * sd
    att_src_down = jax.random.normal(ks[10], (H,), dtype=jnp.float32) * sh
    att_dst_down = jax.random.normal(ks[11], (H,), dtype=jnp.float32) * sh
    bias_down = jnp.zeros((H,), dtype=jnp.float32)
    mlp_W = jax.random.normal(ks[12], (H, 1), dtype=jnp.float32) * sh
    mlp_b = jnp.zeros((1,), dtype=jnp.float32)
    return {
        'up_x': up_x, 'up_edge_index': up_edge_index, 'up_batch': up_batch,
        'down_x': down_x, 'down_edge_index': down_edge_index, 'down_batch': down_batch,
        'W_up': W_up, 'att_src_up': att_src_up, 'att_dst_up': att_dst_up, 'bias_up': bias_up,
        'W_down': W_down, 'att_src_down': att_src_down, 'att_dst_down': att_dst_down, 'bias_down': bias_down,
        'mlp_W': mlp_W, 'mlp_b': mlp_b,
    }


def reference(up_x, up_edge_index, up_batch, down_x, down_edge_index, down_batch,
              W_up, att_src_up, att_dst_up, bias_up,
              W_down, att_src_down, att_dst_down, bias_down,
              mlp_W, mlp_b):
    up_h = gat_conv(up_x, up_edge_index, W_up, att_src_up, att_dst_up, bias_up)
    up_embed = readout(up_h, up_batch)
    down_h = gat_conv(down_x, down_edge_index, W_down, att_src_down, att_dst_down, bias_down)
    down_embed = readout(down_h, down_batch)
    x = up_embed + down_embed
    return x @ mlp_W + mlp_b  # [G, 1]

if __name__ == "__main__":
    import jax
    _d = setup_inputs()
    print(jax.jit(kernel)(*tuple(_d.values())))

</pallas_src>

<mosaic_0001>
#map = affine_map<(d0, d1) -> (0)>
#map1 = affine_map<(d0, d1) -> (0, 0)>
module attributes {stable_mosaic.version = 14 : i64} {
  func.func @_k2_body(%arg0: i32, %arg1: i32, %arg2: memref<160000xi32, #tpu.memory_space<hbm>>, %arg3: memref<160000xi32, #tpu.memory_space<hbm>>, %arg4: memref<160000xi32, #tpu.memory_space<hbm>>, %arg5: memref<160000xi32, #tpu.memory_space<hbm>>, %arg6: memref<10000xf32, #tpu.memory_space<hbm>>, %arg7: memref<10000xf32, #tpu.memory_space<hbm>>, %arg8: memref<64xf32, #tpu.memory_space<hbm>>, %arg9: memref<64xf32, #tpu.memory_space<hbm>>, %arg10: memref<10080xi32, #tpu.memory_space<hbm>>, %arg11: memref<10080xi32, #tpu.memory_space<hbm>>, %arg12: memref<10000x256xf32, #tpu.memory_space<hbm>>, %arg13: memref<10000x256xf32, #tpu.memory_space<hbm>>, %arg14: memref<32x16384xf32, #tpu.memory_space<hbm>>, %arg15: memref<32x64xf32, #tpu.memory_space<hbm>>, %arg16: memref<32x16384xf32, #tpu.memory_space<hbm>>, %arg17: memref<32x64xf32, #tpu.memory_space<hbm>>, %arg18: memref<5008xi32, #tpu.memory_space<vmem>>, %arg19: memref<5008xi32, #tpu.memory_space<vmem>>, %arg20: memref<10000xf32, #tpu.memory_space<vmem>>, %arg21: memref<10080xi32, #tpu.memory_space<vmem>>, %arg22: memref<64xf32, #tpu.memory_space<vmem>>, %arg23: memref<528xi32, #tpu.memory_space<vmem>>, %arg24: memref<528xi32, #tpu.memory_space<vmem>>, %arg25: memref<528xf32, #tpu.memory_space<vmem>>, %arg26: memref<8x256xf32, #tpu.memory_space<vmem>>, %arg27: memref<16384xf32, #tpu.memory_space<vmem>>, %arg28: memref<64xf32, #tpu.memory_space<vmem>>, %arg29: memref<!tpu.dma_semaphore, #tpu.memory_space<semaphore_mem>>) attributes {dimension_semantics = [#tpu.dimension_semantics<core_parallel>, #tpu.dimension_semantics<subcore_parallel>], iteration_bounds = array<i64: 2, 16>, scalar_prefetch = 0 : i64, scratch_operands = 12 : i64, tpu.core_type = #tpu.core_type<sc_vector_subcore>, window_params = [{transform_indices = #map}, {transform_indices = #map}, {transform_indices = #map}, {transform_indices = #map}, {transform_indices = #map}, {transform_indices = #map}, {transform_indices = #map}, {transform_indices = #map}, {transform_indices = #map}, {transform_indices = #map}, {transform_indices = #map1}, {transform_indices = #map1}, {transform_indices = #map1}, {transform_indices = #map1}, {transform_indices = #map1}, {transform_indices = #map1}]} {
    %mul3A = arith.constant 2 : i32
    %mul3A_0 = arith.muli %arg1, %mul3A : i32
    %add3A = arith.addi %mul3A_0, %arg0 : i32
    %mul3A_1 = arith.constant 5000 : i32
    %mul3A_2 = arith.muli %add3A, %mul3A_1 : i32
    %iota3A = tpu.iota {dimensions = array<i32: 0>} : vector<16xi32>
    %broadcast_in_dim3A = arith.constant 0.000000e+00 : f32
    %broadcast_in_dim3A_3 = vector.broadcast %broadcast_in_dim3A : f32 to vector<16xf32>
    %broadcast_in_dim3A_4 = arith.constant 0 : i32
    %broadcast_in_dim3A_5 = vector.broadcast %broadcast_in_dim3A_4 : i32 to vector<16xi32>
    %eq3A = arith.constant 0 : i32
    %eq3A_6 = vector.broadcast %eq3A : i32 to vector<16xi32>
    %eq3A_7 = arith.cmpi eq, %iota3A, %eq3A_6 : vector<16xi32>
    %ge3A = arith.constant 8 : i32
    %ge3A_8 = vector.broadcast %ge3A : i32 to vector<16xi32>
    %ge3A_9 = arith.cmpi sge, %iota3A, %ge3A_8 : vector<16xi32>
    "tpu.trace_start"() <{level = 10 : i32, message = "stage0"}> : () -> ()
    %dma_start3A = arith.constant 0 : i32
    %dma_start3A_10 = tpu.memref_slice %arg18[%dma_start3A] : memref<5008xi32, #tpu.memory_space<vmem>> -> memref<5000xi32, #tpu.memory_space<vmem>>
    %dma_start3A_11 = tpu.memref_slice %arg2[%mul3A_2] : memref<160000xi32, #tpu.memory_space<hbm>> -> memref<5000xi32, #tpu.memory_space<hbm>>
    %dma_start3A_12 = arith.constant 0 : i32
    %dma_start3A_13 = tpu.memref_slice %arg18[%dma_start3A_12] : memref<5008xi32, #tpu.memory_space<vmem>> -> memref<5000xi32, #tpu.memory_space<vmem>>
    %dma_start3A_14 = tpu.memref_slice %arg2[%mul3A_2] : memref<160000xi32, #tpu.memory_space<hbm>> -> memref<5000xi32, #tpu.memory_space<hbm>>
    tpu.enqueue_dma source(%dma_start3A_14 : memref<5000xi32, #tpu.memory_space<hbm>>) target(%dma_start3A_13 : memref<5000xi32, #tpu.memory_space<vmem>>) target_semaphore(%arg29 : memref<!tpu.dma_semaphore, #tpu.memory_space<semaphore_mem>>)
    %dma_start3A_15 = arith.constant 0 : i32
    %dma_start3A_16 = tpu.memref_slice %arg19[%dma_start3A_15] : memref<5008xi32, #tpu.memory_space<vmem>> -> memref<5000xi32, #tpu.memory_space<vmem>>
    %dma_start3A_17 = tpu.memref_slice %arg3[%mul3A_2] : memref<160000xi32, #tpu.memory_space<hbm>> -> memref<5000xi32, #tpu.memory_space<hbm>>
    %dma_start3A_18 = arith.constant 0 : i32
    %dma_start3A_19 = tpu.memref_slice %arg19[%dma_start3A_18] : memref<5008xi32, #tpu.memory_space<vmem>> -> memref<5000xi32, #tpu.memory_space<vmem>>
    %dma_start3A_20 = tpu.memref_slice %arg3[%mul3A_2] : memref<160000xi32, #tpu.memory_space<hbm>> -> memref<5000xi32, #tpu.memory_space<hbm>>
    tpu.enqueue_dma source(%dma_start3A_20 : memref<5000xi32, #tpu.memory_space<hbm>>) target(%dma_start3A_19 : memref<5000xi32, #tpu.memory_space<vmem>>) target_semaphore(%arg29 : memref<!tpu.dma_semaphore, #tpu.memory_space<semaphore_mem>>)
    tpu.enqueue_dma source(%arg6 : memref<10000xf32, #tpu.memory_space<hbm>>) target(%arg20 : memref<10000xf32, #tpu.memory_space<vmem>>) target_semaphore(%arg29 : memref<!tpu.dma_semaphore, #tpu.memory_space<semaphore_mem>>)
    tpu.enqueue_dma source(%arg10 : memref<10080xi32, #tpu.memory_space<hbm>>) target(%arg21 : memref<10080xi32, #tpu.memory_space<vmem>>) target_semaphore(%arg29 : memref<!tpu.dma_semaphore, #tpu.memory_space<semaphore_mem>>)
    tpu.enqueue_dma source(%arg8 : memref<64xf32, #tpu.memory_space<hbm>>) target(%arg22 : memref<64xf32, #tpu.memory_space<vmem>>) target_semaphore(%arg29 : memref<!tpu.dma_semaphore, #tpu.memory_space<semaphore_mem>>)
    %scan3A = arith.constant 0 : i32
    %scan3A_21 = arith.constant 0 : i32
    %scan3A_22 = arith.constant 1024 : i32
    %scan3A_23 = arith.addi %scan3A_21, %scan3A_22 : i32
    %scan3A_24 = arith.constant 1 : i32
    scf.for %scan3A_327 = %scan3A_21 to %scan3A_23 step %scan3A_24  : i32 {
      %mul3A_328 = arith.constant 16 : i32
      %mul3A_329 = arith.muli %scan3A_327, %mul3A_328 : i32
      %swap3A_330 = arith.index_cast %mul3A_329 : i32 to index
      %swap3A_331 = tpu.vector_load %arg27[%swap3A_330] {strides = array<i32>} : memref<16384xf32, #tpu.memory_space<vmem>>, vector<16xf32>,
      tpu.vector_store %arg27[%swap3A_330], %broadcast_in_dim3A_3 {strides = array<i32>} : memref<16384xf32, #tpu.memory_space<vmem>>, vector<16xf32>,
    }
    %scan3A_25 = arith.constant 1024 : i32
    %swap3A = arith.constant 0 : index
    %swap3A_26 = tpu.vector_load %arg28[%swap3A] {strides = array<i32>} : memref<64xf32, #tpu.memory_space<vmem>>, vector<16xf32>,
    tpu.vector_store %arg28[%swap3A], %broadcast_in_dim3A_3 {strides = array<i32>} : memref<64xf32, #tpu.memory_space<vmem>>, vector<16xf32>,
    %swap3A_27 = arith.constant 16 : index
    %swap3A_28 = tpu.vector_load %arg28[%swap3A_27] {strides = array<i32>} : memref<64xf32, #tpu.memory_space<vmem>>, vector<16xf32>,
    tpu.vector_store %arg28[%swap3A_27], %broadcast_in_dim3A_3 {strides = array<i32>} : memref<64xf32, #tpu.memory_space<vmem>>, vector<16xf32>,
    %swap3A_29 = arith.constant 32 : index
    %swap3A_30 = tpu.vector_load %arg28[%swap3A_29] {strides = array<i32>} : memref<64xf32, #tpu.memory_space<vmem>>, vector<16xf32>,
    tpu.vector_store %arg28[%swap3A_29], %broadcast_in_dim3A_3 {strides = array<i32>} : memref<64xf32, #tpu.memory_space<vmem>>, vector<16xf32>,
    %swap3A_31 = arith.constant 48 : index
    %swap3A_32 = tpu.vector_load %arg28[%swap3A_31] {strides = array<i32>} : memref<64xf32, #tpu.memory_space<vmem>>, vector<16xf32>,
    tpu.vector_store %arg28[%swap3A_31], %broadcast_in_dim3A_3 {strides = array<i32>} : memref<64xf32, #tpu.memory_space<vmem>>, vector<16xf32>,
    %swap3A_33 = arith.constant 0 : index
    %swap3A_34 = tpu.vector_load %arg23[%swap3A_33] {strides = array<i32>} : memref<528xi32, #tpu.memory_space<vmem>>, vector<16xi32>,
    tpu.vector_store %arg23[%swap3A_33], %broadcast_in_dim3A_5 {strides = array<i32>} : memref<528xi32, #tpu.memory_space<vmem>>, vector<16xi32>,
    %swap3A_35 = arith.constant 16 : index
    %swap3A_36 = tpu.vector_load %arg23[%swap3A_35] {strides = array<i32>} : memref<528xi32, #tpu.memory_space<vmem>>, vector<16xi32>,
    tpu.vector_store %arg23[%swap3A_35], %broadcast_in_dim3A_5 {strides = array<i32>} : memref<528xi32, #tpu.memory_space<vmem>>, vector<16xi32>,
    %swap3A_37 = arith.constant 32 : index
    %swap3A_38 = tpu.vector_load %arg23[%swap3A_37] {strides = array<i32>} : memref<528xi32, #tpu.memory_space<vmem>>, vector<16xi32>,
    tpu.vector_store %arg23[%swap3A_37], %broadcast_in_dim3A_5 {strides = array<i32>} : memref<528xi32, #tpu.memory_space<vmem>>, vector<16xi32>,
    %swap3A_39 = arith.constant 48 : index
    %swap3A_40 = tpu.vector_load %arg23[%swap3A_39] {strides = array<i32>} : memref<528xi32, #tpu.memory_space<vmem>>, vector<16xi32>,
    tpu.vector_store %arg23[%swap3A_39], %broadcast_in_dim3A_5 {strides = array<i32>} : memref<528xi32, #tpu.memory_space<vmem>>, vector<16xi32>,
    %swap3A_41 = arith.constant 64 : index
    %swap3A_42 = tpu.vector_load %arg23[%swap3A_41] {strides = array<i32>} : memref<528xi32, #tpu.memory_space<vmem>>, vector<16xi32>,
    tpu.vector_store %arg23[%swap3A_41], %broadcast_in_dim3A_5 {strides = array<i32>} : memref<528xi32, #tpu.memory_space<vmem>>, vector<16xi32>,
    %swap3A_43 = arith.constant 80 : index
    %swap3A_44 = tpu.vector_load %arg23[%swap3A_43] {strides = array<i32>} : memref<528xi32, #tpu.memory_space<vmem>>, vector<16xi32>,
    tpu.vector_store %arg23[%swap3A_43], %broadcast_in_dim3A_5 {strides = array<i32>} : memref<528xi32, #tpu.memory_space<vmem>>, vector<16xi32>,
    %swap3A_45 = arith.constant 96 : index
    %swap3A_46 = tpu.vector_load %arg23[%swap3A_45] {strides = array<i32>} : memref<528xi32, #tpu.memory_space<vmem>>, vector<16xi32>,
    tpu.vector_store %arg23[%swap3A_45], %broadcast_in_dim3A_5 {strides = array<i32>} : memref<528xi32, #tpu.memory_space<vmem>>, vector<16xi32>,
    %swap3A_47 = arith.constant 112 : index
    %swap3A_48 = tpu.vector_load %arg23[%swap3A_47] {strides = array<i32>} : memref<528xi32, #tpu.memory_space<vmem>>, vector<16xi32>,
    tpu.vector_store %arg23[%swap3A_47], %broadcast_in_dim3A_5 {strides = array<i32>} : memref<528xi32, #tpu.memory_space<vmem>>, vector<16xi32>,
    %swap3A_49 = arith.constant 128 : index
    %swap3A_50 = tpu.vector_load %arg23[%swap3A_49] {strides = array<i32>} : memref<528xi32, #tpu.memory_space<vmem>>, vector<16xi32>,
    tpu.vector_store %arg23[%swap3A_49], %broadcast_in_dim3A_5 {strides = array<i32>} : memref<528xi32, #tpu.memory_space<vmem>>, vector<16xi32>,
    %swap3A_51 = arith.constant 144 : index
    %swap3A_52 = tpu.vector_load %arg23[%swap3A_51] {strides = array<i32>} : memref<528xi32, #tpu.memory_space<vmem>>, vector<16xi32>,
    tpu.vector_store %arg23[%swap3A_51], %broadcast_in_dim3A_5 {strides = array<i32>} : memref<528xi32, #tpu.memory_space<vmem>>, vector<16xi32>,
    %swap3A_53 = arith.constant 160 : index
    %swap3A_54 = tpu.vector_load %arg23[%swap3A_53] {strides = array<i32>} : memref<528xi32, #tpu.memory_space<vmem>>, vector<16xi32>,
    tpu.vector_store %arg23[%swap3A_53], %broadcast_in_dim3A_5 {strides = array<i32>} : memref<528xi32, #tpu.memory_space<vmem>>, vector<16xi32>,
    %swap3A_55 = arith.constant 176 : index
    %swap3A_56 = tpu.vector_load %arg23[%swap3A_55] {strides = array<i32>} : memref<528xi32, #tpu.memory_space<vmem>>, vector<16xi32>,
    tpu.vector_store %arg23[%swap3A_55], %broadcast_in_dim3A_5 {strides = array<i32>} : memref<528xi32, #tpu.memory_space<vmem>>, vector<16xi32>,
    %swap3A_57 = arith.constant 192 : index
    %swap3A_58 = tpu.vector_load %arg23[%swap3A_57] {strides = array<i32>} : memref<528xi32, #tpu.memory_space<vmem>>, vector<16xi32>,
    tpu.vector_store %arg23[%swap3A_57], %broadcast_in_dim3A_5 {strides = array<i32>} : memref<528xi32, #tpu.memory_space<vmem>>, vector<16xi32>,
    %swap3A_59 = arith.constant 208 : index
    %swap3A_60 = tpu.vector_load %arg23[%swap3A_59] {strides = array<i32>} : memref<528xi32, #tpu.memory_space<vmem>>, vector<16xi32>,
    tpu.vector_store %arg23[%swap3A_59], %broadcast_in_dim3A_5 {strides = array<i32>} : memref<528xi32, #tpu.memory_space<vmem>>, vector<16xi32>,
    %swap3A_61 = arith.constant 224 : index
    %swap3A_62 = tpu.vector_load %arg23[%swap3A_61] {strides = array<i32>} : memref<528xi32, #tpu.memory_space<vmem>>, vector<16xi32>,
    tpu.vector_store %arg23[%swap3A_61], %broadcast_in_dim3A_5 {strides = array<i32>} : memref<528xi32, #tpu.memory_space<vmem>>, vector<16xi32>,
    %swap3A_63 = arith.constant 240 : index
    %swap3A_64 = tpu.vector_load %arg23[%swap3A_63] {strides = array<i32>} : memref<528xi32, #tpu.memory_space<vmem>>, vector<16xi32>,
    tpu.vector_store %arg23[%swap3A_63], %broadcast_in_dim3A_5 {strides = array<i32>} : memref<528xi32, #tpu.memory_space<vmem>>, vector<16xi32>,
    %swap3A_65 = arith.constant 256 : index
    %swap3A_66 = tpu.vector_load %arg23[%swap3A_65] {strides = array<i32>} : memref<528xi32, #tpu.memory_space<vmem>>, vector<16xi32>,
    tpu.vector_store %arg23[%swap3A_65], %broadcast_in_dim3A_5 {strides = array<i32>} : memref<528xi32, #tpu.memory_space<vmem>>, vector<16xi32>,
    %swap3A_67 = arith.constant 272 : index
    %swap3A_68 = tpu.vector_load %arg23[%swap3A_67] {strides = array<i32>} : memref<528xi32, #tpu.memory_space<vmem>>, vector<16xi32>,
    tpu.vector_store %arg23[%swap3A_67], %broadcast_in_dim3A_5 {strides = array<i32>} : memref<528xi32, #tpu.memory_space<vmem>>, vector<16xi32>,
    %swap3A_69 = arith.constant 288 : index
    %swap3A_70 = tpu.vector_load %arg23[%swap3A_69] {strides = array<i32>} : memref<528xi32, #tpu.memory_space<vmem>>, vector<16xi32>,
    tpu.vector_store %arg23[%swap3A_69], %broadcast_in_dim3A_5 {strides = array<i32>} : memref<528xi32, #tpu.memory_space<vmem>>, vector<16xi32>,
    %swap3A_71 = arith.constant 304 : index
    %swap3A_72 = tpu.vector_load %arg23[%swap3A_71] {strides = array<i32>} : memref<528xi32, #tpu.memory_space<vmem>>, vector<16xi32>,
    tpu.vector_store %arg23[%swap3A_71], %broadcast_in_dim3A_5 {strides = array<i32>} : memref<528xi32, #tpu.memory_space<vmem>>, vector<16xi32>,
    %swap3A_73 = arith.constant 320 : index
    %swap3A_74 = tpu.vector_load %arg23[%swap3A_73] {strides = array<i32>} : memref<528xi32, #tpu.memory_space<vmem>>, vector<16xi32>,
    tpu.vector_store %arg23[%swap3A_73], %broadcast_in_dim3A_5 {strides = array<i32>} : memref<528xi32, #tpu.memory_space<vmem>>, vector<16xi32>,
    %swap3A_75 = arith.constant 336 : index
    %swap3A_76 = tpu.vector_load %arg23[%swap3A_75] {strides = array<i32>} : memref<528xi32, #tpu.memory_space<vmem>>, vector<16xi32>,
    tpu.vector_store %arg23[%swap3A_75], %broadcast_in_dim3A_5 {strides = array<i32>} : memref<528xi32, #tpu.memory_space<vmem>>, vector<16xi32>,
    %swap3A_77 = arith.constant 352 : index
    %swap3A_78 = tpu.vector_load %arg23[%swap3A_77] {strides = array<i32>} : memref<528xi32, #tpu.memory_space<vmem>>, vector<16xi32>,
    tpu.vector_store %arg23[%swap3A_77], %broadcast_in_dim3A_5 {strides = array<i32>} : memref<528xi32, #tpu.memory_space<vmem>>, vector<16xi32>,
    %swap3A_79 = arith.constant 368 : index
    %swap3A_80 = tpu.vector_load %arg23[%swap3A_79] {strides = array<i32>} : memref<528xi32, #tpu.memory_space<vmem>>, vector<16xi32>,
    tpu.vector_store %arg23[%swap3A_79], %broadcast_in_dim3A_5 {strides = array<i32>} : memref<528xi32, #tpu.memory_space<vmem>>, vector<16xi32>,
    %swap3A_81 = arith.constant 384 : index
    %swap3A_82 = tpu.vector_load %arg23[%swap3A_81] {strides = array<i32>} : memref<528xi32, #tpu.memory_space<vmem>>, vector<16xi32>,
    tpu.vector_store %arg23[%swap3A_81], %broadcast_in_dim3A_5 {strides = array<i32>} : memref<528xi32, #tpu.memory_space<vmem>>, vector<16xi32>,
    %swap3A_83 = arith.constant 400 : index
    %swap3A_84 = tpu.vector_load %arg23[%swap3A_83] {strides = array<i32>} : memref<528xi32, #tpu.memory_space<vmem>>, vector<16xi32>,
    tpu.vector_store %arg23[%swap3A_83], %broadcast_in_dim3A_5 {strides = array<i32>} : memref<528xi32, #tpu.memory_space<vmem>>, vector<16xi32>,
    %swap3A_85 = arith.constant 416 : index
    %swap3A_86 = tpu.vector_load %arg23[%swap3A_85] {strides = array<i32>} : memref<528xi32, #tpu.memory_space<vmem>>, vector<16xi32>,
    tpu.vector_store %arg23[%swap3A_85], %broadcast_in_dim3A_5 {strides = array<i32>} : memref<528xi32, #tpu.memory_space<vmem>>, vector<16xi32>,
    %swap3A_87 = arith.constant 432 : index
    %swap3A_88 = tpu.vector_load %arg23[%swap3A_87] {strides = array<i32>} : memref<528xi32, #tpu.memory_space<vmem>>, vector<16xi32>,
    tpu.vector_store %arg23[%swap3A_87], %broadcast_in_dim3A_5 {strides = array<i32>} : memref<528xi32, #tpu.memory_space<vmem>>, vector<16xi32>,
    %swap3A_89 = arith.constant 448 : index
    %swap3A_90 = tpu.vector_load %arg23[%swap3A_89] {strides = array<i32>} : memref<528xi32, #tpu.memory_space<vmem>>, vector<16xi32>,
    tpu.vector_store %arg23[%swap3A_89], %broadcast_in_dim3A_5 {strides = array<i32>} : memref<528xi32, #tpu.memory_space<vmem>>, vector<16xi32>,
    %swap3A_91 = arith.constant 464 : index
    %swap3A_92 = tpu.vector_load %arg23[%swap3A_91] {strides = array<i32>} : memref<528xi32, #tpu.memory_space<vmem>>, vector<16xi32>,
    tpu.vector_store %arg23[%swap3A_91], %broadcast_in_dim3A_5 {strides = array<i32>} : memref<528xi32, #tpu.memory_space<vmem>>, vector<16xi32>,
    %swap3A_93 = arith.constant 480 : index
    %swap3A_94 = tpu.vector_load %arg23[%swap3A_93] {strides = array<i32>} : memref<528xi32, #tpu.memory_space<vmem>>, vector<16xi32>,
    tpu.vector_store %arg23[%swap3A_93], %broadcast_in_dim3A_5 {strides = array<i32>} : memref<528xi32, #tpu.memory_space<vmem>>, vector<16xi32>,
    %swap3A_95 = arith.constant 496 : index
    %swap3A_96 = tpu.vector_load %arg23[%swap3A_95] {strides = array<i32>} : memref<528xi32, #tpu.memory_space<vmem>>, vector<16xi32>,
    tpu.vector_store %arg23[%swap3A_95], %broadcast_in_dim3A_5 {strides = array<i32>} : memref<528xi32, #tpu.memory_space<vmem>>, vector<16xi32>,
    %dma_wait3A = arith.constant 0 : i32
    %dma_wait3A_97 = tpu.memref_slice %arg18[%dma_wait3A] : memref<5008xi32, #tpu.memory_space<vmem>> -> memref<5000xi32, #tpu.memory_space<vmem>>
    %dma_wait3A_98 = tpu.memref_slice %arg2[%mul3A_2] : memref<160000xi32, #tpu.memory_space<hbm>> -> memref<5000xi32, #tpu.memory_space<hbm>>
    %dma_wait3A_99 = arith.constant 0 : i32
    %dma_wait3A_100 = tpu.memref_slice %arg18[%dma_wait3A_99] : memref<5008xi32, #tpu.memory_space<vmem>> -> memref<5000xi32, #tpu.memory_space<vmem>>
    %dma_wait3A_101 = tpu.memref_slice %arg2[%mul3A_2] : memref<160000xi32, #tpu.memory_space<hbm>> -> memref<5000xi32, #tpu.memory_space<hbm>>
    tpu.wait_dma2 semaphore(%arg29 : memref<!tpu.dma_semaphore, #tpu.memory_space<semaphore_mem>>) src(%dma_wait3A_101 : memref<5000xi32, #tpu.memory_space<hbm>>) dst(%dma_wait3A_100 : memref<5000xi32, #tpu.memory_space<vmem>>)
    %dma_wait3A_102 = arith.constant 0 : i32
    %dma_wait3A_103 = tpu.memref_slice %arg19[%dma_wait3A_102] : memref<5008xi32, #tpu.memory_space<vmem>> -> memref<5000xi32, #tpu.memory_space<vmem>>
    %dma_wait3A_104 = tpu.memref_slice %arg3[%mul3A_2] : memref<160000xi32, #tpu.memory_space<hbm>> -> memref<5000xi32, #tpu.memory_space<hbm>>
    %dma_wait3A_105 = arith.constant 0 : i32
    %dma_wait3A_106 = tpu.memref_slice %arg19[%dma_wait3A_105] : memref<5008xi32, #tpu.memory_space<vmem>> -> memref<5000xi32, #tpu.memory_space<vmem>>
    %dma_wait3A_107 = tpu.memref_slice %arg3[%mul3A_2] : memref<160000xi32, #tpu.memory_space<hbm>> -> memref<5000xi32, #tpu.memory_space<hbm>>
    tpu.wait_dma2 semaphore(%arg29 : memref<!tpu.dma_semaphore, #tpu.memory_space<semaphore_mem>>) src(%dma_wait3A_107 : memref<5000xi32, #tpu.memory_space<hbm>>) dst(%dma_wait3A_106 : memref<5000xi32, #tpu.memory_space<vmem>>)
    tpu.wait_dma2 semaphore(%arg29 : memref<!tpu.dma_semaphore, #tpu.memory_space<semaphore_mem>>) src(%arg6 : memref<10000xf32, #tpu.memory_space<hbm>>) dst(%arg20 : memref<10000xf32, #tpu.memory_space<vmem>>)
    tpu.wait_dma2 semaphore(%arg29 : memref<!tpu.dma_semaphore, #tpu.memory_space<semaphore_mem>>) src(%arg10 : memref<10080xi32, #tpu.memory_space<hbm>>) dst(%arg21 : memref<10080xi32, #tpu.memory_space<vmem>>)
    tpu.wait_dma2 semaphore(%arg29 : memref<!tpu.dma_semaphore, #tpu.memory_space<semaphore_mem>>) src(%arg8 : memref<64xf32, #tpu.memory_space<hbm>>) dst(%arg22 : memref<64xf32, #tpu.memory_space<vmem>>)
    %add3A_108 = arith.constant 4992 : i32
    %add3A_109 = vector.broadcast %add3A_108 : i32 to vector<16xi32>
    %add3A_110 = arith.addi %iota3A, %add3A_109 : vector<16xi32>
    tpu.vector_store_idx %arg18[%add3A_110], %broadcast_in_dim3A_5 masked %ge3A_9 : memref<5008xi32, #tpu.memory_space<vmem>>[vector<16xi32>], vector<16xi32>, vector<16xi1>
    %add3A_111 = arith.constant 4992 : i32
    %add3A_112 = vector.broadcast %add3A_111 : i32 to vector<16xi32>
    %add3A_113 = arith.addi %iota3A, %add3A_112 : vector<16xi32>
    %broadcast_in_dim3A_114 = arith.constant 10079 : i32
    %broadcast_in_dim3A_115 = vector.broadcast %broadcast_in_dim3A_114 : i32 to vector<16xi32>
    tpu.vector_store_idx %arg19[%add3A_113], %broadcast_in_dim3A_115 masked %ge3A_9 : memref<5008xi32, #tpu.memory_space<vmem>>[vector<16xi32>], vector<16xi32>, vector<16xi1>
    %broadcast_in_dim3A_116 = arith.constant 0 : i32
    "tpu.trace_stop"() : () -> ()
    "tpu.trace_start"() <{level = 10 : i32, message = "p1_0"}> : () -> ()
    %broadcast_in_dim3A_117 = vector.broadcast %broadcast_in_dim3A_116 : i32 to vector<16xi32>
    %scan3A_118 = arith.constant 0 : i32
    %scan3A_119 = arith.constant 313 : i32
    %scan3A_120 = arith.addi %scan3A_118, %scan3A_119 : i32
    %scan3A_121 = arith.constant 1 : i32
    %scan3A_122 = scf.for %scan3A_327 = %scan3A_118 to %scan3A_120 step %scan3A_121 iter_args(%scan3A_328 = %broadcast_in_dim3A_117) -> (vector<16xi32>)  : i32 {
      %mul3A_329 = arith.constant 16 : i32
      %mul3A_330 = arith.muli %scan3A_327, %mul3A_329 : i32
      %get3A = arith.index_cast %mul3A_330 : i32 to index
      %get3A_331 = tpu.vector_load %arg19[%get3A] {strides = array<i32>} : memref<5008xi32, #tpu.memory_space<vmem>>, vector<16xi32>,
      %mul3A_332 = arith.constant 16 : i32
      %mul3A_333 = arith.muli %scan3A_327, %mul3A_332 : i32
      %get3A_334 = arith.index_cast %mul3A_333 : i32 to index
      %get3A_335 = tpu.vector_load %arg18[%get3A_334] {strides = array<i32>} : memref<5008xi32, #tpu.memory_space<vmem>>, vector<16xi32>,
      %gather3A = tpu.vector_load_idx %arg21[%get3A_331] : memref<10080xi32, #tpu.memory_space<vmem>>[vector<16xi32>], vector<16xi32>,
      %ge3A_336 = arith.constant 0 : i32
      %ge3A_337 = vector.broadcast %ge3A_336 : i32 to vector<16xi32>
      %ge3A_338 = arith.cmpi sge, %gather3A, %ge3A_337 : vector<16xi32>
      %max3A = arith.constant 0 : i32
      %max3A_339 = vector.broadcast %max3A : i32 to vector<16xi32>
      %max3A_340 = arith.maxsi %gather3A, %max3A_339 : vector<16xi32>
      %gather3A_341 = tpu.vector_load_idx %arg20[%get3A_335] masked %ge3A_338 : memref<10000xf32, #tpu.memory_space<vmem>>[vector<16xi32>], vector<16xf32>, vector<16xi1>
      %gather3A_342 = tpu.vector_load_idx %arg22[%max3A_340] masked %ge3A_338 : memref<64xf32, #tpu.memory_space<vmem>>[vector<16xi32>], vector<16xf32>, vector<16xi1>
      %add3A_343 = arith.addf %gather3A_341, %gather3A_342 : vector<16xf32>
      %ge3A_344 = arith.constant 0.000000e+00 : f32
      %ge3A_345 = vector.broadcast %ge3A_344 : f32 to vector<16xf32>
      %ge3A_346 = arith.cmpf oge, %add3A_343, %ge3A_345 : vector<16xf32>
      %mul3A_347 = arith.constant 2.000000e-01 : f32
      %mul3A_348 = vector.broadcast %mul3A_347 : f32 to vector<16xf32>
      %mul3A_349 = arith.mulf %mul3A_348, %add3A_343 : vector<16xf32>
      %select_n3A_350 = arith.select %ge3A_346, %add3A_343, %mul3A_349 : vector<16xi1>, vector<16xf32>
      %exp3A = math.exp %select_n3A_350 : vector<16xf32>
      %jit3A_351 = arith.constant 0.000000e+00 : f32
      %broadcast_in_dim3A_352 = vector.broadcast %jit3A_351 : f32 to vector<16xf32>
      %select_n3A_353 = arith.select %ge3A_338, %exp3A, %broadcast_in_dim3A_352 : vector<16xi1>, vector<16xf32>
      %convert_element_type3A = arith.extui %ge3A_338 : vector<16xi1> to vector<16xi32>
      %broadcast_in_dim3A_354 = arith.constant true
      %broadcast_in_dim3A_355 = vector.broadcast %broadcast_in_dim3A_354 : i1 to vector<16xi1>
      %masked_cumsum3A = tpu.scan <sum>, %convert_element_type3A masked %broadcast_in_dim3A_355 : vector<16xi32>, vector<16xi1> -> vector<16xi32>
      %add3A_356 = arith.addi %scan3A_328, %masked_cumsum3A : vector<16xi32>
      %sub3A_357 = arith.constant 1 : i32
      %sub3A_358 = vector.broadcast %sub3A_357 : i32 to vector<16xi32>
      %sub3A_359 = arith.subi %add3A_356, %sub3A_358 : vector<16xi32>
      %max3A_360 = arith.constant 0 : i32
      %max3A_361 = vector.broadcast %max3A_360 : i32 to vector<16xi32>
      %max3A_362 = arith.maxsi %sub3A_359, %max3A_361 : vector<16xi32>
      %min3A_363 = arith.constant 511 : i32
      %min3A_364 = vector.broadcast %min3A_363 : i32 to vector<16xi32>
      %min3A_365 = arith.minsi %max3A_362, %min3A_364 : vector<16xi32>
      tpu.vector_store_idx %arg23[%min3A_365], %get3A_335 masked %ge3A_338 : memref<528xi32, #tpu.memory_space<vmem>>[vector<16xi32>], vector<16xi32>, vector<16xi1>
      tpu.vector_store_idx %arg24[%min3A_365], %gather3A masked %ge3A_338 : memref<528xi32, #tpu.memory_space<vmem>>[vector<16xi32>], vector<16xi32>, vector<16xi1>
      tpu.vector_store_idx %arg25[%min3A_365], %select_n3A_353 masked %ge3A_338 : memref<528xf32, #tpu.memory_space<vmem>>[vector<16xi32>], vector<16xf32>, vector<16xi1>
      %all_reduce_population_count3A = tpu.all_reduce %ge3A_338 {dim = 0 : i64, kind = #tpu.reduction_kind<sum>} : vector<16xi1> -> vector<16xi32>
      %add3A_366 = arith.addi %scan3A_328, %all_reduce_population_count3A : vector<16xi32>
      scf.yield %add3A_366 : vector<16xi32>
    }
    %scan3A_123 = arith.constant 313 : i32
    %reduce_max3A = arith.constant true
    %reduce_max3A_124 = vector.broadcast %reduce_max3A : i1 to vector<16xi1>
    %reduce_max3A_125 = arith.constant -2147483648 : i32
    %reduce_max3A_126 = vector.broadcast %reduce_max3A_125 : i32 to vector<16xi32>
    %reduce_max3A_127 = arith.xori %scan3A_122, %reduce_max3A_126 : vector<16xi32>
    %reduce_max3A_128 = tpu.scan <max>, %reduce_max3A_127 masked %reduce_max3A_124 : vector<16xi32>, vector<16xi1> -> vector<16xi32>
    %reduce_max3A_129 = arith.xori %reduce_max3A_128, %reduce_max3A_126 : vector<16xi32>
    %reduce_max3A_130 = vector.extract %reduce_max3A_129[15] : i32 from vector<16xi32>
    %min3A = arith.constant 512 : i32
    %min3A_131 = arith.minsi %reduce_max3A_130, %min3A : i32
    "tpu.trace_stop"() : () -> ()
    "tpu.trace_start"() <{level = 10 : i32, message = "p2_0"}> : () -> ()
    %add3A_132 = arith.constant 8 : i32
    %add3A_133 = arith.addi %min3A_131, %add3A_132 : i32
    %sub3A = arith.constant 1 : i32
    %sub3A_134 = arith.subi %add3A_133, %sub3A : i32
    %jit3A = arith.constant 8 : i32
    %div3A = arith.divsi %sub3A_134, %jit3A : i32
    %sign3A = arith.constant 0 : i32
    %sign3A_135 = arith.cmpi sgt, %sub3A_134, %sign3A : i32
    %sign3A_136 = arith.extui %sign3A_135 : i1 to i32
    %sign3A_137 = arith.constant 0 : i32
    %sign3A_138 = arith.cmpi slt, %sub3A_134, %sign3A_137 : i32
    %sign3A_139 = arith.extui %sign3A_138 : i1 to i32
    %sign3A_140 = arith.subi %sign3A_136, %sign3A_139 : i32
    %sign3A_141 = arith.constant 0 : i32
    %sign3A_142 = arith.cmpi sgt, %jit3A, %sign3A_141 : i32
    %sign3A_143 = arith.extui %sign3A_142 : i1 to i32
    %sign3A_144 = arith.constant 0 : i32
    %sign3A_145 = arith.cmpi slt, %jit3A, %sign3A_144 : i32
    %sign3A_146 = arith.extui %sign3A_145 : i1 to i32
    %sign3A_147 = arith.subi %sign3A_143, %sign3A_146 : i32
    %ne3A = arith.cmpi ne, %sign3A_140, %sign3A_147 : i32
    %rem3A = arith.remsi %sub3A_134, %jit3A : i32
    %ne3A_148 = arith.constant 0 : i32
    %ne3A_149 = arith.cmpi ne, %rem3A, %ne3A_148 : i32
    %and3A = arith.andi %ne3A, %ne3A_149 : i1
    %sub3A_150 = arith.constant 1 : i32
    %sub3A_151 = arith.subi %div3A, %sub3A_150 : i32
    %select_n3A = arith.select %and3A, %sub3A_151, %div3A : i32
    %while3A = arith.constant 0 : i32
    %while3A_152 = arith.constant 0 : i32
    %while3A_153 = arith.subi %select_n3A, %while3A_152 : i32
    %while3A_154 = arith.addi %while3A_152, %while3A_153 : i32
    %while3A_155 = arith.constant 1 : i32
    %while3A_156 = arith.divsi %while3A_153, %while3A_155 : i32
    %while3A_157 = arith.muli %while3A_156, %while3A_155 : i32
    %while3A_158 = arith.addi %while3A_152, %while3A_157 : i32
    %while3A_159 = arith.constant 1 : i32
    scf.for %while3A_327 = %while3A_152 to %while3A_158 step %while3A_159  : i32 {
      %mul3A_328 = arith.constant 8 : i32
      %mul3A_329 = arith.muli %while3A_327, %mul3A_328 : i32
      "tpu.trace_start"() <{level = 10 : i32, message = "dma0"}> : () -> ()
      %add3A_330 = arith.constant 0 : i32
      %add3A_331 = arith.addi %mul3A_329, %add3A_330 : i32
      %get3A = arith.index_cast %add3A_331 : i32 to index
      %get3A_332 = tpu.vector_load %arg23[%get3A] {strides = array<i32>} : memref<528xi32, #tpu.memory_space<vmem>>, vector<16xi32>,
      %slice3A = vector.extract_strided_slice %get3A_332 {offsets = [0], sizes = [1], strides = [1]} : vector<16xi32> to vector<1xi32>
      %squeeze3A = vector.extract %slice3A[0] : i32 from vector<1xi32>
      %dma_start3A_333 = arith.constant 0 : i32
      %dma_start3A_334 = arith.constant 0 : i32
      %dma_start3A_335 = tpu.memref_slice %arg26[%dma_start3A_333, %dma_start3A_334] : memref<8x256xf32, #tpu.memory_space<vmem>> -> memref<1x256xf32, #tpu.memory_space<vmem>>
      %dma_start3A_336 = tpu.memref_squeeze %dma_start3A_335 : memref<1x256xf32, #tpu.memory_space<vmem>> -> memref<256xf32, #tpu.memory_space<vmem>>
      %dma_start3A_337 = arith.constant 0 : i32
      %dma_start3A_338 = tpu.memref_slice %arg12[%squeeze3A, %dma_start3A_337] : memref<10000x256xf32, #tpu.memory_space<hbm>> -> memref<1x256xf32, #tpu.memory_space<hbm>>
      %dma_start3A_339 = tpu.memref_squeeze %dma_start3A_338 : memref<1x256xf32, #tpu.memory_space<hbm>> -> memref<256xf32, #tpu.memory_space<hbm>>
      %dma_start3A_340 = arith.constant 0 : i32
      %dma_start3A_341 = tpu.memref_slice %arg26[%dma_start3A_333, %dma_start3A_340] : memref<8x256xf32, #tpu.memory_space<vmem>> -> memref<1x256xf32, #tpu.memory_space<vmem>>
      %dma_start3A_342 = tpu.memref_squeeze %dma_start3A_341 : memref<1x256xf32, #tpu.memory_space<vmem>> -> memref<256xf32, #tpu.memory_space<vmem>>
      %dma_start3A_343 = arith.constant 0 : i32
      %dma_start3A_344 = tpu.memref_slice %arg12[%squeeze3A, %dma_start3A_343] : memref<10000x256xf32, #tpu.memory_space<hbm>> -> memref<1x256xf32, #tpu.memory_space<hbm>>
      %dma_start3A_345 = tpu.memref_squeeze %dma_start3A_344 : memref<1x256xf32, #tpu.memory_space<hbm>> -> memref<256xf32, #tpu.memory_space<hbm>>
      tpu.enqueue_dma source(%dma_start3A_345 : memref<256xf32, #tpu.memory_space<hbm>>) target(%dma_start3A_342 : memref<256xf32, #tpu.memory_space<vmem>>) target_semaphore(%arg29 : memref<!tpu.dma_semaphore, #tpu.memory_space<semaphore_mem>>)
      %add3A_346 = arith.constant 1 : i32
      %add3A_347 = arith.addi %mul3A_329, %add3A_346 : i32
      %get3A_348 = arith.index_cast %add3A_347 : i32 to index
      %get3A_349 = tpu.vector_load %arg23[%get3A_348] {strides = array<i32>} : memref<528xi32, #tpu.memory_space<vmem>>, vector<16xi32>,
      %slice3A_350 = vector.extract_strided_slice %get3A_349 {offsets = [0], sizes = [1], strides = [1]} : vector<16xi32> to vector<1xi32>
      %squeeze3A_351 = vector.extract %slice3A_350[0] : i32 from vector<1xi32>
      %dma_start3A_352 = arith.constant 1 : i32
      %dma_start3A_353 = arith.constant 0 : i32
      %dma_start3A_354 = tpu.memref_slice %arg26[%dma_start3A_352, %dma_start3A_353] : memref<8x256xf32, #tpu.memory_space<vmem>> -> memref<1x256xf32, #tpu.memory_space<vmem>>
      %dma_start3A_355 = tpu.memref_squeeze %dma_start3A_354 : memref<1x256xf32, #tpu.memory_space<vmem>> -> memref<256xf32, #tpu.memory_space<vmem>>
      %dma_start3A_356 = arith.constant 0 : i32
      %dma_start3A_357 = tpu.memref_slice %arg12[%squeeze3A_351, %dma_start3A_356] : memref<10000x256xf32, #tpu.memory_space<hbm>> -> memref<1x256xf32, #tpu.memory_space<hbm>>
      %dma_start3A_358 = tpu.memref_squeeze %dma_start3A_357 : memref<1x256xf32, #tpu.memory_space<hbm>> -> memref<256xf32, #tpu.memory_space<hbm>>
      %dma_start3A_359 = arith.constant 0 : i32
      %dma_start3A_360 = tpu.memref_slice %arg26[%dma_start3A_352, %dma_start3A_359] : memref<8x256xf32, #tpu.memory_space<vmem>> -> memref<1x256xf32, #tpu.memory_space<vmem>>
      %dma_start3A_361 = tpu.memref_squeeze %dma_start3A_360 : memref<1x256xf32, #tpu.memory_space<vmem>> -> memref<256xf32, #tpu.memory_space<vmem>>
      %dma_start3A_362 = arith.constant 0 : i32
      %dma_start3A_363 = tpu.memref_slice %arg12[%squeeze3A_351, %dma_start3A_362] : memref<10000x256xf32, #tpu.memory_space<hbm>> -> memref<1x256xf32, #tpu.memory_space<hbm>>
      %dma_start3A_364 = tpu.memref_squeeze %dma_start3A_363 : memref<1x256xf32, #tpu.memory_space<hbm>> -> memref<256xf32, #tpu.memory_space<hbm>>
      tpu.enqueue_dma source(%dma_start3A_364 : memref<256xf32, #tpu.memory_space<hbm>>) target(%dma_start3A_361 : memref<256xf32, #tpu.memory_space<vmem>>) target_semaphore(%arg29 : memref<!tpu.dma_semaphore, #tpu.memory_space<semaphore_mem>>)
      %add3A_365 = arith.constant 2 : i32
      %add3A_366 = arith.addi %mul3A_329, %add3A_365 : i32
      %get3A_367 = arith.index_cast %add3A_366 : i32 to index
      %get3A_368 = tpu.vector_load %arg23[%get3A_367] {strides = array<i32>} : memref<528xi32, #tpu.memory_space<vmem>>, vector<16xi32>,
      %slice3A_369 = vector.extract_strided_slice %get3A_368 {offsets = [0], sizes = [1], strides = [1]} : vector<16xi32> to vector<1xi32>
      %squeeze3A_370 = vector.extract %slice3A_369[0] : i32 from vector<1xi32>
      %dma_start3A_371 = arith.constant 2 : i32
      %dma_start3A_372 = arith.constant 0 : i32
      %dma_start3A_373 = tpu.memref_slice %arg26[%dma_start3A_371, %dma_start3A_372] : memref<8x256xf32, #tpu.memory_space<vmem>> -> memref<1x256xf32, #tpu.memory_space<vmem>>
      %dma_start3A_374 = tpu.memref_squeeze %dma_start3A_373 : memref<1x256xf32, #tpu.memory_space<vmem>> -> memref<256xf32, #tpu.memory_space<vmem>>
      %dma_start3A_375 = arith.constant 0 : i32
      %dma_start3A_376 = tpu.memref_slice %arg12[%squeeze3A_370, %dma_start3A_375] : memref<10000x256xf32, #tpu.memory_space<hbm>> -> memref<1x256xf32, #tpu.memory_space<hbm>>
      %dma_start3A_377 = tpu.memref_squeeze %dma_start3A_376 : memref<1x256xf32, #tpu.memory_space<hbm>> -> memref<256xf32, #tpu.memory_space<hbm>>
      %dma_start3A_378 = arith.constant 0 : i32
      %dma_start3A_379 = tpu.memref_slice %arg26[%dma_start3A_371, %dma_start3A_378] : memref<8x256xf32, #tpu.memory_space<vmem>> -> memref<1x256xf32, #tpu.memory_space<vmem>>
      %dma_start3A_380 = tpu.memref_squeeze %dma_start3A_379 : memref<1x256xf32, #tpu.memory_space<vmem>> -> memref<256xf32, #tpu.memory_space<vmem>>
      %dma_start3A_381 = arith.constant 0 : i32
      %dma_start3A_382 = tpu.memref_slice %arg12[%squeeze3A_370, %dma_start3A_381] : memref<10000x256xf32, #tpu.memory_space<hbm>> -> memref<1x256xf32, #tpu.memory_space<hbm>>
      %dma_start3A_383 = tpu.memref_squeeze %dma_start3A_382 : memref<1x256xf32, #tpu.memory_space<hbm>> -> memref<256xf32, #tpu.memory_space<hbm>>
      tpu.enqueue_dma source(%dma_start3A_383 : memref<256xf32, #tpu.memory_space<hbm>>) target(%dma_start3A_380 : memref<256xf32, #tpu.memory_space<vmem>>) target_semaphore(%arg29 : memref<!tpu.dma_semaphore, #tpu.memory_space<semaphore_mem>>)
      %add3A_384 = arith.constant 3 : i32
      %add3A_385 = arith.addi %mul3A_329, %add3A_384 : i32
      %get3A_386 = arith.index_cast %add3A_385 : i32 to index
      %get3A_387 = tpu.vector_load %arg23[%get3A_386] {strides = array<i32>} : memref<528xi32, #tpu.memory_space<vmem>>, vector<16xi32>,
      %slice3A_388 = vector.extract_strided_slice %get3A_387 {offsets = [0], sizes = [1], strides = [1]} : vector<16xi32> to vector<1xi32>
      %squeeze3A_389 = vector.extract %slice3A_388[0] : i32 from vector<1xi32>
      %dma_start3A_390 = arith.constant 3 : i32
      %dma_start3A_391 = arith.constant 0 : i32
      %dma_start3A_392 = tpu.memref_slice %arg26[%dma_start3A_390, %dma_start3A_391] : memref<8x256xf32, #tpu.memory_space<vmem>> -> memref<1x256xf32, #tpu.memory_space<vmem>>
      %dma_start3A_393 = tpu.memref_squeeze %dma_start3A_392 : memref<1x256xf32, #tpu.memory_space<vmem>> -> memref<256xf32, #tpu.memory_space<vmem>>
      %dma_start3A_394 = arith.constant 0 : i32
      %dma_start3A_395 = tpu.memref_slice %arg12[%squeeze3A_389, %dma_start3A_394] : memref<10000x256xf32, #tpu.memory_space<hbm>> -> memref<1x256xf32, #tpu.memory_space<hbm>>
      %dma_start3A_396 = tpu.memref_squeeze %dma_start3A_395 : memref<1x256xf32, #tpu.memory_space<hbm>> -> memref<256xf32, #tpu.memory_space<hbm>>
      %dma_start3A_397 = arith.constant 0 : i32
      %dma_start3A_398 = tpu.memref_slice %arg26[%dma_start3A_390, %dma_start3A_397] : memref<8x256xf32, #tpu.memory_space<vmem>> -> memref<1x256xf32, #tpu.memory_space<vmem>>
      %dma_start3A_399 = tpu.memref_squeeze %dma_start3A_398 : memref<1x256xf32, #tpu.memory_space<vmem>> -> memref<256xf32, #tpu.memory_space<vmem>>
      %dma_start3A_400 = arith.constant 0 : i32
      %dma_start3A_401 = tpu.memref_slice %arg12[%squeeze3A_389, %dma_start3A_400] : memref<10000x256xf32, #tpu.memory_space<hbm>> -> memref<1x256xf32, #tpu.memory_space<hbm>>
      %dma_start3A_402 = tpu.memref_squeeze %dma_start3A_401 : memref<1x256xf32, #tpu.memory_space<hbm>> -> memref<256xf32, #tpu.memory_space<hbm>>
      tpu.enqueue_dma source(%dma_start3A_402 : memref<256xf32, #tpu.memory_space<hbm>>) target(%dma_start3A_399 : memref<256xf32, #tpu.memory_space<vmem>>) target_semaphore(%arg29 : memref<!tpu.dma_semaphore, #tpu.memory_space<semaphore_mem>>)
      %add3A_403 = arith.constant 4 : i32
      %add3A_404 = arith.addi %mul3A_329, %add3A_403 : i32
      %get3A_405 = arith.index_cast %add3A_404 : i32 to index
      %get3A_406 = tpu.vector_load %arg23[%get3A_405] {strides = array<i32>} : memref<528xi32, #tpu.memory_space<vmem>>, vector<16xi32>,
      %slice3A_407 = vector.extract_strided_slice %get3A_406 {offsets = [0], sizes = [1], strides = [1]} : vector<16xi32> to vector<1xi32>
      %squeeze3A_408 = vector.extract %slice3A_407[0] : i32 from vector<1xi32>
      %dma_start3A_409 = arith.constant 4 : i32
      %dma_start3A_410 = arith.constant 0 : i32
      %dma_start3A_411 = tpu.memref_slice %arg26[%dma_start3A_409, %dma_start3A_410] : memref<8x256xf32, #tpu.memory_space<vmem>> -> memref<1x256xf32, #tpu.memory_space<vmem>>
      %dma_start3A_412 = tpu.memref_squeeze %dma_start3A_411 : memref<1x256xf32, #tpu.memory_space<vmem>> -> memref<256xf32, #tpu.memory_space<vmem>>
      %dma_start3A_413 = arith.constant 0 : i32
      %dma_start3A_414 = tpu.memref_slice %arg12[%squeeze3A_408, %dma_start3A_413] : memref<10000x256xf32, #tpu.memory_space<hbm>> -> memref<1x256xf32, #tpu.memory_space<hbm>>
      %dma_start3A_415 = tpu.memref_squeeze %dma_start3A_414 : memref<1x256xf32, #tpu.memory_space<hbm>> -> memref<256xf32, #tpu.memory_space<hbm>>
      %dma_start3A_416 = arith.constant 0 : i32
      %dma_start3A_417 = tpu.memref_slice %arg26[%dma_start3A_409, %dma_start3A_416] : memref<8x256xf32, #tpu.memory_space<vmem>> -> memref<1x256xf32, #tpu.memory_space<vmem>>
      %dma_start3A_418 = tpu.memref_squeeze %dma_start3A_417 : memref<1x256xf32, #tpu.memory_space<vmem>> -> memref<256xf32, #tpu.memory_space<vmem>>
      %dma_start3A_419 = arith.constant 0 : i32
      %dma_start3A_420 = tpu.memref_slice %arg12[%squeeze3A_408, %dma_start3A_419] : memref<10000x256xf32, #tpu.memory_space<hbm>> -> memref<1x256xf32, #tpu.memory_space<hbm>>
      %dma_start3A_421 = tpu.memref_squeeze %dma_start3A_420 : memref<1x256xf32, #tpu.memory_space<hbm>> -> memref<256xf32, #tpu.memory_space<hbm>>
      tpu.enqueue_dma source(%dma_start3A_421 : memref<256xf32, #tpu.memory_space<hbm>>) target(%dma_start3A_418 : memref<256xf32, #tpu.memory_space<vmem>>) target_semaphore(%arg29 : memref<!tpu.dma_semaphore, #tpu.memory_space<semaphore_mem>>)
      %add3A_422 = arith.constant 5 : i32
      %add3A_423 = arith.addi %mul3A_329, %add3A_422 : i32
      %get3A_424 = arith.index_cast %add3A_423 : i32 to index
      %get3A_425 = tpu.vector_load %arg23[%get3A_424] {strides = array<i32>} : memref<528xi32, #tpu.memory_space<vmem>>, vector<16xi32>,
      %slice3A_426 = vector.extract_strided_slice %get3A_425 {offsets = [0], sizes = [1], strides = [1]} : vector<16xi32> to vector<1xi32>
      %squeeze3A_427 = vector.extract %slice3A_426[0] : i32 from vector<1xi32>
      %dma_start3A_428 = arith.constant 5 : i32
      %dma_start3A_429 = arith.constant 0 : i32
      %dma_start3A_430 = tpu.memref_slice %arg26[%dma_start3A_428, %dma_start3A_429] : memref<8x256xf32, #tpu.memory_space<vmem>> -> memref<1x256xf32, #tpu.memory_space<vmem>>
      %dma_start3A_431 = tpu.memref_squeeze %dma_start3A_430 : memref<1x256xf32, #tpu.memory_space<vmem>> -> memref<256xf32, #tpu.memory_space<vmem>>
      %dma_start3A_432 = arith.constant 0 : i32
      %dma_start3A_433 = tpu.memref_slice %arg12[%squeeze3A_427, %dma_start3A_432] : memref<10000x256xf32, #tpu.memory_space<hbm>> -> memref<1x256xf32, #tpu.memory_space<hbm>>
      %dma_start3A_434 = tpu.memref_squeeze %dma_start3A_433 : memref<1x256xf32, #tpu.memory_space<hbm>> -> memref<256xf32, #tpu.memory_space<hbm>>
      %dma_start3A_435 = arith.constant 0 : i32
      %dma_start3A_436 = tpu.memref_slice %arg26[%dma_start3A_428, %dma_start3A_435] : memref<8x256xf32, #tpu.memory_space<vmem>> -> memref<1x256xf32, #tpu.memory_space<vmem>>
      %dma_start3A_437 = tpu.memref_squeeze %dma_start3A_436 : memref<1x256xf32, #tpu.memory_space<vmem>> -> memref<256xf32, #tpu.memory_space<vmem>>
      %dma_start3A_438 = arith.constant 0 : i32
      %dma_start3A_439 = tpu.memref_slice %arg12[%squeeze3A_427, %dma_start3A_438] : memref<10000x256xf32, #tpu.memory_space<hbm>> -> memref<1x256xf32, #tpu.memory_space<hbm>>
      %dma_start3A_440 = tpu.memref_squeeze %dma_start3A_439 : memref<1x256xf32, #tpu.memory_space<hbm>> -> memref<256xf32, #tpu.memory_space<hbm>>
      tpu.enqueue_dma source(%dma_start3A_440 : memref<256xf32, #tpu.memory_space<hbm>>) target(%dma_start3A_437 : memref<256xf32, #tpu.memory_space<vmem>>) target_semaphore(%arg29 : memref<!tpu.dma_semaphore, #tpu.memory_space<semaphore_mem>>)
      %add3A_441 = arith.constant 6 : i32
      %add3A_442 = arith.addi %mul3A_329, %add3A_441 : i32
      %get3A_443 = arith.index_cast %add3A_442 : i32 to index
      %get3A_444 = tpu.vector_load %arg23[%get3A_443] {strides = array<i32>} : memref<528xi32, #tpu.memory_space<vmem>>, vector<16xi32>,
      %slice3A_445 = vector.extract_strided_slice %get3A_444 {offsets = [0], sizes = [1], strides = [1]} : vector<16xi32> to vector<1xi32>
      %squeeze3A_446 = vector.extract %slice3A_445[0] : i32 from vector<1xi32>
      %dma_start3A_447 = arith.constant 6 : i32
      %dma_start3A_448 = arith.constant 0 : i32
      %dma_start3A_449 = tpu.memref_slice %arg26[%dma_start3A_447, %dma_start3A_448] : memref<8x256xf32, #tpu.memory_space<vmem>> -> memref<1x256xf32, #tpu.memory_space<vmem>>
      %dma_start3A_450 = tpu.memref_squeeze %dma_start3A_449 : memref<1x256xf32, #tpu.memory_space<vmem>> -> memref<256xf32, #tpu.memory_space<vmem>>
      %dma_start3A_451 = arith.constant 0 : i32
      %dma_start3A_452 = tpu.memref_slice %arg12[%squeeze3A_446, %dma_start3A_451] : memref<10000x256xf32, #tpu.memory_space<hbm>> -> memref<1x256xf32, #tpu.memory_space<hbm>>
      %dma_start3A_453 = tpu.memref_squeeze %dma_start3A_452 : memref<1x256xf32, #tpu.memory_space<hbm>> -> memref<256xf32, #tpu.memory_space<hbm>>
      %dma_start3A_454 = arith.constant 0 : i32
      %dma_start3A_455 = tpu.memref_slice %arg26[%dma_start3A_447, %dma_start3A_454] : memref<8x256xf32, #tpu.memory_space<vmem>> -> memref<1x256xf32, #tpu.memory_space<vmem>>
      %dma_start3A_456 = tpu.memref_squeeze %dma_start3A_455 : memref<1x256xf32, #tpu.memory_space<vmem>> -> memref<256xf32, #tpu.memory_space<vmem>>
      %dma_start3A_457 = arith.constant 0 : i32
      %dma_start3A_458 = tpu.memref_slice %arg12[%squeeze3A_446, %dma_start3A_457] : memref<10000x256xf32, #tpu.memory_space<hbm>> -> memref<1x256xf32, #tpu.memory_space<hbm>>
      %dma_start3A_459 = tpu.memref_squeeze %dma_start3A_458 : memref<1x256xf32, #tpu.memory_space<hbm>> -> memref<256xf32, #tpu.memory_space<hbm>>
      tpu.enqueue_dma source(%dma_start3A_459 : memref<256xf32, #tpu.memory_space<hbm>>) target(%dma_start3A_456 : memref<256xf32, #tpu.memory_space<vmem>>) target_semaphore(%arg29 : memref<!tpu.dma_semaphore, #tpu.memory_space<semaphore_mem>>)
      %add3A_460 = arith.constant 7 : i32
      %add3A_461 = arith.addi %mul3A_329, %add3A_460 : i32
      %get3A_462 = arith.index_cast %add3A_461 : i32 to index
      %get3A_463 = tpu.vector_load %arg23[%get3A_462] {strides = array<i32>} : memref<528xi32, #tpu.memory_space<vmem>>, vector<16xi32>,
      %slice3A_464 = vector.extract_strided_slice %get3A_463 {offsets = [0], sizes = [1], strides = [1]} : vector<16xi32> to vector<1xi32>
      %squeeze3A_465 = vector.extract %slice3A_464[0] : i32 from vector<1xi32>
      %dma_start3A_466 = arith.constant 7 : i32
      %dma_start3A_467 = arith.constant 0 : i32
      %dma_start3A_468 = tpu.memref_slice %arg26[%dma_start3A_466, %dma_start3A_467] : memref<8x256xf32, #tpu.memory_space<vmem>> -> memref<1x256xf32, #tpu.memory_space<vmem>>
      %dma_start3A_469 = tpu.memref_squeeze %dma_start3A_468 : memref<1x256xf32, #tpu.memory_space<vmem>> -> memref<256xf32, #tpu.memory_space<vmem>>
      %dma_start3A_470 = arith.constant 0 : i32
      %dma_start3A_471 = tpu.memref_slice %arg12[%squeeze3A_465, %dma_start3A_470] : memref<10000x256xf32, #tpu.memory_space<hbm>> -> memref<1x256xf32, #tpu.memory_space<hbm>>
      %dma_start3A_472 = tpu.memref_squeeze %dma_start3A_471 : memref<1x256xf32, #tpu.memory_space<hbm>> -> memref<256xf32, #tpu.memory_space<hbm>>
      %dma_start3A_473 = arith.constant 0 : i32
      %dma_start3A_474 = tpu.memref_slice %arg26[%dma_start3A_466, %dma_start3A_473] : memref<8x256xf32, #tpu.memory_space<vmem>> -> memref<1x256xf32, #tpu.memory_space<vmem>>
      %dma_start3A_475 = tpu.memref_squeeze %dma_start3A_474 : memref<1x256xf32, #tpu.memory_space<vmem>> -> memref<256xf32, #tpu.memory_space<vmem>>
      %dma_start3A_476 = arith.constant 0 : i32
      %dma_start3A_477 = tpu.memref_slice %arg12[%squeeze3A_465, %dma_start3A_476] : memref<10000x256xf32, #tpu.memory_space<hbm>> -> memref<1x256xf32, #tpu.memory_space<hbm>>
      %dma_start3A_478 = tpu.memref_squeeze %dma_start3A_477 : memref<1x256xf32, #tpu.memory_space<hbm>> -> memref<256xf32, #tpu.memory_space<hbm>>
      tpu.enqueue_dma source(%dma_start3A_478 : memref<256xf32, #tpu.memory_space<hbm>>) target(%dma_start3A_475 : memref<256xf32, #tpu.memory_space<vmem>>) target_semaphore(%arg29 : memref<!tpu.dma_semaphore, #tpu.memory_space<semaphore_mem>>)
      %dma_wait3A_479 = arith.constant 0 : i32
      %dma_wait3A_480 = arith.constant 0 : i32
      %dma_wait3A_481 = tpu.memref_slice %arg26[%dma_wait3A_479, %dma_wait3A_480] : memref<8x256xf32, #tpu.memory_space<vmem>> -> memref<1x256xf32, #tpu.memory_space<vmem>>
      %dma_wait3A_482 = tpu.memref_squeeze %dma_wait3A_481 : memref<1x256xf32, #tpu.memory_space<vmem>> -> memref<256xf32, #tpu.memory_space<vmem>>
      %dma_wait3A_483 = arith.constant 0 : i32
      %dma_wait3A_484 = tpu.memref_slice %arg12[%squeeze3A, %dma_wait3A_483] : memref<10000x256xf32, #tpu.memory_space<hbm>> -> memref<1x256xf32, #tpu.memory_space<hbm>>
      %dma_wait3A_485 = tpu.memref_squeeze %dma_wait3A_484 : memref<1x256xf32, #tpu.memory_space<hbm>> -> memref<256xf32, #tpu.memory_space<hbm>>
      %dma_wait3A_486 = arith.constant 0 : i32
      %dma_wait3A_487 = tpu.memref_slice %arg26[%dma_wait3A_479, %dma_wait3A_486] : memref<8x256xf32, #tpu.memory_space<vmem>> -> memref<1x256xf32, #tpu.memory_space<vmem>>
      %dma_wait3A_488 = tpu.memref_squeeze %dma_wait3A_487 : memref<1x256xf32, #tpu.memory_space<vmem>> -> memref<256xf32, #tpu.memory_space<vmem>>
      %dma_wait3A_489 = arith.constant 0 : i32
      %dma_wait3A_490 = tpu.memref_slice %arg12[%squeeze3A, %dma_wait3A_489] : memref<10000x256xf32, #tpu.memory_space<hbm>> -> memref<1x256xf32, #tpu.memory_space<hbm>>
      %dma_wait3A_491 = tpu.memref_squeeze %dma_wait3A_490 : memref<1x256xf32, #tpu.memory_space<hbm>> -> memref<256xf32, #tpu.memory_space<hbm>>
      tpu.wait_dma2 semaphore(%arg29 : memref<!tpu.dma_semaphore, #tpu.memory_space<semaphore_mem>>) src(%dma_wait3A_491 : memref<256xf32, #tpu.memory_space<hbm>>) dst(%dma_wait3A_488 : memref<256xf32, #tpu.memory_space<vmem>>)
      %dma_wait3A_492 = arith.constant 1 : i32
      %dma_wait3A_493 = arith.constant 0 : i32
      %dma_wait3A_494 = tpu.memref_slice %arg26[%dma_wait3A_492, %dma_wait3A_493] : memref<8x256xf32, #tpu.memory_space<vmem>> -> memref<1x256xf32, #tpu.memory_space<vmem>>
      %dma_wait3A_495 = tpu.memref_squeeze %dma_wait3A_494 : memref<1x256xf32, #tpu.memory_space<vmem>> -> memref<256xf32, #tpu.memory_space<vmem>>
      %dma_wait3A_496 = arith.constant 0 : i32
      %dma_wait3A_497 = tpu.memref_slice %arg12[%squeeze3A_351, %dma_wait3A_496] : memref<10000x256xf32, #tpu.memory_space<hbm>> -> memref<1x256xf32, #tpu.memory_space<hbm>>
      %dma_wait3A_498 = tpu.memref_squeeze %dma_wait3A_497 : memref<1x256xf32, #tpu.memory_space<hbm>> -> memref<256xf32, #tpu.memory_space<hbm>>
      %dma_wait3A_499 = arith.constant 0 : i32
      %dma_wait3A_500 = tpu.memref_slice %arg26[%dma_wait3A_492, %dma_wait3A_499] : memref<8x256xf32, #tpu.memory_space<vmem>> -> memref<1x256xf32, #tpu.memory_space<vmem>>
      %dma_wait3A_501 = tpu.memref_squeeze %dma_wait3A_500 : memref<1x256xf32, #tpu.memory_space<vmem>> -> memref<256xf32, #tpu.memory_space<vmem>>
      %dma_wait3A_502 = arith.constant 0 : i32
      %dma_wait3A_503 = tpu.memref_slice %arg12[%squeeze3A_351, %dma_wait3A_502] : memref<10000x256xf32, #tpu.memory_space<hbm>> -> memref<1x256xf32, #tpu.memory_space<hbm>>
      %dma_wait3A_504 = tpu.memref_squeeze %dma_wait3A_503 : memref<1x256xf32, #tpu.memory_space<hbm>> -> memref<256xf32, #tpu.memory_space<hbm>>
      tpu.wait_dma2 semaphore(%arg29 : memref<!tpu.dma_semaphore, #tpu.memory_space<semaphore_mem>>) src(%dma_wait3A_504 : memref<256xf32, #tpu.memory_space<hbm>>) dst(%dma_wait3A_501 : memref<256xf32, #tpu.memory_space<vmem>>)
      %dma_wait3A_505 = arith.constant 2 : i32
      %dma_wait3A_506 = arith.constant 0 : i32
      %dma_wait3A_507 = tpu.memref_slice %arg26[%dma_wait3A_505, %dma_wait3A_506] : memref<8x256xf32, #tpu.memory_space<vmem>> -> memref<1x256xf32, #tpu.memory_space<vmem>>
      %dma_wait3A_508 = tpu.memref_squeeze %dma_wait3A_507 : memref<1x256xf32, #tpu.memory_space<vmem>> -> memref<256xf32, #tpu.memory_space<vmem>>
      %dma_wait3A_509 = arith.constant 0 : i32
      %dma_wait3A_510 = tpu.memref_slice %arg12[%squeeze3A_370, %dma_wait3A_509] : memref<10000x256xf32, #tpu.memory_space<hbm>> -> memref<1x256xf32, #tpu.memory_space<hbm>>
      %dma_wait3A_511 = tpu.memref_squeeze %dma_wait3A_510 : memref<1x256xf32, #tpu.memory_space<hbm>> -> memref<256xf32, #tpu.memory_space<hbm>>
      %dma_wait3A_512 = arith.constant 0 : i32
      %dma_wait3A_513 = tpu.memref_slice %arg26[%dma_wait3A_505, %dma_wait3A_512] : memref<8x256xf32, #tpu.memory_space<vmem>> -> memref<1x256xf32, #tpu.memory_space<vmem>>
      %dma_wait3A_514 = tpu.memref_squeeze %dma_wait3A_513 : memref<1x256xf32, #tpu.memory_space<vmem>> -> memref<256xf32, #tpu.memory_space<vmem>>
      %dma_wait3A_515 = arith.constant 0 : i32
      %dma_wait3A_516 = tpu.memref_slice %arg12[%squeeze3A_370, %dma_wait3A_515] : memref<10000x256xf32, #tpu.memory_space<hbm>> -> memref<1x256xf32, #tpu.memory_space<hbm>>
      %dma_wait3A_517 = tpu.memref_squeeze %dma_wait3A_516 : memref<1x256xf32, #tpu.memory_space<hbm>> -> memref<256xf32, #tpu.memory_space<hbm>>
      tpu.wait_dma2 semaphore(%arg29 : memref<!tpu.dma_semaphore, #tpu.memory_space<semaphore_mem>>) src(%dma_wait3A_517 : memref<256xf32, #tpu.memory_space<hbm>>) dst(%dma_wait3A_514 : memref<256xf32, #tpu.memory_space<vmem>>)
      %dma_wait3A_518 = arith.constant 3 : i32
      %dma_wait3A_519 = arith.constant 0 : i32
      %dma_wait3A_520 = tpu.memref_slice %arg26[%dma_wait3A_518, %dma_wait3A_519] : memref<8x256xf32, #tpu.memory_space<vmem>> -> memref<1x256xf32, #tpu.memory_space<vmem>>
      %dma_wait3A_521 = tpu.memref_squeeze %dma_wait3A_520 : memref<1x256xf32, #tpu.memory_space<vmem>> -> memref<256xf32, #tpu.memory_space<vmem>>
      %dma_wait3A_522 = arith.constant 0 : i32
      %dma_wait3A_523 = tpu.memref_slice %arg12[%squeeze3A_389, %dma_wait3A_522] : memref<10000x256xf32, #tpu.memory_space<hbm>> -> memref<1x256xf32, #tpu.memory_space<hbm>>
      %dma_wait3A_524 = tpu.memref_squeeze %dma_wait3A_523 : memref<1x256xf32, #tpu.memory_space<hbm>> -> memref<256xf32, #tpu.memory_space<hbm>>
      %dma_wait3A_525 = arith.constant 0 : i32
      %dma_wait3A_526 = tpu.memref_slice %arg26[%dma_wait3A_518, %dma_wait3A_525] : memref<8x256xf32, #tpu.memory_space<vmem>> -> memref<1x256xf32, #tpu.memory_space<vmem>>
      %dma_wait3A_527 = tpu.memref_squeeze %dma_wait3A_526 : memref<1x256xf32, #tpu.memory_space<vmem>> -> memref<256xf32, #tpu.memory_space<vmem>>
      %dma_wait3A_528 = arith.constant 0 : i32
      %dma_wait3A_529 = tpu.memref_slice %arg12[%squeeze3A_389, %dma_wait3A_528] : memref<10000x256xf32, #tpu.memory_space<hbm>> -> memref<1x256xf32, #tpu.memory_space<hbm>>
      %dma_wait3A_530 = tpu.memref_squeeze %dma_wait3A_529 : memref<1x256xf32, #tpu.memory_space<hbm>> -> memref<256xf32, #tpu.memory_space<hbm>>
      tpu.wait_dma2 semaphore(%arg29 : memref<!tpu.dma_semaphore, #tpu.memory_space<semaphore_mem>>) src(%dma_wait3A_530 : memref<256xf32, #tpu.memory_space<hbm>>) dst(%dma_wait3A_527 : memref<256xf32, #tpu.memory_space<vmem>>)
      %dma_wait3A_531 = arith.constant 4 : i32
      %dma_wait3A_532 = arith.constant 0 : i32
      %dma_wait3A_533 = tpu.memref_slice %arg26[%dma_wait3A_531, %dma_wait3A_532] : memref<8x256xf32, #tpu.memory_space<vmem>> -> memref<1x256xf32, #tpu.memory_space<vmem>>
      %dma_wait3A_534 = tpu.memref_squeeze %dma_wait3A_533 : memref<1x256xf32, #tpu.memory_space<vmem>> -> memref<256xf32, #tpu.memory_space<vmem>>
      %dma_wait3A_535 = arith.constant 0 : i32
      %dma_wait3A_536 = tpu.memref_slice %arg12[%squeeze3A_408, %dma_wait3A_535] : memref<10000x256xf32, #tpu.memory_space<hbm>> -> memref<1x256xf32, #tpu.memory_space<hbm>>
      %dma_wait3A_537 = tpu.memref_squeeze %dma_wait3A_536 : memref<1x256xf32, #tpu.memory_space<hbm>> -> memref<256xf32, #tpu.memory_space<hbm>>
      %dma_wait3A_538 = arith.constant 0 : i32
      %dma_wait3A_539 = tpu.memref_slice %arg26[%dma_wait3A_531, %dma_wait3A_538] : memref<8x256xf32, #tpu.memory_space<vmem>> -> memref<1x256xf32, #tpu.memory_space<vmem>>
      %dma_wait3A_540 = tpu.memref_squeeze %dma_wait3A_539 : memref<1x256xf32, #tpu.memory_space<vmem>> -> memref<256xf32, #tpu.memory_space<vmem>>
      %dma_wait3A_541 = arith.constant 0 : i32
      %dma_wait3A_542 = tpu.memref_slice %arg12[%squeeze3A_408, %dma_wait3A_541] : memref<10000x256xf32, #tpu.memory_space<hbm>> -> memref<1x256xf32, #tpu.memory_space<hbm>>
      %dma_wait3A_543 = tpu.memref_squeeze %dma_wait3A_542 : memref<1x256xf32, #tpu.memory_space<hbm>> -> memref<256xf32, #tpu.memory_space<hbm>>
      tpu.wait_dma2 semaphore(%arg29 : memref<!tpu.dma_semaphore, #tpu.memory_space<semaphore_mem>>) src(%dma_wait3A_543 : memref<256xf32, #tpu.memory_space<hbm>>) dst(%dma_wait3A_540 : memref<256xf32, #tpu.memory_space<vmem>>)
      %dma_wait3A_544 = arith.constant 5 : i32
      %dma_wait3A_545 = arith.constant 0 : i32
      %dma_wait3A_546 = tpu.memref_slice %arg26[%dma_wait3A_544, %dma_wait3A_545] : memref<8x256xf32, #tpu.memory_space<vmem>> -> memref<1x256xf32, #tpu.memory_space<vmem>>
      %dma_wait3A_547 = tpu.memref_squeeze %dma_wait3A_546 : memref<1x256xf32, #tpu.memory_space<vmem>> -> memref<256xf32, #tpu.memory_space<vmem>>
      %dma_wait3A_548 = arith.constant 0 : i32
      %dma_wait3A_549 = tpu.memref_slice %arg12[%squeeze3A_427, %dma_wait3A_548] : memref<10000x256xf32, #tpu.memory_space<hbm>> -> memref<1x256xf32, #tpu.memory_space<hbm>>
      %dma_wait3A_550 = tpu.memref_squeeze %dma_wait3A_549 : memref<1x256xf32, #tpu.memory_space<hbm>> -> memref<256xf32, #tpu.memory_space<hbm>>
      %dma_wait3A_551 = arith.constant 0 : i32
      %dma_wait3A_552 = tpu.memref_slice %arg26[%dma_wait3A_544, %dma_wait3A_551] : memref<8x256xf32, #tpu.memory_space<vmem>> -> memref<1x256xf32, #tpu.memory_space<vmem>>
      %dma_wait3A_553 = tpu.memref_squeeze %dma_wait3A_552 : memref<1x256xf32, #tpu.memory_space<vmem>> -> memref<256xf32, #tpu.memory_space<vmem>>
      %dma_wait3A_554 = arith.constant 0 : i32
      %dma_wait3A_555 = tpu.memref_slice %arg12[%squeeze3A_427, %dma_wait3A_554] : memref<10000x256xf32, #tpu.memory_space<hbm>> -> memref<1x256xf32, #tpu.memory_space<hbm>>
      %dma_wait3A_556 = tpu.memref_squeeze %dma_wait3A_555 : memref<1x256xf32, #tpu.memory_space<hbm>> -> memref<256xf32, #tpu.memory_space<hbm>>
      tpu.wait_dma2 semaphore(%arg29 : memref<!tpu.dma_semaphore, #tpu.memory_space<semaphore_mem>>) src(%dma_wait3A_556 : memref<256xf32, #tpu.memory_space<hbm>>) dst(%dma_wait3A_553 : memref<256xf32, #tpu.memory_space<vmem>>)
      %dma_wait3A_557 = arith.constant 6 : i32
      %dma_wait3A_558 = arith.constant 0 : i32
      %dma_wait3A_559 = tpu.memref_slice %arg26[%dma_wait3A_557, %dma_wait3A_558] : memref<8x256xf32, #tpu.memory_space<vmem>> -> memref<1x256xf32, #tpu.memory_space<vmem>>
      %dma_wait3A_560 = tpu.memref_squeeze %dma_wait3A_559 : memref<1x256xf32, #tpu.memory_space<vmem>> -> memref<256xf32, #tpu.memory_space<vmem>>
      %dma_wait3A_561 = arith.constant 0 : i32
      %dma_wait3A_562 = tpu.memref_slice %arg12[%squeeze3A_446, %dma_wait3A_561] : memref<10000x256xf32, #tpu.memory_space<hbm>> -> memref<1x256xf32, #tpu.memory_space<hbm>>
      %dma_wait3A_563 = tpu.memref_squeeze %dma_wait3A_562 : memref<1x256xf32, #tpu.memory_space<hbm>> -> memref<256xf32, #tpu.memory_space<hbm>>
      %dma_wait3A_564 = arith.constant 0 : i32
      %dma_wait3A_565 = tpu.memref_slice %arg26[%dma_wait3A_557, %dma_wait3A_564] : memref<8x256xf32, #tpu.memory_space<vmem>> -> memref<1x256xf32, #tpu.memory_space<vmem>>
      %dma_wait3A_566 = tpu.memref_squeeze %dma_wait3A_565 : memref<1x256xf32, #tpu.memory_space<vmem>> -> memref<256xf32, #tpu.memory_space<vmem>>
      %dma_wait3A_567 = arith.constant 0 : i32
      %dma_wait3A_568 = tpu.memref_slice %arg12[%squeeze3A_446, %dma_wait3A_567] : memref<10000x256xf32, #tpu.memory_space<hbm>> -> memref<1x256xf32, #tpu.memory_space<hbm>>
      %dma_wait3A_569 = tpu.memref_squeeze %dma_wait3A_568 : memref<1x256xf32, #tpu.memory_space<hbm>> -> memref<256xf32, #tpu.memory_space<hbm>>
      tpu.wait_dma2 semaphore(%arg29 : memref<!tpu.dma_semaphore, #tpu.memory_space<semaphore_mem>>) src(%dma_wait3A_569 : memref<256xf32, #tpu.memory_space<hbm>>) dst(%dma_wait3A_566 : memref<256xf32, #tpu.memory_space<vmem>>)
      %dma_wait3A_570 = arith.constant 7 : i32
      %dma_wait3A_571 = arith.constant 0 : i32
      %dma_wait3A_572 = tpu.memref_slice %arg26[%dma_wait3A_570, %dma_wait3A_571] : memref<8x256xf32, #tpu.memory_space<vmem>> -> memref<1x256xf32, #tpu.memory_space<vmem>>
      %dma_wait3A_573 = tpu.memref_squeeze %dma_wait3A_572 : memref<1x256xf32, #tpu.memory_space<vmem>> -> memref<256xf32, #tpu.memory_space<vmem>>
      %dma_wait3A_574 = arith.constant 0 : i32
      %dma_wait3A_575 = tpu.memref_slice %arg12[%squeeze3A_465, %dma_wait3A_574] : memref<10000x256xf32, #tpu.memory_space<hbm>> -> memref<1x256xf32, #tpu.memory_space<hbm>>
      %dma_wait3A_576 = tpu.memref_squeeze %dma_wait3A_575 : memref<1x256xf32, #tpu.memory_space<hbm>> -> memref<256xf32, #tpu.memory_space<hbm>>
      %dma_wait3A_577 = arith.constant 0 : i32
      %dma_wait3A_578 = tpu.memref_slice %arg26[%dma_wait3A_570, %dma_wait3A_577] : memref<8x256xf32, #tpu.memory_space<vmem>> -> memref<1x256xf32, #tpu.memory_space<vmem>>
      %dma_wait3A_579 = tpu.memref_squeeze %dma_wait3A_578 : memref<1x256xf32, #tpu.memory_space<vmem>> -> memref<256xf32, #tpu.memory_space<vmem>>
      %dma_wait3A_580 = arith.constant 0 : i32
      %dma_wait3A_581 = tpu.memref_slice %arg12[%squeeze3A_465, %dma_wait3A_580] : memref<10000x256xf32, #tpu.memory_space<hbm>> -> memref<1x256xf32, #tpu.memory_space<hbm>>
      %dma_wait3A_582 = tpu.memref_squeeze %dma_wait3A_581 : memref<1x256xf32, #tpu.memory_space<hbm>> -> memref<256xf32, #tpu.memory_space<hbm>>
      tpu.wait_dma2 semaphore(%arg29 : memref<!tpu.dma_semaphore, #tpu.memory_space<semaphore_mem>>) src(%dma_wait3A_582 : memref<256xf32, #tpu.memory_space<hbm>>) dst(%dma_wait3A_579 : memref<256xf32, #tpu.memory_space<vmem>>)
      "tpu.trace_stop"() : () -> ()
      %sub3A_583 = arith.subi %min3A_131, %mul3A_329 : i32
      %min3A_584 = arith.constant 8 : i32
      %min3A_585 = arith.minsi %sub3A_583, %min3A_584 : i32
      %while3A_586 = arith.constant 0 : i32
      %while3A_587 = arith.constant 0 : i32
      %while3A_588 = arith.subi %min3A_585, %while3A_587 : i32
      %while3A_589 = arith.addi %while3A_587, %while3A_588 : i32
      %while3A_590 = arith.constant 1 : i32
      %while3A_591 = arith.divsi %while3A_588, %while3A_590 : i32
      %while3A_592 = arith.muli %while3A_591, %while3A_590 : i32
      %while3A_593 = arith.addi %while3A_587, %while3A_592 : i32
      %while3A_594 = arith.constant 1 : i32
      scf.for %while3A_596 = %while3A_587 to %while3A_593 step %while3A_594  : i32 {
        %add3A_597 = arith.addi %mul3A_329, %while3A_596 : i32
        %get3A_598 = arith.index_cast %add3A_597 : i32 to index
        %get3A_599 = tpu.vector_load %arg24[%get3A_598] {strides = array<i32>} : memref<528xi32, #tpu.memory_space<vmem>>, vector<16xi32>,
        %slice3A_600 = vector.extract_strided_slice %get3A_599 {offsets = [0], sizes = [1], strides = [1]} : vector<16xi32> to vector<1xi32>
        %squeeze3A_601 = vector.extract %slice3A_600[0] : i32 from vector<1xi32>
        %add3A_602 = arith.addi %mul3A_329, %while3A_596 : i32
        %get3A_603 = arith.index_cast %add3A_602 : i32 to index
        %get3A_604 = tpu.vector_load %arg25[%get3A_603] {strides = array<i32>} : memref<528xf32, #tpu.memory_space<vmem>>, vector<16xf32>,
        %slice3A_605 = vector.extract_strided_slice %get3A_604 {offsets = [0], sizes = [1], strides = [1]} : vector<16xf32> to vector<1xf32>
        %squeeze3A_606 = vector.extract %slice3A_605[0] : f32 from vector<1xf32>
        %broadcast_in_dim3A_607 = vector.broadcast %squeeze3A_606 : f32 to vector<16xf32>
        %mul3A_608 = arith.constant 256 : i32
        %mul3A_609 = arith.muli %squeeze3A_601, %mul3A_608 : i32
        %get3A_610 = arith.index_cast %while3A_596 : i32 to index
        %get3A_611 = arith.constant 0 : index
        %get3A_612 = tpu.vector_load %arg26[%get3A_610, %get3A_611] {strides = array<i32>} : memref<8x256xf32, #tpu.memory_space<vmem>>, vector<16xf32>,
        %add3A_613 = arith.constant 0 : i32
        %add3A_614 = arith.addi %mul3A_609, %add3A_613 : i32
        %mul3A_615 = arith.mulf %broadcast_in_dim3A_607, %get3A_612 : vector<16xf32>
        %swap3A_616 = arith.index_cast %add3A_614 : i32 to index
        %swap3A_617 = tpu.vector_load %arg27[%swap3A_616] {strides = array<i32>} : memref<16384xf32, #tpu.memory_space<vmem>>, vector<16xf32>,
        tpu.vector_store %arg27[%swap3A_616], %mul3A_615 {add = true, strides = array<i32>} : memref<16384xf32, #tpu.memory_space<vmem>>, vector<16xf32>,
        %get3A_618 = arith.index_cast %while3A_596 : i32 to index
        %get3A_619 = arith.constant 16 : index
        %get3A_620 = tpu.vector_load %arg26[%get3A_618, %get3A_619] {strides = array<i32>} : memref<8x256xf32, #tpu.memory_space<vmem>>, vector<16xf32>,
        %add3A_621 = arith.constant 16 : i32
        %add3A_622 = arith.addi %mul3A_609, %add3A_621 : i32
        %mul3A_623 = arith.mulf %broadcast_in_dim3A_607, %get3A_620 : vector<16xf32>
        %swap3A_624 = arith.index_cast %add3A_622 : i32 to index
        %swap3A_625 = tpu.vector_load %arg27[%swap3A_624] {strides = array<i32>} : memref<16384xf32, #tpu.memory_space<vmem>>, vector<16xf32>,
        tpu.vector_store %arg27[%swap3A_624], %mul3A_623 {add = true, strides = array<i32>} : memref<16384xf32, #tpu.memory_space<vmem>>, vector<16xf32>,
        %get3A_626 = arith.index_cast %while3A_596 : i32 to index
        %get3A_627 = arith.constant 32 : index
        %get3A_628 = tpu.vector_load %arg26[%get3A_626, %get3A_627] {strides = array<i32>} : memref<8x256xf32, #tpu.memory_space<vmem>>, vector<16xf32>,
        %add3A_629 = arith.constant 32 : i32
        %add3A_630 = arith.addi %mul3A_609, %add3A_629 : i32
        %mul3A_631 = arith.mulf %broadcast_in_dim3A_607, %get3A_628 : vector<16xf32>
        %swap3A_632 = arith.index_cast %add3A_630 : i32 to index
        %swap3A_633 = tpu.vector_load %arg27[%swap3A_632] {strides = array<i32>} : memref<16384xf32, #tpu.memory_space<vmem>>, vector<16xf32>,
        tpu.vector_store %arg27[%swap3A_632], %mul3A_631 {add = true, strides = array<i32>} : memref<16384xf32, #tpu.memory_space<vmem>>, vector<16xf32>,
        %get3A_634 = arith.index_cast %while3A_596 : i32 to index
        %get3A_635 = arith.constant 48 : index
        %get3A_636 = tpu.vector_load %arg26[%get3A_634, %get3A_635] {strides = array<i32>} : memref<8x256xf32, #tpu.memory_space<vmem>>, vector<16xf32>,
        %add3A_637 = arith.constant 48 : i32
        %add3A_638 = arith.addi %mul3A_609, %add3A_637 : i32
        %mul3A_639 = arith.mulf %broadcast_in_dim3A_607, %get3A_636 : vector<16xf32>
        %swap3A_640 = arith.index_cast %add3A_638 : i32 to index
        %swap3A_641 = tpu.vector_load %arg27[%swap3A_640] {strides = array<i32>} : memref<16384xf32, #tpu.memory_space<vmem>>, vector<16xf32>,
        tpu.vector_store %arg27[%swap3A_640], %mul3A_639 {add = true, strides = array<i32>} : memref<16384xf32, #tpu.memory_space<vmem>>, vector<16xf32>,
        %get3A_642 = arith.index_cast %while3A_596 : i32 to index
        %get3A_643 = arith.constant 64 : index
        %get3A_644 = tpu.vector_load %arg26[%get3A_642, %get3A_643] {strides = array<i32>} : memref<8x256xf32, #tpu.memory_space<vmem>>, vector<16xf32>,
        %add3A_645 = arith.constant 64 : i32
        %add3A_646 = arith.addi %mul3A_609, %add3A_645 : i32
        %mul3A_647 = arith.mulf %broadcast_in_dim3A_607, %get3A_644 : vector<16xf32>
        %swap3A_648 = arith.index_cast %add3A_646 : i32 to index
        %swap3A_649 = tpu.vector_load %arg27[%swap3A_648] {strides = array<i32>} : memref<16384xf32, #tpu.memory_space<vmem>>, vector<16xf32>,
        tpu.vector_store %arg27[%swap3A_648], %mul3A_647 {add = true, strides = array<i32>} : memref<16384xf32, #tpu.memory_space<vmem>>, vector<16xf32>,
        %get3A_650 = arith.index_cast %while3A_596 : i32 to index
        %get3A_651 = arith.constant 80 : index
        %get3A_652 = tpu.vector_load %arg26[%get3A_650, %get3A_651] {strides = array<i32>} : memref<8x256xf32, #tpu.memory_space<vmem>>, vector<16xf32>,
        %add3A_653 = arith.constant 80 : i32
        %add3A_654 = arith.addi %mul3A_609, %add3A_653 : i32
        %mul3A_655 = arith.mulf %broadcast_in_dim3A_607, %get3A_652 : vector<16xf32>
        %swap3A_656 = arith.index_cast %add3A_654 : i32 to index
        %swap3A_657 = tpu.vector_load %arg27[%swap3A_656] {strides = array<i32>} : memref<16384xf32, #tpu.memory_space<vmem>>, vector<16xf32>,
        tpu.vector_store %arg27[%swap3A_656], %mul3A_655 {add = true, strides = array<i32>} : memref<16384xf32, #tpu.memory_space<vmem>>, vector<16xf32>,
        %get3A_658 = arith.index_cast %while3A_596 : i32 to index
        %get3A_659 = arith.constant 96 : index
        %get3A_660 = tpu.vector_load %arg26[%get3A_658, %get3A_659] {strides = array<i32>} : memref<8x256xf32, #tpu.memory_space<vmem>>, vector<16xf32>,
        %add3A_661 = arith.constant 96 : i32
        %add3A_662 = arith.addi %mul3A_609, %add3A_661 : i32
        %mul3A_663 = arith.mulf %broadcast_in_dim3A_607, %get3A_660 : vector<16xf32>
        %swap3A_664 = arith.index_cast %add3A_662 : i32 to index
        %swap3A_665 = tpu.vector_load %arg27[%swap3A_664] {strides = array<i32>} : memref<16384xf32, #tpu.memory_space<vmem>>, vector<16xf32>,
        tpu.vector_store %arg27[%swap3A_664], %mul3A_663 {add = true, strides = array<i32>} : memref<16384xf32, #tpu.memory_space<vmem>>, vector<16xf32>,
        %get3A_666 = arith.index_cast %while3A_596 : i32 to index
        %get3A_667 = arith.constant 112 : index
        %get3A_668 = tpu.vector_load %arg26[%get3A_666, %get3A_667] {strides = array<i32>} : memref<8x256xf32, #tpu.memory_space<vmem>>, vector<16xf32>,
        %add3A_669 = arith.constant 112 : i32
        %add3A_670 = arith.addi %mul3A_609, %add3A_669 : i32
        %mul3A_671 = arith.mulf %broadcast_in_dim3A_607, %get3A_668 : vector<16xf32>
        %swap3A_672 = arith.index_cast %add3A_670 : i32 to index
        %swap3A_673 = tpu.vector_load %arg27[%swap3A_672] {strides = array<i32>} : memref<16384xf32, #tpu.memory_space<vmem>>, vector<16xf32>,
        tpu.vector_store %arg27[%swap3A_672], %mul3A_671 {add = true, strides = array<i32>} : memref<16384xf32, #tpu.memory_space<vmem>>, vector<16xf32>,
        %get3A_674 = arith.index_cast %while3A_596 : i32 to index
        %get3A_675 = arith.constant 128 : index
        %get3A_676 = tpu.vector_load %arg26[%get3A_674, %get3A_675] {strides = array<i32>} : memref<8x256xf32, #tpu.memory_space<vmem>>, vector<16xf32>,
        %add3A_677 = arith.constant 128 : i32
        %add3A_678 = arith.addi %mul3A_609, %add3A_677 : i32
        %mul3A_679 = arith.mulf %broadcast_in_dim3A_607, %get3A_676 : vector<16xf32>
        %swap3A_680 = arith.index_cast %add3A_678 : i32 to index
        %swap3A_681 = tpu.vector_load %arg27[%swap3A_680] {strides = array<i32>} : memref<16384xf32, #tpu.memory_space<vmem>>, vector<16xf32>,
        tpu.vector_store %arg27[%swap3A_680], %mul3A_679 {add = true, strides = array<i32>} : memref<16384xf32, #tpu.memory_space<vmem>>, vector<16xf32>,
        %get3A_682 = arith.index_cast %while3A_596 : i32 to index
        %get3A_683 = arith.constant 144 : index
        %get3A_684 = tpu.vector_load %arg26[%get3A_682, %get3A_683] {strides = array<i32>} : memref<8x256xf32, #tpu.memory_space<vmem>>, vector<16xf32>,
        %add3A_685 = arith.constant 144 : i32
        %add3A_686 = arith.addi %mul3A_609, %add3A_685 : i32
        %mul3A_687 = arith.mulf %broadcast_in_dim3A_607, %get3A_684 : vector<16xf32>
        %swap3A_688 = arith.index_cast %add3A_686 : i32 to index
        %swap3A_689 = tpu.vector_load %arg27[%swap3A_688] {strides = array<i32>} : memref<16384xf32, #tpu.memory_space<vmem>>, vector<16xf32>,
        tpu.vector_store %arg27[%swap3A_688], %mul3A_687 {add = true, strides = array<i32>} : memref<16384xf32, #tpu.memory_space<vmem>>, vector<16xf32>,
        %get3A_690 = arith.index_cast %while3A_596 : i32 to index
        %get3A_691 = arith.constant 160 : index
        %get3A_692 = tpu.vector_load %arg26[%get3A_690, %get3A_691] {strides = array<i32>} : memref<8x256xf32, #tpu.memory_space<vmem>>, vector<16xf32>,
        %add3A_693 = arith.constant 160 : i32
        %add3A_694 = arith.addi %mul3A_609, %add3A_693 : i32
        %mul3A_695 = arith.mulf %broadcast_in_dim3A_607, %get3A_692 : vector<16xf32>
        %swap3A_696 = arith.index_cast %add3A_694 : i32 to index
        %swap3A_697 = tpu.vector_load %arg27[%swap3A_696] {strides = array<i32>} : memref<16384xf32, #tpu.memory_space<vmem>>, vector<16xf32>,
        tpu.vector_store %arg27[%swap3A_696], %mul3A_695 {add = true, strides = array<i32>} : memref<16384xf32, #tpu.memory_space<vmem>>, vector<16xf32>,
        %get3A_698 = arith.index_cast %while3A_596 : i32 to index
        %get3A_699 = arith.constant 176 : index
        %get3A_700 = tpu.vector_load %arg26[%get3A_698, %get3A_699] {strides = array<i32>} : memref<8x256xf32, #tpu.memory_space<vmem>>, vector<16xf32>,
        %add3A_701 = arith.constant 176 : i32
        %add3A_702 = arith.addi %mul3A_609, %add3A_701 : i32
        %mul3A_703 = arith.mulf %broadcast_in_dim3A_607, %get3A_700 : vector<16xf32>
        %swap3A_704 = arith.index_cast %add3A_702 : i32 to index
        %swap3A_705 = tpu.vector_load %arg27[%swap3A_704] {strides = array<i32>} : memref<16384xf32, #tpu.memory_space<vmem>>, vector<16xf32>,
        tpu.vector_store %arg27[%swap3A_704], %mul3A_703 {add = true, strides = array<i32>} : memref<16384xf32, #tpu.memory_space<vmem>>, vector<16xf32>,
        %get3A_706 = arith.index_cast %while3A_596 : i32 to index
        %get3A_707 = arith.constant 192 : index
        %get3A_708 = tpu.vector_load %arg26[%get3A_706, %get3A_707] {strides = array<i32>} : memref<8x256xf32, #tpu.memory_space<vmem>>, vector<16xf32>,
        %add3A_709 = arith.constant 192 : i32
        %add3A_710 = arith.addi %mul3A_609, %add3A_709 : i32
        %mul3A_711 = arith.mulf %broadcast_in_dim3A_607, %get3A_708 : vector<16xf32>
        %swap3A_712 = arith.index_cast %add3A_710 : i32 to index
        %swap3A_713 = tpu.vector_load %arg27[%swap3A_712] {strides = array<i32>} : memref<16384xf32, #tpu.memory_space<vmem>>, vector<16xf32>,
        tpu.vector_store %arg27[%swap3A_712], %mul3A_711 {add = true, strides = array<i32>} : memref<16384xf32, #tpu.memory_space<vmem>>, vector<16xf32>,
        %get3A_714 = arith.index_cast %while3A_596 : i32 to index
        %get3A_715 = arith.constant 208 : index
        %get3A_716 = tpu.vector_load %arg26[%get3A_714, %get3A_715] {strides = array<i32>} : memref<8x256xf32, #tpu.memory_space<vmem>>, vector<16xf32>,
        %add3A_717 = arith.constant 208 : i32
        %add3A_718 = arith.addi %mul3A_609, %add3A_717 : i32
        %mul3A_719 = arith.mulf %broadcast_in_dim3A_607, %get3A_716 : vector<16xf32>
        %swap3A_720 = arith.index_cast %add3A_718 : i32 to index
        %swap3A_721 = tpu.vector_load %arg27[%swap3A_720] {strides = array<i32>} : memref<16384xf32, #tpu.memory_space<vmem>>, vector<16xf32>,
        tpu.vector_store %arg27[%swap3A_720], %mul3A_719 {add = true, strides = array<i32>} : memref<16384xf32, #tpu.memory_space<vmem>>, vector<16xf32>,
        %get3A_722 = arith.index_cast %while3A_596 : i32 to index
        %get3A_723 = arith.constant 224 : index
        %get3A_724 = tpu.vector_load %arg26[%get3A_722, %get3A_723] {strides = array<i32>} : memref<8x256xf32, #tpu.memory_space<vmem>>, vector<16xf32>,
        %add3A_725 = arith.constant 224 : i32
        %add3A_726 = arith.addi %mul3A_609, %add3A_725 : i32
        %mul3A_727 = arith.mulf %broadcast_in_dim3A_607, %get3A_724 : vector<16xf32>
        %swap3A_728 = arith.index_cast %add3A_726 : i32 to index
        %swap3A_729 = tpu.vector_load %arg27[%swap3A_728] {strides = array<i32>} : memref<16384xf32, #tpu.memory_space<vmem>>, vector<16xf32>,
        tpu.vector_store %arg27[%swap3A_728], %mul3A_727 {add = true, strides = array<i32>} : memref<16384xf32, #tpu.memory_space<vmem>>, vector<16xf32>,
        %get3A_730 = arith.index_cast %while3A_596 : i32 to index
        %get3A_731 = arith.constant 240 : index
        %get3A_732 = tpu.vector_load %arg26[%get3A_730, %get3A_731] {strides = array<i32>} : memref<8x256xf32, #tpu.memory_space<vmem>>, vector<16xf32>,
        %add3A_733 = arith.constant 240 : i32
        %add3A_734 = arith.addi %mul3A_609, %add3A_733 : i32
        %mul3A_735 = arith.mulf %broadcast_in_dim3A_607, %get3A_732 : vector<16xf32>
        %swap3A_736 = arith.index_cast %add3A_734 : i32 to index
        %swap3A_737 = tpu.vector_load %arg27[%swap3A_736] {strides = array<i32>} : memref<16384xf32, #tpu.memory_space<vmem>>, vector<16xf32>,
        tpu.vector_store %arg27[%swap3A_736], %mul3A_735 {add = true, strides = array<i32>} : memref<16384xf32, #tpu.memory_space<vmem>>, vector<16xf32>,
        %broadcast_in_dim3A_738 = vector.broadcast %squeeze3A_601 : i32 to vector<16xi32>
        tpu.vector_store_idx %arg28[%broadcast_in_dim3A_738], %broadcast_in_dim3A_607 masked %eq3A_7 {add = true} : memref<64xf32, #tpu.memory_space<vmem>>[vector<16xi32>], vector<16xf32>, vector<16xi1>
      }
      %while3A_595 = arith.constant 1 : i32
      scf.for %while3A_596 = %while3A_593 to %while3A_589 step %while3A_595  : i32 {
        %add3A_597 = arith.addi %mul3A_329, %while3A_596 : i32
        %get3A_598 = arith.index_cast %add3A_597 : i32 to index
        %get3A_599 = tpu.vector_load %arg24[%get3A_598] {strides = array<i32>} : memref<528xi32, #tpu.memory_space<vmem>>, vector<16xi32>,
        %slice3A_600 = vector.extract_strided_slice %get3A_599 {offsets = [0], sizes = [1], strides = [1]} : vector<16xi32> to vector<1xi32>
        %squeeze3A_601 = vector.extract %slice3A_600[0] : i32 from vector<1xi32>
        %add3A_602 = arith.addi %mul3A_329, %while3A_596 : i32
        %get3A_603 = arith.index_cast %add3A_602 : i32 to index
        %get3A_604 = tpu.vector_load %arg25[%get3A_603] {strides = array<i32>} : memref<528xf32, #tpu.memory_space<vmem>>, vector<16xf32>,
        %slice3A_605 = vector.extract_strided_slice %get3A_604 {offsets = [0], sizes = [1], strides = [1]} : vector<16xf32> to vector<1xf32>
        %squeeze3A_606 = vector.extract %slice3A_605[0] : f32 from vector<1xf32>
        %broadcast_in_dim3A_607 = vector.broadcast %squeeze3A_606 : f32 to vector<16xf32>
        %mul3A_608 = arith.constant 256 : i32
        %mul3A_609 = arith.muli %squeeze3A_601, %mul3A_608 : i32
        %get3A_610 = arith.index_cast %while3A_596 : i32 to index
        %get3A_611 = arith.constant 0 : index
        %get3A_612 = tpu.vector_load %arg26[%get3A_610, %get3A_611] {strides = array<i32>} : memref<8x256xf32, #tpu.memory_space<vmem>>, vector<16xf32>,
        %add3A_613 = arith.constant 0 : i32
        %add3A_614 = arith.addi %mul3A_609, %add3A_613 : i32
        %mul3A_615 = arith.mulf %broadcast_in_dim3A_607, %get3A_612 : vector<16xf32>
        %swap3A_616 = arith.index_cast %add3A_614 : i32 to index
        %swap3A_617 = tpu.vector_load %arg27[%swap3A_616] {strides = array<i32>} : memref<16384xf32, #tpu.memory_space<vmem>>, vector<16xf32>,
        tpu.vector_store %arg27[%swap3A_616], %mul3A_615 {add = true, strides = array<i32>} : memref<16384xf32, #tpu.memory_space<vmem>>, vector<16xf32>,
        %get3A_618 = arith.index_cast %while3A_596 : i32 to index
        %get3A_619 = arith.constant 16 : index
        %get3A_620 = tpu.vector_load %arg26[%get3A_618, %get3A_619] {strides = array<i32>} : memref<8x256xf32, #tpu.memory_space<vmem>>, vector<16xf32>,
        %add3A_621 = arith.constant 16 : i32
        %add3A_622 = arith.addi %mul3A_609, %add3A_621 : i32
        %mul3A_623 = arith.mulf %broadcast_in_dim3A_607, %get3A_620 : vector<16xf32>
        %swap3A_624 = arith.index_cast %add3A_622 : i32 to index
        %swap3A_625 = tpu.vector_load %arg27[%swap3A_624] {strides = array<i32>} : memref<16384xf32, #tpu.memory_space<vmem>>, vector<16xf32>,
        tpu.vector_store %arg27[%swap3A_624], %mul3A_623 {add = true, strides = array<i32>} : memref<16384xf32, #tpu.memory_space<vmem>>, vector<16xf32>,
        %get3A_626 = arith.index_cast %while3A_596 : i32 to index
        %get3A_627 = arith.constant 32 : index
        %get3A_628 = tpu.vector_load %arg26[%get3A_626, %get3A_627] {strides = array<i32>} : memref<8x256xf32, #tpu.memory_space<vmem>>, vector<16xf32>,
        %add3A_629 = arith.constant 32 : i32
        %add3A_630 = arith.addi %mul3A_609, %add3A_629 : i32
        %mul3A_631 = arith.mulf %broadcast_in_dim3A_607, %get3A_628 : vector<16xf32>
        %swap3A_632 = arith.index_cast %add3A_630 : i32 to index
        %swap3A_633 = tpu.vector_load %arg27[%swap3A_632] {strides = array<i32>} : memref<16384xf32, #tpu.memory_space<vmem>>, vector<16xf32>,
        tpu.vector_store %arg27[%swap3A_632], %mul3A_631 {add = true, strides = array<i32>} : memref<16384xf32, #tpu.memory_space<vmem>>, vector<16xf32>,
        %get3A_634 = arith.index_cast %while3A_596 : i32 to index
        %get3A_635 = arith.constant 48 : index
        %get3A_636 = tpu.vector_load %arg26[%get3A_634, %get3A_635] {strides = array<i32>} : memref<8x256xf32, #tpu.memory_space<vmem>>, vector<16xf32>,
        %add3A_637 = arith.constant 48 : i32
        %add3A_638 = arith.addi %mul3A_609, %add3A_637 : i32
        %mul3A_639 = arith.mulf %broadcast_in_dim3A_607, %get3A_636 : vector<16xf32>
        %swap3A_640 = arith.index_cast %add3A_638 : i32 to index
        %swap3A_641 = tpu.vector_load %arg27[%swap3A_640] {strides = array<i32>} : memref<16384xf32, #tpu.memory_space<vmem>>, vector<16xf32>,
        tpu.vector_store %arg27[%swap3A_640], %mul3A_639 {add = true, strides = array<i32>} : memref<16384xf32, #tpu.memory_space<vmem>>, vector<16xf32>,
        %get3A_642 = arith.index_cast %while3A_596 : i32 to index
        %get3A_643 = arith.constant 64 : index
        %get3A_644 = tpu.vector_load %arg26[%get3A_642, %get3A_643] {strides = array<i32>} : memref<8x256xf32, #tpu.memory_space<vmem>>, vector<16xf32>,
        %add3A_645 = arith.constant 64 : i32
        %add3A_646 = arith.addi %mul3A_609, %add3A_645 : i32
        %mul3A_647 = arith.mulf %broadcast_in_dim3A_607, %get3A_644 : vector<16xf32>
        %swap3A_648 = arith.index_cast %add3A_646 : i32 to index
        %swap3A_649 = tpu.vector_load %arg27[%swap3A_648] {strides = array<i32>} : memref<16384xf32, #tpu.memory_space<vmem>>, vector<16xf32>,
        tpu.vector_store %arg27[%swap3A_648], %mul3A_647 {add = true, strides = array<i32>} : memref<16384xf32, #tpu.memory_space<vmem>>, vector<16xf32>,
        %get3A_650 = arith.index_cast %while3A_596 : i32 to index
        %get3A_651 = arith.constant 80 : index
        %get3A_652 = tpu.vector_load %arg26[%get3A_650, %get3A_651] {strides = array<i32>} : memref<8x256xf32, #tpu.memory_space<vmem>>, vector<16xf32>,
        %add3A_653 = arith.constant 80 : i32
        %add3A_654 = arith.addi %mul3A_609, %add3A_653 : i32
        %mul3A_655 = arith.mulf %broadcast_in_dim3A_607, %get3A_652 : vector<16xf32>
        %swap3A_656 = arith.index_cast %add3A_654 : i32 to index
        %swap3A_657 = tpu.vector_load %arg27[%swap3A_656] {strides = array<i32>} : memref<16384xf32, #tpu.memory_space<vmem>>, vector<16xf32>,
        tpu.vector_store %arg27[%swap3A_656], %mul3A_655 {add = true, strides = array<i32>} : memref<16384xf32, #tpu.memory_space<vmem>>, vector<16xf32>,
        %get3A_658 = arith.index_cast %while3A_596 : i32 to index
        %get3A_659 = arith.constant 96 : index
        %get3A_660 = tpu.vector_load %arg26[%get3A_658, %get3A_659] {strides = array<i32>} : memref<8x256xf32, #tpu.memory_space<vmem>>, vector<16xf32>,
        %add3A_661 = arith.constant 96 : i32
        %add3A_662 = arith.addi %mul3A_609, %add3A_661 : i32
        %mul3A_663 = arith.mulf %broadcast_in_dim3A_607, %get3A_660 : vector<16xf32>
        %swap3A_664 = arith.index_cast %add3A_662 : i32 to index
        %swap3A_665 = tpu.vector_load %arg27[%swap3A_664] {strides = array<i32>} : memref<16384xf32, #tpu.memory_space<vmem>>, vector<16xf32>,
        tpu.vector_store %arg27[%swap3A_664], %mul3A_663 {add = true, strides = array<i32>} : memref<16384xf32, #tpu.memory_space<vmem>>, vector<16xf32>,
        %get3A_666 = arith.index_cast %while3A_596 : i32 to index
        %get3A_667 = arith.constant 112 : index
        %get3A_668 = tpu.vector_load %arg26[%get3A_666, %get3A_667] {strides = array<i32>} : memref<8x256xf32, #tpu.memory_space<vmem>>, vector<16xf32>,
        %add3A_669 = arith.constant 112 : i32
        %add3A_670 = arith.addi %mul3A_609, %add3A_669 : i32
        %mul3A_671 = arith.mulf %broadcast_in_dim3A_607, %get3A_668 : vector<16xf32>
        %swap3A_672 = arith.index_cast %add3A_670 : i32 to index
        %swap3A_673 = tpu.vector_load %arg27[%swap3A_672] {strides = array<i32>} : memref<16384xf32, #tpu.memory_space<vmem>>, vector<16xf32>,
        tpu.vector_store %arg27[%swap3A_672], %mul3A_671 {add = true, strides = array<i32>} : memref<16384xf32, #tpu.memory_space<vmem>>, vector<16xf32>,
        %get3A_674 = arith.index_cast %while3A_596 : i32 to index
        %get3A_675 = arith.constant 128 : index
        %get3A_676 = tpu.vector_load %arg26[%get3A_674, %get3A_675] {strides = array<i32>} : memref<8x256xf32, #tpu.memory_space<vmem>>, vector<16xf32>,
        %add3A_677 = arith.constant 128 : i32
        %add3A_678 = arith.addi %mul3A_609, %add3A_677 : i32
        %mul3A_679 = arith.mulf %broadcast_in_dim3A_607, %get3A_676 : vector<16xf32>
        %swap3A_680 = arith.index_cast %add3A_678 : i32 to index
        %swap3A_681 = tpu.vector_load %arg27[%swap3A_680] {strides = array<i32>} : memref<16384xf32, #tpu.memory_space<vmem>>, vector<16xf32>,
        tpu.vector_store %arg27[%swap3A_680], %mul3A_679 {add = true, strides = array<i32>} : memref<16384xf32, #tpu.memory_space<vmem>>, vector<16xf32>,
        %get3A_682 = arith.index_cast %while3A_596 : i32 to index
        %get3A_683 = arith.constant 144 : index
        %get3A_684 = tpu.vector_load %arg26[%get3A_682, %get3A_683] {strides = array<i32>} : memref<8x256xf32, #tpu.memory_space<vmem>>, vector<16xf32>,
        %add3A_685 = arith.constant 144 : i32
        %add3A_686 = arith.addi %mul3A_609, %add3A_685 : i32
        %mul3A_687 = arith.mulf %broadcast_in_dim3A_607, %get3A_684 : vector<16xf32>
        %swap3A_688 = arith.index_cast %add3A_686 : i32 to index
        %swap3A_689 = tpu.vector_load %arg27[%swap3A_688] {strides = array<i32>} : memref<16384xf32, #tpu.memory_space<vmem>>, vector<16xf32>,
        tpu.vector_store %arg27[%swap3A_688], %mul3A_687 {add = true, strides = array<i32>} : memref<16384xf32, #tpu.memory_space<vmem>>, vector<16xf32>,
        %get3A_690 = arith.index_cast %while3A_596 : i32 to index
        %get3A_691 = arith.constant 160 : index
        %get3A_692 = tpu.vector_load %arg26[%get3A_690, %get3A_691] {strides = array<i32>} : memref<8x256xf32, #tpu.memory_space<vmem>>, vector<16xf32>,
        %add3A_693 = arith.constant 160 : i32
        %add3A_694 = arith.addi %mul3A_609, %add3A_693 : i32
        %mul3A_695 = arith.mulf %broadcast_in_dim3A_607, %get3A_692 : vector<16xf32>
        %swap3A_696 = arith.index_cast %add3A_694 : i32 to index
        %swap3A_697 = tpu.vector_load %arg27[%swap3A_696] {strides = array<i32>} : memref<16384xf32, #tpu.memory_space<vmem>>, vector<16xf32>,
        tpu.vector_store %arg27[%swap3A_696], %mul3A_695 {add = true, strides = array<i32>} : memref<16384xf32, #tpu.memory_space<vmem>>, vector<16xf32>,
        %get3A_698 = arith.index_cast %while3A_596 : i32 to index
        %get3A_699 = arith.constant 176 : index
        %get3A_700 = tpu.vector_load %arg26[%get3A_698, %get3A_699] {strides = array<i32>} : memref<8x256xf32, #tpu.memory_space<vmem>>, vector<16xf32>,
        %add3A_701 = arith.constant 176 : i32
        %add3A_702 = arith.addi %mul3A_609, %add3A_701 : i32
        %mul3A_703 = arith.mulf %broadcast_in_dim3A_607, %get3A_700 : vector<16xf32>
        %swap3A_704 = arith.index_cast %add3A_702 : i32 to index
        %swap3A_705 = tpu.vector_load %arg27[%swap3A_704] {strides = array<i32>} : memref<16384xf32, #tpu.memory_space<vmem>>, vector<16xf32>,
        tpu.vector_store %arg27[%swap3A_704], %mul3A_703 {add = true, strides = array<i32>} : memref<16384xf32, #tpu.memory_space<vmem>>, vector<16xf32>,
        %get3A_706 = arith.index_cast %while3A_596 : i32 to index
        %get3A_707 = arith.constant 192 : index
        %get3A_708 = tpu.vector_load %arg26[%get3A_706, %get3A_707] {strides = array<i32>} : memref<8x256xf32, #tpu.memory_space<vmem>>, vector<16xf32>,
        %add3A_709 = arith.constant 192 : i32
        %add3A_710 = arith.addi %mul3A_609, %add3A_709 : i32
        %mul3A_711 = arith.mulf %broadcast_in_dim3A_607, %get3A_708 : vector<16xf32>
        %swap3A_712 = arith.index_cast %add3A_710 : i32 to index
        %swap3A_713 = tpu.vector_load %arg27[%swap3A_712] {strides = array<i32>} : memref<16384xf32, #tpu.memory_space<vmem>>, vector<16xf32>,
        tpu.vector_store %arg27[%swap3A_712], %mul3A_711 {add = true, strides = array<i32>} : memref<16384xf32, #tpu.memory_space<vmem>>, vector<16xf32>,
        %get3A_714 = arith.index_cast %while3A_596 : i32 to index
        %get3A_715 = arith.constant 208 : index
        %get3A_716 = tpu.vector_load %arg26[%get3A_714, %get3A_715] {strides = array<i32>} : memref<8x256xf32, #tpu.memory_space<vmem>>, vector<16xf32>,
        %add3A_717 = arith.constant 208 : i32
        %add3A_718 = arith.addi %mul3A_609, %add3A_717 : i32
        %mul3A_719 = arith.mulf %broadcast_in_dim3A_607, %get3A_716 : vector<16xf32>
        %swap3A_720 = arith.index_cast %add3A_718 : i32 to index
        %swap3A_721 = tpu.vector_load %arg27[%swap3A_720] {strides = array<i32>} : memref<16384xf32, #tpu.memory_space<vmem>>, vector<16xf32>,
        tpu.vector_store %arg27[%swap3A_720], %mul3A_719 {add = true, strides = array<i32>} : memref<16384xf32, #tpu.memory_space<vmem>>, vector<16xf32>,
        %get3A_722 = arith.index_cast %while3A_596 : i32 to index
        %get3A_723 = arith.constant 224 : index
        %get3A_724 = tpu.vector_load %arg26[%get3A_722, %get3A_723] {strides = array<i32>} : memref<8x256xf32, #tpu.memory_space<vmem>>, vector<16xf32>,
        %add3A_725 = arith.constant 224 : i32
        %add3A_726 = arith.addi %mul3A_609, %add3A_725 : i32
        %mul3A_727 = arith.mulf %broadcast_in_dim3A_607, %get3A_724 : vector<16xf32>
        %swap3A_728 = arith.index_cast %add3A_726 : i32 to index
        %swap3A_729 = tpu.vector_load %arg27[%swap3A_728] {strides = array<i32>} : memref<16384xf32, #tpu.memory_space<vmem>>, vector<16xf32>,
        tpu.vector_store %arg27[%swap3A_728], %mul3A_727 {add = true, strides = array<i32>} : memref<16384xf32, #tpu.memory_space<vmem>>, vector<16xf32>,
        %get3A_730 = arith.index_cast %while3A_596 : i32 to index
        %get3A_731 = arith.constant 240 : index
        %get3A_732 = tpu.vector_load %arg26[%get3A_730, %get3A_731] {strides = array<i32>} : memref<8x256xf32, #tpu.memory_space<vmem>>, vector<16xf32>,
        %add3A_733 = arith.constant 240 : i32
        %add3A_734 = arith.addi %mul3A_609, %add3A_733 : i32
        %mul3A_735 = arith.mulf %broadcast_in_dim3A_607, %get3A_732 : vector<16xf32>
        %swap3A_736 = arith.index_cast %add3A_734 : i32 to index
        %swap3A_737 = tpu.vector_load %arg27[%swap3A_736] {strides = array<i32>} : memref<16384xf32, #tpu.memory_space<vmem>>, vector<16xf32>,
        tpu.vector_store %arg27[%swap3A_736], %mul3A_735 {add = true, strides = array<i32>} : memref<16384xf32, #tpu.memory_space<vmem>>, vector<16xf32>,
        %broadcast_in_dim3A_738 = vector.broadcast %squeeze3A_601 : i32 to vector<16xi32>
        tpu.vector_store_idx %arg28[%broadcast_in_dim3A_738], %broadcast_in_dim3A_607 masked %eq3A_7 {add = true} : memref<64xf32, #tpu.memory_space<vmem>>[vector<16xi32>], vector<16xf32>, vector<16xi1>
      }
    }
    %while3A_160 = arith.constant 1 : i32
    scf.for %while3A_327 = %while3A_158 to %while3A_154 step %while3A_160  : i32 {
      %mul3A_328 = arith.constant 8 : i32
      %mul3A_329 = arith.muli %while3A_327, %mul3A_328 : i32
      "tpu.trace_start"() <{level = 10 : i32, message = "dma0"}> : () -> ()
      %add3A_330 = arith.constant 0 : i32
      %add3A_331 = arith.addi %mul3A_329, %add3A_330 : i32
      %get3A = arith.index_cast %add3A_331 : i32 to index
      %get3A_332 = tpu.vector_load %arg23[%get3A] {strides = array<i32>} : memref<528xi32, #tpu.memory_space<vmem>>, vector<16xi32>,
      %slice3A = vector.extract_strided_slice %get3A_332 {offsets = [0], sizes = [1], strides = [1]} : vector<16xi32> to vector<1xi32>
      %squeeze3A = vector.extract %slice3A[0] : i32 from vector<1xi32>
      %dma_start3A_333 = arith.constant 0 : i32
      %dma_start3A_334 = arith.constant 0 : i32
      %dma_start3A_335 = tpu.memref_slice %arg26[%dma_start3A_333, %dma_start3A_334] : memref<8x256xf32, #tpu.memory_space<vmem>> -> memref<1x256xf32, #tpu.memory_space<vmem>>
      %dma_start3A_336 = tpu.memref_squeeze %dma_start3A_335 : memref<1x256xf32, #tpu.memory_space<vmem>> -> memref<256xf32, #tpu.memory_space<vmem>>
      %dma_start3A_337 = arith.constant 0 : i32
      %dma_start3A_338 = tpu.memref_slice %arg12[%squeeze3A, %dma_start3A_337] : memref<10000x256xf32, #tpu.memory_space<hbm>> -> memref<1x256xf32, #tpu.memory_space<hbm>>
      %dma_start3A_339 = tpu.memref_squeeze %dma_start3A_338 : memref<1x256xf32, #tpu.memory_space<hbm>> -> memref<256xf32, #tpu.memory_space<hbm>>
      %dma_start3A_340 = arith.constant 0 : i32
      %dma_start3A_341 = tpu.memref_slice %arg26[%dma_start3A_333, %dma_start3A_340] : memref<8x256xf32, #tpu.memory_space<vmem>> -> memref<1x256xf32, #tpu.memory_space<vmem>>
      %dma_start3A_342 = tpu.memref_squeeze %dma_start3A_341 : memref<1x256xf32, #tpu.memory_space<vmem>> -> memref<256xf32, #tpu.memory_space<vmem>>
      %dma_start3A_343 = arith.constant 0 : i32
      %dma_start3A_344 = tpu.memref_slice %arg12[%squeeze3A, %dma_start3A_343] : memref<10000x256xf32, #tpu.memory_space<hbm>> -> memref<1x256xf32, #tpu.memory_space<hbm>>
      %dma_start3A_345 = tpu.memref_squeeze %dma_start3A_344 : memref<1x256xf32, #tpu.memory_space<hbm>> -> memref<256xf32, #tpu.memory_space<hbm>>
      tpu.enqueue_dma source(%dma_start3A_345 : memref<256xf32, #tpu.memory_space<hbm>>) target(%dma_start3A_342 : memref<256xf32, #tpu.memory_space<vmem>>) target_semaphore(%arg29 : memref<!tpu.dma_semaphore, #tpu.memory_space<semaphore_mem>>)
      %add3A_346 = arith.constant 1 : i32
      %add3A_347 = arith.addi %mul3A_329, %add3A_346 : i32
      %get3A_348 = arith.index_cast %add3A_347 : i32 to index
      %get3A_349 = tpu.vector_load %arg23[%get3A_348] {strides = array<i32>} : memref<528xi32, #tpu.memory_space<vmem>>, vector<16xi32>,
      %slice3A_350 = vector.extract_strided_slice %get3A_349 {offsets = [0], sizes = [1], strides = [1]} : vector<16xi32> to vector<1xi32>
      %squeeze3A_351 = vector.extract %slice3A_350[0] : i32 from vector<1xi32>
      %dma_start3A_352 = arith.constant 1 : i32
      %dma_start3A_353 = arith.constant 0 : i32
      %dma_start3A_354 = tpu.memref_slice %arg26[%dma_start3A_352, %dma_start3A_353] : memref<8x256xf32, #tpu.memory_space<vmem>> -> memref<1x256xf32, #tpu.memory_space<vmem>>
      %dma_start3A_355 = tpu.memref_squeeze %dma_start3A_354 : memref<1x256xf32, #tpu.memory_space<vmem>> -> memref<256xf32, #tpu.memory_space<vmem>>
      %dma_start3A_356 = arith.constant 0 : i32
      %dma_start3A_357 = tpu.memref_slice %arg12[%squeeze3A_351, %dma_start3A_356] : memref<10000x256xf32, #tpu.memory_space<hbm>> -> memref<1x256xf32, #tpu.memory_space<hbm>>
      %dma_start3A_358 = tpu.memref_squeeze %dma_start3A_357 : memref<1x256xf32, #tpu.memory_space<hbm>> -> memref<256xf32, #tpu.memory_space<hbm>>
      %dma_start3A_359 = arith.constant 0 : i32
      %dma_start3A_360 = tpu.memref_slice %arg26[%dma_start3A_352, %dma_start3A_359] : memref<8x256xf32, #tpu.memory_space<vmem>> -> memref<1x256xf32, #tpu.memory_space<vmem>>
      %dma_start3A_361 = tpu.memref_squeeze %dma_start3A_360 : memref<1x256xf32, #tpu.memory_space<vmem>> -> memref<256xf32, #tpu.memory_space<vmem>>
      %dma_start3A_362 = arith.constant 0 : i32
      %dma_start3A_363 = tpu.memref_slice %arg12[%squeeze3A_351, %dma_start3A_362] : memref<10000x256xf32, #tpu.memory_space<hbm>> -> memref<1x256xf32, #tpu.memory_space<hbm>>
      %dma_start3A_364 = tpu.memref_squeeze %dma_start3A_363 : memref<1x256xf32, #tpu.memory_space<hbm>> -> memref<256xf32, #tpu.memory_space<hbm>>
      tpu.enqueue_dma source(%dma_start3A_364 : memref<256xf32, #tpu.memory_space<hbm>>) target(%dma_start3A_361 : memref<256xf32, #tpu.memory_space<vmem>>) target_semaphore(%arg29 : memref<!tpu.dma_semaphore, #tpu.memory_space<semaphore_mem>>)
      %add3A_365 = arith.constant 2 : i32
      %add3A_366 = arith.addi %mul3A_329, %add3A_365 : i32
      %get3A_367 = arith.index_cast %add3A_366 : i32 to index
      %get3A_368 = tpu.vector_load %arg23[%get3A_367] {strides = array<i32>} : memref<528xi32, #tpu.memory_space<vmem>>, vector<16xi32>,
      %slice3A_369 = vector.extract_strided_slice %get3A_368 {offsets = [0], sizes = [1], strides = [1]} : vector<16xi32> to vector<1xi32>
      %squeeze3A_370 = vector.extract %slice3A_369[0] : i32 from vector<1xi32>
      %dma_start3A_371 = arith.constant 2 : i32
      %dma_start3A_372 = arith.constant 0 : i32
      %dma_start3A_373 = tpu.memref_slice %arg26[%dma_start3A_371, %dma_start3A_372] : memref<8x256xf32, #tpu.memory_space<vmem>> -> memref<1x256xf32, #tpu.memory_space<vmem>>
      %dma_start3A_374 = tpu.memref_squeeze %dma_start3A_373 : memref<1x256xf32, #tpu.memory_space<vmem>> -> memref<256xf32, #tpu.memory_space<vmem>>
      %dma_start3A_375 = arith.constant 0 : i32
      %dma_start3A_376 = tpu.memref_slice %arg12[%squeeze3A_370, %dma_start3A_375] : memref<10000x256xf32, #tpu.memory_space<hbm>> -> memref<1x256xf32, #tpu.memory_space<hbm>>
      %dma_start3A_377 = tpu.memref_squeeze %dma_start3A_376 : memref<1x256xf32, #tpu.memory_space<hbm>> -> memref<256xf32, #tpu.memory_space<hbm>>
      %dma_start3A_378 = arith.constant 0 : i32
      %dma_start3A_379 = tpu.memref_slice %arg26[%dma_start3A_371, %dma_start3A_378] : memref<8x256xf32, #tpu.memory_space<vmem>> -> memref<1x256xf32, #tpu.memory_space<vmem>>
      %dma_start3A_380 = tpu.memref_squeeze %dma_start3A_379 : memref<1x256xf32, #tpu.memory_space<vmem>> -> memref<256xf32, #tpu.memory_space<vmem>>
      %dma_start3A_381 = arith.constant 0 : i32
      %dma_start3A_382 = tpu.memref_slice %arg12[%squeeze3A_370, %dma_start3A_381] : memref<10000x256xf32, #tpu.memory_space<hbm>> -> memref<1x256xf32, #tpu.memory_space<hbm>>
      %dma_start3A_383 = tpu.memref_squeeze %dma_start3A_382 : memref<1x256xf32, #tpu.memory_space<hbm>> -> memref<256xf32, #tpu.memory_space<hbm>>
      tpu.enqueue_dma source(%dma_start3A_383 : memref<256xf32, #tpu.memory_space<hbm>>) target(%dma_start3A_380 : memref<256xf32, #tpu.memory_space<vmem>>) target_semaphore(%arg29 : memref<!tpu.dma_semaphore, #tpu.memory_space<semaphore_mem>>)
      %add3A_384 = arith.constant 3 : i32
      %add3A_385 = arith.addi %mul3A_329, %add3A_384 : i32
      %get3A_386 = arith.index_cast %add3A_385 : i32 to index
      %get3A_387 = tpu.vector_load %arg23[%get3A_386] {strides = array<i32>} : memref<528xi32, #tpu.memory_space<vmem>>, vector<16xi32>,
      %slice3A_388 = vector.extract_strided_slice %get3A_387 {offsets = [0], sizes = [1], strides = [1]} : vector<16xi32> to vector<1xi32>
      %squeeze3A_389 = vector.extract %slice3A_388[0] : i32 from vector<1xi32>
      %dma_start3A_390 = arith.constant 3 : i32
      %dma_start3A_391 = arith.constant 0 : i32
      %dma_start3A_392 = tpu.memref_slice %arg26[%dma_start3A_390, %dma_start3A_391] : memref<8x256xf32, #tpu.memory_space<vmem>> -> memref<1x256xf32, #tpu.memory_space<vmem>>
      %dma_start3A_393 = tpu.memref_squeeze %dma_start3A_392 : memref<1x256xf32, #tpu.memory_space<vmem>> -> memref<256xf32, #tpu.memory_space<vmem>>
      %dma_start3A_394 = arith.constant 0 : i32
      %dma_start3A_395 = tpu.memref_slice %arg12[%squeeze3A_389, %dma_start3A_394] : memref<10000x256xf32, #tpu.memory_space<hbm>> -> memref<1x256xf32, #tpu.memory_space<hbm>>
      %dma_start3A_396 = tpu.memref_squeeze %dma_start3A_395 : memref<1x256xf32, #tpu.memory_space<hbm>> -> memref<256xf32, #tpu.memory_space<hbm>>
      %dma_start3A_397 = arith.constant 0 : i32
      %dma_start3A_398 = tpu.memref_slice %arg26[%dma_start3A_390, %dma_start3A_397] : memref<8x256xf32, #tpu.memory_space<vmem>> -> memref<1x256xf32, #tpu.memory_space<vmem>>
      %dma_start3A_399 = tpu.memref_squeeze %dma_start3A_398 : memref<1x256xf32, #tpu.memory_space<vmem>> -> memref<256xf32, #tpu.memory_space<vmem>>
      %dma_start3A_400 = arith.constant 0 : i32
      %dma_start3A_401 = tpu.memref_slice %arg12[%squeeze3A_389, %dma_start3A_400] : memref<10000x256xf32, #tpu.memory_space<hbm>> -> memref<1x256xf32, #tpu.memory_space<hbm>>
      %dma_start3A_402 = tpu.memref_squeeze %dma_start3A_401 : memref<1x256xf32, #tpu.memory_space<hbm>> -> memref<256xf32, #tpu.memory_space<hbm>>
      tpu.enqueue_dma source(%dma_start3A_402 : memref<256xf32, #tpu.memory_space<hbm>>) target(%dma_start3A_399 : memref<256xf32, #tpu.memory_space<vmem>>) target_semaphore(%arg29 : memref<!tpu.dma_semaphore, #tpu.memory_space<semaphore_mem>>)
      %add3A_403 = arith.constant 4 : i32
      %add3A_404 = arith.addi %mul3A_329, %add3A_403 : i32
      %get3A_405 = arith.index_cast %add3A_404 : i32 to index
      %get3A_406 = tpu.vector_load %arg23[%get3A_405] {strides = array<i32>} : memref<528xi32, #tpu.memory_space<vmem>>, vector<16xi32>,
      %slice3A_407 = vector.extract_strided_slice %get3A_406 {offsets = [0], sizes = [1], strides = [1]} : vector<16xi32> to vector<1xi32>
      %squeeze3A_408 = vector.extract %slice3A_407[0] : i32 from vector<1xi32>
      %dma_start3A_409 = arith.constant 4 : i32
      %dma_start3A_410 = arith.constant 0 : i32
      %dma_start3A_411 = tpu.memref_slice %arg26[%dma_start3A_409, %dma_start3A_410] : memref<8x256xf32, #tpu.memory_space<vmem>> -> memref<1x256xf32, #tpu.memory_space<vmem>>
      %dma_start3A_412 = tpu.memref_squeeze %dma_start3A_411 : memref<1x256xf32, #tpu.memory_space<vmem>> -> memref<256xf32, #tpu.memory_space<vmem>>
      %dma_start3A_413 = arith.constant 0 : i32
      %dma_start3A_414 = tpu.memref_slice %arg12[%squeeze3A_408, %dma_start3A_413] : memref<10000x256xf32, #tpu.memory_space<hbm>> -> memref<1x256xf32, #tpu.memory_space<hbm>>
      %dma_start3A_415 = tpu.memref_squeeze %dma_start3A_414 : memref<1x256xf32, #tpu.memory_space<hbm>> -> memref<256xf32, #tpu.memory_space<hbm>>
      %dma_start3A_416 = arith.constant 0 : i32
      %dma_start3A_417 = tpu.memref_slice %arg26[%dma_start3A_409, %dma_start3A_416] : memref<8x256xf32, #tpu.memory_space<vmem>> -> memref<1x256xf32, #tpu.memory_space<vmem>>
      %dma_start3A_418 = tpu.memref_squeeze %dma_start3A_417 : memref<1x256xf32, #tpu.memory_space<vmem>> -> memref<256xf32, #tpu.memory_space<vmem>>
      %dma_start3A_419 = arith.constant 0 : i32
      %dma_start3A_420 = tpu.memref_slice %arg12[%squeeze3A_408, %dma_start3A_419] : memref<10000x256xf32, #tpu.memory_space<hbm>> -> memref<1x256xf32, #tpu.memory_space<hbm>>
      %dma_start3A_421 = tpu.memref_squeeze %dma_start3A_420 : memref<1x256xf32, #tpu.memory_space<hbm>> -> memref<256xf32, #tpu.memory_space<hbm>>
      tpu.enqueue_dma source(%dma_start3A_421 : memref<256xf32, #tpu.memory_space<hbm>>) target(%dma_start3A_418 : memref<256xf32, #tpu.memory_space<vmem>>) target_semaphore(%arg29 : memref<!tpu.dma_semaphore, #tpu.memory_space<semaphore_mem>>)
      %add3A_422 = arith.constant 5 : i32
      %add3A_423 = arith.addi %mul3A_329, %add3A_422 : i32
      %get3A_424 = arith.index_cast %add3A_423 : i32 to index
      %get3A_425 = tpu.vector_load %arg23[%get3A_424] {strides = array<i32>} : memref<528xi32, #tpu.memory_space<vmem>>, vector<16xi32>,
      %slice3A_426 = vector.extract_strided_slice %get3A_425 {offsets = [0], sizes = [1], strides = [1]} : vector<16xi32> to vector<1xi32>
      %squeeze3A_427 = vector.extract %slice3A_426[0] : i32 from vector<1xi32>
      %dma_start3A_428 = arith.constant 5 : i32
      %dma_start3A_429 = arith.constant 0 : i32
      %dma_start3A_430 = tpu.memref_slice %arg26[%dma_start3A_428, %dma_start3A_429] : memref<8x256xf32, #tpu.memory_space<vmem>> -> memref<1x256xf32, #tpu.memory_space<vmem>>
      %dma_start3A_431 = tpu.memref_squeeze %dma_start3A_430 : memref<1x256xf32, #tpu.memory_space<vmem>> -> memref<256xf32, #tpu.memory_space<vmem>>
      %dma_start3A_432 = arith.constant 0 : i32
      %dma_start3A_433 = tpu.memref_slice %arg12[%squeeze3A_427, %dma_start3A_432] : memref<10000x256xf32, #tpu.memory_space<hbm>> -> memref<1x256xf32, #tpu.memory_space<hbm>>
      %dma_start3A_434 = tpu.memref_squeeze %dma_start3A_433 : memref<1x256xf32, #tpu.memory_space<hbm>> -> memref<256xf32, #tpu.memory_space<hbm>>
      %dma_start3A_435 = arith.constant 0 : i32
      %dma_start3A_436 = tpu.memref_slice %arg26[%dma_start3A_428, %dma_start3A_435] : memref<8x256xf32, #tpu.memory_space<vmem>> -> memref<1x256xf32, #tpu.memory_space<vmem>>
      %dma_start3A_437 = tpu.memref_squeeze %dma_start3A_436 : memref<1x256xf32, #tpu.memory_space<vmem>> -> memref<256xf32, #tpu.memory_space<vmem>>
      %dma_start3A_438 = arith.constant 0 : i32
      %dma_start3A_439 = tpu.memref_slice %arg12[%squeeze3A_427, %dma_start3A_438] : memref<10000x256xf32, #tpu.memory_space<hbm>> -> memref<1x256xf32, #tpu.memory_space<hbm>>
      %dma_start3A_440 = tpu.memref_squeeze %dma_start3A_439 : memref<1x256xf32, #tpu.memory_space<hbm>> -> memref<256xf32, #tpu.memory_space<hbm>>
      tpu.enqueue_dma source(%dma_start3A_440 : memref<256xf32, #tpu.memory_space<hbm>>) target(%dma_start3A_437 : memref<256xf32, #tpu.memory_space<vmem>>) target_semaphore(%arg29 : memref<!tpu.dma_semaphore, #tpu.memory_space<semaphore_mem>>)
      %add3A_441 = arith.constant 6 : i32
      %add3A_442 = arith.addi %mul3A_329, %add3A_441 : i32
      %get3A_443 = arith.index_cast %add3A_442 : i32 to index
      %get3A_444 = tpu.vector_load %arg23[%get3A_443] {strides = array<i32>} : memref<528xi32, #tpu.memory_space<vmem>>, vector<16xi32>,
      %slice3A_445 = vector.extract_strided_slice %get3A_444 {offsets = [0], sizes = [1], strides = [1]} : vector<16xi32> to vector<1xi32>
      %squeeze3A_446 = vector.extract %slice3A_445[0] : i32 from vector<1xi32>
      %dma_start3A_447 = arith.constant 6 : i32
      %dma_start3A_448 = arith.constant 0 : i32
      %dma_start3A_449 = tpu.memref_slice %arg26[%dma_start3A_447, %dma_start3A_448] : memref<8x256xf32, #tpu.memory_space<vmem>> -> memref<1x256xf32, #tpu.memory_space<vmem>>
      %dma_start3A_450 = tpu.memref_squeeze %dma_start3A_449 : memref<1x256xf32, #tpu.memory_space<vmem>> -> memref<256xf32, #tpu.memory_space<vmem>>
      %dma_start3A_451 = arith.constant 0 : i32
      %dma_start3A_452 = tpu.memref_slice %arg12[%squeeze3A_446, %dma_start3A_451] : memref<10000x256xf32, #tpu.memory_space<hbm>> -> memref<1x256xf32, #tpu.memory_space<hbm>>
      %dma_start3A_453 = tpu.memref_squeeze %dma_start3A_452 : memref<1x256xf32, #tpu.memory_space<hbm>> -> memref<256xf32, #tpu.memory_space<hbm>>
      %dma_start3A_454 = arith.constant 0 : i32
      %dma_start3A_455 = tpu.memref_slice %arg26[%dma_start3A_447, %dma_start3A_454] : memref<8x256xf32, #tpu.memory_space<vmem>> -> memref<1x256xf32, #tpu.memory_space<vmem>>
      %dma_start3A_456 = tpu.memref_squeeze %dma_start3A_455 : memref<1x256xf32, #tpu.memory_space<vmem>> -> memref<256xf32, #tpu.memory_space<vmem>>
      %dma_start3A_457 = arith.constant 0 : i32
      %dma_start3A_458 = tpu.memref_slice %arg12[%squeeze3A_446, %dma_start3A_457] : memref<10000x256xf32, #tpu.memory_space<hbm>> -> memref<1x256xf32, #tpu.memory_space<hbm>>
      %dma_start3A_459 = tpu.memref_squeeze %dma_start3A_458 : memref<1x256xf32, #tpu.memory_space<hbm>> -> memref<256xf32, #tpu.memory_space<hbm>>
      tpu.enqueue_dma source(%dma_start3A_459 : memref<256xf32, #tpu.memory_space<hbm>>) target(%dma_start3A_456 : memref<256xf32, #tpu.memory_space<vmem>>) target_semaphore(%arg29 : memref<!tpu.dma_semaphore, #tpu.memory_space<semaphore_mem>>)
      %add3A_460 = arith.constant 7 : i32
      %add3A_461 = arith.addi %mul3A_329, %add3A_460 : i32
      %get3A_462 = arith.index_cast %add3A_461 : i32 to index
      %get3A_463 = tpu.vector_load %arg23[%get3A_462] {strides = array<i32>} : memref<528xi32, #tpu.memory_space<vmem>>, vector<16xi32>,
      %slice3A_464 = vector.extract_strided_slice %get3A_463 {offsets = [0], sizes = [1], strides = [1]} : vector<16xi32> to vector<1xi32>
      %squeeze3A_465 = vector.extract %slice3A_464[0] : i32 from vector<1xi32>
      %dma_start3A_466 = arith.constant 7 : i32
      %dma_start3A_467 = arith.constant 0 : i32
      %dma_start3A_468 = tpu.memref_slice %arg26[%dma_start3A_466, %dma_start3A_467] : memref<8x256xf32, #tpu.memory_space<vmem>> -> memref<1x256xf32, #tpu.memory_space<vmem>>
      %dma_start3A_469 = tpu.memref_squeeze %dma_start3A_468 : memref<1x256xf32, #tpu.memory_space<vmem>> -> memref<256xf32, #tpu.memory_space<vmem>>
      %dma_start3A_470 = arith.constant 0 : i32
      %dma_start3A_471 = tpu.memref_slice %arg12[%squeeze3A_465, %dma_start3A_470] : memref<10000x256xf32, #tpu.memory_space<hbm>> -> memref<1x256xf32, #tpu.memory_space<hbm>>
      %dma_start3A_472 = tpu.memref_squeeze %dma_start3A_471 : memref<1x256xf32, #tpu.memory_space<hbm>> -> memref<256xf32, #tpu.memory_space<hbm>>
      %dma_start3A_473 = arith.constant 0 : i32
      %dma_start3A_474 = tpu.memref_slice %arg26[%dma_start3A_466, %dma_start3A_473] : memref<8x256xf32, #tpu.memory_space<vmem>> -> memref<1x256xf32, #tpu.memory_space<vmem>>
      %dma_start3A_475 = tpu.memref_squeeze %dma_start3A_474 : memref<1x256xf32, #tpu.memory_space<vmem>> -> memref<256xf32, #tpu.memory_space<vmem>>
      %dma_start3A_476 = arith.constant 0 : i32
      %dma_start3A_477 = tpu.memref_slice %arg12[%squeeze3A_465, %dma_start3A_476] : memref<10000x256xf32, #tpu.memory_space<hbm>> -> memref<1x256xf32, #tpu.memory_space<hbm>>
      %dma_start3A_478 = tpu.memref_squeeze %dma_start3A_477 : memref<1x256xf32, #tpu.memory_space<hbm>> -> memref<256xf32, #tpu.memory_space<hbm>>
      tpu.enqueue_dma source(%dma_start3A_478 : memref<256xf32, #tpu.memory_space<hbm>>) target(%dma_start3A_475 : memref<256xf32, #tpu.memory_space<vmem>>) target_semaphore(%arg29 : memref<!tpu.dma_semaphore, #tpu.memory_space<semaphore_mem>>)
      %dma_wait3A_479 = arith.constant 0 : i32
      %dma_wait3A_480 = arith.constant 0 : i32
      %dma_wait3A_481 = tpu.memref_slice %arg26[%dma_wait3A_479, %dma_wait3A_480] : memref<8x256xf32, #tpu.memory_space<vmem>> -> memref<1x256xf32, #tpu.memory_space<vmem>>
      %dma_wait3A_482 = tpu.memref_squeeze %dma_wait3A_481 : memref<1x256xf32, #tpu.memory_space<vmem>> -> memref<256xf32, #tpu.memory_space<vmem>>
      %dma_wait3A_483 = arith.constant 0 : i32
      %dma_wait3A_484 = tpu.memref_slice %arg12[%squeeze3A, %dma_wait3A_483] : memref<10000x256xf32, #tpu.memory_space<hbm>> -> memref<1x256xf32, #tpu.memory_space<hbm>>
      %dma_wait3A_485 = tpu.memref_squeeze %dma_wait3A_484 : memref<1x256xf32, #tpu.memory_space<hbm>> -> memref<256xf32, #tpu.memory_space<hbm>>
      %dma_wait3A_486 = arith.constant 0 : i32
      %dma_wait3A_487 = tpu.memref_slice %arg26[%dma_wait3A_479, %dma_wait3A_486] : memref<8x256xf32, #tpu.memory_space<vmem>> -> memref<1x256xf32, #tpu.memory_space<vmem>>
      %dma_wait3A_488 = tpu.memref_squeeze %dma_wait3A_487 : memref<1x256xf32, #tpu.memory_space<vmem>> -> memref<256xf32, #tpu.memory_space<vmem>>
      %dma_wait3A_489 = arith.constant 0 : i32
      %dma_wait3A_490 = tpu.memref_slice %arg12[%squeeze3A, %dma_wait3A_489] : memref<10000x256xf32, #tpu.memory_space<hbm>> -> memref<1x256xf32, #tpu.memory_space<hbm>>
      %dma_wait3A_491 = tpu.memref_squeeze %dma_wait3A_490 : memref<1x256xf32, #tpu.memory_space<hbm>> -> memref<256xf32, #tpu.memory_space<hbm>>
      tpu.wait_dma2 semaphore(%arg29 : memref<!tpu.dma_semaphore, #tpu.memory_space<semaphore_mem>>) src(%dma_wait3A_491 : memref<256xf32, #tpu.memory_space<hbm>>) dst(%dma_wait3A_488 : memref<256xf32, #tpu.memory_space<vmem>>)
      %dma_wait3A_492 = arith.constant 1 : i32
      %dma_wait3A_493 = arith.constant 0 : i32
      %dma_wait3A_494 = tpu.memref_slice %arg26[%dma_wait3A_492, %dma_wait3A_493] : memref<8x256xf32, #tpu.memory_space<vmem>> -> memref<1x256xf32, #tpu.memory_space<vmem>>
      %dma_wait3A_495 = tpu.memref_squeeze %dma_wait3A_494 : memref<1x256xf32, #tpu.memory_space<vmem>> -> memref<256xf32, #tpu.memory_space<vmem>>
      %dma_wait3A_496 = arith.constant 0 : i32
      %dma_wait3A_497 = tpu.memref_slice %arg12[%squeeze3A_351, %dma_wait3A_496] : memref<10000x256xf32, #tpu.memory_space<hbm>> -> memref<1x256xf32, #tpu.memory_space<hbm>>
      %dma_wait3A_498 = tpu.memref_squeeze %dma_wait3A_497 : memref<1x256xf32, #tpu.memory_space<hbm>> -> memref<256xf32, #tpu.memory_space<hbm>>
      %dma_wait3A_499 = arith.constant 0 : i32
      %dma_wait3A_500 = tpu.memref_slice %arg26[%dma_wait3A_492, %dma_wait3A_499] : memref<8x256xf32, #tpu.memory_space<vmem>> -> memref<1x256xf32, #tpu.memory_space<vmem>>
      %dma_wait3A_501 = tpu.memref_squeeze %dma_wait3A_500 : memref<1x256xf32, #tpu.memory_space<vmem>> -> memref<256xf32, #tpu.memory_space<vmem>>
      %dma_wait3A_502 = arith.constant 0 : i32
      %dma_wait3A_503 = tpu.memref_slice %arg12[%squeeze3A_351, %dma_wait3A_502] : memref<10000x256xf32, #tpu.memory_space<hbm>> -> memref<1x256xf32, #tpu.memory_space<hbm>>
      %dma_wait3A_504 = tpu.memref_squeeze %dma_wait3A_503 : memref<1x256xf32, #tpu.memory_space<hbm>> -> memref<256xf32, #tpu.memory_space<hbm>>
      tpu.wait_dma2 semaphore(%arg29 : memref<!tpu.dma_semaphore, #tpu.memory_space<semaphore_mem>>) src(%dma_wait3A_504 : memref<256xf32, #tpu.memory_space<hbm>>) dst(%dma_wait3A_501 : memref<256xf32, #tpu.memory_space<vmem>>)
      %dma_wait3A_505 = arith.constant 2 : i32
      %dma_wait3A_506 = arith.constant 0 : i32
      %dma_wait3A_507 = tpu.memref_slice %arg26[%dma_wait3A_505, %dma_wait3A_506] : memref<8x256xf32, #tpu.memory_space<vmem>> -> memref<1x256xf32, #tpu.memory_space<vmem>>
      %dma_wait3A_508 = tpu.memref_squeeze %dma_wait3A_507 : memref<1x256xf32, #tpu.memory_space<vmem>> -> memref<256xf32, #tpu.memory_space<vmem>>
      %dma_wait3A_509 = arith.constant 0 : i32
      %dma_wait3A_510 = tpu.memref_slice %arg12[%squeeze3A_370, %dma_wait3A_509] : memref<10000x256xf32, #tpu.memory_space<hbm>> -> memref<1x256xf32, #tpu.memory_space<hbm>>
      %dma_wait3A_511 = tpu.memref_squeeze %dma_wait3A_510 : memref<1x256xf32, #tpu.memory_space<hbm>> -> memref<256xf32, #tpu.memory_space<hbm>>
      %dma_wait3A_512 = arith.constant 0 : i32
      %dma_wait3A_513 = tpu.memref_slice %arg26[%dma_wait3A_505, %dma_wait3A_512] : memref<8x256xf32, #tpu.memory_space<vmem>> -> memref<1x256xf32, #tpu.memory_space<vmem>>
      %dma_wait3A_514 = tpu.memref_squeeze %dma_wait3A_513 : memref<1x256xf32, #tpu.memory_space<vmem>> -> memref<256xf32, #tpu.memory_space<vmem>>
      %dma_wait3A_515 = arith.constant 0 : i32
      %dma_wait3A_516 = tpu.memref_slice %arg12[%squeeze3A_370, %dma_wait3A_515] : memref<10000x256xf32, #tpu.memory_space<hbm>> -> memref<1x256xf32, #tpu.memory_space<hbm>>
      %dma_wait3A_517 = tpu.memref_squeeze %dma_wait3A_516 : memref<1x256xf32, #tpu.memory_space<hbm>> -> memref<256xf32, #tpu.memory_space<hbm>>
      tpu.wait_dma2 semaphore(%arg29 : memref<!tpu.dma_semaphore, #tpu.memory_space<semaphore_mem>>) src(%dma_wait3A_517 : memref<256xf32, #tpu.memory_space<hbm>>) dst(%dma_wait3A_514 : memref<256xf32, #tpu.memory_space<vmem>>)
      %dma_wait3A_518 = arith.constant 3 : i32
      %dma_wait3A_519 = arith.constant 0 : i32
      %dma_wait3A_520 = tpu.memref_slice %arg26[%dma_wait3A_518, %dma_wait3A_519] : memref<8x256xf32, #tpu.memory_space<vmem>> -> memref<1x256xf32, #tpu.memory_space<vmem>>
      %dma_wait3A_521 = tpu.memref_squeeze %dma_wait3A_520 : memref<1x256xf32, #tpu.memory_space<vmem>> -> memref<256xf32, #tpu.memory_space<vmem>>
      %dma_wait3A_522 = arith.constant 0 : i32
      %dma_wait3A_523 = tpu.memref_slice %arg12[%squeeze3A_389, %dma_wait3A_522] : memref<10000x256xf32, #tpu.memory_space<hbm>> -> memref<1x256xf32, #tpu.memory_space<hbm>>
      %dma_wait3A_524 = tpu.memref_squeeze %dma_wait3A_523 : memref<1x256xf32, #tpu.memory_space<hbm>> -> memref<256xf32, #tpu.memory_space<hbm>>
      %dma_wait3A_525 = arith.constant 0 : i32
      %dma_wait3A_526 = tpu.memref_slice %arg26[%dma_wait3A_518, %dma_wait3A_525] : memref<8x256xf32, #tpu.memory_space<vmem>> -> memref<1x256xf32, #tpu.memory_space<vmem>>
      %dma_wait3A_527 = tpu.memref_squeeze %dma_wait3A_526 : memref<1x256xf32, #tpu.memory_space<vmem>> -> memref<256xf32, #tpu.memory_space<vmem>>
      %dma_wait3A_528 = arith.constant 0 : i32
      %dma_wait3A_529 = tpu.memref_slice %arg12[%squeeze3A_389, %dma_wait3A_528] : memref<10000x256xf32, #tpu.memory_space<hbm>> -> memref<1x256xf32, #tpu.memory_space<hbm>>
      %dma_wait3A_530 = tpu.memref_squeeze %dma_wait3A_529 : memref<1x256xf32, #tpu.memory_space<hbm>> -> memref<256xf32, #tpu.memory_space<hbm>>
      tpu.wait_dma2 semaphore(%arg29 : memref<!tpu.dma_semaphore, #tpu.memory_space<semaphore_mem>>) src(%dma_wait3A_530 : memref<256xf32, #tpu.memory_space<hbm>>) dst(%dma_wait3A_527 : memref<256xf32, #tpu.memory_space<vmem>>)
      %dma_wait3A_531 = arith.constant 4 : i32
      %dma_wait3A_532 = arith.constant 0 : i32
      %dma_wait3A_533 = tpu.memref_slice %arg26[%dma_wait3A_531, %dma_wait3A_532] : memref<8x256xf32, #tpu.memory_space<vmem>> -> memref<1x256xf32, #tpu.memory_space<vmem>>
      %dma_wait3A_534 = tpu.memref_squeeze %dma_wait3A_533 : memref<1x256xf32, #tpu.memory_space<vmem>> -> memref<256xf32, #tpu.memory_space<vmem>>
      %dma_wait3A_535 = arith.constant 0 : i32
      %dma_wait3A_536 = tpu.memref_slice %arg12[%squeeze3A_408, %dma_wait3A_535] : memref<10000x256xf32, #tpu.memory_space<hbm>> -> memref<1x256xf32, #tpu.memory_space<hbm>>
      %dma_wait3A_537 = tpu.memref_squeeze %dma_wait3A_536 : memref<1x256xf32, #tpu.memory_space<hbm>> -> memref<256xf32, #tpu.memory_space<hbm>>
      %dma_wait3A_538 = arith.constant 0 : i32
      %dma_wait3A_539 = tpu.memref_slice %arg26[%dma_wait3A_531, %dma_wait3A_538] : memref<8x256xf32, #tpu.memory_space<vmem>> -> memref<1x256xf32, #tpu.memory_space<vmem>>
      %dma_wait3A_540 = tpu.memref_squeeze %dma_wait3A_539 : memref<1x256xf32, #tpu.memory_space<vmem>> -> memref<256xf32, #tpu.memory_space<vmem>>
      %dma_wait3A_541 = arith.constant 0 : i32
      %dma_wait3A_542 = tpu.memref_slice %arg12[%squeeze3A_408, %dma_wait3A_541] : memref<10000x256xf32, #tpu.memory_space<hbm>> -> memref<1x256xf32, #tpu.memory_space<hbm>>
      %dma_wait3A_543 = tpu.memref_squeeze %dma_wait3A_542 : memref<1x256xf32, #tpu.memory_space<hbm>> -> memref<256xf32, #tpu.memory_space<hbm>>
      tpu.wait_dma2 semaphore(%arg29 : memref<!tpu.dma_semaphore, #tpu.memory_space<semaphore_mem>>) src(%dma_wait3A_543 : memref<256xf32, #tpu.memory_space<hbm>>) dst(%dma_wait3A_540 : memref<256xf32, #tpu.memory_space<vmem>>)
      %dma_wait3A_544 = arith.constant 5 : i32
      %dma_wait3A_545 = arith.constant 0 : i32
      %dma_wait3A_546 = tpu.memref_slice %arg26[%dma_wait3A_544, %dma_wait3A_545] : memref<8x256xf32, #tpu.memory_space<vmem>> -> memref<1x256xf32, #tpu.memory_space<vmem>>
      %dma_wait3A_547 = tpu.memref_squeeze %dma_wait3A_546 : memref<1x256xf32, #tpu.memory_space<vmem>> -> memref<256xf32, #tpu.memory_space<vmem>>
      %dma_wait3A_548 = arith.constant 0 : i32
      %dma_wait3A_549 = tpu.memref_slice %arg12[%squeeze3A_427, %dma_wait3A_548] : memref<10000x256xf32, #tpu.memory_space<hbm>> -> memref<1x256xf32, #tpu.memory_space<hbm>>
      %dma_wait3A_550 = tpu.memref_squeeze %dma_wait3A_549 : memref<1x256xf32, #tpu.memory_space<hbm>> -> memref<256xf32, #tpu.memory_space<hbm>>
      %dma_wait3A_551 = arith.constant 0 : i32
      %dma_wait3A_552 = tpu.memref_slice %arg26[%dma_wait3A_544, %dma_wait3A_551] : memref<8x256xf32, #tpu.memory_space<vmem>> -> memref<1x256xf32, #tpu.memory_space<vmem>>
      %dma_wait3A_553 = tpu.memref_squeeze %dma_wait3A_552 : memref<1x256xf32, #tpu.memory_space<vmem>> -> memref<256xf32, #tpu.memory_space<vmem>>
      %dma_wait3A_554 = arith.constant 0 : i32
      %dma_wait3A_555 = tpu.memref_slice %arg12[%squeeze3A_427, %dma_wait3A_554] : memref<10000x256xf32, #tpu.memory_space<hbm>> -> memref<1x256xf32, #tpu.memory_space<hbm>>
      %dma_wait3A_556 = tpu.memref_squeeze %dma_wait3A_555 : memref<1x256xf32, #tpu.memory_space<hbm>> -> memref<256xf32, #tpu.memory_space<hbm>>
      tpu.wait_dma2 semaphore(%arg29 : memref<!tpu.dma_semaphore, #tpu.memory_space<semaphore_mem>>) src(%dma_wait3A_556 : memref<256xf32, #tpu.memory_space<hbm>>) dst(%dma_wait3A_553 : memref<256xf32, #tpu.memory_space<vmem>>)
      %dma_wait3A_557 = arith.constant 6 : i32
      %dma_wait3A_558 = arith.constant 0 : i32
      %dma_wait3A_559 = tpu.memref_slice %arg26[%dma_wait3A_557, %dma_wait3A_558] : memref<8x256xf32, #tpu.memory_space<vmem>> -> memref<1x256xf32, #tpu.memory_space<vmem>>
      %dma_wait3A_560 = tpu.memref_squeeze %dma_wait3A_559 : memref<1x256xf32, #tpu.memory_space<vmem>> -> memref<256xf32, #tpu.memory_space<vmem>>
      %dma_wait3A_561 = arith.constant 0 : i32
      %dma_wait3A_562 = tpu.memref_slice %arg12[%squeeze3A_446, %dma_wait3A_561] : memref<10000x256xf32, #tpu.memory_space<hbm>> -> memref<1x256xf32, #tpu.memory_space<hbm>>
      %dma_wait3A_563 = tpu.memref_squeeze %dma_wait3A_562 : memref<1x256xf32, #tpu.memory_space<hbm>> -> memref<256xf32, #tpu.memory_space<hbm>>
      %dma_wait3A_564 = arith.constant 0 : i32
      %dma_wait3A_565 = tpu.memref_slice %arg26[%dma_wait3A_557, %dma_wait3A_564] : memref<8x256xf32, #tpu.memory_space<vmem>> -> memref<1x256xf32, #tpu.memory_space<vmem>>
      %dma_wait3A_566 = tpu.memref_squeeze %dma_wait3A_565 : memref<1x256xf32, #tpu.memory_space<vmem>> -> memref<256xf32, #tpu.memory_space<vmem>>
      %dma_wait3A_567 = arith.constant 0 : i32
      %dma_wait3A_568 = tpu.memref_slice %arg12[%squeeze3A_446, %dma_wait3A_567] : memref<10000x256xf32, #tpu.memory_space<hbm>> -> memref<1x256xf32, #tpu.memory_space<hbm>>
      %dma_wait3A_569 = tpu.memref_squeeze %dma_wait3A_568 : memref<1x256xf32, #tpu.memory_space<hbm>> -> memref<256xf32, #tpu.memory_space<hbm>>
      tpu.wait_dma2 semaphore(%arg29 : memref<!tpu.dma_semaphore, #tpu.memory_space<semaphore_mem>>) src(%dma_wait3A_569 : memref<256xf32, #tpu.memory_space<hbm>>) dst(%dma_wait3A_566 : memref<256xf32, #tpu.memory_space<vmem>>)
      %dma_wait3A_570 = arith.constant 7 : i32
      %dma_wait3A_571 = arith.constant 0 : i32
      %dma_wait3A_572 = tpu.memref_slice %arg26[%dma_wait3A_570, %dma_wait3A_571] : memref<8x256xf32, #tpu.memory_space<vmem>> -> memref<1x256xf32, #tpu.memory_space<vmem>>
      %dma_wait3A_573 = tpu.memref_squeeze %dma_wait3A_572 : memref<1x256xf32, #tpu.memory_space<vmem>> -> memref<256xf32, #tpu.memory_space<vmem>>
      %dma_wait3A_574 = arith.constant 0 : i32
      %dma_wait3A_575 = tpu.memref_slice %arg12[%squeeze3A_465, %dma_wait3A_574] : memref<10000x256xf32, #tpu.memory_space<hbm>> -> memref<1x256xf32, #tpu.memory_space<hbm>>
      %dma_wait3A_576 = tpu.memref_squeeze %dma_wait3A_575 : memref<1x256xf32, #tpu.memory_space<hbm>> -> memref<256xf32, #tpu.memory_space<hbm>>
      %dma_wait3A_577 = arith.constant 0 : i32
      %dma_wait3A_578 = tpu.memref_slice %arg26[%dma_wait3A_570, %dma_wait3A_577] : memref<8x256xf32, #tpu.memory_space<vmem>> -> memref<1x256xf32, #tpu.memory_space<vmem>>
      %dma_wait3A_579 = tpu.memref_squeeze %dma_wait3A_578 : memref<1x256xf32, #tpu.memory_space<vmem>> -> memref<256xf32, #tpu.memory_space<vmem>>
      %dma_wait3A_580 = arith.constant 0 : i32
      %dma_wait3A_581 = tpu.memref_slice %arg12[%squeeze3A_465, %dma_wait3A_580] : memref<10000x256xf32, #tpu.memory_space<hbm>> -> memref<1x256xf32, #tpu.memory_space<hbm>>
      %dma_wait3A_582 = tpu.memref_squeeze %dma_wait3A_581 : memref<1x256xf32, #tpu.memory_space<hbm>> -> memref<256xf32, #tpu.memory_space<hbm>>
      tpu.wait_dma2 semaphore(%arg29 : memref<!tpu.dma_semaphore, #tpu.memory_space<semaphore_mem>>) src(%dma_wait3A_582 : memref<256xf32, #tpu.memory_space<hbm>>) dst(%dma_wait3A_579 : memref<256xf32, #tpu.memory_space<vmem>>)
      "tpu.trace_stop"() : () -> ()
      %sub3A_583 = arith.subi %min3A_131, %mul3A_329 : i32
      %min3A_584 = arith.constant 8 : i32
      %min3A_585 = arith.minsi %sub3A_583, %min3A_584 : i32
      %while3A_586 = arith.constant 0 : i32
      %while3A_587 = arith.constant 0 : i32
      %while3A_588 = arith.subi %min3A_585, %while3A_587 : i32
      %while3A_589 = arith.addi %while3A_587, %while3A_588 : i32
      %while3A_590 = arith.constant 1 : i32
      %while3A_591 = arith.divsi %while3A_588, %while3A_590 : i32
      %while3A_592 = arith.muli %while3A_591, %while3A_590 : i32
      %while3A_593 = arith.addi %while3A_587, %while3A_592 : i32
      %while3A_594 = arith.constant 1 : i32
      scf.for %while3A_596 = %while3A_587 to %while3A_593 step %while3A_594  : i32 {
        %add3A_597 = arith.addi %mul3A_329, %while3A_596 : i32
        %get3A_598 = arith.index_cast %add3A_597 : i32 to index
        %get3A_599 = tpu.vector_load %arg24[%get3A_598] {strides = array<i32>} : memref<528xi32, #tpu.memory_space<vmem>>, vector<16xi32>,
        %slice3A_600 = vector.extract_strided_slice %get3A_599 {offsets = [0], sizes = [1], strides = [1]} : vector<16xi32> to vector<1xi32>
        %squeeze3A_601 = vector.extract %slice3A_600[0] : i32 from vector<1xi32>
        %add3A_602 = arith.addi %mul3A_329, %while3A_596 : i32
        %get3A_603 = arith.index_cast %add3A_602 : i32 to index
        %get3A_604 = tpu.vector_load %arg25[%get3A_603] {strides = array<i32>} : memref<528xf32, #tpu.memory_space<vmem>>, vector<16xf32>,
        %slice3A_605 = vector.extract_strided_slice %get3A_604 {offsets = [0], sizes = [1], strides = [1]} : vector<16xf32> to vector<1xf32>
        %squeeze3A_606 = vector.extract %slice3A_605[0] : f32 from vector<1xf32>
        %broadcast_in_dim3A_607 = vector.broadcast %squeeze3A_606 : f32 to vector<16xf32>
        %mul3A_608 = arith.constant 256 : i32
        %mul3A_609 = arith.muli %squeeze3A_601, %mul3A_608 : i32
        %get3A_610 = arith.index_cast %while3A_596 : i32 to index
        %get3A_611 = arith.constant 0 : index
        %get3A_612 = tpu.vector_load %arg26[%get3A_610, %get3A_611] {strides = array<i32>} : memref<8x256xf32, #tpu.memory_space<vmem>>, vector<16xf32>,
        %add3A_613 = arith.constant 0 : i32
        %add3A_614 = arith.addi %mul3A_609, %add3A_613 : i32
        %mul3A_615 = arith.mulf %broadcast_in_dim3A_607, %get3A_612 : vector<16xf32>
        %swap3A_616 = arith.index_cast %add3A_614 : i32 to index
        %swap3A_617 = tpu.vector_load %arg27[%swap3A_616] {strides = array<i32>} : memref<16384xf32, #tpu.memory_space<vmem>>, vector<16xf32>,
        tpu.vector_store %arg27[%swap3A_616], %mul3A_615 {add = true, strides = array<i32>} : memref<16384xf32, #tpu.memory_space<vmem>>, vector<16xf32>,
        %get3A_618 = arith.index_cast %while3A_596 : i32 to index
        %get3A_619 = arith.constant 16 : index
        %get3A_620 = tpu.vector_load %arg26[%get3A_618, %get3A_619] {strides = array<i32>} : memref<8x256xf32, #tpu.memory_space<vmem>>, vector<16xf32>,
        %add3A_621 = arith.constant 16 : i32
        %add3A_622 = arith.addi %mul3A_609, %add3A_621 : i32
        %mul3A_623 = arith.mulf %broadcast_in_dim3A_607, %get3A_620 : vector<16xf32>
        %swap3A_624 = arith.index_cast %add3A_622 : i32 to index
        %swap3A_625 = tpu.vector_load %arg27[%swap3A_624] {strides = array<i32>} : memref<16384xf32, #tpu.memory_space<vmem>>, vector<16xf32>,
        tpu.vector_store %arg27[%swap3A_624], %mul3A_623 {add = true, strides = array<i32>} : memref<16384xf32, #tpu.memory_space<vmem>>, vector<16xf32>,
        %get3A_626 = arith.index_cast %while3A_596 : i32 to index
        %get3A_627 = arith.constant 32 : index
        %get3A_628 = tpu.vector_load %arg26[%get3A_626, %get3A_627] {strides = array<i32>} : memref<8x256xf32, #tpu.memory_space<vmem>>, vector<16xf32>,
        %add3A_629 = arith.constant 32 : i32
        %add3A_630 = arith.addi %mul3A_609, %add3A_629 : i32
        %mul3A_631 = arith.mulf %broadcast_in_dim3A_607, %get3A_628 : vector<16xf32>
        %swap3A_632 = arith.index_cast %add3A_630 : i32 to index
        %swap3A_633 = tpu.vector_load %arg27[%swap3A_632] {strides = array<i32>} : memref<16384xf32, #tpu.memory_space<vmem>>, vector<16xf32>,
        tpu.vector_store %arg27[%swap3A_632], %mul3A_631 {add = true, strides = array<i32>} : memref<16384xf32, #tpu.memory_space<vmem>>, vector<16xf32>,
        %get3A_634 = arith.index_cast %while3A_596 : i32 to index
        %get3A_635 = arith.constant 48 : index
        %get3A_636 = tpu.vector_load %arg26[%get3A_634, %get3A_635] {strides = array<i32>} : memref<8x256xf32, #tpu.memory_space<vmem>>, vector<16xf32>,
        %add3A_637 = arith.constant 48 : i32
        %add3A_638 = arith.addi %mul3A_609, %add3A_637 : i32
        %mul3A_639 = arith.mulf %broadcast_in_dim3A_607, %get3A_636 : vector<16xf32>
        %swap3A_640 = arith.index_cast %add3A_638 : i32 to index
        %swap3A_641 = tpu.vector_load %arg27[%swap3A_640] {strides = array<i32>} : memref<16384xf32, #tpu.memory_space<vmem>>, vector<16xf32>,
        tpu.vector_store %arg27[%swap3A_640], %mul3A_639 {add = true, strides = array<i32>} : memref<16384xf32, #tpu.memory_space<vmem>>, vector<16xf32>,
        %get3A_642 = arith.index_cast %while3A_596 : i32 to index
        %get3A_643 = arith.constant 64 : index
        %get3A_644 = tpu.vector_load %arg26[%get3A_642, %get3A_643] {strides = array<i32>} : memref<8x256xf32, #tpu.memory_space<vmem>>, vector<16xf32>,
        %add3A_645 = arith.constant 64 : i32
        %add3A_646 = arith.addi %mul3A_609, %add3A_645 : i32
        %mul3A_647 = arith.mulf %broadcast_in_dim3A_607, %get3A_644 : vector<16xf32>
        %swap3A_648 = arith.index_cast %add3A_646 : i32 to index
        %swap3A_649 = tpu.vector_load %arg27[%swap3A_648] {strides = array<i32>} : memref<16384xf32, #tpu.memory_space<vmem>>, vector<16xf32>,
        tpu.vector_store %arg27[%swap3A_648], %mul3A_647 {add = true, strides = array<i32>} : memref<16384xf32, #tpu.memory_space<vmem>>, vector<16xf32>,
        %get3A_650 = arith.index_cast %while3A_596 : i32 to index
        %get3A_651 = arith.constant 80 : index
        %get3A_652 = tpu.vector_load %arg26[%get3A_650, %get3A_651] {strides = array<i32>} : memref<8x256xf32, #tpu.memory_space<vmem>>, vector<16xf32>,
        %add3A_653 = arith.constant 80 : i32
        %add3A_654 = arith.addi %mul3A_609, %add3A_653 : i32
        %mul3A_655 = arith.mulf %broadcast_in_dim3A_607, %get3A_652 : vector<16xf32>
        %swap3A_656 = arith.index_cast %add3A_654 : i32 to index
        %swap3A_657 = tpu.vector_load %arg27[%swap3A_656] {strides = array<i32>} : memref<16384xf32, #tpu.memory_space<vmem>>, vector<16xf32>,
        tpu.vector_store %arg27[%swap3A_656], %mul3A_655 {add = true, strides = array<i32>} : memref<16384xf32, #tpu.memory_space<vmem>>, vector<16xf32>,
        %get3A_658 = arith.index_cast %while3A_596 : i32 to index
        %get3A_659 = arith.constant 96 : index
        %get3A_660 = tpu.vector_load %arg26[%get3A_658, %get3A_659] {strides = array<i32>} : memref<8x256xf32, #tpu.memory_space<vmem>>, vector<16xf32>,
        %add3A_661 = arith.constant 96 : i32
        %add3A_662 = arith.addi %mul3A_609, %add3A_661 : i32
        %mul3A_663 = arith.mulf %broadcast_in_dim3A_607, %get3A_660 : vector<16xf32>
        %swap3A_664 = arith.index_cast %add3A_662 : i32 to index
        %swap3A_665 = tpu.vector_load %arg27[%swap3A_664] {strides = array<i32>} : memref<16384xf32, #tpu.memory_space<vmem>>, vector<16xf32>,
        tpu.vector_store %arg27[%swap3A_664], %mul3A_663 {add = true, strides = array<i32>} : memref<16384xf32, #tpu.memory_space<vmem>>, vector<16xf32>,
        %get3A_666 = arith.index_cast %while3A_596 : i32 to index
        %get3A_667 = arith.constant 112 : index
        %get3A_668 = tpu.vector_load %arg26[%get3A_666, %get3A_667] {strides = array<i32>} : memref<8x256xf32, #tpu.memory_space<vmem>>, vector<16xf32>,
        %add3A_669 = arith.constant 112 : i32
        %add3A_670 = arith.addi %mul3A_609, %add3A_669 : i32
        %mul3A_671 = arith.mulf %broadcast_in_dim3A_607, %get3A_668 : vector<16xf32>
        %swap3A_672 = arith.index_cast %add3A_670 : i32 to index
        %swap3A_673 = tpu.vector_load %arg27[%swap3A_672] {strides = array<i32>} : memref<16384xf32, #tpu.memory_space<vmem>>, vector<16xf32>,
        tpu.vector_store %arg27[%swap3A_672], %mul3A_671 {add = true, strides = array<i32>} : memref<16384xf32, #tpu.memory_space<vmem>>, vector<16xf32>,
        %get3A_674 = arith.index_cast %while3A_596 : i32 to index
        %get3A_675 = arith.constant 128 : index
        %get3A_676 = tpu.vector_load %arg26[%get3A_674, %get3A_675] {strides = array<i32>} : memref<8x256xf32, #tpu.memory_space<vmem>>, vector<16xf32>,
        %add3A_677 = arith.constant 128 : i32
        %add3A_678 = arith.addi %mul3A_609, %add3A_677 : i32
        %mul3A_679 = arith.mulf %broadcast_in_dim3A_607, %get3A_676 : vector<16xf32>
        %swap3A_680 = arith.index_cast %add3A_678 : i32 to index
        %swap3A_681 = tpu.vector_load %arg27[%swap3A_680] {strides = array<i32>} : memref<16384xf32, #tpu.memory_space<vmem>>, vector<16xf32>,
        tpu.vector_store %arg27[%swap3A_680], %mul3A_679 {add = true, strides = array<i32>} : memref<16384xf32, #tpu.memory_space<vmem>>, vector<16xf32>,
        %get3A_682 = arith.index_cast %while3A_596 : i32 to index
        %get3A_683 = arith.constant 144 : index
        %get3A_684 = tpu.vector_load %arg26[%get3A_682, %get3A_683] {strides = array<i32>} : memref<8x256xf32, #tpu.memory_space<vmem>>, vector<16xf32>,
        %add3A_685 = arith.constant 144 : i32
        %add3A_686 = arith.addi %mul3A_609, %add3A_685 : i32
        %mul3A_687 = arith.mulf %broadcast_in_dim3A_607, %get3A_684 : vector<16xf32>
        %swap3A_688 = arith.index_cast %add3A_686 : i32 to index
        %swap3A_689 = tpu.vector_load %arg27[%swap3A_688] {strides = array<i32>} : memref<16384xf32, #tpu.memory_space<vmem>>, vector<16xf32>,
        tpu.vector_store %arg27[%swap3A_688], %mul3A_687 {add = true, strides = array<i32>} : memref<16384xf32, #tpu.memory_space<vmem>>, vector<16xf32>,
        %get3A_690 = arith.index_cast %while3A_596 : i32 to index
        %get3A_691 = arith.constant 160 : index
        %get3A_692 = tpu.vector_load %arg26[%get3A_690, %get3A_691] {strides = array<i32>} : memref<8x256xf32, #tpu.memory_space<vmem>>, vector<16xf32>,
        %add3A_693 = arith.constant 160 : i32
        %add3A_694 = arith.addi %mul3A_609, %add3A_693 : i32
        %mul3A_695 = arith.mulf %broadcast_in_dim3A_607, %get3A_692 : vector<16xf32>
        %swap3A_696 = arith.index_cast %add3A_694 : i32 to index
        %swap3A_697 = tpu.vector_load %arg27[%swap3A_696] {strides = array<i32>} : memref<16384xf32, #tpu.memory_space<vmem>>, vector<16xf32>,
        tpu.vector_store %arg27[%swap3A_696], %mul3A_695 {add = true, strides = array<i32>} : memref<16384xf32, #tpu.memory_space<vmem>>, vector<16xf32>,
        %get3A_698 = arith.index_cast %while3A_596 : i32 to index
        %get3A_699 = arith.constant 176 : index
        %get3A_700 = tpu.vector_load %arg26[%get3A_698, %get3A_699] {strides = array<i32>} : memref<8x256xf32, #tpu.memory_space<vmem>>, vector<16xf32>,
        %add3A_701 = arith.constant 176 : i32
        %add3A_702 = arith.addi %mul3A_609, %add3A_701 : i32
        %mul3A_703 = arith.mulf %broadcast_in_dim3A_607, %get3A_700 : vector<16xf32>
        %swap3A_704 = arith.index_cast %add3A_702 : i32 to index
        %swap3A_705 = tpu.vector_load %arg27[%swap3A_704] {strides = array<i32>} : memref<16384xf32, #tpu.memory_space<vmem>>, vector<16xf32>,
        tpu.vector_store %arg27[%swap3A_704], %mul3A_703 {add = true, strides = array<i32>} : memref<16384xf32, #tpu.memory_space<vmem>>, vector<16xf32>,
        %get3A_706 = arith.index_cast %while3A_596 : i32 to index
        %get3A_707 = arith.constant 192 : index
        %get3A_708 = tpu.vector_load %arg26[%get3A_706, %get3A_707] {strides = array<i32>} : memref<8x256xf32, #tpu.memory_space<vmem>>, vector<16xf32>,
        %add3A_709 = arith.constant 192 : i32
        %add3A_710 = arith.addi %mul3A_609, %add3A_709 : i32
        %mul3A_711 = arith.mulf %broadcast_in_dim3A_607, %get3A_708 : vector<16xf32>
        %swap3A_712 = arith.index_cast %add3A_710 : i32 to index
        %swap3A_713 = tpu.vector_load %arg27[%swap3A_712] {strides = array<i32>} : memref<16384xf32, #tpu.memory_space<vmem>>, vector<16xf32>,
        tpu.vector_store %arg27[%swap3A_712], %mul3A_711 {add = true, strides = array<i32>} : memref<16384xf32, #tpu.memory_space<vmem>>, vector<16xf32>,
        %get3A_714 = arith.index_cast %while3A_596 : i32 to index
        %get3A_715 = arith.constant 208 : index
        %get3A_716 = tpu.vector_load %arg26[%get3A_714, %get3A_715] {strides = array<i32>} : memref<8x256xf32, #tpu.memory_space<vmem>>, vector<16xf32>,
        %add3A_717 = arith.constant 208 : i32
        %add3A_718 = arith.addi %mul3A_609, %add3A_717 : i32
        %mul3A_719 = arith.mulf %broadcast_in_dim3A_607, %get3A_716 : vector<16xf32>
        %swap3A_720 = arith.index_cast %add3A_718 : i32 to index
        %swap3A_721 = tpu.vector_load %arg27[%swap3A_720] {strides = array<i32>} : memref<16384xf32, #tpu.memory_space<vmem>>, vector<16xf32>,
        tpu.vector_store %arg27[%swap3A_720], %mul3A_719 {add = true, strides = array<i32>} : memref<16384xf32, #tpu.memory_space<vmem>>, vector<16xf32>,
        %get3A_722 = arith.index_cast %while3A_596 : i32 to index
        %get3A_723 = arith.constant 224 : index
        %get3A_724 = tpu.vector_load %arg26[%get3A_722, %get3A_723] {strides = array<i32>} : memref<8x256xf32, #tpu.memory_space<vmem>>, vector<16xf32>,
        %add3A_725 = arith.constant 224 : i32
        %add3A_726 = arith.addi %mul3A_609, %add3A_725 : i32
        %mul3A_727 = arith.mulf %broadcast_in_dim3A_607, %get3A_724 : vector<16xf32>
        %swap3A_728 = arith.index_cast %add3A_726 : i32 to index
        %swap3A_729 = tpu.vector_load %arg27[%swap3A_728] {strides = array<i32>} : memref<16384xf32, #tpu.memory_space<vmem>>, vector<16xf32>,
        tpu.vector_store %arg27[%swap3A_728], %mul3A_727 {add = true, strides = array<i32>} : memref<16384xf32, #tpu.memory_space<vmem>>, vector<16xf32>,
        %get3A_730 = arith.index_cast %while3A_596 : i32 to index
        %get3A_731 = arith.constant 240 : index
        %get3A_732 = tpu.vector_load %arg26[%get3A_730, %get3A_731] {strides = array<i32>} : memref<8x256xf32, #tpu.memory_space<vmem>>, vector<16xf32>,
        %add3A_733 = arith.constant 240 : i32
        %add3A_734 = arith.addi %mul3A_609, %add3A_733 : i32
        %mul3A_735 = arith.mulf %broadcast_in_dim3A_607, %get3A_732 : vector<16xf32>
        %swap3A_736 = arith.index_cast %add3A_734 : i32 to index
        %swap3A_737 = tpu.vector_load %arg27[%swap3A_736] {strides = array<i32>} : memref<16384xf32, #tpu.memory_space<vmem>>, vector<16xf32>,
        tpu.vector_store %arg27[%swap3A_736], %mul3A_735 {add = true, strides = array<i32>} : memref<16384xf32, #tpu.memory_space<vmem>>, vector<16xf32>,
        %broadcast_in_dim3A_738 = vector.broadcast %squeeze3A_601 : i32 to vector<16xi32>
        tpu.vector_store_idx %arg28[%broadcast_in_dim3A_738], %broadcast_in_dim3A_607 masked %eq3A_7 {add = true} : memref<64xf32, #tpu.memory_space<vmem>>[vector<16xi32>], vector<16xf32>, vector<16xi1>
      }
      %while3A_595 = arith.constant 1 : i32
      scf.for %while3A_596 = %while3A_593 to %while3A_589 step %while3A_595  : i32 {
        %add3A_597 = arith.addi %mul3A_329, %while3A_596 : i32
        %get3A_598 = arith.index_cast %add3A_597 : i32 to index
        %get3A_599 = tpu.vector_load %arg24[%get3A_598] {strides = array<i32>} : memref<528xi32, #tpu.memory_space<vmem>>, vector<16xi32>,
        %slice3A_600 = vector.extract_strided_slice %get3A_599 {offsets = [0], sizes = [1], strides = [1]} : vector<16xi32> to vector<1xi32>
        %squeeze3A_601 = vector.extract %slice3A_600[0] : i32 from vector<1xi32>
        %add3A_602 = arith.addi %mul3A_329, %while3A_596 : i32
        %get3A_603 = arith.index_cast %add3A_602 : i32 to index
        %get3A_604 = tpu.vector_load %arg25[%get3A_603] {strides = array<i32>} : memref<528xf32, #tpu.memory_space<vmem>>, vector<16xf32>,
        %slice3A_605 = vector.extract_strided_slice %get3A_604 {offsets = [0], sizes = [1], strides = [1]} : vector<16xf32> to vector<1xf32>
        %squeeze3A_606 = vector.extract %slice3A_605[0] : f32 from vector<1xf32>
        %broadcast_in_dim3A_607 = vector.broadcast %squeeze3A_606 : f32 to vector<16xf32>
        %mul3A_608 = arith.constant 256 : i32
        %mul3A_609 = arith.muli %squeeze3A_601, %mul3A_608 : i32
        %get3A_610 = arith.index_cast %while3A_596 : i32 to index
        %get3A_611 = arith.constant 0 : index
        %get3A_612 = tpu.vector_load %arg26[%get3A_610, %get3A_611] {strides = array<i32>} : memref<8x256xf32, #tpu.memory_space<vmem>>, vector<16xf32>,
        %add3A_613 = arith.constant 0 : i32
        %add3A_614 = arith.addi %mul3A_609, %add3A_613 : i32
        %mul3A_615 = arith.mulf %broadcast_in_dim3A_607, %get3A_612 : vector<16xf32>
        %swap3A_616 = arith.index_cast %add3A_614 : i32 to index
        %swap3A_617 = tpu.vector_load %arg27[%swap3A_616] {strides = array<i32>} : memref<16384xf32, #tpu.memory_space<vmem>>, vector<16xf32>,
        tpu.vector_store %arg27[%swap3A_616], %mul3A_615 {add = true, strides = array<i32>} : memref<16384xf32, #tpu.memory_space<vmem>>, vector<16xf32>,
        %get3A_618 = arith.index_cast %while3A_596 : i32 to index
        %get3A_619 = arith.constant 16 : index
        %get3A_620 = tpu.vector_load %arg26[%get3A_618, %get3A_619] {strides = array<i32>} : memref<8x256xf32, #tpu.memory_space<vmem>>, vector<16xf32>,
        %add3A_621 = arith.constant 16 : i32
        %add3A_622 = arith.addi %mul3A_609, %add3A_621 : i32
        %mul3A_623 = arith.mulf %broadcast_in_dim3A_607, %get3A_620 : vector<16xf32>
        %swap3A_624 = arith.index_cast %add3A_622 : i32 to index
        %swap3A_625 = tpu.vector_load %arg27[%swap3A_624] {strides = array<i32>} : memref<16384xf32, #tpu.memory_space<vmem>>, vector<16xf32>,
        tpu.vector_store %arg27[%swap3A_624], %mul3A_623 {add = true, strides = array<i32>} : memref<16384xf32, #tpu.memory_space<vmem>>, vector<16xf32>,
        %get3A_626 = arith.index_cast %while3A_596 : i32 to index
        %get3A_627 = arith.constant 32 : index
        %get3A_628 = tpu.vector_load %arg26[%get3A_626, %get3A_627] {strides = array<i32>} : memref<8x256xf32, #tpu.memory_space<vmem>>, vector<16xf32>,
        %add3A_629 = arith.constant 32 : i32
        %add3A_630 = arith.addi %mul3A_609, %add3A_629 : i32
        %mul3A_631 = arith.mulf %broadcast_in_dim3A_607, %get3A_628 : vector<16xf32>
        %swap3A_632 = arith.index_cast %add3A_630 : i32 to index
        %swap3A_633 = tpu.vector_load %arg27[%swap3A_632] {strides = array<i32>} : memref<16384xf32, #tpu.memory_space<vmem>>, vector<16xf32>,
        tpu.vector_store %arg27[%swap3A_632], %mul3A_631 {add = true, strides = array<i32>} : memref<16384xf32, #tpu.memory_space<vmem>>, vector<16xf32>,
        %get3A_634 = arith.index_cast %while3A_596 : i32 to index
        %get3A_635 = arith.constant 48 : index
        %get3A_636 = tpu.vector_load %arg26[%get3A_634, %get3A_635] {strides = array<i32>} : memref<8x256xf32, #tpu.memory_space<vmem>>, vector<16xf32>,
        %add3A_637 = arith.constant 48 : i32
        %add3A_638 = arith.addi %mul3A_609, %add3A_637 : i32
        %mul3A_639 = arith.mulf %broadcast_in_dim3A_607, %get3A_636 : vector<16xf32>
        %swap3A_640 = arith.index_cast %add3A_638 : i32 to index
        %swap3A_641 = tpu.vector_load %arg27[%swap3A_640] {strides = array<i32>} : memref<16384xf32, #tpu.memory_space<vmem>>, vector<16xf32>,
        tpu.vector_store %arg27[%swap3A_640], %mul3A_639 {add = true, strides = array<i32>} : memref<16384xf32, #tpu.memory_space<vmem>>, vector<16xf32>,
        %get3A_642 = arith.index_cast %while3A_596 : i32 to index
        %get3A_643 = arith.constant 64 : index
        %get3A_644 = tpu.vector_load %arg26[%get3A_642, %get3A_643] {strides = array<i32>} : memref<8x256xf32, #tpu.memory_space<vmem>>, vector<16xf32>,
        %add3A_645 = arith.constant 64 : i32
        %add3A_646 = arith.addi %mul3A_609, %add3A_645 : i32
        %mul3A_647 = arith.mulf %broadcast_in_dim3A_607, %get3A_644 : vector<16xf32>
        %swap3A_648 = arith.index_cast %add3A_646 : i32 to index
        %swap3A_649 = tpu.vector_load %arg27[%swap3A_648] {strides = array<i32>} : memref<16384xf32, #tpu.memory_space<vmem>>, vector<16xf32>,
        tpu.vector_store %arg27[%swap3A_648], %mul3A_647 {add = true, strides = array<i32>} : memref<16384xf32, #tpu.memory_space<vmem>>, vector<16xf32>,
        %get3A_650 = arith.index_cast %while3A_596 : i32 to index
        %get3A_651 = arith.constant 80 : index
        %get3A_652 = tpu.vector_load %arg26[%get3A_650, %get3A_651] {strides = array<i32>} : memref<8x256xf32, #tpu.memory_space<vmem>>, vector<16xf32>,
        %add3A_653 = arith.constant 80 : i32
        %add3A_654 = arith.addi %mul3A_609, %add3A_653 : i32
        %mul3A_655 = arith.mulf %broadcast_in_dim3A_607, %get3A_652 : vector<16xf32>
        %swap3A_656 = arith.index_cast %add3A_654 : i32 to index
        %swap3A_657 = tpu.vector_load %arg27[%swap3A_656] {strides = array<i32>} : memref<16384xf32, #tpu.memory_space<vmem>>, vector<16xf32>,
        tpu.vector_store %arg27[%swap3A_656], %mul3A_655 {add = true, strides = array<i32>} : memref<16384xf32, #tpu.memory_space<vmem>>, vector<16xf32>,
        %get3A_658 = arith.index_cast %while3A_596 : i32 to index
        %get3A_659 = arith.constant 96 : index
        %get3A_660 = tpu.vector_load %arg26[%get3A_658, %get3A_659] {strides = array<i32>} : memref<8x256xf32, #tpu.memory_space<vmem>>, vector<16xf32>,
        %add3A_661 = arith.constant 96 : i32
        %add3A_662 = arith.addi %mul3A_609, %add3A_661 : i32
        %mul3A_663 = arith.mulf %broadcast_in_dim3A_607, %get3A_660 : vector<16xf32>
        %swap3A_664 = arith.index_cast %add3A_662 : i32 to index
        %swap3A_665 = tpu.vector_load %arg27[%swap3A_664] {strides = array<i32>} : memref<16384xf32, #tpu.memory_space<vmem>>, vector<16xf32>,
        tpu.vector_store %arg27[%swap3A_664], %mul3A_663 {add = true, strides = array<i32>} : memref<16384xf32, #tpu.memory_space<vmem>>, vector<16xf32>,
        %get3A_666 = arith.index_cast %while3A_596 : i32 to index
        %get3A_667 = arith.constant 112 : index
        %get3A_668 = tpu.vector_load %arg26[%get3A_666, %get3A_667] {strides = array<i32>} : memref<8x256xf32, #tpu.memory_space<vmem>>, vector<16xf32>,
        %add3A_669 = arith.constant 112 : i32
        %add3A_670 = arith.addi %mul3A_609, %add3A_669 : i32
        %mul3A_671 = arith.mulf %broadcast_in_dim3A_607, %get3A_668 : vector<16xf32>
        %swap3A_672 = arith.index_cast %add3A_670 : i32 to index
        %swap3A_673 = tpu.vector_load %arg27[%swap3A_672] {strides = array<i32>} : memref<16384xf32, #tpu.memory_space<vmem>>, vector<16xf32>,
        tpu.vector_store %arg27[%swap3A_672], %mul3A_671 {add = true, strides = array<i32>} : memref<16384xf32, #tpu.memory_space<vmem>>, vector<16xf32>,
        %get3A_674 = arith.index_cast %while3A_596 : i32 to index
        %get3A_675 = arith.constant 128 : index
        %get3A_676 = tpu.vector_load %arg26[%get3A_674, %get3A_675] {strides = array<i32>} : memref<8x256xf32, #tpu.memory_space<vmem>>, vector<16xf32>,
        %add3A_677 = arith.constant 128 : i32
        %add3A_678 = arith.addi %mul3A_609, %add3A_677 : i32
        %mul3A_679 = arith.mulf %broadcast_in_dim3A_607, %get3A_676 : vector<16xf32>
        %swap3A_680 = arith.index_cast %add3A_678 : i32 to index
        %swap3A_681 = tpu.vector_load %arg27[%swap3A_680] {strides = array<i32>} : memref<16384xf32, #tpu.memory_space<vmem>>, vector<16xf32>,
        tpu.vector_store %arg27[%swap3A_680], %mul3A_679 {add = true, strides = array<i32>} : memref<16384xf32, #tpu.memory_space<vmem>>, vector<16xf32>,
        %get3A_682 = arith.index_cast %while3A_596 : i32 to index
        %get3A_683 = arith.constant 144 : index
        %get3A_684 = tpu.vector_load %arg26[%get3A_682, %get3A_683] {strides = array<i32>} : memref<8x256xf32, #tpu.memory_space<vmem>>, vector<16xf32>,
        %add3A_685 = arith.constant 144 : i32
        %add3A_686 = arith.addi %mul3A_609, %add3A_685 : i32
        %mul3A_687 = arith.mulf %broadcast_in_dim3A_607, %get3A_684 : vector<16xf32>
        %swap3A_688 = arith.index_cast %add3A_686 : i32 to index
        %swap3A_689 = tpu.vector_load %arg27[%swap3A_688] {strides = array<i32>} : memref<16384xf32, #tpu.memory_space<vmem>>, vector<16xf32>,
        tpu.vector_store %arg27[%swap3A_688], %mul3A_687 {add = true, strides = array<i32>} : memref<16384xf32, #tpu.memory_space<vmem>>, vector<16xf32>,
        %get3A_690 = arith.index_cast %while3A_596 : i32 to index
        %get3A_691 = arith.constant 160 : index
        %get3A_692 = tpu.vector_load %arg26[%get3A_690, %get3A_691] {strides = array<i32>} : memref<8x256xf32, #tpu.memory_space<vmem>>, vector<16xf32>,
        %add3A_693 = arith.constant 160 : i32
        %add3A_694 = arith.addi %mul3A_609, %add3A_693 : i32
        %mul3A_695 = arith.mulf %broadcast_in_dim3A_607, %get3A_692 : vector<16xf32>
        %swap3A_696 = arith.index_cast %add3A_694 : i32 to index
        %swap3A_697 = tpu.vector_load %arg27[%swap3A_696] {strides = array<i32>} : memref<16384xf32, #tpu.memory_space<vmem>>, vector<16xf32>,
        tpu.vector_store %arg27[%swap3A_696], %mul3A_695 {add = true, strides = array<i32>} : memref<16384xf32, #tpu.memory_space<vmem>>, vector<16xf32>,
        %get3A_698 = arith.index_cast %while3A_596 : i32 to index
        %get3A_699 = arith.constant 176 : index
        %get3A_700 = tpu.vector_load %arg26[%get3A_698, %get3A_699] {strides = array<i32>} : memref<8x256xf32, #tpu.memory_space<vmem>>, vector<16xf32>,
        %add3A_701 = arith.constant 176 : i32
        %add3A_702 = arith.addi %mul3A_609, %add3A_701 : i32
        %mul3A_703 = arith.mulf %broadcast_in_dim3A_607, %get3A_700 : vector<16xf32>
        %swap3A_704 = arith.index_cast %add3A_702 : i32 to index
        %swap3A_705 = tpu.vector_load %arg27[%swap3A_704] {strides = array<i32>} : memref<16384xf32, #tpu.memory_space<vmem>>, vector<16xf32>,
        tpu.vector_store %arg27[%swap3A_704], %mul3A_703 {add = true, strides = array<i32>} : memref<16384xf32, #tpu.memory_space<vmem>>, vector<16xf32>,
        %get3A_706 = arith.index_cast %while3A_596 : i32 to index
        %get3A_707 = arith.constant 192 : index
        %get3A_708 = tpu.vector_load %arg26[%get3A_706, %get3A_707] {strides = array<i32>} : memref<8x256xf32, #tpu.memory_space<vmem>>, vector<16xf32>,
        %add3A_709 = arith.constant 192 : i32
        %add3A_710 = arith.addi %mul3A_609, %add3A_709 : i32
        %mul3A_711 = arith.mulf %broadcast_in_dim3A_607, %get3A_708 : vector<16xf32>
        %swap3A_712 = arith.index_cast %add3A_710 : i32 to index
        %swap3A_713 = tpu.vector_load %arg27[%swap3A_712] {strides = array<i32>} : memref<16384xf32, #tpu.memory_space<vmem>>, vector<16xf32>,
        tpu.vector_store %arg27[%swap3A_712], %mul3A_711 {add = true, strides = array<i32>} : memref<16384xf32, #tpu.memory_space<vmem>>, vector<16xf32>,
        %get3A_714 = arith.index_cast %while3A_596 : i32 to index
        %get3A_715 = arith.constant 208 : index
        %get3A_716 = tpu.vector_load %arg26[%get3A_714, %get3A_715] {strides = array<i32>} : memref<8x256xf32, #tpu.memory_space<vmem>>, vector<16xf32>,
        %add3A_717 = arith.constant 208 : i32
        %add3A_718 = arith.addi %mul3A_609, %add3A_717 : i32
        %mul3A_719 = arith.mulf %broadcast_in_dim3A_607, %get3A_716 : vector<16xf32>
        %swap3A_720 = arith.index_cast %add3A_718 : i32 to index
        %swap3A_721 = tpu.vector_load %arg27[%swap3A_720] {strides = array<i32>} : memref<16384xf32, #tpu.memory_space<vmem>>, vector<16xf32>,
        tpu.vector_store %arg27[%swap3A_720], %mul3A_719 {add = true, strides = array<i32>} : memref<16384xf32, #tpu.memory_space<vmem>>, vector<16xf32>,
        %get3A_722 = arith.index_cast %while3A_596 : i32 to index
        %get3A_723 = arith.constant 224 : index
        %get3A_724 = tpu.vector_load %arg26[%get3A_722, %get3A_723] {strides = array<i32>} : memref<8x256xf32, #tpu.memory_space<vmem>>, vector<16xf32>,
        %add3A_725 = arith.constant 224 : i32
        %add3A_726 = arith.addi %mul3A_609, %add3A_725 : i32
        %mul3A_727 = arith.mulf %broadcast_in_dim3A_607, %get3A_724 : vector<16xf32>
        %swap3A_728 = arith.index_cast %add3A_726 : i32 to index
        %swap3A_729 = tpu.vector_load %arg27[%swap3A_728] {strides = array<i32>} : memref<16384xf32, #tpu.memory_space<vmem>>, vector<16xf32>,
        tpu.vector_store %arg27[%swap3A_728], %mul3A_727 {add = true, strides = array<i32>} : memref<16384xf32, #tpu.memory_space<vmem>>, vector<16xf32>,
        %get3A_730 = arith.index_cast %while3A_596 : i32 to index
        %get3A_731 = arith.constant 240 : index
        %get3A_732 = tpu.vector_load %arg26[%get3A_730, %get3A_731] {strides = array<i32>} : memref<8x256xf32, #tpu.memory_space<vmem>>, vector<16xf32>,
        %add3A_733 = arith.constant 240 : i32
        %add3A_734 = arith.addi %mul3A_609, %add3A_733 : i32
        %mul3A_735 = arith.mulf %broadcast_in_dim3A_607, %get3A_732 : vector<16xf32>
        %swap3A_736 = arith.index_cast %add3A_734 : i32 to index
        %swap3A_737 = tpu.vector_load %arg27[%swap3A_736] {strides = array<i32>} : memref<16384xf32, #tpu.memory_space<vmem>>, vector<16xf32>,
        tpu.vector_store %arg27[%swap3A_736], %mul3A_735 {add = true, strides = array<i32>} : memref<16384xf32, #tpu.memory_space<vmem>>, vector<16xf32>,
        %broadcast_in_dim3A_738 = vector.broadcast %squeeze3A_601 : i32 to vector<16xi32>
        tpu.vector_store_idx %arg28[%broadcast_in_dim3A_738], %broadcast_in_dim3A_607 masked %eq3A_7 {add = true} : memref<64xf32, #tpu.memory_space<vmem>>[vector<16xi32>], vector<16xf32>, vector<16xi1>
      }
    }
    "tpu.trace_stop"() : () -> ()
    "tpu.trace_start"() <{level = 10 : i32, message = "out0"}> : () -> ()
    "tpu.region"() ({
      %run_scoped3A = tpu.sem_alloc : memref<!tpu.dma_semaphore, #tpu.memory_space<semaphore_mem>>
      %dma_start3A_327 = arith.constant 0 : i32
      %dma_start3A_328 = tpu.memref_slice %arg14[%add3A, %dma_start3A_327] : memref<32x16384xf32, #tpu.memory_space<hbm>> -> memref<1x16384xf32, #tpu.memory_space<hbm>>
      %dma_start3A_329 = tpu.memref_squeeze %dma_start3A_328 : memref<1x16384xf32, #tpu.memory_space<hbm>> -> memref<16384xf32, #tpu.memory_space<hbm>>
      %dma_start3A_330 = arith.constant 0 : i32
      %dma_start3A_331 = tpu.memref_slice %arg14[%add3A, %dma_start3A_330] : memref<32x16384xf32, #tpu.memory_space<hbm>> -> memref<1x16384xf32, #tpu.memory_space<hbm>>
      %dma_start3A_332 = tpu.memref_squeeze %dma_start3A_331 : memref<1x16384xf32, #tpu.memory_space<hbm>> -> memref<16384xf32, #tpu.memory_space<hbm>>
      tpu.enqueue_dma source(%arg27 : memref<16384xf32, #tpu.memory_space<vmem>>) target(%dma_start3A_332 : memref<16384xf32, #tpu.memory_space<hbm>>) target_semaphore(%run_scoped3A : memref<!tpu.dma_semaphore, #tpu.memory_space<semaphore_mem>>)
      %dma_wait3A_333 = arith.constant 0 : i32
      %dma_wait3A_334 = tpu.memref_slice %arg14[%add3A, %dma_wait3A_333] : memref<32x16384xf32, #tpu.memory_space<hbm>> -> memref<1x16384xf32, #tpu.memory_space<hbm>>
      %dma_wait3A_335 = tpu.memref_squeeze %dma_wait3A_334 : memref<1x16384xf32, #tpu.memory_space<hbm>> -> memref<16384xf32, #tpu.memory_space<hbm>>
      %dma_wait3A_336 = arith.constant 0 : i32
      %dma_wait3A_337 = tpu.memref_slice %arg14[%add3A, %dma_wait3A_336] : memref<32x16384xf32, #tpu.memory_space<hbm>> -> memref<1x16384xf32, #tpu.memory_space<hbm>>
      %dma_wait3A_338 = tpu.memref_squeeze %dma_wait3A_337 : memref<1x16384xf32, #tpu.memory_space<hbm>> -> memref<16384xf32, #tpu.memory_space<hbm>>
      tpu.wait_dma2 semaphore(%run_scoped3A : memref<!tpu.dma_semaphore, #tpu.memory_space<semaphore_mem>>) src(%arg27 : memref<16384xf32, #tpu.memory_space<vmem>>) dst(%dma_wait3A_338 : memref<16384xf32, #tpu.memory_space<hbm>>)
      tpu.yield
    }) : () -> ()
    "tpu.region"() ({
      %run_scoped3A = tpu.sem_alloc : memref<!tpu.dma_semaphore, #tpu.memory_space<semaphore_mem>>
      %dma_start3A_327 = arith.constant 0 : i32
      %dma_start3A_328 = tpu.memref_slice %arg15[%add3A, %dma_start3A_327] : memref<32x64xf32, #tpu.memory_space<hbm>> -> memref<1x64xf32, #tpu.memory_space<hbm>>
      %dma_start3A_329 = tpu.memref_squeeze %dma_start3A_328 : memref<1x64xf32, #tpu.memory_space<hbm>> -> memref<64xf32, #tpu.memory_space<hbm>>
      %dma_start3A_330 = arith.constant 0 : i32
      %dma_start3A_331 = tpu.memref_slice %arg15[%add3A, %dma_start3A_330] : memref<32x64xf32, #tpu.memory_space<hbm>> -> memref<1x64xf32, #tpu.memory_space<hbm>>
      %dma_start3A_332 = tpu.memref_squeeze %dma_start3A_331 : memref<1x64xf32, #tpu.memory_space<hbm>> -> memref<64xf32, #tpu.memory_space<hbm>>
      tpu.enqueue_dma source(%arg28 : memref<64xf32, #tpu.memory_space<vmem>>) target(%dma_start3A_332 : memref<64xf32, #tpu.memory_space<hbm>>) target_semaphore(%run_scoped3A : memref<!tpu.dma_semaphore, #tpu.memory_space<semaphore_mem>>)
      %dma_wait3A_333 = arith.constant 0 : i32
      %dma_wait3A_334 = tpu.memref_slice %arg15[%add3A, %dma_wait3A_333] : memref<32x64xf32, #tpu.memory_space<hbm>> -> memref<1x64xf32, #tpu.memory_space<hbm>>
      %dma_wait3A_335 = tpu.memref_squeeze %dma_wait3A_334 : memref<1x64xf32, #tpu.memory_space<hbm>> -> memref<64xf32, #tpu.memory_space<hbm>>
      %dma_wait3A_336 = arith.constant 0 : i32
      %dma_wait3A_337 = tpu.memref_slice %arg15[%add3A, %dma_wait3A_336] : memref<32x64xf32, #tpu.memory_space<hbm>> -> memref<1x64xf32, #tpu.memory_space<hbm>>
      %dma_wait3A_338 = tpu.memref_squeeze %dma_wait3A_337 : memref<1x64xf32, #tpu.memory_space<hbm>> -> memref<64xf32, #tpu.memory_space<hbm>>
      tpu.wait_dma2 semaphore(%run_scoped3A : memref<!tpu.dma_semaphore, #tpu.memory_space<semaphore_mem>>) src(%arg28 : memref<64xf32, #tpu.memory_space<vmem>>) dst(%dma_wait3A_338 : memref<64xf32, #tpu.memory_space<hbm>>)
      tpu.yield
    }) : () -> ()
    "tpu.trace_stop"() : () -> ()
    "tpu.trace_start"() <{level = 10 : i32, message = "stage1"}> : () -> ()
    %dma_start3A_161 = arith.constant 0 : i32
    %dma_start3A_162 = tpu.memref_slice %arg18[%dma_start3A_161] : memref<5008xi32, #tpu.memory_space<vmem>> -> memref<5000xi32, #tpu.memory_space<vmem>>
    %dma_start3A_163 = tpu.memref_slice %arg4[%mul3A_2] : memref<160000xi32, #tpu.memory_space<hbm>> -> memref<5000xi32, #tpu.memory_space<hbm>>
    %dma_start3A_164 = arith.constant 0 : i32
    %dma_start3A_165 = tpu.memref_slice %arg18[%dma_start3A_164] : memref<5008xi32, #tpu.memory_space<vmem>> -> memref<5000xi32, #tpu.memory_space<vmem>>
    %dma_start3A_166 = tpu.memref_slice %arg4[%mul3A_2] : memref<160000xi32, #tpu.memory_space<hbm>> -> memref<5000xi32, #tpu.memory_space<hbm>>
    tpu.enqueue_dma source(%dma_start3A_166 : memref<5000xi32, #tpu.memory_space<hbm>>) target(%dma_start3A_165 : memref<5000xi32, #tpu.memory_space<vmem>>) target_semaphore(%arg29 : memref<!tpu.dma_semaphore, #tpu.memory_space<semaphore_mem>>)
    %dma_start3A_167 = arith.constant 0 : i32
    %dma_start3A_168 = tpu.memref_slice %arg19[%dma_start3A_167] : memref<5008xi32, #tpu.memory_space<vmem>> -> memref<5000xi32, #tpu.memory_space<vmem>>
    %dma_start3A_169 = tpu.memref_slice %arg5[%mul3A_2] : memref<160000xi32, #tpu.memory_space<hbm>> -> memref<5000xi32, #tpu.memory_space<hbm>>
    %dma_start3A_170 = arith.constant 0 : i32
    %dma_start3A_171 = tpu.memref_slice %arg19[%dma_start3A_170] : memref<5008xi32, #tpu.memory_space<vmem>> -> memref<5000xi32, #tpu.memory_space<vmem>>
    %dma_start3A_172 = tpu.memref_slice %arg5[%mul3A_2] : memref<160000xi32, #tpu.memory_space<hbm>> -> memref<5000xi32, #tpu.memory_space<hbm>>
    tpu.enqueue_dma source(%dma_start3A_172 : memref<5000xi32, #tpu.memory_space<hbm>>) target(%dma_start3A_171 : memref<5000xi32, #tpu.memory_space<vmem>>) target_semaphore(%arg29 : memref<!tpu.dma_semaphore, #tpu.memory_space<semaphore_mem>>)
    tpu.enqueue_dma source(%arg7 : memref<10000xf32, #tpu.memory_space<hbm>>) target(%arg20 : memref<10000xf32, #tpu.memory_space<vmem>>) target_semaphore(%arg29 : memref<!tpu.dma_semaphore, #tpu.memory_space<semaphore_mem>>)
    tpu.enqueue_dma source(%arg11 : memref<10080xi32, #tpu.memory_space<hbm>>) target(%arg21 : memref<10080xi32, #tpu.memory_space<vmem>>) target_semaphore(%arg29 : memref<!tpu.dma_semaphore, #tpu.memory_space<semaphore_mem>>)
    tpu.enqueue_dma source(%arg9 : memref<64xf32, #tpu.memory_space<hbm>>) target(%arg22 : memref<64xf32, #tpu.memory_space<vmem>>) target_semaphore(%arg29 : memref<!tpu.dma_semaphore, #tpu.memory_space<semaphore_mem>>)
    %scan3A_173 = arith.constant 0 : i32
    %scan3A_174 = arith.constant 0 : i32
    %scan3A_175 = arith.constant 1024 : i32
    %scan3A_176 = arith.addi %scan3A_174, %scan3A_175 : i32
    %scan3A_177 = arith.constant 1 : i32
    scf.for %scan3A_327 = %scan3A_174 to %scan3A_176 step %scan3A_177  : i32 {
      %mul3A_328 = arith.constant 16 : i32
      %mul3A_329 = arith.muli %scan3A_327, %mul3A_328 : i32
      %swap3A_330 = arith.index_cast %mul3A_329 : i32 to index
      %swap3A_331 = tpu.vector_load %arg27[%swap3A_330] {strides = array<i32>} : memref<16384xf32, #tpu.memory_space<vmem>>, vector<16xf32>,
      tpu.vector_store %arg27[%swap3A_330], %broadcast_in_dim3A_3 {strides = array<i32>} : memref<16384xf32, #tpu.memory_space<vmem>>, vector<16xf32>,
    }
    %scan3A_178 = arith.constant 1024 : i32
    %swap3A_179 = arith.constant 0 : index
    %swap3A_180 = tpu.vector_load %arg28[%swap3A_179] {strides = array<i32>} : memref<64xf32, #tpu.memory_space<vmem>>, vector<16xf32>,
    tpu.vector_store %arg28[%swap3A_179], %broadcast_in_dim3A_3 {strides = array<i32>} : memref<64xf32, #tpu.memory_space<vmem>>, vector<16xf32>,
    %swap3A_181 = arith.constant 16 : index
    %swap3A_182 = tpu.vector_load %arg28[%swap3A_181] {strides = array<i32>} : memref<64xf32, #tpu.memory_space<vmem>>, vector<16xf32>,
    tpu.vector_store %arg28[%swap3A_181], %broadcast_in_dim3A_3 {strides = array<i32>} : memref<64xf32, #tpu.memory_space<vmem>>, vector<16xf32>,
    %swap3A_183 = arith.constant 32 : index
    %swap3A_184 = tpu.vector_load %arg28[%swap3A_183] {strides = array<i32>} : memref<64xf32, #tpu.memory_space<vmem>>, vector<16xf32>,
    tpu.vector_store %arg28[%swap3A_183], %broadcast_in_dim3A_3 {strides = array<i32>} : memref<64xf32, #tpu.memory_space<vmem>>, vector<16xf32>,
    %swap3A_185 = arith.constant 48 : index
    %swap3A_186 = tpu.vector_load %arg28[%swap3A_185] {strides = array<i32>} : memref<64xf32, #tpu.memory_space<vmem>>, vector<16xf32>,
    tpu.vector_store %arg28[%swap3A_185], %broadcast_in_dim3A_3 {strides = array<i32>} : memref<64xf32, #tpu.memory_space<vmem>>, vector<16xf32>,
    %swap3A_187 = arith.constant 0 : index
    %swap3A_188 = tpu.vector_load %arg23[%swap3A_187] {strides = array<i32>} : memref<528xi32, #tpu.memory_space<vmem>>, vector<16xi32>,
    tpu.vector_store %arg23[%swap3A_187], %broadcast_in_dim3A_5 {strides = array<i32>} : memref<528xi32, #tpu.memory_space<vmem>>, vector<16xi32>,
    %swap3A_189 = arith.constant 16 : index
    %swap3A_190 = tpu.vector_load %arg23[%swap3A_189] {strides = array<i32>} : memref<528xi32, #tpu.memory_space<vmem>>, vector<16xi32>,
    tpu.vector_store %arg23[%swap3A_189], %broadcast_in_dim3A_5 {strides = array<i32>} : memref<528xi32, #tpu.memory_space<vmem>>, vector<16xi32>,
    %swap3A_191 = arith.constant 32 : index
    %swap3A_192 = tpu.vector_load %arg23[%swap3A_191] {strides = array<i32>} : memref<528xi32, #tpu.memory_space<vmem>>, vector<16xi32>,
    tpu.vector_store %arg23[%swap3A_191], %broadcast_in_dim3A_5 {strides = array<i32>} : memref<528xi32, #tpu.memory_space<vmem>>, vector<16xi32>,
    %swap3A_193 = arith.constant 48 : index
    %swap3A_194 = tpu.vector_load %arg23[%swap3A_193] {strides = array<i32>} : memref<528xi32, #tpu.memory_space<vmem>>, vector<16xi32>,
    tpu.vector_store %arg23[%swap3A_193], %broadcast_in_dim3A_5 {strides = array<i32>} : memref<528xi32, #tpu.memory_space<vmem>>, vector<16xi32>,
    %swap3A_195 = arith.constant 64 : index
    %swap3A_196 = tpu.vector_load %arg23[%swap3A_195] {strides = array<i32>} : memref<528xi32, #tpu.memory_space<vmem>>, vector<16xi32>,
    tpu.vector_store %arg23[%swap3A_195], %broadcast_in_dim3A_5 {strides = array<i32>} : memref<528xi32, #tpu.memory_space<vmem>>, vector<16xi32>,
    %swap3A_197 = arith.constant 80 : index
    %swap3A_198 = tpu.vector_load %arg23[%swap3A_197] {strides = array<i32>} : memref<528xi32, #tpu.memory_space<vmem>>, vector<16xi32>,
    tpu.vector_store %arg23[%swap3A_197], %broadcast_in_dim3A_5 {strides = array<i32>} : memref<528xi32, #tpu.memory_space<vmem>>, vector<16xi32>,
    %swap3A_199 = arith.constant 96 : index
    %swap3A_200 = tpu.vector_load %arg23[%swap3A_199] {strides = array<i32>} : memref<528xi32, #tpu.memory_space<vmem>>, vector<16xi32>,
    tpu.vector_store %arg23[%swap3A_199], %broadcast_in_dim3A_5 {strides = array<i32>} : memref<528xi32, #tpu.memory_space<vmem>>, vector<16xi32>,
    %swap3A_201 = arith.constant 112 : index
    %swap3A_202 = tpu.vector_load %arg23[%swap3A_201] {strides = array<i32>} : memref<528xi32, #tpu.memory_space<vmem>>, vector<16xi32>,
    tpu.vector_store %arg23[%swap3A_201], %broadcast_in_dim3A_5 {strides = array<i32>} : memref<528xi32, #tpu.memory_space<vmem>>, vector<16xi32>,
    %swap3A_203 = arith.constant 128 : index
    %swap3A_204 = tpu.vector_load %arg23[%swap3A_203] {strides = array<i32>} : memref<528xi32, #tpu.memory_space<vmem>>, vector<16xi32>,
    tpu.vector_store %arg23[%swap3A_203], %broadcast_in_dim3A_5 {strides = array<i32>} : memref<528xi32, #tpu.memory_space<vmem>>, vector<16xi32>,
    %swap3A_205 = arith.constant 144 : index
    %swap3A_206 = tpu.vector_load %arg23[%swap3A_205] {strides = array<i32>} : memref<528xi32, #tpu.memory_space<vmem>>, vector<16xi32>,
    tpu.vector_store %arg23[%swap3A_205], %broadcast_in_dim3A_5 {strides = array<i32>} : memref<528xi32, #tpu.memory_space<vmem>>, vector<16xi32>,
    %swap3A_207 = arith.constant 160 : index
    %swap3A_208 = tpu.vector_load %arg23[%swap3A_207] {strides = array<i32>} : memref<528xi32, #tpu.memory_space<vmem>>, vector<16xi32>,
    tpu.vector_store %arg23[%swap3A_207], %broadcast_in_dim3A_5 {strides = array<i32>} : memref<528xi32, #tpu.memory_space<vmem>>, vector<16xi32>,
    %swap3A_209 = arith.constant 176 : index
    %swap3A_210 = tpu.vector_load %arg23[%swap3A_209] {strides = array<i32>} : memref<528xi32, #tpu.memory_space<vmem>>, vector<16xi32>,
    tpu.vector_store %arg23[%swap3A_209], %broadcast_in_dim3A_5 {strides = array<i32>} : memref<528xi32, #tpu.memory_space<vmem>>, vector<16xi32>,
    %swap3A_211 = arith.constant 192 : index
    %swap3A_212 = tpu.vector_load %arg23[%swap3A_211] {strides = array<i32>} : memref<528xi32, #tpu.memory_space<vmem>>, vector<16xi32>,
    tpu.vector_store %arg23[%swap3A_211], %broadcast_in_dim3A_5 {strides = array<i32>} : memref<528xi32, #tpu.memory_space<vmem>>, vector<16xi32>,
    %swap3A_213 = arith.constant 208 : index
    %swap3A_214 = tpu.vector_load %arg23[%swap3A_213] {strides = array<i32>} : memref<528xi32, #tpu.memory_space<vmem>>, vector<16xi32>,
    tpu.vector_store %arg23[%swap3A_213], %broadcast_in_dim3A_5 {strides = array<i32>} : memref<528xi32, #tpu.memory_space<vmem>>, vector<16xi32>,
    %swap3A_215 = arith.constant 224 : index
    %swap3A_216 = tpu.vector_load %arg23[%swap3A_215] {strides = array<i32>} : memref<528xi32, #tpu.memory_space<vmem>>, vector<16xi32>,
    tpu.vector_store %arg23[%swap3A_215], %broadcast_in_dim3A_5 {strides = array<i32>} : memref<528xi32, #tpu.memory_space<vmem>>, vector<16xi32>,
    %swap3A_217 = arith.constant 240 : index
    %swap3A_218 = tpu.vector_load %arg23[%swap3A_217] {strides = array<i32>} : memref<528xi32, #tpu.memory_space<vmem>>, vector<16xi32>,
    tpu.vector_store %arg23[%swap3A_217], %broadcast_in_dim3A_5 {strides = array<i32>} : memref<528xi32, #tpu.memory_space<vmem>>, vector<16xi32>,
    %swap3A_219 = arith.constant 256 : index
    %swap3A_220 = tpu.vector_load %arg23[%swap3A_219] {strides = array<i32>} : memref<528xi32, #tpu.memory_space<vmem>>, vector<16xi32>,
    tpu.vector_store %arg23[%swap3A_219], %broadcast_in_dim3A_5 {strides = array<i32>} : memref<528xi32, #tpu.memory_space<vmem>>, vector<16xi32>,
    %swap3A_221 = arith.constant 272 : index
    %swap3A_222 = tpu.vector_load %arg23[%swap3A_221] {strides = array<i32>} : memref<528xi32, #tpu.memory_space<vmem>>, vector<16xi32>,
    tpu.vector_store %arg23[%swap3A_221], %broadcast_in_dim3A_5 {strides = array<i32>} : memref<528xi32, #tpu.memory_space<vmem>>, vector<16xi32>,
    %swap3A_223 = arith.constant 288 : index
    %swap3A_224 = tpu.vector_load %arg23[%swap3A_223] {strides = array<i32>} : memref<528xi32, #tpu.memory_space<vmem>>, vector<16xi32>,
    tpu.vector_store %arg23[%swap3A_223], %broadcast_in_dim3A_5 {strides = array<i32>} : memref<528xi32, #tpu.memory_space<vmem>>, vector<16xi32>,
    %swap3A_225 = arith.constant 304 : index
    %swap3A_226 = tpu.vector_load %arg23[%swap3A_225] {strides = array<i32>} : memref<528xi32, #tpu.memory_space<vmem>>, vector<16xi32>,
    tpu.vector_store %arg23[%swap3A_225], %broadcast_in_dim3A_5 {strides = array<i32>} : memref<528xi32, #tpu.memory_space<vmem>>, vector<16xi32>,
    %swap3A_227 = arith.constant 320 : index
    %swap3A_228 = tpu.vector_load %arg23[%swap3A_227] {strides = array<i32>} : memref<528xi32, #tpu.memory_space<vmem>>, vector<16xi32>,
    tpu.vector_store %arg23[%swap3A_227], %broadcast_in_dim3A_5 {strides = array<i32>} : memref<528xi32, #tpu.memory_space<vmem>>, vector<16xi32>,
    %swap3A_229 = arith.constant 336 : index
    %swap3A_230 = tpu.vector_load %arg23[%swap3A_229] {strides = array<i32>} : memref<528xi32, #tpu.memory_space<vmem>>, vector<16xi32>,
    tpu.vector_store %arg23[%swap3A_229], %broadcast_in_dim3A_5 {strides = array<i32>} : memref<528xi32, #tpu.memory_space<vmem>>, vector<16xi32>,
    %swap3A_231 = arith.constant 352 : index
    %swap3A_232 = tpu.vector_load %arg23[%swap3A_231] {strides = array<i32>} : memref<528xi32, #tpu.memory_space<vmem>>, vector<16xi32>,
    tpu.vector_store %arg23[%swap3A_231], %broadcast_in_dim3A_5 {strides = array<i32>} : memref<528xi32, #tpu.memory_space<vmem>>, vector<16xi32>,
    %swap3A_233 = arith.constant 368 : index
    %swap3A_234 = tpu.vector_load %arg23[%swap3A_233] {strides = array<i32>} : memref<528xi32, #tpu.memory_space<vmem>>, vector<16xi32>,
    tpu.vector_store %arg23[%swap3A_233], %broadcast_in_dim3A_5 {strides = array<i32>} : memref<528xi32, #tpu.memory_space<vmem>>, vector<16xi32>,
    %swap3A_235 = arith.constant 384 : index
    %swap3A_236 = tpu.vector_load %arg23[%swap3A_235] {strides = array<i32>} : memref<528xi32, #tpu.memory_space<vmem>>, vector<16xi32>,
    tpu.vector_store %arg23[%swap3A_235], %broadcast_in_dim3A_5 {strides = array<i32>} : memref<528xi32, #tpu.memory_space<vmem>>, vector<16xi32>,
    %swap3A_237 = arith.constant 400 : index
    %swap3A_238 = tpu.vector_load %arg23[%swap3A_237] {strides = array<i32>} : memref<528xi32, #tpu.memory_space<vmem>>, vector<16xi32>,
    tpu.vector_store %arg23[%swap3A_237], %broadcast_in_dim3A_5 {strides = array<i32>} : memref<528xi32, #tpu.memory_space<vmem>>, vector<16xi32>,
    %swap3A_239 = arith.constant 416 : index
    %swap3A_240 = tpu.vector_load %arg23[%swap3A_239] {strides = array<i32>} : memref<528xi32, #tpu.memory_space<vmem>>, vector<16xi32>,
    tpu.vector_store %arg23[%swap3A_239], %broadcast_in_dim3A_5 {strides = array<i32>} : memref<528xi32, #tpu.memory_space<vmem>>, vector<16xi32>,
    %swap3A_241 = arith.constant 432 : index
    %swap3A_242 = tpu.vector_load %arg23[%swap3A_241] {strides = array<i32>} : memref<528xi32, #tpu.memory_space<vmem>>, vector<16xi32>,
    tpu.vector_store %arg23[%swap3A_241], %broadcast_in_dim3A_5 {strides = array<i32>} : memref<528xi32, #tpu.memory_space<vmem>>, vector<16xi32>,
    %swap3A_243 = arith.constant 448 : index
    %swap3A_244 = tpu.vector_load %arg23[%swap3A_243] {strides = array<i32>} : memref<528xi32, #tpu.memory_space<vmem>>, vector<16xi32>,
    tpu.vector_store %arg23[%swap3A_243], %broadcast_in_dim3A_5 {strides = array<i32>} : memref<528xi32, #tpu.memory_space<vmem>>, vector<16xi32>,
    %swap3A_245 = arith.constant 464 : index
    %swap3A_246 = tpu.vector_load %arg23[%swap3A_245] {strides = array<i32>} : memref<528xi32, #tpu.memory_space<vmem>>, vector<16xi32>,
    tpu.vector_store %arg23[%swap3A_245], %broadcast_in_dim3A_5 {strides = array<i32>} : memref<528xi32, #tpu.memory_space<vmem>>, vector<16xi32>,
    %swap3A_247 = arith.constant 480 : index
    %swap3A_248 = tpu.vector_load %arg23[%swap3A_247] {strides = array<i32>} : memref<528xi32, #tpu.memory_space<vmem>>, vector<16xi32>,
    tpu.vector_store %arg23[%swap3A_247], %broadcast_in_dim3A_5 {strides = array<i32>} : memref<528xi32, #tpu.memory_space<vmem>>, vector<16xi32>,
    %swap3A_249 = arith.constant 496 : index
    %swap3A_250 = tpu.vector_load %arg23[%swap3A_249] {strides = array<i32>} : memref<528xi32, #tpu.memory_space<vmem>>, vector<16xi32>,
    tpu.vector_store %arg23[%swap3A_249], %broadcast_in_dim3A_5 {strides = array<i32>} : memref<528xi32, #tpu.memory_space<vmem>>, vector<16xi32>,
    %dma_wait3A_251 = arith.constant 0 : i32
    %dma_wait3A_252 = tpu.memref_slice %arg18[%dma_wait3A_251] : memref<5008xi32, #tpu.memory_space<vmem>> -> memref<5000xi32, #tpu.memory_space<vmem>>
    %dma_wait3A_253 = tpu.memref_slice %arg4[%mul3A_2] : memref<160000xi32, #tpu.memory_space<hbm>> -> memref<5000xi32, #tpu.memory_space<hbm>>
    %dma_wait3A_254 = arith.constant 0 : i32
    %dma_wait3A_255 = tpu.memref_slice %arg18[%dma_wait3A_254] : memref<5008xi32, #tpu.memory_space<vmem>> -> memref<5000xi32, #tpu.memory_space<vmem>>
    %dma_wait3A_256 = tpu.memref_slice %arg4[%mul3A_2] : memref<160000xi32, #tpu.memory_space<hbm>> -> memref<5000xi32, #tpu.memory_space<hbm>>
    tpu.wait_dma2 semaphore(%arg29 : memref<!tpu.dma_semaphore, #tpu.memory_space<semaphore_mem>>) src(%dma_wait3A_256 : memref<5000xi32, #tpu.memory_space<hbm>>) dst(%dma_wait3A_255 : memref<5000xi32, #tpu.memory_space<vmem>>)
    %dma_wait3A_257 = arith.constant 0 : i32
    %dma_wait3A_258 = tpu.memref_slice %arg19[%dma_wait3A_257] : memref<5008xi32, #tpu.memory_space<vmem>> -> memref<5000xi32, #tpu.memory_space<vmem>>
    %dma_wait3A_259 = tpu.memref_slice %arg5[%mul3A_2] : memref<160000xi32, #tpu.memory_space<hbm>> -> memref<5000xi32, #tpu.memory_space<hbm>>
    %dma_wait3A_260 = arith.constant 0 : i32
    %dma_wait3A_261 = tpu.memref_slice %arg19[%dma_wait3A_260] : memref<5008xi32, #tpu.memory_space<vmem>> -> memref<5000xi32, #tpu.memory_space<vmem>>
    %dma_wait3A_262 = tpu.memref_slice %arg5[%mul3A_2] : memref<160000xi32, #tpu.memory_space<hbm>> -> memref<5000xi32, #tpu.memory_space<hbm>>
    tpu.wait_dma2 semaphore(%arg29 : memref<!tpu.dma_semaphore, #tpu.memory_space<semaphore_mem>>) src(%dma_wait3A_262 : memref<5000xi32, #tpu.memory_space<hbm>>) dst(%dma_wait3A_261 : memref<5000xi32, #tpu.memory_space<vmem>>)
    tpu.wait_dma2 semaphore(%arg29 : memref<!tpu.dma_semaphore, #tpu.memory_space<semaphore_mem>>) src(%arg7 : memref<10000xf32, #tpu.memory_space<hbm>>) dst(%arg20 : memref<10000xf32, #tpu.memory_space<vmem>>)
    tpu.wait_dma2 semaphore(%arg29 : memref<!tpu.dma_semaphore, #tpu.memory_space<semaphore_mem>>) src(%arg11 : memref<10080xi32, #tpu.memory_space<hbm>>) dst(%arg21 : memref<10080xi32, #tpu.memory_space<vmem>>)
    tpu.wait_dma2 semaphore(%arg29 : memref<!tpu.dma_semaphore, #tpu.memory_space<semaphore_mem>>) src(%arg9 : memref<64xf32, #tpu.memory_space<hbm>>) dst(%arg22 : memref<64xf32, #tpu.memory_space<vmem>>)
    %add3A_263 = arith.constant 4992 : i32
    %add3A_264 = vector.broadcast %add3A_263 : i32 to vector<16xi32>
    %add3A_265 = arith.addi %iota3A, %add3A_264 : vector<16xi32>
    tpu.vector_store_idx %arg18[%add3A_265], %broadcast_in_dim3A_5 masked %ge3A_9 : memref<5008xi32, #tpu.memory_space<vmem>>[vector<16xi32>], vector<16xi32>, vector<16xi1>
    %add3A_266 = arith.constant 4992 : i32
    %add3A_267 = vector.broadcast %add3A_266 : i32 to vector<16xi32>
    %add3A_268 = arith.addi %iota3A, %add3A_267 : vector<16xi32>
    %broadcast_in_dim3A_269 = arith.constant 10079 : i32
    %broadcast_in_dim3A_270 = vector.broadcast %broadcast_in_dim3A_269 : i32 to vector<16xi32>
    tpu.vector_store_idx %arg19[%add3A_268], %broadcast_in_dim3A_270 masked %ge3A_9 : memref<5008xi32, #tpu.memory_space<vmem>>[vector<16xi32>], vector<16xi32>, vector<16xi1>
    %broadcast_in_dim3A_271 = arith.constant 0 : i32
    "tpu.trace_stop"() : () -> ()
    "tpu.trace_start"() <{level = 10 : i32, message = "p1_1"}> : () -> ()
    %broadcast_in_dim3A_272 = vector.broadcast %broadcast_in_dim3A_271 : i32 to vector<16xi32>
    %scan3A_273 = arith.constant 0 : i32
    %scan3A_274 = arith.constant 313 : i32
    %scan3A_275 = arith.addi %scan3A_273, %scan3A_274 : i32
    %scan3A_276 = arith.constant 1 : i32
    %scan3A_277 = scf.for %scan3A_327 = %scan3A_273 to %scan3A_275 step %scan3A_276 iter_args(%scan3A_328 = %broadcast_in_dim3A_272) -> (vector<16xi32>)  : i32 {
      %mul3A_329 = arith.constant 16 : i32
      %mul3A_330 = arith.muli %scan3A_327, %mul3A_329 : i32
      %get3A = arith.index_cast %mul3A_330 : i32 to index
      %get3A_331 = tpu.vector_load %arg19[%get3A] {strides = array<i32>} : memref<5008xi32, #tpu.memory_space<vmem>>, vector<16xi32>,
      %mul3A_332 = arith.constant 16 : i32
      %mul3A_333 = arith.muli %scan3A_327, %mul3A_332 : i32
      %get3A_334 = arith.index_cast %mul3A_333 : i32 to index
      %get3A_335 = tpu.vector_load %arg18[%get3A_334] {strides = array<i32>} : memref<5008xi32, #tpu.memory_space<vmem>>, vector<16xi32>,
      %gather3A = tpu.vector_load_idx %arg21[%get3A_331] : memref<10080xi32, #tpu.memory_space<vmem>>[vector<16xi32>], vector<16xi32>,
      %ge3A_336 = arith.constant 0 : i32
      %ge3A_337 = vector.broadcast %ge3A_336 : i32 to vector<16xi32>
      %ge3A_338 = arith.cmpi sge, %gather3A, %ge3A_337 : vector<16xi32>
      %max3A = arith.constant 0 : i32
      %max3A_339 = vector.broadcast %max3A : i32 to vector<16xi32>
      %max3A_340 = arith.maxsi %gather3A, %max3A_339 : vector<16xi32>
      %gather3A_341 = tpu.vector_load_idx %arg20[%get3A_335] masked %ge3A_338 : memref<10000xf32, #tpu.memory_space<vmem>>[vector<16xi32>], vector<16xf32>, vector<16xi1>
      %gather3A_342 = tpu.vector_load_idx %arg22[%max3A_340] masked %ge3A_338 : memref<64xf32, #tpu.memory_space<vmem>>[vector<16xi32>], vector<16xf32>, vector<16xi1>
      %add3A_343 = arith.addf %gather3A_341, %gather3A_342 : vector<16xf32>
      %ge3A_344 = arith.constant 0.000000e+00 : f32
      %ge3A_345 = vector.broadcast %ge3A_344 : f32 to vector<16xf32>
      %ge3A_346 = arith.cmpf oge, %add3A_343, %ge3A_345 : vector<16xf32>
      %mul3A_347 = arith.constant 2.000000e-01 : f32
      %mul3A_348 = vector.broadcast %mul3A_347 : f32 to vector<16xf32>
      %mul3A_349 = arith.mulf %mul3A_348, %add3A_343 : vector<16xf32>
      %select_n3A_350 = arith.select %ge3A_346, %add3A_343, %mul3A_349 : vector<16xi1>, vector<16xf32>
      %exp3A = math.exp %select_n3A_350 : vector<16xf32>
      %jit3A_351 = arith.constant 0.000000e+00 : f32
      %broadcast_in_dim3A_352 = vector.broadcast %jit3A_351 : f32 to vector<16xf32>
      %select_n3A_353 = arith.select %ge3A_338, %exp3A, %broadcast_in_dim3A_352 : vector<16xi1>, vector<16xf32>
      %convert_element_type3A = arith.extui %ge3A_338 : vector<16xi1> to vector<16xi32>
      %broadcast_in_dim3A_354 = arith.constant true
      %broadcast_in_dim3A_355 = vector.broadcast %broadcast_in_dim3A_354 : i1 to vector<16xi1>
      %masked_cumsum3A = tpu.scan <sum>, %convert_element_type3A masked %broadcast_in_dim3A_355 : vector<16xi32>, vector<16xi1> -> vector<16xi32>
      %add3A_356 = arith.addi %scan3A_328, %masked_cumsum3A : vector<16xi32>
      %sub3A_357 = arith.constant 1 : i32
      %sub3A_358 = vector.broadcast %sub3A_357 : i32 to vector<16xi32>
      %sub3A_359 = arith.subi %add3A_356, %sub3A_358 : vector<16xi32>
      %max3A_360 = arith.constant 0 : i32
      %max3A_361 = vector.broadcast %max3A_360 : i32 to vector<16xi32>
      %max3A_362 = arith.maxsi %sub3A_359, %max3A_361 : vector<16xi32>
      %min3A_363 = arith.constant 511 : i32
      %min3A_364 = vector.broadcast %min3A_363 : i32 to vector<16xi32>
      %min3A_365 = arith.minsi %max3A_362, %min3A_364 : vector<16xi32>
      tpu.vector_store_idx %arg23[%min3A_365], %get3A_335 masked %ge3A_338 : memref<528xi32, #tpu.memory_space<vmem>>[vector<16xi32>], vector<16xi32>, vector<16xi1>
      tpu.vector_store_idx %arg24[%min3A_365], %gather3A masked %ge3A_338 : memref<528xi32, #tpu.memory_space<vmem>>[vector<16xi32>], vector<16xi32>, vector<16xi1>
      tpu.vector_store_idx %arg25[%min3A_365], %select_n3A_353 masked %ge3A_338 : memref<528xf32, #tpu.memory_space<vmem>>[vector<16xi32>], vector<16xf32>, vector<16xi1>
      %all_reduce_population_count3A = tpu.all_reduce %ge3A_338 {dim = 0 : i64, kind = #tpu.reduction_kind<sum>} : vector<16xi1> -> vector<16xi32>
      %add3A_366 = arith.addi %scan3A_328, %all_reduce_population_count3A : vector<16xi32>
      scf.yield %add3A_366 : vector<16xi32>
    }
    %scan3A_278 = arith.constant 313 : i32
    %reduce_max3A_279 = arith.constant true
    %reduce_max3A_280 = vector.broadcast %reduce_max3A_279 : i1 to vector<16xi1>
    %reduce_max3A_281 = arith.constant -2147483648 : i32
    %reduce_max3A_282 = vector.broadcast %reduce_max3A_281 : i32 to vector<16xi32>
    %reduce_max3A_283 = arith.xori %scan3A_277, %reduce_max3A_282 : vector<16xi32>
    %reduce_max3A_284 = tpu.scan <max>, %reduce_max3A_283 masked %reduce_max3A_280 : vector<16xi32>, vector<16xi1> -> vector<16xi32>
    %reduce_max3A_285 = arith.xori %reduce_max3A_284, %reduce_max3A_282 : vector<16xi32>
    %reduce_max3A_286 = vector.extract %reduce_max3A_285[15] : i32 from vector<16xi32>
    %min3A_287 = arith.constant 512 : i32
    %min3A_288 = arith.minsi %reduce_max3A_286, %min3A_287 : i32
    "tpu.trace_stop"() : () -> ()
    "tpu.trace_start"() <{level = 10 : i32, message = "p2_1"}> : () -> ()
    %add3A_289 = arith.constant 8 : i32
    %add3A_290 = arith.addi %min3A_288, %add3A_289 : i32
    %sub3A_291 = arith.constant 1 : i32
    %sub3A_292 = arith.subi %add3A_290, %sub3A_291 : i32
    %jit3A_293 = arith.constant 8 : i32
    %div3A_294 = arith.divsi %sub3A_292, %jit3A_293 : i32
    %sign3A_295 = arith.constant 0 : i32
    %sign3A_296 = arith.cmpi sgt, %sub3A_292, %sign3A_295 : i32
    %sign3A_297 = arith.extui %sign3A_296 : i1 to i32
    %sign3A_298 = arith.constant 0 : i32
    %sign3A_299 = arith.cmpi slt, %sub3A_292, %sign3A_298 : i32
    %sign3A_300 = arith.extui %sign3A_299 : i1 to i32
    %sign3A_301 = arith.subi %sign3A_297, %sign3A_300 : i32
    %sign3A_302 = arith.constant 0 : i32
    %sign3A_303 = arith.cmpi sgt, %jit3A_293, %sign3A_302 : i32
    %sign3A_304 = arith.extui %sign3A_303 : i1 to i32
    %sign3A_305 = arith.constant 0 : i32
    %sign3A_306 = arith.cmpi slt, %jit3A_293, %sign3A_305 : i32
    %sign3A_307 = arith.extui %sign3A_306 : i1 to i32
    %sign3A_308 = arith.subi %sign3A_304, %sign3A_307 : i32
    %ne3A_309 = arith.cmpi ne, %sign3A_301, %sign3A_308 : i32
    %rem3A_310 = arith.remsi %sub3A_292, %jit3A_293 : i32
    %ne3A_311 = arith.constant 0 : i32
    %ne3A_312 = arith.cmpi ne, %rem3A_310, %ne3A_311 : i32
    %and3A_313 = arith.andi %ne3A_309, %ne3A_312 : i1
    %sub3A_314 = arith.constant 1 : i32
    %sub3A_315 = arith.subi %div3A_294, %sub3A_314 : i32
    %select_n3A_316 = arith.select %and3A_313, %sub3A_315, %div3A_294 : i32
    %while3A_317 = arith.constant 0 : i32
    %while3A_318 = arith.constant 0 : i32
    %while3A_319 = arith.subi %select_n3A_316, %while3A_318 : i32
    %while3A_320 = arith.addi %while3A_318, %while3A_319 : i32
    %while3A_321 = arith.constant 1 : i32
    %while3A_322 = arith.divsi %while3A_319, %while3A_321 : i32
    %while3A_323 = arith.muli %while3A_322, %while3A_321 : i32
    %while3A_324 = arith.addi %while3A_318, %while3A_323 : i32
    %while3A_325 = arith.constant 1 : i32
    scf.for %while3A_327 = %while3A_318 to %while3A_324 step %while3A_325  : i32 {
      %mul3A_328 = arith.constant 8 : i32
      %mul3A_329 = arith.muli %while3A_327, %mul3A_328 : i32
      "tpu.trace_start"() <{level = 10 : i32, message = "dma1"}> : () -> ()
      %add3A_330 = arith.constant 0 : i32
      %add3A_331 = arith.addi %mul3A_329, %add3A_330 : i32
      %get3A = arith.index_cast %add3A_331 : i32 to index
      %get3A_332 = tpu.vector_load %arg23[%get3A] {strides = array<i32>} : memref<528xi32, #tpu.memory_space<vmem>>, vector<16xi32>,
      %slice3A = vector.extract_strided_slice %get3A_332 {offsets = [0], sizes = [1], strides = [1]} : vector<16xi32> to vector<1xi32>
      %squeeze3A = vector.extract %slice3A[0] : i32 from vector<1xi32>
      %dma_start3A_333 = arith.constant 0 : i32
      %dma_start3A_334 = arith.constant 0 : i32
      %dma_start3A_335 = tpu.memref_slice %arg26[%dma_start3A_333, %dma_start3A_334] : memref<8x256xf32, #tpu.memory_space<vmem>> -> memref<1x256xf32, #tpu.memory_space<vmem>>
      %dma_start3A_336 = tpu.memref_squeeze %dma_start3A_335 : memref<1x256xf32, #tpu.memory_space<vmem>> -> memref<256xf32, #tpu.memory_space<vmem>>
      %dma_start3A_337 = arith.constant 0 : i32
      %dma_start3A_338 = tpu.memref_slice %arg13[%squeeze3A, %dma_start3A_337] : memref<10000x256xf32, #tpu.memory_space<hbm>> -> memref<1x256xf32, #tpu.memory_space<hbm>>
      %dma_start3A_339 = tpu.memref_squeeze %dma_start3A_338 : memref<1x256xf32, #tpu.memory_space<hbm>> -> memref<256xf32, #tpu.memory_space<hbm>>
      %dma_start3A_340 = arith.constant 0 : i32
      %dma_start3A_341 = tpu.memref_slice %arg26[%dma_start3A_333, %dma_start3A_340] : memref<8x256xf32, #tpu.memory_space<vmem>> -> memref<1x256xf32, #tpu.memory_space<vmem>>
      %dma_start3A_342 = tpu.memref_squeeze %dma_start3A_341 : memref<1x256xf32, #tpu.memory_space<vmem>> -> memref<256xf32, #tpu.memory_space<vmem>>
      %dma_start3A_343 = arith.constant 0 : i32
      %dma_start3A_344 = tpu.memref_slice %arg13[%squeeze3A, %dma_start3A_343] : memref<10000x256xf32, #tpu.memory_space<hbm>> -> memref<1x256xf32, #tpu.memory_space<hbm>>
      %dma_start3A_345 = tpu.memref_squeeze %dma_start3A_344 : memref<1x256xf32, #tpu.memory_space<hbm>> -> memref<256xf32, #tpu.memory_space<hbm>>
      tpu.enqueue_dma source(%dma_start3A_345 : memref<256xf32, #tpu.memory_space<hbm>>) target(%dma_start3A_342 : memref<256xf32, #tpu.memory_space<vmem>>) target_semaphore(%arg29 : memref<!tpu.dma_semaphore, #tpu.memory_space<semaphore_mem>>)
      %add3A_346 = arith.constant 1 : i32
      %add3A_347 = arith.addi %mul3A_329, %add3A_346 : i32
      %get3A_348 = arith.index_cast %add3A_347 : i32 to index
      %get3A_349 = tpu.vector_load %arg23[%get3A_348] {strides = array<i32>} : memref<528xi32, #tpu.memory_space<vmem>>, vector<16xi32>,
      %slice3A_350 = vector.extract_strided_slice %get3A_349 {offsets = [0], sizes = [1], strides = [1]} : vector<16xi32> to vector<1xi32>
      %squeeze3A_351 = vector.extract %slice3A_350[0] : i32 from vector<1xi32>
      %dma_start3A_352 = arith.constant 1 : i32
      %dma_start3A_353 = arith.constant 0 : i32
      %dma_start3A_354 = tpu.memref_slice %arg26[%dma_start3A_352, %dma_start3A_353] : memref<8x256xf32, #tpu.memory_space<vmem>> -> memref<1x256xf32, #tpu.memory_space<vmem>>
      %dma_start3A_355 = tpu.memref_squeeze %dma_start3A_354 : memref<1x256xf32, #tpu.memory_space<vmem>> -> memref<256xf32, #tpu.memory_space<vmem>>
      %dma_start3A_356 = arith.constant 0 : i32
      %dma_start3A_357 = tpu.memref_slice %arg13[%squeeze3A_351, %dma_start3A_356] : memref<10000x256xf32, #tpu.memory_space<hbm>> -> memref<1x256xf32, #tpu.memory_space<hbm>>
      %dma_start3A_358 = tpu.memref_squeeze %dma_start3A_357 : memref<1x256xf32, #tpu.memory_space<hbm>> -> memref<256xf32, #tpu.memory_space<hbm>>
      %dma_start3A_359 = arith.constant 0 : i32
      %dma_start3A_360 = tpu.memref_slice %arg26[%dma_start3A_352, %dma_start3A_359] : memref<8x256xf32, #tpu.memory_space<vmem>> -> memref<1x256xf32, #tpu.memory_space<vmem>>
      %dma_start3A_361 = tpu.memref_squeeze %dma_start3A_360 : memref<1x256xf32, #tpu.memory_space<vmem>> -> memref<256xf32, #tpu.memory_space<vmem>>
      %dma_start3A_362 = arith.constant 0 : i32
      %dma_start3A_363 = tpu.memref_slice %arg13[%squeeze3A_351, %dma_start3A_362] : memref<10000x256xf32, #tpu.memory_space<hbm>> -> memref<1x256xf32, #tpu.memory_space<hbm>>
      %dma_start3A_364 = tpu.memref_squeeze %dma_start3A_363 : memref<1x256xf32, #tpu.memory_space<hbm>> -> memref<256xf32, #tpu.memory_space<hbm>>
      tpu.enqueue_dma source(%dma_start3A_364 : memref<256xf32, #tpu.memory_space<hbm>>) target(%dma_start3A_361 : memref<256xf32, #tpu.memory_space<vmem>>) target_semaphore(%arg29 : memref<!tpu.dma_semaphore, #tpu.memory_space<semaphore_mem>>)
      %add3A_365 = arith.constant 2 : i32
      %add3A_366 = arith.addi %mul3A_329, %add3A_365 : i32
      %get3A_367 = arith.index_cast %add3A_366 : i32 to index
      %get3A_368 = tpu.vector_load %arg23[%get3A_367] {strides = array<i32>} : memref<528xi32, #tpu.memory_space<vmem>>, vector<16xi32>,
      %slice3A_369 = vector.extract_strided_slice %get3A_368 {offsets = [0], sizes = [1], strides = [1]} : vector<16xi32> to vector<1xi32>
      %squeeze3A_370 = vector.extract %slice3A_369[0] : i32 from vector<1xi32>
      %dma_start3A_371 = arith.constant 2 : i32
      %dma_start3A_372 = arith.constant 0 : i32
      %dma_start3A_373 = tpu.memref_slice %arg26[%dma_start3A_371, %dma_start3A_372] : memref<8x256xf32, #tpu.memory_space<vmem>> -> memref<1x256xf32, #tpu.memory_space<vmem>>
      %dma_start3A_374 = tpu.memref_squeeze %dma_start3A_373 : memref<1x256xf32, #tpu.memory_space<vmem>> -> memref<256xf32, #tpu.memory_space<vmem>>
      %dma_start3A_375 = arith.constant 0 : i32
      %dma_start3A_376 = tpu.memref_slice %arg13[%squeeze3A_370, %dma_start3A_375] : memref<10000x256xf32, #tpu.memory_space<hbm>> -> memref<1x256xf32, #tpu.memory_space<hbm>>
      %dma_start3A_377 = tpu.memref_squeeze %dma_start3A_376 : memref<1x256xf32, #tpu.memory_space<hbm>> -> memref<256xf32, #tpu.memory_space<hbm>>
      %dma_start3A_378 = arith.constant 0 : i32
      %dma_start3A_379 = tpu.memref_slice %arg26[%dma_start3A_371, %dma_start3A_378] : memref<8x256xf32, #tpu.memory_space<vmem>> -> memref<1x256xf32, #tpu.memory_space<vmem>>
      %dma_start3A_380 = tpu.memref_squeeze %dma_start3A_379 : memref<1x256xf32, #tpu.memory_space<vmem>> -> memref<256xf32, #tpu.memory_space<vmem>>
      %dma_start3A_381 = arith.constant 0 : i32
      %dma_start3A_382 = tpu.memref_slice %arg13[%squeeze3A_370, %dma_start3A_381] : memref<10000x256xf32, #tpu.memory_space<hbm>> -> memref<1x256xf32, #tpu.memory_space<hbm>>
      %dma_start3A_383 = tpu.memref_squeeze %dma_start3A_382 : memref<1x256xf32, #tpu.memory_space<hbm>> -> memref<256xf32, #tpu.memory_space<hbm>>
      tpu.enqueue_dma source(%dma_start3A_383 : memref<256xf32, #tpu.memory_space<hbm>>) target(%dma_start3A_380 : memref<256xf32, #tpu.memory_space<vmem>>) target_semaphore(%arg29 : memref<!tpu.dma_semaphore, #tpu.memory_space<semaphore_mem>>)
      %add3A_384 = arith.constant 3 : i32
      %add3A_385 = arith.addi %mul3A_329, %add3A_384 : i32
      %get3A_386 = arith.index_cast %add3A_385 : i32 to index
      %get3A_387 = tpu.vector_load %arg23[%get3A_386] {strides = array<i32>} : memref<528xi32, #tpu.memory_space<vmem>>, vector<16xi32>,
      %slice3A_388 = vector.extract_strided_slice %get3A_387 {offsets = [0], sizes = [1], strides = [1]} : vector<16xi32> to vector<1xi32>
      %squeeze3A_389 = vector.extract %slice3A_388[0] : i32 from vector<1xi32>
      %dma_start3A_390 = arith.constant 3 : i32
      %dma_start3A_391 = arith.constant 0 : i32
      %dma_start3A_392 = tpu.memref_slice %arg26[%dma_start3A_390, %dma_start3A_391] : memref<8x256xf32, #tpu.memory_space<vmem>> -> memref<1x256xf32, #tpu.memory_space<vmem>>
      %dma_start3A_393 = tpu.memref_squeeze %dma_start3A_392 : memref<1x256xf32, #tpu.memory_space<vmem>> -> memref<256xf32, #tpu.memory_space<vmem>>
      %dma_start3A_394 = arith.constant 0 : i32
      %dma_start3A_395 = tpu.memref_slice %arg13[%squeeze3A_389, %dma_start3A_394] : memref<10000x256xf32, #tpu.memory_space<hbm>> -> memref<1x256xf32, #tpu.memory_space<hbm>>
      %dma_start3A_396 = tpu.memref_squeeze %dma_start3A_395 : memref<1x256xf32, #tpu.memory_space<hbm>> -> memref<256xf32, #tpu.memory_space<hbm>>
      %dma_start3A_397 = arith.constant 0 : i32
      %dma_start3A_398 = tpu.memref_slice %arg26[%dma_start3A_390, %dma_start3A_397] : memref<8x256xf32, #tpu.memory_space<vmem>> -> memref<1x256xf32, #tpu.memory_space<vmem>>
      %dma_start3A_399 = tpu.memref_squeeze %dma_start3A_398 : memref<1x256xf32, #tpu.memory_space<vmem>> -> memref<256xf32, #tpu.memory_space<vmem>>
      %dma_start3A_400 = arith.constant 0 : i32
      %dma_start3A_401 = tpu.memref_slice %arg13[%squeeze3A_389, %dma_start3A_400] : memref<10000x256xf32, #tpu.memory_space<hbm>> -> memref<1x256xf32, #tpu.memory_space<hbm>>
      %dma_start3A_402 = tpu.memref_squeeze %dma_start3A_401 : memref<1x256xf32, #tpu.memory_space<hbm>> -> memref<256xf32, #tpu.memory_space<hbm>>
      tpu.enqueue_dma source(%dma_start3A_402 : memref<256xf32, #tpu.memory_space<hbm>>) target(%dma_start3A_399 : memref<256xf32, #tpu.memory_space<vmem>>) target_semaphore(%arg29 : memref<!tpu.dma_semaphore, #tpu.memory_space<semaphore_mem>>)
      %add3A_403 = arith.constant 4 : i32
      %add3A_404 = arith.addi %mul3A_329, %add3A_403 : i32
      %get3A_405 = arith.index_cast %add3A_404 : i32 to index
      %get3A_406 = tpu.vector_load %arg23[%get3A_405] {strides = array<i32>} : memref<528xi32, #tpu.memory_space<vmem>>, vector<16xi32>,
      %slice3A_407 = vector.extract_strided_slice %get3A_406 {offsets = [0], sizes = [1], strides = [1]} : vector<16xi32> to vector<1xi32>
      %squeeze3A_408 = vector.extract %slice3A_407[0] : i32 from vector<1xi32>
      %dma_start3A_409 = arith.constant 4 : i32
      %dma_start3A_410 = arith.constant 0 : i32
      %dma_start3A_411 = tpu.memref_slice %arg26[%dma_start3A_409, %dma_start3A_410] : memref<8x256xf32, #tpu.memory_space<vmem>> -> memref<1x256xf32, #tpu.memory_space<vmem>>
      %dma_start3A_412 = tpu.memref_squeeze %dma_start3A_411 : memref<1x256xf32, #tpu.memory_space<vmem>> -> memref<256xf32, #tpu.memory_space<vmem>>
      %dma_start3A_413 = arith.constant 0 : i32
      %dma_start3A_414 = tpu.memref_slice %arg13[%squeeze3A_408, %dma_start3A_413] : memref<10000x256xf32, #tpu.memory_space<hbm>> -> memref<1x256xf32, #tpu.memory_space<hbm>>
      %dma_start3A_415 = tpu.memref_squeeze %dma_start3A_414 : memref<1x256xf32, #tpu.memory_space<hbm>> -> memref<256xf32, #tpu.memory_space<hbm>>
      %dma_start3A_416 = arith.constant 0 : i32
      %dma_start3A_417 = tpu.memref_slice %arg26[%dma_start3A_409, %dma_start3A_416] : memref<8x256xf32, #tpu.memory_space<vmem>> -> memref<1x256xf32, #tpu.memory_space<vmem>>
      %dma_start3A_418 = tpu.memref_squeeze %dma_start3A_417 : memref<1x256xf32, #tpu.memory_space<vmem>> -> memref<256xf32, #tpu.memory_space<vmem>>
      %dma_start3A_419 = arith.constant 0 : i32
      %dma_start3A_420 = tpu.memref_slice %arg13[%squeeze3A_408, %dma_start3A_419] : memref<10000x256xf32, #tpu.memory_space<hbm>> -> memref<1x256xf32, #tpu.memory_space<hbm>>
      %dma_start3A_421 = tpu.memref_squeeze %dma_start3A_420 : memref<1x256xf32, #tpu.memory_space<hbm>> -> memref<256xf32, #tpu.memory_space<hbm>>
      tpu.enqueue_dma source(%dma_start3A_421 : memref<256xf32, #tpu.memory_space<hbm>>) target(%dma_start3A_418 : memref<256xf32, #tpu.memory_space<vmem>>) target_semaphore(%arg29 : memref<!tpu.dma_semaphore, #tpu.memory_space<semaphore_mem>>)
      %add3A_422 = arith.constant 5 : i32
      %add3A_423 = arith.addi %mul3A_329, %add3A_422 : i32
      %get3A_424 = arith.index_cast %add3A_423 : i32 to index
      %get3A_425 = tpu.vector_load %arg23[%get3A_424] {strides = array<i32>} : memref<528xi32, #tpu.memory_space<vmem>>, vector<16xi32>,
      %slice3A_426 = vector.extract_strided_slice %get3A_425 {offsets = [0], sizes = [1], strides = [1]} : vector<16xi32> to vector<1xi32>
      %squeeze3A_427 = vector.extract %slice3A_426[0] : i32 from vector<1xi32>
      %dma_start3A_428 = arith.constant 5 : i32
      %dma_start3A_429 = arith.constant 0 : i32
      %dma_start3A_430 = tpu.memref_slice %arg26[%dma_start3A_428, %dma_start3A_429] : memref<8x256xf32, #tpu.memory_space<vmem>> -> memref<1x256xf32, #tpu.memory_space<vmem>>
      %dma_start3A_431 = tpu.memref_squeeze %dma_start3A_430 : memref<1x256xf32, #tpu.memory_space<vmem>> -> memref<256xf32, #tpu.memory_space<vmem>>
      %dma_start3A_432 = arith.constant 0 : i32
      %dma_start3A_433 = tpu.memref_slice %arg13[%squeeze3A_427, %dma_start3A_432] : memref<10000x256xf32, #tpu.memory_space<hbm>> -> memref<1x256xf32, #tpu.memory_space<hbm>>
      %dma_start3A_434 = tpu.memref_squeeze %dma_start3A_433 : memref<1x256xf32, #tpu.memory_space<hbm>> -> memref<256xf32, #tpu.memory_space<hbm>>
      %dma_start3A_435 = arith.constant 0 : i32
      %dma_start3A_436 = tpu.memref_slice %arg26[%dma_start3A_428, %dma_start3A_435] : memref<8x256xf32, #tpu.memory_space<vmem>> -> memref<1x256xf32, #tpu.memory_space<vmem>>
      %dma_start3A_437 = tpu.memref_squeeze %dma_start3A_436 : memref<1x256xf32, #tpu.memory_space<vmem>> -> memref<256xf32, #tpu.memory_space<vmem>>
      %dma_start3A_438 = arith.constant 0 : i32
      %dma_start3A_439 = tpu.memref_slice %arg13[%squeeze3A_427, %dma_start3A_438] : memref<10000x256xf32, #tpu.memory_space<hbm>> -> memref<1x256xf32, #tpu.memory_space<hbm>>
      %dma_start3A_440 = tpu.memref_squeeze %dma_start3A_439 : memref<1x256xf32, #tpu.memory_space<hbm>> -> memref<256xf32, #tpu.memory_space<hbm>>
      tpu.enqueue_dma source(%dma_start3A_440 : memref<256xf32, #tpu.memory_space<hbm>>) target(%dma_start3A_437 : memref<256xf32, #tpu.memory_space<vmem>>) target_semaphore(%arg29 : memref<!tpu.dma_semaphore, #tpu.memory_space<semaphore_mem>>)
      %add3A_441 = arith.constant 6 : i32
      %add3A_442 = arith.addi %mul3A_329, %add3A_441 : i32
      %get3A_443 = arith.index_cast %add3A_442 : i32 to index
      %get3A_444 = tpu.vector_load %arg23[%get3A_443] {strides = array<i32>} : memref<528xi32, #tpu.memory_space<vmem>>, vector<16xi32>,
      %slice3A_445 = vector.extract_strided_slice %get3A_444 {offsets = [0], sizes = [1], strides = [1]} : vector<16xi32> to vector<1xi32>
      %squeeze3A_446 = vector.extract %slice3A_445[0] : i32 from vector<1xi32>
      %dma_start3A_447 = arith.constant 6 : i32
      %dma_start3A_448 = arith.constant 0 : i32
      %dma_start3A_449 = tpu.memref_slice %arg26[%dma_start3A_447, %dma_start3A_448] : memref<8x256xf32, #tpu.memory_space<vmem>> -> memref<1x256xf32, #tpu.memory_space<vmem>>
      %dma_start3A_450 = tpu.memref_squeeze %dma_start3A_449 : memref<1x256xf32, #tpu.memory_space<vmem>> -> memref<256xf32, #tpu.memory_space<vmem>>
      %dma_start3A_451 = arith.constant 0 : i32
      %dma_start3A_452 = tpu.memref_slice %arg13[%squeeze3A_446, %dma_start3A_451] : memref<10000x256xf32, #tpu.memory_space<hbm>> -> memref<1x256xf32, #tpu.memory_space<hbm>>
      %dma_start3A_453 = tpu.memref_squeeze %dma_start3A_452 : memref<1x256xf32, #tpu.memory_space<hbm>> -> memref<256xf32, #tpu.memory_space<hbm>>
      %dma_start3A_454 = arith.constant 0 : i32
      %dma_start3A_455 = tpu.memref_slice %arg26[%dma_start3A_447, %dma_start3A_454] : memref<8x256xf32, #tpu.memory_space<vmem>> -> memref<1x256xf32, #tpu.memory_space<vmem>>
      %dma_start3A_456 = tpu.memref_squeeze %dma_start3A_455 : memref<1x256xf32, #tpu.memory_space<vmem>> -> memref<256xf32, #tpu.memory_space<vmem>>
      %dma_start3A_457 = arith.constant 0 : i32
      %dma_start3A_458 = tpu.memref_slice %arg13[%squeeze3A_446, %dma_start3A_457] : memref<10000x256xf32, #tpu.memory_space<hbm>> -> memref<1x256xf32, #tpu.memory_space<hbm>>
      %dma_start3A_459 = tpu.memref_squeeze %dma_start3A_458 : memref<1x256xf32, #tpu.memory_space<hbm>> -> memref<256xf32, #tpu.memory_space<hbm>>
      tpu.enqueue_dma source(%dma_start3A_459 : memref<256xf32, #tpu.memory_space<hbm>>) target(%dma_start3A_456 : memref<256xf32, #tpu.memory_space<vmem>>) target_semaphore(%arg29 : memref<!tpu.dma_semaphore, #tpu.memory_space<semaphore_mem>>)
      %add3A_460 = arith.constant 7 : i32
      %add3A_461 = arith.addi %mul3A_329, %add3A_460 : i32
      %get3A_462 = arith.index_cast %add3A_461 : i32 to index
      %get3A_463 = tpu.vector_load %arg23[%get3A_462] {strides = array<i32>} : memref<528xi32, #tpu.memory_space<vmem>>, vector<16xi32>,
      %slice3A_464 = vector.extract_strided_slice %get3A_463 {offsets = [0], sizes = [1], strides = [1]} : vector<16xi32> to vector<1xi32>
      %squeeze3A_465 = vector.extract %slice3A_464[0] : i32 from vector<1xi32>
      %dma_start3A_466 = arith.constant 7 : i32
      %dma_start3A_467 = arith.constant 0 : i32
      %dma_start3A_468 = tpu.memref_slice %arg26[%dma_start3A_466, %dma_start3A_467] : memref<8x256xf32, #tpu.memory_space<vmem>> -> memref<1x256xf32, #tpu.memory_space<vmem>>
      %dma_start3A_469 = tpu.memref_squeeze %dma_start3A_468 : memref<1x256xf32, #tpu.memory_space<vmem>> -> memref<256xf32, #tpu.memory_space<vmem>>
      %dma_start3A_470 = arith.constant 0 : i32
      %dma_start3A_471 = tpu.memref_slice %arg13[%squeeze3A_465, %dma_start3A_470] : memref<10000x256xf32, #tpu.memory_space<hbm>> -> memref<1x256xf32, #tpu.memory_space<hbm>>
      %dma_start3A_472 = tpu.memref_squeeze %dma_start3A_471 : memref<1x256xf32, #tpu.memory_space<hbm>> -> memref<256xf32, #tpu.memory_space<hbm>>
      %dma_start3A_473 = arith.constant 0 : i32
      %dma_start3A_474 = tpu.memref_slice %arg26[%dma_start3A_466, %dma_start3A_473] : memref<8x256xf32, #tpu.memory_space<vmem>> -> memref<1x256xf32, #tpu.memory_space<vmem>>
      %dma_start3A_475 = tpu.memref_squeeze %dma_start3A_474 : memref<1x256xf32, #tpu.memory_space<vmem>> -> memref<256xf32, #tpu.memory_space<vmem>>
      %dma_start3A_476 = arith.constant 0 : i32
      %dma_start3A_477 = tpu.memref_slice %arg13[%squeeze3A_465, %dma_start3A_476] : memref<10000x256xf32, #tpu.memory_space<hbm>> -> memref<1x256xf32, #tpu.memory_space<hbm>>
      %dma_start3A_478 = tpu.memref_squeeze %dma_start3A_477 : memref<1x256xf32, #tpu.memory_space<hbm>> -> memref<256xf32, #tpu.memory_space<hbm>>
      tpu.enqueue_dma source(%dma_start3A_478 : memref<256xf32, #tpu.memory_space<hbm>>) target(%dma_start3A_475 : memref<256xf32, #tpu.memory_space<vmem>>) target_semaphore(%arg29 : memref<!tpu.dma_semaphore, #tpu.memory_space<semaphore_mem>>)
      %dma_wait3A_479 = arith.constant 0 : i32
      %dma_wait3A_480 = arith.constant 0 : i32
      %dma_wait3A_481 = tpu.memref_slice %arg26[%dma_wait3A_479, %dma_wait3A_480] : memref<8x256xf32, #tpu.memory_space<vmem>> -> memref<1x256xf32, #tpu.memory_space<vmem>>
      %dma_wait3A_482 = tpu.memref_squeeze %dma_wait3A_481 : memref<1x256xf32, #tpu.memory_space<vmem>> -> memref<256xf32, #tpu.memory_space<vmem>>
      %dma_wait3A_483 = arith.constant 0 : i32
      %dma_wait3A_484 = tpu.memref_slice %arg13[%squeeze3A, %dma_wait3A_483] : memref<10000x256xf32, #tpu.memory_space<hbm>> -> memref<1x256xf32, #tpu.memory_space<hbm>>
      %dma_wait3A_485 = tpu.memref_squeeze %dma_wait3A_484 : memref<1x256xf32, #tpu.memory_space<hbm>> -> memref<256xf32, #tpu.memory_space<hbm>>
      %dma_wait3A_486 = arith.constant 0 : i32
      %dma_wait3A_487 = tpu.memref_slice %arg26[%dma_wait3A_479, %dma_wait3A_486] : memref<8x256xf32, #tpu.memory_space<vmem>> -> memref<1x256xf32, #tpu.memory_space<vmem>>
      %dma_wait3A_488 = tpu.memref_squeeze %dma_wait3A_487 : memref<1x256xf32, #tpu.memory_space<vmem>> -> memref<256xf32, #tpu.memory_space<vmem>>
      %dma_wait3A_489 = arith.constant 0 : i32
      %dma_wait3A_490 = tpu.memref_slice %arg13[%squeeze3A, %dma_wait3A_489] : memref<10000x256xf32, #tpu.memory_space<hbm>> -> memref<1x256xf32, #tpu.memory_space<hbm>>
      %dma_wait3A_491 = tpu.memref_squeeze %dma_wait3A_490 : memref<1x256xf32, #tpu.memory_space<hbm>> -> memref<256xf32, #tpu.memory_space<hbm>>
      tpu.wait_dma2 semaphore(%arg29 : memref<!tpu.dma_semaphore, #tpu.memory_space<semaphore_mem>>) src(%dma_wait3A_491 : memref<256xf32, #tpu.memory_space<hbm>>) dst(%dma_wait3A_488 : memref<256xf32, #tpu.memory_space<vmem>>)
      %dma_wait3A_492 = arith.constant 1 : i32
      %dma_wait3A_493 = arith.constant 0 : i32
      %dma_wait3A_494 = tpu.memref_slice %arg26[%dma_wait3A_492, %dma_wait3A_493] : memref<8x256xf32, #tpu.memory_space<vmem>> -> memref<1x256xf32, #tpu.memory_space<vmem>>
      %dma_wait3A_495 = tpu.memref_squeeze %dma_wait3A_494 : memref<1x256xf32, #tpu.memory_space<vmem>> -> memref<256xf32, #tpu.memory_space<vmem>>
      %dma_wait3A_496 = arith.constant 0 : i32
      %dma_wait3A_497 = tpu.memref_slice %arg13[%squeeze3A_351, %dma_wait3A_496] : memref<10000x256xf32, #tpu.memory_space<hbm>> -> memref<1x256xf32, #tpu.memory_space<hbm>>
      %dma_wait3A_498 = tpu.memref_squeeze %dma_wait3A_497 : memref<1x256xf32, #tpu.memory_space<hbm>> -> memref<256xf32, #tpu.memory_space<hbm>>
      %dma_wait3A_499 = arith.constant 0 : i32
      %dma_wait3A_500 = tpu.memref_slice %arg26[%dma_wait3A_492, %dma_wait3A_499] : memref<8x256xf32, #tpu.memory_space<vmem>> -> memref<1x256xf32, #tpu.memory_space<vmem>>
      %dma_wait3A_501 = tpu.memref_squeeze %dma_wait3A_500 : memref<1x256xf32, #tpu.memory_space<vmem>> -> memref<256xf32, #tpu.memory_space<vmem>>
      %dma_wait3A_502 = arith.constant 0 : i32
      %dma_wait3A_503 = tpu.memref_slice %arg13[%squeeze3A_351, %dma_wait3A_502] : memref<10000x256xf32, #tpu.memory_space<hbm>> -> memref<1x256xf32, #tpu.memory_space<hbm>>
      %dma_wait3A_504 = tpu.memref_squeeze %dma_wait3A_503 : memref<1x256xf32, #tpu.memory_space<hbm>> -> memref<256xf32, #tpu.memory_space<hbm>>
      tpu.wait_dma2 semaphore(%arg29 : memref<!tpu.dma_semaphore, #tpu.memory_space<semaphore_mem>>) src(%dma_wait3A_504 : memref<256xf32, #tpu.memory_space<hbm>>) dst(%dma_wait3A_501 : memref<256xf32, #tpu.memory_space<vmem>>)
      %dma_wait3A_505 = arith.constant 2 : i32
      %dma_wait3A_506 = arith.constant 0 : i32
      %dma_wait3A_507 = tpu.memref_slice %arg26[%dma_wait3A_505, %dma_wait3A_506] : memref<8x256xf32, #tpu.memory_space<vmem>> -> memref<1x256xf32, #tpu.memory_space<vmem>>
      %dma_wait3A_508 = tpu.memref_squeeze %dma_wait3A_507 : memref<1x256xf32, #tpu.memory_space<vmem>> -> memref<256xf32, #tpu.memory_space<vmem>>
      %dma_wait3A_509 = arith.constant 0 : i32
      %dma_wait3A_510 = tpu.memref_slice %arg13[%squeeze3A_370, %dma_wait3A_509] : memref<10000x256xf32, #tpu.memory_space<hbm>> -> memref<1x256xf32, #tpu.memory_space<hbm>>
      %dma_wait3A_511 = tpu.memref_squeeze %dma_wait3A_510 : memref<1x256xf32, #tpu.memory_space<hbm>> -> memref<256xf32, #tpu.memory_space<hbm>>
      %dma_wait3A_512 = arith.constant 0 : i32
      %dma_wait3A_513 = tpu.memref_slice %arg26[%dma_wait3A_505, %dma_wait3A_512] : memref<8x256xf32, #tpu.memory_space<vmem>> -> memref<1x256xf32, #tpu.memory_space<vmem>>
      %dma_wait3A_514 = tpu.memref_squeeze %dma_wait3A_513 : memref<1x256xf32, #tpu.memory_space<vmem>> -> memref<256xf32, #tpu.memory_space<vmem>>
      %dma_wait3A_515 = arith.constant 0 : i32
      %dma_wait3A_516 = tpu.memref_slice %arg13[%squeeze3A_370, %dma_wait3A_515] : memref<10000x256xf32, #tpu.memory_space<hbm>> -> memref<1x256xf32, #tpu.memory_space<hbm>>
      %dma_wait3A_517 = tpu.memref_squeeze %dma_wait3A_516 : memref<1x256xf32, #tpu.memory_space<hbm>> -> memref<256xf32, #tpu.memory_space<hbm>>
      tpu.wait_dma2 semaphore(%arg29 : memref<!tpu.dma_semaphore, #tpu.memory_space<semaphore_mem>>) src(%dma_wait3A_517 : memref<256xf32, #tpu.memory_space<hbm>>) dst(%dma_wait3A_514 : memref<256xf32, #tpu.memory_space<vmem>>)
      %dma_wait3A_518 = arith.constant 3 : i32
      %dma_wait3A_519 = arith.constant 0 : i32
      %dma_wait3A_520 = tpu.memref_slice %arg26[%dma_wait3A_518, %dma_wait3A_519] : memref<8x256xf32, #tpu.memory_space<vmem>> -> memref<1x256xf32, #tpu.memory_space<vmem>>
      %dma_wait3A_521 = tpu.memref_squeeze %dma_wait3A_520 : memref<1x256xf32, #tpu.memory_space<vmem>> -> memref<256xf32, #tpu.memory_space<vmem>>
      %dma_wait3A_522 = arith.constant 0 : i32
      %dma_wait3A_523 = tpu.memref_slice %arg13[%squeeze3A_389, %dma_wait3A_522] : memref<10000x256xf32, #tpu.memory_space<hbm>> -> memref<1x256xf32, #tpu.memory_space<hbm>>
      %dma_wait3A_524 = tpu.memref_squeeze %dma_wait3A_523 : memref<1x256xf32, #tpu.memory_space<hbm>> -> memref<256xf32, #tpu.memory_space<hbm>>
      %dma_wait3A_525 = arith.constant 0 : i32
      %dma_wait3A_526 = tpu.memref_slice %arg26[%dma_wait3A_518, %dma_wait3A_525] : memref<8x256xf32, #tpu.memory_space<vmem>> -> memref<1x256xf32, #tpu.memory_space<vmem>>
      %dma_wait3A_527 = tpu.memref_squeeze %dma_wait3A_526 : memref<1x256xf32, #tpu.memory_space<vmem>> -> memref<256xf32, #tpu.memory_space<vmem>>
      %dma_wait3A_528 = arith.constant 0 : i32
      %dma_wait3A_529 = tpu.memref_slice %arg13[%squeeze3A_389, %dma_wait3A_528] : memref<10000x256xf32, #tpu.memory_space<hbm>> -> memref<1x256xf32, #tpu.memory_space<hbm>>
      %dma_wait3A_530 = tpu.memref_squeeze %dma_wait3A_529 : memref<1x256xf32, #tpu.memory_space<hbm>> -> memref<256xf32, #tpu.memory_space<hbm>>
      tpu.wait_dma2 semaphore(%arg29 : memref<!tpu.dma_semaphore, #tpu.memory_space<semaphore_mem>>) src(%dma_wait3A_530 : memref<256xf32, #tpu.memory_space<hbm>>) dst(%dma_wait3A_527 : memref<256xf32, #tpu.memory_space<vmem>>)
      %dma_wait3A_531 = arith.constant 4 : i32
      %dma_wait3A_532 = arith.constant 0 : i32
      %dma_wait3A_533 = tpu.memref_slice %arg26[%dma_wait3A_531, %dma_wait3A_532] : memref<8x256xf32, #tpu.memory_space<vmem>> -> memref<1x256xf32, #tpu.memory_space<vmem>>
      %dma_wait3A_534 = tpu.memref_squeeze %dma_wait3A_533 : memref<1x256xf32, #tpu.memory_space<vmem>> -> memref<256xf32, #tpu.memory_space<vmem>>
      %dma_wait3A_535 = arith.constant 0 : i32
      %dma_wait3A_536 = tpu.memref_slice %arg13[%squeeze3A_408, %dma_wait3A_535] : memref<10000x256xf32, #tpu.memory_space<hbm>> -> memref<1x256xf32, #tpu.memory_space<hbm>>
      %dma_wait3A_537 = tpu.memref_squeeze %dma_wait3A_536 : memref<1x256xf32, #tpu.memory_space<hbm>> -> memref<256xf32, #tpu.memory_space<hbm>>
      %dma_wait3A_538 = arith.constant 0 : i32
      %dma_wait3A_539 = tpu.memref_slice %arg26[%dma_wait3A_531, %dma_wait3A_538] : memref<8x256xf32, #tpu.memory_space<vmem>> -> memref<1x256xf32, #tpu.memory_space<vmem>>
      %dma_wait3A_540 = tpu.memref_squeeze %dma_wait3A_539 : memref<1x256xf32, #tpu.memory_space<vmem>> -> memref<256xf32, #tpu.memory_space<vmem>>
      %dma_wait3A_541 = arith.constant 0 : i32
      %dma_wait3A_542 = tpu.memref_slice %arg13[%squeeze3A_408, %dma_wait3A_541] : memref<10000x256xf32, #tpu.memory_space<hbm>> -> memref<1x256xf32, #tpu.memory_space<hbm>>
      %dma_wait3A_543 = tpu.memref_squeeze %dma_wait3A_542 : memref<1x256xf32, #tpu.memory_space<hbm>> -> memref<256xf32, #tpu.memory_space<hbm>>
      tpu.wait_dma2 semaphore(%arg29 : memref<!tpu.dma_semaphore, #tpu.memory_space<semaphore_mem>>) src(%dma_wait3A_543 : memref<256xf32, #tpu.memory_space<hbm>>) dst(%dma_wait3A_540 : memref<256xf32, #tpu.memory_space<vmem>>)
      %dma_wait3A_544 = arith.constant 5 : i32
      %dma_wait3A_545 = arith.constant 0 : i32
      %dma_wait3A_546 = tpu.memref_slice %arg26[%dma_wait3A_544, %dma_wait3A_545] : memref<8x256xf32, #tpu.memory_space<vmem>> -> memref<1x256xf32, #tpu.memory_space<vmem>>
      %dma_wait3A_547 = tpu.memref_squeeze %dma_wait3A_546 : memref<1x256xf32, #tpu.memory_space<vmem>> -> memref<256xf32, #tpu.memory_space<vmem>>
      %dma_wait3A_548 = arith.constant 0 : i32
      %dma_wait3A_549 = tpu.memref_slice %arg13[%squeeze3A_427, %dma_wait3A_548] : memref<10000x256xf32, #tpu.memory_space<hbm>> -> memref<1x256xf32, #tpu.memory_space<hbm>>
      %dma_wait3A_550 = tpu.memref_squeeze %dma_wait3A_549 : memref<1x256xf32, #tpu.memory_space<hbm>> -> memref<256xf32, #tpu.memory_space<hbm>>
      %dma_wait3A_551 = arith.constant 0 : i32
      %dma_wait3A_552 = tpu.memref_slice %arg26[%dma_wait3A_544, %dma_wait3A_551] : memref<8x256xf32, #tpu.memory_space<vmem>> -> memref<1x256xf32, #tpu.memory_space<vmem>>
      %dma_wait3A_553 = tpu.memref_squeeze %dma_wait3A_552 : memref<1x256xf32, #tpu.memory_space<vmem>> -> memref<256xf32, #tpu.memory_space<vmem>>
      %dma_wait3A_554 = arith.constant 0 : i32
      %dma_wait3A_555 = tpu.memref_slice %arg13[%squeeze3A_427, %dma_wait3A_554] : memref<10000x256xf32, #tpu.memory_space<hbm>> -> memref<1x256xf32, #tpu.memory_space<hbm>>
      %dma_wait3A_556 = tpu.memref_squeeze %dma_wait3A_555 : memref<1x256xf32, #tpu.memory_space<hbm>> -> memref<256xf32, #tpu.memory_space<hbm>>
      tpu.wait_dma2 semaphore(%arg29 : memref<!tpu.dma_semaphore, #tpu.memory_space<semaphore_mem>>) src(%dma_wait3A_556 : memref<256xf32, #tpu.memory_space<hbm>>) dst(%dma_wait3A_553 : memref<256xf32, #tpu.memory_space<vmem>>)
      %dma_wait3A_557 = arith.constant 6 : i32
      %dma_wait3A_558 = arith.constant 0 : i32
      %dma_wait3A_559 = tpu.memref_slice %arg26[%dma_wait3A_557, %dma_wait3A_558] : memref<8x256xf32, #tpu.memory_space<vmem>> -> memref<1x256xf32, #tpu.memory_space<vmem>>
      %dma_wait3A_560 = tpu.memref_squeeze %dma_wait3A_559 : memref<1x256xf32, #tpu.memory_space<vmem>> -> memref<256xf32, #tpu.memory_space<vmem>>
      %dma_wait3A_561 = arith.constant 0 : i32
      %dma_wait3A_562 = tpu.memref_slice %arg13[%squeeze3A_446, %dma_wait3A_561] : memref<10000x256xf32, #tpu.memory_space<hbm>> -> memref<1x256xf32, #tpu.memory_space<hbm>>
      %dma_wait3A_563 = tpu.memref_squeeze %dma_wait3A_562 : memref<1x256xf32, #tpu.memory_space<hbm>> -> memref<256xf32, #tpu.memory_space<hbm>>
      %dma_wait3A_564 = arith.constant 0 : i32
      %dma_wait3A_565 = tpu.memref_slice %arg26[%dma_wait3A_557, %dma_wait3A_564] : memref<8x256xf32, #tpu.memory_space<vmem>> -> memref<1x256xf32, #tpu.memory_space<vmem>>
      %dma_wait3A_566 = tpu.memref_squeeze %dma_wait3A_565 : memref<1x256xf32, #tpu.memory_space<vmem>> -> memref<256xf32, #tpu.memory_space<vmem>>
      %dma_wait3A_567 = arith.constant 0 : i32
      %dma_wait3A_568 = tpu.memref_slice %arg13[%squeeze3A_446, %dma_wait3A_567] : memref<10000x256xf32, #tpu.memory_space<hbm>> -> memref<1x256xf32, #tpu.memory_space<hbm>>
      %dma_wait3A_569 = tpu.memref_squeeze %dma_wait3A_568 : memref<1x256xf32, #tpu.memory_space<hbm>> -> memref<256xf32, #tpu.memory_space<hbm>>
      tpu.wait_dma2 semaphore(%arg29 : memref<!tpu.dma_semaphore, #tpu.memory_space<semaphore_mem>>) src(%dma_wait3A_569 : memref<256xf32, #tpu.memory_space<hbm>>) dst(%dma_wait3A_566 : memref<256xf32, #tpu.memory_space<vmem>>)
      %dma_wait3A_570 = arith.constant 7 : i32
      %dma_wait3A_571 = arith.constant 0 : i32
      %dma_wait3A_572 = tpu.memref_slice %arg26[%dma_wait3A_570, %dma_wait3A_571] : memref<8x256xf32, #tpu.memory_space<vmem>> -> memref<1x256xf32, #tpu.memory_space<vmem>>
      %dma_wait3A_573 = tpu.memref_squeeze %dma_wait3A_572 : memref<1x256xf32, #tpu.memory_space<vmem>> -> memref<256xf32, #tpu.memory_space<vmem>>
      %dma_wait3A_574 = arith.constant 0 : i32
      %dma_wait3A_575 = tpu.memref_slice %arg13[%squeeze3A_465, %dma_wait3A_574] : memref<10000x256xf32, #tpu.memory_space<hbm>> -> memref<1x256xf32, #tpu.memory_space<hbm>>
      %dma_wait3A_576 = tpu.memref_squeeze %dma_wait3A_575 : memref<1x256xf32, #tpu.memory_space<hbm>> -> memref<256xf32, #tpu.memory_space<hbm>>
      %dma_wait3A_577 = arith.constant 0 : i32
      %dma_wait3A_578 = tpu.memref_slice %arg26[%dma_wait3A_570, %dma_wait3A_577] : memref<8x256xf32, #tpu.memory_space<vmem>> -> memref<1x256xf32, #tpu.memory_space<vmem>>
      %dma_wait3A_579 = tpu.memref_squeeze %dma_wait3A_578 : memref<1x256xf32, #tpu.memory_space<vmem>> -> memref<256xf32, #tpu.memory_space<vmem>>
      %dma_wait3A_580 = arith.constant 0 : i32
      %dma_wait3A_581 = tpu.memref_slice %arg13[%squeeze3A_465, %dma_wait3A_580] : memref<10000x256xf32, #tpu.memory_space<hbm>> -> memref<1x256xf32, #tpu.memory_space<hbm>>
      %dma_wait3A_582 = tpu.memref_squeeze %dma_wait3A_581 : memref<1x256xf32, #tpu.memory_space<hbm>> -> memref<256xf32, #tpu.memory_space<hbm>>
      tpu.wait_dma2 semaphore(%arg29 : memref<!tpu.dma_semaphore, #tpu.memory_space<semaphore_mem>>) src(%dma_wait3A_582 : memref<256xf32, #tpu.memory_space<hbm>>) dst(%dma_wait3A_579 : memref<256xf32, #tpu.memory_space<vmem>>)
      "tpu.trace_stop"() : () -> ()
      %sub3A_583 = arith.subi %min3A_288, %mul3A_329 : i32
      %min3A_584 = arith.constant 8 : i32
      %min3A_585 = arith.minsi %sub3A_583, %min3A_584 : i32
      %while3A_586 = arith.constant 0 : i32
      %while3A_587 = arith.constant 0 : i32
      %while3A_588 = arith.subi %min3A_585, %while3A_587 : i32
      %while3A_589 = arith.addi %while3A_587, %while3A_588 : i32
      %while3A_590 = arith.constant 1 : i32
      %while3A_591 = arith.divsi %while3A_588, %while3A_590 : i32
      %while3A_592 = arith.muli %while3A_591, %while3A_590 : i32
      %while3A_593 = arith.addi %while3A_587, %while3A_592 : i32
      %while3A_594 = arith.constant 1 : i32
      scf.for %while3A_596 = %while3A_587 to %while3A_593 step %while3A_594  : i32 {
        %add3A_597 = arith.addi %mul3A_329, %while3A_596 : i32
        %get3A_598 = arith.index_cast %add3A_597 : i32 to index
        %get3A_599 = tpu.vector_load %arg24[%get3A_598] {strides = array<i32>} : memref<528xi32, #tpu.memory_space<vmem>>, vector<16xi32>,
        %slice3A_600 = vector.extract_strided_slice %get3A_599 {offsets = [0], sizes = [1], strides = [1]} : vector<16xi32> to vector<1xi32>
        %squeeze3A_601 = vector.extract %slice3A_600[0] : i32 from vector<1xi32>
        %add3A_602 = arith.addi %mul3A_329, %while3A_596 : i32
        %get3A_603 = arith.index_cast %add3A_602 : i32 to index
        %get3A_604 = tpu.vector_load %arg25[%get3A_603] {strides = array<i32>} : memref<528xf32, #tpu.memory_space<vmem>>, vector<16xf32>,
        %slice3A_605 = vector.extract_strided_slice %get3A_604 {offsets = [0], sizes = [1], strides = [1]} : vector<16xf32> to vector<1xf32>
        %squeeze3A_606 = vector.extract %slice3A_605[0] : f32 from vector<1xf32>
        %broadcast_in_dim3A_607 = vector.broadcast %squeeze3A_606 : f32 to vector<16xf32>
        %mul3A_608 = arith.constant 256 : i32
        %mul3A_609 = arith.muli %squeeze3A_601, %mul3A_608 : i32
        %get3A_610 = arith.index_cast %while3A_596 : i32 to index
        %get3A_611 = arith.constant 0 : index
        %get3A_612 = tpu.vector_load %arg26[%get3A_610, %get3A_611] {strides = array<i32>} : memref<8x256xf32, #tpu.memory_space<vmem>>, vector<16xf32>,
        %add3A_613 = arith.constant 0 : i32
        %add3A_614 = arith.addi %mul3A_609, %add3A_613 : i32
        %mul3A_615 = arith.mulf %broadcast_in_dim3A_607, %get3A_612 : vector<16xf32>
        %swap3A_616 = arith.index_cast %add3A_614 : i32 to index
        %swap3A_617 = tpu.vector_load %arg27[%swap3A_616] {strides = array<i32>} : memref<16384xf32, #tpu.memory_space<vmem>>, vector<16xf32>,
        tpu.vector_store %arg27[%swap3A_616], %mul3A_615 {add = true, strides = array<i32>} : memref<16384xf32, #tpu.memory_space<vmem>>, vector<16xf32>,
        %get3A_618 = arith.index_cast %while3A_596 : i32 to index
        %get3A_619 = arith.constant 16 : index
        %get3A_620 = tpu.vector_load %arg26[%get3A_618, %get3A_619] {strides = array<i32>} : memref<8x256xf32, #tpu.memory_space<vmem>>, vector<16xf32>,
        %add3A_621 = arith.constant 16 : i32
        %add3A_622 = arith.addi %mul3A_609, %add3A_621 : i32
        %mul3A_623 = arith.mulf %broadcast_in_dim3A_607, %get3A_620 : vector<16xf32>
        %swap3A_624 = arith.index_cast %add3A_622 : i32 to index
        %swap3A_625 = tpu.vector_load %arg27[%swap3A_624] {strides = array<i32>} : memref<16384xf32, #tpu.memory_space<vmem>>, vector<16xf32>,
        tpu.vector_store %arg27[%swap3A_624], %mul3A_623 {add = true, strides = array<i32>} : memref<16384xf32, #tpu.memory_space<vmem>>, vector<16xf32>,
        %get3A_626 = arith.index_cast %while3A_596 : i32 to index
        %get3A_627 = arith.constant 32 : index
        %get3A_628 = tpu.vector_load %arg26[%get3A_626, %get3A_627] {strides = array<i32>} : memref<8x256xf32, #tpu.memory_space<vmem>>, vector<16xf32>,
        %add3A_629 = arith.constant 32 : i32
        %add3A_630 = arith.addi %mul3A_609, %add3A_629 : i32
        %mul3A_631 = arith.mulf %broadcast_in_dim3A_607, %get3A_628 : vector<16xf32>
        %swap3A_632 = arith.index_cast %add3A_630 : i32 to index
        %swap3A_633 = tpu.vector_load %arg27[%swap3A_632] {strides = array<i32>} : memref<16384xf32, #tpu.memory_space<vmem>>, vector<16xf32>,
        tpu.vector_store %arg27[%swap3A_632], %mul3A_631 {add = true, strides = array<i32>} : memref<16384xf32, #tpu.memory_space<vmem>>, vector<16xf32>,
        %get3A_634 = arith.index_cast %while3A_596 : i32 to index
        %get3A_635 = arith.constant 48 : index
        %get3A_636 = tpu.vector_load %arg26[%get3A_634, %get3A_635] {strides = array<i32>} : memref<8x256xf32, #tpu.memory_space<vmem>>, vector<16xf32>,
        %add3A_637 = arith.constant 48 : i32
        %add3A_638 = arith.addi %mul3A_609, %add3A_637 : i32
        %mul3A_639 = arith.mulf %broadcast_in_dim3A_607, %get3A_636 : vector<16xf32>
        %swap3A_640 = arith.index_cast %add3A_638 : i32 to index
        %swap3A_641 = tpu.vector_load %arg27[%swap3A_640] {strides = array<i32>} : memref<16384xf32, #tpu.memory_space<vmem>>, vector<16xf32>,
        tpu.vector_store %arg27[%swap3A_640], %mul3A_639 {add = true, strides = array<i32>} : memref<16384xf32, #tpu.memory_space<vmem>>, vector<16xf32>,
        %get3A_642 = arith.index_cast %while3A_596 : i32 to index
        %get3A_643 = arith.constant 64 : index
        %get3A_644 = tpu.vector_load %arg26[%get3A_642, %get3A_643] {strides = array<i32>} : memref<8x256xf32, #tpu.memory_space<vmem>>, vector<16xf32>,
        %add3A_645 = arith.constant 64 : i32
        %add3A_646 = arith.addi %mul3A_609, %add3A_645 : i32
        %mul3A_647 = arith.mulf %broadcast_in_dim3A_607, %get3A_644 : vector<16xf32>
        %swap3A_648 = arith.index_cast %add3A_646 : i32 to index
        %swap3A_649 = tpu.vector_load %arg27[%swap3A_648] {strides = array<i32>} : memref<16384xf32, #tpu.memory_space<vmem>>, vector<16xf32>,
        tpu.vector_store %arg27[%swap3A_648], %mul3A_647 {add = true, strides = array<i32>} : memref<16384xf32, #tpu.memory_space<vmem>>, vector<16xf32>,
        %get3A_650 = arith.index_cast %while3A_596 : i32 to index
        %get3A_651 = arith.constant 80 : index
        %get3A_652 = tpu.vector_load %arg26[%get3A_650, %get3A_651] {strides = array<i32>} : memref<8x256xf32, #tpu.memory_space<vmem>>, vector<16xf32>,
        %add3A_653 = arith.constant 80 : i32
        %add3A_654 = arith.addi %mul3A_609, %add3A_653 : i32
        %mul3A_655 = arith.mulf %broadcast_in_dim3A_607, %get3A_652 : vector<16xf32>
        %swap3A_656 = arith.index_cast %add3A_654 : i32 to index
        %swap3A_657 = tpu.vector_load %arg27[%swap3A_656] {strides = array<i32>} : memref<16384xf32, #tpu.memory_space<vmem>>, vector<16xf32>,
        tpu.vector_store %arg27[%swap3A_656], %mul3A_655 {add = true, strides = array<i32>} : memref<16384xf32, #tpu.memory_space<vmem>>, vector<16xf32>,
        %get3A_658 = arith.index_cast %while3A_596 : i32 to index
        %get3A_659 = arith.constant 96 : index
        %get3A_660 = tpu.vector_load %arg26[%get3A_658, %get3A_659] {strides = array<i32>} : memref<8x256xf32, #tpu.memory_space<vmem>>, vector<16xf32>,
        %add3A_661 = arith.constant 96 : i32
        %add3A_662 = arith.addi %mul3A_609, %add3A_661 : i32
        %mul3A_663 = arith.mulf %broadcast_in_dim3A_607, %get3A_660 : vector<16xf32>
        %swap3A_664 = arith.index_cast %add3A_662 : i32 to index
        %swap3A_665 = tpu.vector_load %arg27[%swap3A_664] {strides = array<i32>} : memref<16384xf32, #tpu.memory_space<vmem>>, vector<16xf32>,
        tpu.vector_store %arg27[%swap3A_664], %mul3A_663 {add = true, strides = array<i32>} : memref<16384xf32, #tpu.memory_space<vmem>>, vector<16xf32>,
        %get3A_666 = arith.index_cast %while3A_596 : i32 to index
        %get3A_667 = arith.constant 112 : index
        %get3A_668 = tpu.vector_load %arg26[%get3A_666, %get3A_667] {strides = array<i32>} : memref<8x256xf32, #tpu.memory_space<vmem>>, vector<16xf32>,
        %add3A_669 = arith.constant 112 : i32
        %add3A_670 = arith.addi %mul3A_609, %add3A_669 : i32
        %mul3A_671 = arith.mulf %broadcast_in_dim3A_607, %get3A_668 : vector<16xf32>
        %swap3A_672 = arith.index_cast %add3A_670 : i32 to index
        %swap3A_673 = tpu.vector_load %arg27[%swap3A_672] {strides = array<i32>} : memref<16384xf32, #tpu.memory_space<vmem>>, vector<16xf32>,
        tpu.vector_store %arg27[%swap3A_672], %mul3A_671 {add = true, strides = array<i32>} : memref<16384xf32, #tpu.memory_space<vmem>>, vector<16xf32>,
        %get3A_674 = arith.index_cast %while3A_596 : i32 to index
        %get3A_675 = arith.constant 128 : index
        %get3A_676 = tpu.vector_load %arg26[%get3A_674, %get3A_675] {strides = array<i32>} : memref<8x256xf32, #tpu.memory_space<vmem>>, vector<16xf32>,
        %add3A_677 = arith.constant 128 : i32
        %add3A_678 = arith.addi %mul3A_609, %add3A_677 : i32
        %mul3A_679 = arith.mulf %broadcast_in_dim3A_607, %get3A_676 : vector<16xf32>
        %swap3A_680 = arith.index_cast %add3A_678 : i32 to index
        %swap3A_681 = tpu.vector_load %arg27[%swap3A_680] {strides = array<i32>} : memref<16384xf32, #tpu.memory_space<vmem>>, vector<16xf32>,
        tpu.vector_store %arg27[%swap3A_680], %mul3A_679 {add = true, strides = array<i32>} : memref<16384xf32, #tpu.memory_space<vmem>>, vector<16xf32>,
        %get3A_682 = arith.index_cast %while3A_596 : i32 to index
        %get3A_683 = arith.constant 144 : index
        %get3A_684 = tpu.vector_load %arg26[%get3A_682, %get3A_683] {strides = array<i32>} : memref<8x256xf32, #tpu.memory_space<vmem>>, vector<16xf32>,
        %add3A_685 = arith.constant 144 : i32
        %add3A_686 = arith.addi %mul3A_609, %add3A_685 : i32
        %mul3A_687 = arith.mulf %broadcast_in_dim3A_607, %get3A_684 : vector<16xf32>
        %swap3A_688 = arith.index_cast %add3A_686 : i32 to index
        %swap3A_689 = tpu.vector_load %arg27[%swap3A_688] {strides = array<i32>} : memref<16384xf32, #tpu.memory_space<vmem>>, vector<16xf32>,
        tpu.vector_store %arg27[%swap3A_688], %mul3A_687 {add = true, strides = array<i32>} : memref<16384xf32, #tpu.memory_space<vmem>>, vector<16xf32>,
        %get3A_690 = arith.index_cast %while3A_596 : i32 to index
        %get3A_691 = arith.constant 160 : index
        %get3A_692 = tpu.vector_load %arg26[%get3A_690, %get3A_691] {strides = array<i32>} : memref<8x256xf32, #tpu.memory_space<vmem>>, vector<16xf32>,
        %add3A_693 = arith.constant 160 : i32
        %add3A_694 = arith.addi %mul3A_609, %add3A_693 : i32
        %mul3A_695 = arith.mulf %broadcast_in_dim3A_607, %get3A_692 : vector<16xf32>
        %swap3A_696 = arith.index_cast %add3A_694 : i32 to index
        %swap3A_697 = tpu.vector_load %arg27[%swap3A_696] {strides = array<i32>} : memref<16384xf32, #tpu.memory_space<vmem>>, vector<16xf32>,
        tpu.vector_store %arg27[%swap3A_696], %mul3A_695 {add = true, strides = array<i32>} : memref<16384xf32, #tpu.memory_space<vmem>>, vector<16xf32>,
        %get3A_698 = arith.index_cast %while3A_596 : i32 to index
        %get3A_699 = arith.constant 176 : index
        %get3A_700 = tpu.vector_load %arg26[%get3A_698, %get3A_699] {strides = array<i32>} : memref<8x256xf32, #tpu.memory_space<vmem>>, vector<16xf32>,
        %add3A_701 = arith.constant 176 : i32
        %add3A_702 = arith.addi %mul3A_609, %add3A_701 : i32
        %mul3A_703 = arith.mulf %broadcast_in_dim3A_607, %get3A_700 : vector<16xf32>
        %swap3A_704 = arith.index_cast %add3A_702 : i32 to index
        %swap3A_705 = tpu.vector_load %arg27[%swap3A_704] {strides = array<i32>} : memref<16384xf32, #tpu.memory_space<vmem>>, vector<16xf32>,
        tpu.vector_store %arg27[%swap3A_704], %mul3A_703 {add = true, strides = array<i32>} : memref<16384xf32, #tpu.memory_space<vmem>>, vector<16xf32>,
        %get3A_706 = arith.index_cast %while3A_596 : i32 to index
        %get3A_707 = arith.constant 192 : index
        %get3A_708 = tpu.vector_load %arg26[%get3A_706, %get3A_707] {strides = array<i32>} : memref<8x256xf32, #tpu.memory_space<vmem>>, vector<16xf32>,
        %add3A_709 = arith.constant 192 : i32
        %add3A_710 = arith.addi %mul3A_609, %add3A_709 : i32
        %mul3A_711 = arith.mulf %broadcast_in_dim3A_607, %get3A_708 : vector<16xf32>
        %swap3A_712 = arith.index_cast %add3A_710 : i32 to index
        %swap3A_713 = tpu.vector_load %arg27[%swap3A_712] {strides = array<i32>} : memref<16384xf32, #tpu.memory_space<vmem>>, vector<16xf32>,
        tpu.vector_store %arg27[%swap3A_712], %mul3A_711 {add = true, strides = array<i32>} : memref<16384xf32, #tpu.memory_space<vmem>>, vector<16xf32>,
        %get3A_714 = arith.index_cast %while3A_596 : i32 to index
        %get3A_715 = arith.constant 208 : index
        %get3A_716 = tpu.vector_load %arg26[%get3A_714, %get3A_715] {strides = array<i32>} : memref<8x256xf32, #tpu.memory_space<vmem>>, vector<16xf32>,
        %add3A_717 = arith.constant 208 : i32
        %add3A_718 = arith.addi %mul3A_609, %add3A_717 : i32
        %mul3A_719 = arith.mulf %broadcast_in_dim3A_607, %get3A_716 : vector<16xf32>
        %swap3A_720 = arith.index_cast %add3A_718 : i32 to index
        %swap3A_721 = tpu.vector_load %arg27[%swap3A_720] {strides = array<i32>} : memref<16384xf32, #tpu.memory_space<vmem>>, vector<16xf32>,
        tpu.vector_store %arg27[%swap3A_720], %mul3A_719 {add = true, strides = array<i32>} : memref<16384xf32, #tpu.memory_space<vmem>>, vector<16xf32>,
        %get3A_722 = arith.index_cast %while3A_596 : i32 to index
        %get3A_723 = arith.constant 224 : index
        %get3A_724 = tpu.vector_load %arg26[%get3A_722, %get3A_723] {strides = array<i32>} : memref<8x256xf32, #tpu.memory_space<vmem>>, vector<16xf32>,
        %add3A_725 = arith.constant 224 : i32
        %add3A_726 = arith.addi %mul3A_609, %add3A_725 : i32
        %mul3A_727 = arith.mulf %broadcast_in_dim3A_607, %get3A_724 : vector<16xf32>
        %swap3A_728 = arith.index_cast %add3A_726 : i32 to index
        %swap3A_729 = tpu.vector_load %arg27[%swap3A_728] {strides = array<i32>} : memref<16384xf32, #tpu.memory_space<vmem>>, vector<16xf32>,
        tpu.vector_store %arg27[%swap3A_728], %mul3A_727 {add = true, strides = array<i32>} : memref<16384xf32, #tpu.memory_space<vmem>>, vector<16xf32>,
        %get3A_730 = arith.index_cast %while3A_596 : i32 to index
        %get3A_731 = arith.constant 240 : index
        %get3A_732 = tpu.vector_load %arg26[%get3A_730, %get3A_731] {strides = array<i32>} : memref<8x256xf32, #tpu.memory_space<vmem>>, vector<16xf32>,
        %add3A_733 = arith.constant 240 : i32
        %add3A_734 = arith.addi %mul3A_609, %add3A_733 : i32
        %mul3A_735 = arith.mulf %broadcast_in_dim3A_607, %get3A_732 : vector<16xf32>
        %swap3A_736 = arith.index_cast %add3A_734 : i32 to index
        %swap3A_737 = tpu.vector_load %arg27[%swap3A_736] {strides = array<i32>} : memref<16384xf32, #tpu.memory_space<vmem>>, vector<16xf32>,
        tpu.vector_store %arg27[%swap3A_736], %mul3A_735 {add = true, strides = array<i32>} : memref<16384xf32, #tpu.memory_space<vmem>>, vector<16xf32>,
        %broadcast_in_dim3A_738 = vector.broadcast %squeeze3A_601 : i32 to vector<16xi32>
        tpu.vector_store_idx %arg28[%broadcast_in_dim3A_738], %broadcast_in_dim3A_607 masked %eq3A_7 {add = true} : memref<64xf32, #tpu.memory_space<vmem>>[vector<16xi32>], vector<16xf32>, vector<16xi1>
      }
      %while3A_595 = arith.constant 1 : i32
      scf.for %while3A_596 = %while3A_593 to %while3A_589 step %while3A_595  : i32 {
        %add3A_597 = arith.addi %mul3A_329, %while3A_596 : i32
        %get3A_598 = arith.index_cast %add3A_597 : i32 to index
        %get3A_599 = tpu.vector_load %arg24[%get3A_598] {strides = array<i32>} : memref<528xi32, #tpu.memory_space<vmem>>, vector<16xi32>,
        %slice3A_600 = vector.extract_strided_slice %get3A_599 {offsets = [0], sizes = [1], strides = [1]} : vector<16xi32> to vector<1xi32>
        %squeeze3A_601 = vector.extract %slice3A_600[0] : i32 from vector<1xi32>
        %add3A_602 = arith.addi %mul3A_329, %while3A_596 : i32
        %get3A_603 = arith.index_cast %add3A_602 : i32 to index
        %get3A_604 = tpu.vector_load %arg25[%get3A_603] {strides = array<i32>} : memref<528xf32, #tpu.memory_space<vmem>>, vector<16xf32>,
        %slice3A_605 = vector.extract_strided_slice %get3A_604 {offsets = [0], sizes = [1], strides = [1]} : vector<16xf32> to vector<1xf32>
        %squeeze3A_606 = vector.extract %slice3A_605[0] : f32 from vector<1xf32>
        %broadcast_in_dim3A_607 = vector.broadcast %squeeze3A_606 : f32 to vector<16xf32>
        %mul3A_608 = arith.constant 256 : i32
        %mul3A_609 = arith.muli %squeeze3A_601, %mul3A_608 : i32
        %get3A_610 = arith.index_cast %while3A_596 : i32 to index
        %get3A_611 = arith.constant 0 : index
        %get3A_612 = tpu.vector_load %arg26[%get3A_610, %get3A_611] {strides = array<i32>} : memref<8x256xf32, #tpu.memory_space<vmem>>, vector<16xf32>,
        %add3A_613 = arith.constant 0 : i32
        %add3A_614 = arith.addi %mul3A_609, %add3A_613 : i32
        %mul3A_615 = arith.mulf %broadcast_in_dim3A_607, %get3A_612 : vector<16xf32>
        %swap3A_616 = arith.index_cast %add3A_614 : i32 to index
        %swap3A_617 = tpu.vector_load %arg27[%swap3A_616] {strides = array<i32>} : memref<16384xf32, #tpu.memory_space<vmem>>, vector<16xf32>,
        tpu.vector_store %arg27[%swap3A_616], %mul3A_615 {add = true, strides = array<i32>} : memref<16384xf32, #tpu.memory_space<vmem>>, vector<16xf32>,
        %get3A_618 = arith.index_cast %while3A_596 : i32 to index
        %get3A_619 = arith.constant 16 : index
        %get3A_620 = tpu.vector_load %arg26[%get3A_618, %get3A_619] {strides = array<i32>} : memref<8x256xf32, #tpu.memory_space<vmem>>, vector<16xf32>,
        %add3A_621 = arith.constant 16 : i32
        %add3A_622 = arith.addi %mul3A_609, %add3A_621 : i32
        %mul3A_623 = arith.mulf %broadcast_in_dim3A_607, %get3A_620 : vector<16xf32>
        %swap3A_624 = arith.index_cast %add3A_622 : i32 to index
        %swap3A_625 = tpu.vector_load %arg27[%swap3A_624] {strides = array<i32>} : memref<16384xf32, #tpu.memory_space<vmem>>, vector<16xf32>,
        tpu.vector_store %arg27[%swap3A_624], %mul3A_623 {add = true, strides = array<i32>} : memref<16384xf32, #tpu.memory_space<vmem>>, vector<16xf32>,
        %get3A_626 = arith.index_cast %while3A_596 : i32 to index
        %get3A_627 = arith.constant 32 : index
        %get3A_628 = tpu.vector_load %arg26[%get3A_626, %get3A_627] {strides = array<i32>} : memref<8x256xf32, #tpu.memory_space<vmem>>, vector<16xf32>,
        %add3A_629 = arith.constant 32 : i32
        %add3A_630 = arith.addi %mul3A_609, %add3A_629 : i32
        %mul3A_631 = arith.mulf %broadcast_in_dim3A_607, %get3A_628 : vector<16xf32>
        %swap3A_632 = arith.index_cast %add3A_630 : i32 to index
        %swap3A_633 = tpu.vector_load %arg27[%swap3A_632] {strides = array<i32>} : memref<16384xf32, #tpu.memory_space<vmem>>, vector<16xf32>,
        tpu.vector_store %arg27[%swap3A_632], %mul3A_631 {add = true, strides = array<i32>} : memref<16384xf32, #tpu.memory_space<vmem>>, vector<16xf32>,
        %get3A_634 = arith.index_cast %while3A_596 : i32 to index
        %get3A_635 = arith.constant 48 : index
        %get3A_636 = tpu.vector_load %arg26[%get3A_634, %get3A_635] {strides = array<i32>} : memref<8x256xf32, #tpu.memory_space<vmem>>, vector<16xf32>,
        %add3A_637 = arith.constant 48 : i32
        %add3A_638 = arith.addi %mul3A_609, %add3A_637 : i32
        %mul3A_639 = arith.mulf %broadcast_in_dim3A_607, %get3A_636 : vector<16xf32>
        %swap3A_640 = arith.index_cast %add3A_638 : i32 to index
        %swap3A_641 = tpu.vector_load %arg27[%swap3A_640] {strides = array<i32>} : memref<16384xf32, #tpu.memory_space<vmem>>, vector<16xf32>,
        tpu.vector_store %arg27[%swap3A_640], %mul3A_639 {add = true, strides = array<i32>} : memref<16384xf32, #tpu.memory_space<vmem>>, vector<16xf32>,
        %get3A_642 = arith.index_cast %while3A_596 : i32 to index
        %get3A_643 = arith.constant 64 : index
        %get3A_644 = tpu.vector_load %arg26[%get3A_642, %get3A_643] {strides = array<i32>} : memref<8x256xf32, #tpu.memory_space<vmem>>, vector<16xf32>,
        %add3A_645 = arith.constant 64 : i32
        %add3A_646 = arith.addi %mul3A_609, %add3A_645 : i32
        %mul3A_647 = arith.mulf %broadcast_in_dim3A_607, %get3A_644 : vector<16xf32>
        %swap3A_648 = arith.index_cast %add3A_646 : i32 to index
        %swap3A_649 = tpu.vector_load %arg27[%swap3A_648] {strides = array<i32>} : memref<16384xf32, #tpu.memory_space<vmem>>, vector<16xf32>,
        tpu.vector_store %arg27[%swap3A_648], %mul3A_647 {add = true, strides = array<i32>} : memref<16384xf32, #tpu.memory_space<vmem>>, vector<16xf32>,
        %get3A_650 = arith.index_cast %while3A_596 : i32 to index
        %get3A_651 = arith.constant 80 : index
        %get3A_652 = tpu.vector_load %arg26[%get3A_650, %get3A_651] {strides = array<i32>} : memref<8x256xf32, #tpu.memory_space<vmem>>, vector<16xf32>,
        %add3A_653 = arith.constant 80 : i32
        %add3A_654 = arith.addi %mul3A_609, %add3A_653 : i32
        %mul3A_655 = arith.mulf %broadcast_in_dim3A_607, %get3A_652 : vector<16xf32>
        %swap3A_656 = arith.index_cast %add3A_654 : i32 to index
        %swap3A_657 = tpu.vector_load %arg27[%swap3A_656] {strides = array<i32>} : memref<16384xf32, #tpu.memory_space<vmem>>, vector<16xf32>,
        tpu.vector_store %arg27[%swap3A_656], %mul3A_655 {add = true, strides = array<i32>} : memref<16384xf32, #tpu.memory_space<vmem>>, vector<16xf32>,
        %get3A_658 = arith.index_cast %while3A_596 : i32 to index
        %get3A_659 = arith.constant 96 : index
        %get3A_660 = tpu.vector_load %arg26[%get3A_658, %get3A_659] {strides = array<i32>} : memref<8x256xf32, #tpu.memory_space<vmem>>, vector<16xf32>,
        %add3A_661 = arith.constant 96 : i32
        %add3A_662 = arith.addi %mul3A_609, %add3A_661 : i32
        %mul3A_663 = arith.mulf %broadcast_in_dim3A_607, %get3A_660 : vector<16xf32>
        %swap3A_664 = arith.index_cast %add3A_662 : i32 to index
        %swap3A_665 = tpu.vector_load %arg27[%swap3A_664] {strides = array<i32>} : memref<16384xf32, #tpu.memory_space<vmem>>, vector<16xf32>,
        tpu.vector_store %arg27[%swap3A_664], %mul3A_663 {add = true, strides = array<i32>} : memref<16384xf32, #tpu.memory_space<vmem>>, vector<16xf32>,
        %get3A_666 = arith.index_cast %while3A_596 : i32 to index
        %get3A_667 = arith.constant 112 : index
        %get3A_668 = tpu.vector_load %arg26[%get3A_666, %get3A_667] {strides = array<i32>} : memref<8x256xf32, #tpu.memory_space<vmem>>, vector<16xf32>,
        %add3A_669 = arith.constant 112 : i32
        %add3A_670 = arith.addi %mul3A_609, %add3A_669 : i32
        %mul3A_671 = arith.mulf %broadcast_in_dim3A_607, %get3A_668 : vector<16xf32>
        %swap3A_672 = arith.index_cast %add3A_670 : i32 to index
        %swap3A_673 = tpu.vector_load %arg27[%swap3A_672] {strides = array<i32>} : memref<16384xf32, #tpu.memory_space<vmem>>, vector<16xf32>,
        tpu.vector_store %arg27[%swap3A_672], %mul3A_671 {add = true, strides = array<i32>} : memref<16384xf32, #tpu.memory_space<vmem>>, vector<16xf32>,
        %get3A_674 = arith.index_cast %while3A_596 : i32 to index
        %get3A_675 = arith.constant 128 : index
        %get3A_676 = tpu.vector_load %arg26[%get3A_674, %get3A_675] {strides = array<i32>} : memref<8x256xf32, #tpu.memory_space<vmem>>, vector<16xf32>,
        %add3A_677 = arith.constant 128 : i32
        %add3A_678 = arith.addi %mul3A_609, %add3A_677 : i32
        %mul3A_679 = arith.mulf %broadcast_in_dim3A_607, %get3A_676 : vector<16xf32>
        %swap3A_680 = arith.index_cast %add3A_678 : i32 to index
        %swap3A_681 = tpu.vector_load %arg27[%swap3A_680] {strides = array<i32>} : memref<16384xf32, #tpu.memory_space<vmem>>, vector<16xf32>,
        tpu.vector_store %arg27[%swap3A_680], %mul3A_679 {add = true, strides = array<i32>} : memref<16384xf32, #tpu.memory_space<vmem>>, vector<16xf32>,
        %get3A_682 = arith.index_cast %while3A_596 : i32 to index
        %get3A_683 = arith.constant 144 : index
        %get3A_684 = tpu.vector_load %arg26[%get3A_682, %get3A_683] {strides = array<i32>} : memref<8x256xf32, #tpu.memory_space<vmem>>, vector<16xf32>,
        %add3A_685 = arith.constant 144 : i32
        %add3A_686 = arith.addi %mul3A_609, %add3A_685 : i32
        %mul3A_687 = arith.mulf %broadcast_in_dim3A_607, %get3A_684 : vector<16xf32>
        %swap3A_688 = arith.index_cast %add3A_686 : i32 to index
        %swap3A_689 = tpu.vector_load %arg27[%swap3A_688] {strides = array<i32>} : memref<16384xf32, #tpu.memory_space<vmem>>, vector<16xf32>,
        tpu.vector_store %arg27[%swap3A_688], %mul3A_687 {add = true, strides = array<i32>} : memref<16384xf32, #tpu.memory_space<vmem>>, vector<16xf32>,
        %get3A_690 = arith.index_cast %while3A_596 : i32 to index
        %get3A_691 = arith.constant 160 : index
        %get3A_692 = tpu.vector_load %arg26[%get3A_690, %get3A_691] {strides = array<i32>} : memref<8x256xf32, #tpu.memory_space<vmem>>, vector<16xf32>,
        %add3A_693 = arith.constant 160 : i32
        %add3A_694 = arith.addi %mul3A_609, %add3A_693 : i32
        %mul3A_695 = arith.mulf %broadcast_in_dim3A_607, %get3A_692 : vector<16xf32>
        %swap3A_696 = arith.index_cast %add3A_694 : i32 to index
        %swap3A_697 = tpu.vector_load %arg27[%swap3A_696] {strides = array<i32>} : memref<16384xf32, #tpu.memory_space<vmem>>, vector<16xf32>,
        tpu.vector_store %arg27[%swap3A_696], %mul3A_695 {add = true, strides = array<i32>} : memref<16384xf32, #tpu.memory_space<vmem>>, vector<16xf32>,
        %get3A_698 = arith.index_cast %while3A_596 : i32 to index
        %get3A_699 = arith.constant 176 : index
        %get3A_700 = tpu.vector_load %arg26[%get3A_698, %get3A_699] {strides = array<i32>} : memref<8x256xf32, #tpu.memory_space<vmem>>, vector<16xf32>,
        %add3A_701 = arith.constant 176 : i32
        %add3A_702 = arith.addi %mul3A_609, %add3A_701 : i32
        %mul3A_703 = arith.mulf %broadcast_in_dim3A_607, %get3A_700 : vector<16xf32>
        %swap3A_704 = arith.index_cast %add3A_702 : i32 to index
        %swap3A_705 = tpu.vector_load %arg27[%swap3A_704] {strides = array<i32>} : memref<16384xf32, #tpu.memory_space<vmem>>, vector<16xf32>,
        tpu.vector_store %arg27[%swap3A_704], %mul3A_703 {add = true, strides = array<i32>} : memref<16384xf32, #tpu.memory_space<vmem>>, vector<16xf32>,
        %get3A_706 = arith.index_cast %while3A_596 : i32 to index
        %get3A_707 = arith.constant 192 : index
        %get3A_708 = tpu.vector_load %arg26[%get3A_706, %get3A_707] {strides = array<i32>} : memref<8x256xf32, #tpu.memory_space<vmem>>, vector<16xf32>,
        %add3A_709 = arith.constant 192 : i32
        %add3A_710 = arith.addi %mul3A_609, %add3A_709 : i32
        %mul3A_711 = arith.mulf %broadcast_in_dim3A_607, %get3A_708 : vector<16xf32>
        %swap3A_712 = arith.index_cast %add3A_710 : i32 to index
        %swap3A_713 = tpu.vector_load %arg27[%swap3A_712] {strides = array<i32>} : memref<16384xf32, #tpu.memory_space<vmem>>, vector<16xf32>,
        tpu.vector_store %arg27[%swap3A_712], %mul3A_711 {add = true, strides = array<i32>} : memref<16384xf32, #tpu.memory_space<vmem>>, vector<16xf32>,
        %get3A_714 = arith.index_cast %while3A_596 : i32 to index
        %get3A_715 = arith.constant 208 : index
        %get3A_716 = tpu.vector_load %arg26[%get3A_714, %get3A_715] {strides = array<i32>} : memref<8x256xf32, #tpu.memory_space<vmem>>, vector<16xf32>,
        %add3A_717 = arith.constant 208 : i32
        %add3A_718 = arith.addi %mul3A_609, %add3A_717 : i32
        %mul3A_719 = arith.mulf %broadcast_in_dim3A_607, %get3A_716 : vector<16xf32>
        %swap3A_720 = arith.index_cast %add3A_718 : i32 to index
        %swap3A_721 = tpu.vector_load %arg27[%swap3A_720] {strides = array<i32>} : memref<16384xf32, #tpu.memory_space<vmem>>, vector<16xf32>,
        tpu.vector_store %arg27[%swap3A_720], %mul3A_719 {add = true, strides = array<i32>} : memref<16384xf32, #tpu.memory_space<vmem>>, vector<16xf32>,
        %get3A_722 = arith.index_cast %while3A_596 : i32 to index
        %get3A_723 = arith.constant 224 : index
        %get3A_724 = tpu.vector_load %arg26[%get3A_722, %get3A_723] {strides = array<i32>} : memref<8x256xf32, #tpu.memory_space<vmem>>, vector<16xf32>,
        %add3A_725 = arith.constant 224 : i32
        %add3A_726 = arith.addi %mul3A_609, %add3A_725 : i32
        %mul3A_727 = arith.mulf %broadcast_in_dim3A_607, %get3A_724 : vector<16xf32>
        %swap3A_728 = arith.index_cast %add3A_726 : i32 to index
        %swap3A_729 = tpu.vector_load %arg27[%swap3A_728] {strides = array<i32>} : memref<16384xf32, #tpu.memory_space<vmem>>, vector<16xf32>,
        tpu.vector_store %arg27[%swap3A_728], %mul3A_727 {add = true, strides = array<i32>} : memref<16384xf32, #tpu.memory_space<vmem>>, vector<16xf32>,
        %get3A_730 = arith.index_cast %while3A_596 : i32 to index
        %get3A_731 = arith.constant 240 : index
        %get3A_732 = tpu.vector_load %arg26[%get3A_730, %get3A_731] {strides = array<i32>} : memref<8x256xf32, #tpu.memory_space<vmem>>, vector<16xf32>,
        %add3A_733 = arith.constant 240 : i32
        %add3A_734 = arith.addi %mul3A_609, %add3A_733 : i32
        %mul3A_735 = arith.mulf %broadcast_in_dim3A_607, %get3A_732 : vector<16xf32>
        %swap3A_736 = arith.index_cast %add3A_734 : i32 to index
        %swap3A_737 = tpu.vector_load %arg27[%swap3A_736] {strides = array<i32>} : memref<16384xf32, #tpu.memory_space<vmem>>, vector<16xf32>,
        tpu.vector_store %arg27[%swap3A_736], %mul3A_735 {add = true, strides = array<i32>} : memref<16384xf32, #tpu.memory_space<vmem>>, vector<16xf32>,
        %broadcast_in_dim3A_738 = vector.broadcast %squeeze3A_601 : i32 to vector<16xi32>
        tpu.vector_store_idx %arg28[%broadcast_in_dim3A_738], %broadcast_in_dim3A_607 masked %eq3A_7 {add = true} : memref<64xf32, #tpu.memory_space<vmem>>[vector<16xi32>], vector<16xf32>, vector<16xi1>
      }
    }
    %while3A_326 = arith.constant 1 : i32
    scf.for %while3A_327 = %while3A_324 to %while3A_320 step %while3A_326  : i32 {
      %mul3A_328 = arith.constant 8 : i32
      %mul3A_329 = arith.muli %while3A_327, %mul3A_328 : i32
      "tpu.trace_start"() <{level = 10 : i32, message = "dma1"}> : () -> ()
      %add3A_330 = arith.constant 0 : i32
      %add3A_331 = arith.addi %mul3A_329, %add3A_330 : i32
      %get3A = arith.index_cast %add3A_331 : i32 to index
      %get3A_332 = tpu.vector_load %arg23[%get3A] {strides = array<i32>} : memref<528xi32, #tpu.memory_space<vmem>>, vector<16xi32>,
      %slice3A = vector.extract_strided_slice %get3A_332 {offsets = [0], sizes = [1], strides = [1]} : vector<16xi32> to vector<1xi32>
      %squeeze3A = vector.extract %slice3A[0] : i32 from vector<1xi32>
      %dma_start3A_333 = arith.constant 0 : i32
      %dma_start3A_334 = arith.constant 0 : i32
      %dma_start3A_335 = tpu.memref_slice %arg26[%dma_start3A_333, %dma_start3A_334] : memref<8x256xf32, #tpu.memory_space<vmem>> -> memref<1x256xf32, #tpu.memory_space<vmem>>
      %dma_start3A_336 = tpu.memref_squeeze %dma_start3A_335 : memref<1x256xf32, #tpu.memory_space<vmem>> -> memref<256xf32, #tpu.memory_space<vmem>>
      %dma_start3A_337 = arith.constant 0 : i32
      %dma_start3A_338 = tpu.memref_slice %arg13[%squeeze3A, %dma_start3A_337] : memref<10000x256xf32, #tpu.memory_space<hbm>> -> memref<1x256xf32, #tpu.memory_space<hbm>>
      %dma_start3A_339 = tpu.memref_squeeze %dma_start3A_338 : memref<1x256xf32, #tpu.memory_space<hbm>> -> memref<256xf32, #tpu.memory_space<hbm>>
      %dma_start3A_340 = arith.constant 0 : i32
      %dma_start3A_341 = tpu.memref_slice %arg26[%dma_start3A_333, %dma_start3A_340] : memref<8x256xf32, #tpu.memory_space<vmem>> -> memref<1x256xf32, #tpu.memory_space<vmem>>
      %dma_start3A_342 = tpu.memref_squeeze %dma_start3A_341 : memref<1x256xf32, #tpu.memory_space<vmem>> -> memref<256xf32, #tpu.memory_space<vmem>>
      %dma_start3A_343 = arith.constant 0 : i32
      %dma_start3A_344 = tpu.memref_slice %arg13[%squeeze3A, %dma_start3A_343] : memref<10000x256xf32, #tpu.memory_space<hbm>> -> memref<1x256xf32, #tpu.memory_space<hbm>>
      %dma_start3A_345 = tpu.memref_squeeze %dma_start3A_344 : memref<1x256xf32, #tpu.memory_space<hbm>> -> memref<256xf32, #tpu.memory_space<hbm>>
      tpu.enqueue_dma source(%dma_start3A_345 : memref<256xf32, #tpu.memory_space<hbm>>) target(%dma_start3A_342 : memref<256xf32, #tpu.memory_space<vmem>>) target_semaphore(%arg29 : memref<!tpu.dma_semaphore, #tpu.memory_space<semaphore_mem>>)
      %add3A_346 = arith.constant 1 : i32
      %add3A_347 = arith.addi %mul3A_329, %add3A_346 : i32
      %get3A_348 = arith.index_cast %add3A_347 : i32 to index
      %get3A_349 = tpu.vector_load %arg23[%get3A_348] {strides = array<i32>} : memref<528xi32, #tpu.memory_space<vmem>>, vector<16xi32>,
      %slice3A_350 = vector.extract_strided_slice %get3A_349 {offsets = [0], sizes = [1], strides = [1]} : vector<16xi32> to vector<1xi32>
      %squeeze3A_351 = vector.extract %slice3A_350[0] : i32 from vector<1xi32>
      %dma_start3A_352 = arith.constant 1 : i32
      %dma_start3A_353 = arith.constant 0 : i32
      %dma_start3A_354 = tpu.memref_slice %arg26[%dma_start3A_352, %dma_start3A_353] : memref<8x256xf32, #tpu.memory_space<vmem>> -> memref<1x256xf32, #tpu.memory_space<vmem>>
      %dma_start3A_355 = tpu.memref_squeeze %dma_start3A_354 : memref<1x256xf32, #tpu.memory_space<vmem>> -> memref<256xf32, #tpu.memory_space<vmem>>
      %dma_start3A_356 = arith.constant 0 : i32
      %dma_start3A_357 = tpu.memref_slice %arg13[%squeeze3A_351, %dma_start3A_356] : memref<10000x256xf32, #tpu.memory_space<hbm>> -> memref<1x256xf32, #tpu.memory_space<hbm>>
      %dma_start3A_358 = tpu.memref_squeeze %dma_start3A_357 : memref<1x256xf32, #tpu.memory_space<hbm>> -> memref<256xf32, #tpu.memory_space<hbm>>
      %dma_start3A_359 = arith.constant 0 : i32
      %dma_start3A_360 = tpu.memref_slice %arg26[%dma_start3A_352, %dma_start3A_359] : memref<8x256xf32, #tpu.memory_space<vmem>> -> memref<1x256xf32, #tpu.memory_space<vmem>>
      %dma_start3A_361 = tpu.memref_squeeze %dma_start3A_360 : memref<1x256xf32, #tpu.memory_space<vmem>> -> memref<256xf32, #tpu.memory_space<vmem>>
      %dma_start3A_362 = arith.constant 0 : i32
      %dma_start3A_363 = tpu.memref_slice %arg13[%squeeze3A_351, %dma_start3A_362] : memref<10000x256xf32, #tpu.memory_space<hbm>> -> memref<1x256xf32, #tpu.memory_space<hbm>>
      %dma_start3A_364 = tpu.memref_squeeze %dma_start3A_363 : memref<1x256xf32, #tpu.memory_space<hbm>> -> memref<256xf32, #tpu.memory_space<hbm>>
      tpu.enqueue_dma source(%dma_start3A_364 : memref<256xf32, #tpu.memory_space<hbm>>) target(%dma_start3A_361 : memref<256xf32, #tpu.memory_space<vmem>>) target_semaphore(%arg29 : memref<!tpu.dma_semaphore, #tpu.memory_space<semaphore_mem>>)
      %add3A_365 = arith.constant 2 : i32
      %add3A_366 = arith.addi %mul3A_329, %add3A_365 : i32
      %get3A_367 = arith.index_cast %add3A_366 : i32 to index
      %get3A_368 = tpu.vector_load %arg23[%get3A_367] {strides = array<i32>} : memref<528xi32, #tpu.memory_space<vmem>>, vector<16xi32>,
      %slice3A_369 = vector.extract_strided_slice %get3A_368 {offsets = [0], sizes = [1], strides = [1]} : vector<16xi32> to vector<1xi32>
      %squeeze3A_370 = vector.extract %slice3A_369[0] : i32 from vector<1xi32>
      %dma_start3A_371 = arith.constant 2 : i32
      %dma_start3A_372 = arith.constant 0 : i32
      %dma_start3A_373 = tpu.memref_slice %arg26[%dma_start3A_371, %dma_start3A_372] : memref<8x256xf32, #tpu.memory_space<vmem>> -> memref<1x256xf32, #tpu.memory_space<vmem>>
      %dma_start3A_374 = tpu.memref_squeeze %dma_start3A_373 : memref<1x256xf32, #tpu.memory_space<vmem>> -> memref<256xf32, #tpu.memory_space<vmem>>
      %dma_start3A_375 = arith.constant 0 : i32
      %dma_start3A_376 = tpu.memref_slice %arg13[%squeeze3A_370, %dma_start3A_375] : memref<10000x256xf32, #tpu.memory_space<hbm>> -> memref<1x256xf32, #tpu.memory_space<hbm>>
      %dma_start3A_377 = tpu.memref_squeeze %dma_start3A_376 : memref<1x256xf32, #tpu.memory_space<hbm>> -> memref<256xf32, #tpu.memory_space<hbm>>
      %dma_start3A_378 = arith.constant 0 : i32
      %dma_start3A_379 = tpu.memref_slice %arg26[%dma_start3A_371, %dma_start3A_378] : memref<8x256xf32, #tpu.memory_space<vmem>> -> memref<1x256xf32, #tpu.memory_space<vmem>>
      %dma_start3A_380 = tpu.memref_squeeze %dma_start3A_379 : memref<1x256xf32, #tpu.memory_space<vmem>> -> memref<256xf32, #tpu.memory_space<vmem>>
      %dma_start3A_381 = arith.constant 0 : i32
      %dma_start3A_382 = tpu.memref_slice %arg13[%squeeze3A_370, %dma_start3A_381] : memref<10000x256xf32, #tpu.memory_space<hbm>> -> memref<1x256xf32, #tpu.memory_space<hbm>>
      %dma_start3A_383 = tpu.memref_squeeze %dma_start3A_382 : memref<1x256xf32, #tpu.memory_space<hbm>> -> memref<256xf32, #tpu.memory_space<hbm>>
      tpu.enqueue_dma source(%dma_start3A_383 : memref<256xf32, #tpu.memory_space<hbm>>) target(%dma_start3A_380 : memref<256xf32, #tpu.memory_space<vmem>>) target_semaphore(%arg29 : memref<!tpu.dma_semaphore, #tpu.memory_space<semaphore_mem>>)
      %add3A_384 = arith.constant 3 : i32
      %add3A_385 = arith.addi %mul3A_329, %add3A_384 : i32
      %get3A_386 = arith.index_cast %add3A_385 : i32 to index
      %get3A_387 = tpu.vector_load %arg23[%get3A_386] {strides = array<i32>} : memref<528xi32, #tpu.memory_space<vmem>>, vector<16xi32>,
      %slice3A_388 = vector.extract_strided_slice %get3A_387 {offsets = [0], sizes = [1], strides = [1]} : vector<16xi32> to vector<1xi32>
      %squeeze3A_389 = vector.extract %slice3A_388[0] : i32 from vector<1xi32>
      %dma_start3A_390 = arith.constant 3 : i32
      %dma_start3A_391 = arith.constant 0 : i32
      %dma_start3A_392 = tpu.memref_slice %arg26[%dma_start3A_390, %dma_start3A_391] : memref<8x256xf32, #tpu.memory_space<vmem>> -> memref<1x256xf32, #tpu.memory_space<vmem>>
      %dma_start3A_393 = tpu.memref_squeeze %dma_start3A_392 : memref<1x256xf32, #tpu.memory_space<vmem>> -> memref<256xf32, #tpu.memory_space<vmem>>
      %dma_start3A_394 = arith.constant 0 : i32
      %dma_start3A_395 = tpu.memref_slice %arg13[%squeeze3A_389, %dma_start3A_394] : memref<10000x256xf32, #tpu.memory_space<hbm>> -> memref<1x256xf32, #tpu.memory_space<hbm>>
      %dma_start3A_396 = tpu.memref_squeeze %dma_start3A_395 : memref<1x256xf32, #tpu.memory_space<hbm>> -> memref<256xf32, #tpu.memory_space<hbm>>
      %dma_start3A_397 = arith.constant 0 : i32
      %dma_start3A_398 = tpu.memref_slice %arg26[%dma_start3A_390, %dma_start3A_397] : memref<8x256xf32, #tpu.memory_space<vmem>> -> memref<1x256xf32, #tpu.memory_space<vmem>>
      %dma_start3A_399 = tpu.memref_squeeze %dma_start3A_398 : memref<1x256xf32, #tpu.memory_space<vmem>> -> memref<256xf32, #tpu.memory_space<vmem>>
      %dma_start3A_400 = arith.constant 0 : i32
      %dma_start3A_401 = tpu.memref_slice %arg13[%squeeze3A_389, %dma_start3A_400] : memref<10000x256xf32, #tpu.memory_space<hbm>> -> memref<1x256xf32, #tpu.memory_space<hbm>>
      %dma_start3A_402 = tpu.memref_squeeze %dma_start3A_401 : memref<1x256xf32, #tpu.memory_space<hbm>> -> memref<256xf32, #tpu.memory_space<hbm>>
      tpu.enqueue_dma source(%dma_start3A_402 : memref<256xf32, #tpu.memory_space<hbm>>) target(%dma_start3A_399 : memref<256xf32, #tpu.memory_space<vmem>>) target_semaphore(%arg29 : memref<!tpu.dma_semaphore, #tpu.memory_space<semaphore_mem>>)
      %add3A_403 = arith.constant 4 : i32
      %add3A_404 = arith.addi %mul3A_329, %add3A_403 : i32
      %get3A_405 = arith.index_cast %add3A_404 : i32 to index
      %get3A_406 = tpu.vector_load %arg23[%get3A_405] {strides = array<i32>} : memref<528xi32, #tpu.memory_space<vmem>>, vector<16xi32>,
      %slice3A_407 = vector.extract_strided_slice %get3A_406 {offsets = [0], sizes = [1], strides = [1]} : vector<16xi32> to vector<1xi32>
      %squeeze3A_408 = vector.extract %slice3A_407[0] : i32 from vector<1xi32>
      %dma_start3A_409 = arith.constant 4 : i32
      %dma_start3A_410 = arith.constant 0 : i32
      %dma_start3A_411 = tpu.memref_slice %arg26[%dma_start3A_409, %dma_start3A_410] : memref<8x256xf32, #tpu.memory_space<vmem>> -> memref<1x256xf32, #tpu.memory_space<vmem>>
      %dma_start3A_412 = tpu.memref_squeeze %dma_start3A_411 : memref<1x256xf32, #tpu.memory_space<vmem>> -> memref<256xf32, #tpu.memory_space<vmem>>
      %dma_start3A_413 = arith.constant 0 : i32
      %dma_start3A_414 = tpu.memref_slice %arg13[%squeeze3A_408, %dma_start3A_413] : memref<10000x256xf32, #tpu.memory_space<hbm>> -> memref<1x256xf32, #tpu.memory_space<hbm>>
      %dma_start3A_415 = tpu.memref_squeeze %dma_start3A_414 : memref<1x256xf32, #tpu.memory_space<hbm>> -> memref<256xf32, #tpu.memory_space<hbm>>
      %dma_start3A_416 = arith.constant 0 : i32
      %dma_start3A_417 = tpu.memref_slice %arg26[%dma_start3A_409, %dma_start3A_416] : memref<8x256xf32, #tpu.memory_space<vmem>> -> memref<1x256xf32, #tpu.memory_space<vmem>>
      %dma_start3A_418 = tpu.memref_squeeze %dma_start3A_417 : memref<1x256xf32, #tpu.memory_space<vmem>> -> memref<256xf32, #tpu.memory_space<vmem>>
      %dma_start3A_419 = arith.constant 0 : i32
      %dma_start3A_420 = tpu.memref_slice %arg13[%squeeze3A_408, %dma_start3A_419] : memref<10000x256xf32, #tpu.memory_space<hbm>> -> memref<1x256xf32, #tpu.memory_space<hbm>>
      %dma_start3A_421 = tpu.memref_squeeze %dma_start3A_420 : memref<1x256xf32, #tpu.memory_space<hbm>> -> memref<256xf32, #tpu.memory_space<hbm>>
      tpu.enqueue_dma source(%dma_start3A_421 : memref<256xf32, #tpu.memory_space<hbm>>) target(%dma_start3A_418 : memref<256xf32, #tpu.memory_space<vmem>>) target_semaphore(%arg29 : memref<!tpu.dma_semaphore, #tpu.memory_space<semaphore_mem>>)
      %add3A_422 = arith.constant 5 : i32
      %add3A_423 = arith.addi %mul3A_329, %add3A_422 : i32
      %get3A_424 = arith.index_cast %add3A_423 : i32 to index
      %get3A_425 = tpu.vector_load %arg23[%get3A_424] {strides = array<i32>} : memref<528xi32, #tpu.memory_space<vmem>>, vector<16xi32>,
      %slice3A_426 = vector.extract_strided_slice %get3A_425 {offsets = [0], sizes = [1], strides = [1]} : vector<16xi32> to vector<1xi32>
      %squeeze3A_427 = vector.extract %slice3A_426[0] : i32 from vector<1xi32>
      %dma_start3A_428 = arith.constant 5 : i32
      %dma_start3A_429 = arith.constant 0 : i32
      %dma_start3A_430 = tpu.memref_slice %arg26[%dma_start3A_428, %dma_start3A_429] : memref<8x256xf32, #tpu.memory_space<vmem>> -> memref<1x256xf32, #tpu.memory_space<vmem>>
      %dma_start3A_431 = tpu.memref_squeeze %dma_start3A_430 : memref<1x256xf32, #tpu.memory_space<vmem>> -> memref<256xf32, #tpu.memory_space<vmem>>
      %dma_start3A_432 = arith.constant 0 : i32
      %dma_start3A_433 = tpu.memref_slice %arg13[%squeeze3A_427, %dma_start3A_432] : memref<10000x256xf32, #tpu.memory_space<hbm>> -> memref<1x256xf32, #tpu.memory_space<hbm>>
      %dma_start3A_434 = tpu.memref_squeeze %dma_start3A_433 : memref<1x256xf32, #tpu.memory_space<hbm>> -> memref<256xf32, #tpu.memory_space<hbm>>
      %dma_start3A_435 = arith.constant 0 : i32
      %dma_start3A_436 = tpu.memref_slice %arg26[%dma_start3A_428, %dma_start3A_435] : memref<8x256xf32, #tpu.memory_space<vmem>> -> memref<1x256xf32, #tpu.memory_space<vmem>>
      %dma_start3A_437 = tpu.memref_squeeze %dma_start3A_436 : memref<1x256xf32, #tpu.memory_space<vmem>> -> memref<256xf32, #tpu.memory_space<vmem>>
      %dma_start3A_438 = arith.constant 0 : i32
      %dma_start3A_439 = tpu.memref_slice %arg13[%squeeze3A_427, %dma_start3A_438] : memref<10000x256xf32, #tpu.memory_space<hbm>> -> memref<1x256xf32, #tpu.memory_space<hbm>>
      %dma_start3A_440 = tpu.memref_squeeze %dma_start3A_439 : memref<1x256xf32, #tpu.memory_space<hbm>> -> memref<256xf32, #tpu.memory_space<hbm>>
      tpu.enqueue_dma source(%dma_start3A_440 : memref<256xf32, #tpu.memory_space<hbm>>) target(%dma_start3A_437 : memref<256xf32, #tpu.memory_space<vmem>>) target_semaphore(%arg29 : memref<!tpu.dma_semaphore, #tpu.memory_space<semaphore_mem>>)
      %add3A_441 = arith.constant 6 : i32
      %add3A_442 = arith.addi %mul3A_329, %add3A_441 : i32
      %get3A_443 = arith.index_cast %add3A_442 : i32 to index
      %get3A_444 = tpu.vector_load %arg23[%get3A_443] {strides = array<i32>} : memref<528xi32, #tpu.memory_space<vmem>>, vector<16xi32>,
      %slice3A_445 = vector.extract_strided_slice %get3A_444 {offsets = [0], sizes = [1], strides = [1]} : vector<16xi32> to vector<1xi32>
      %squeeze3A_446 = vector.extract %slice3A_445[0] : i32 from vector<1xi32>
      %dma_start3A_447 = arith.constant 6 : i32
      %dma_start3A_448 = arith.constant 0 : i32
      %dma_start3A_449 = tpu.memref_slice %arg26[%dma_start3A_447, %dma_start3A_448] : memref<8x256xf32, #tpu.memory_space<vmem>> -> memref<1x256xf32, #tpu.memory_space<vmem>>
      %dma_start3A_450 = tpu.memref_squeeze %dma_start3A_449 : memref<1x256xf32, #tpu.memory_space<vmem>> -> memref<256xf32, #tpu.memory_space<vmem>>
      %dma_start3A_451 = arith.constant 0 : i32
      %dma_start3A_452 = tpu.memref_slice %arg13[%squeeze3A_446, %dma_start3A_451] : memref<10000x256xf32, #tpu.memory_space<hbm>> -> memref<1x256xf32, #tpu.memory_space<hbm>>
      %dma_start3A_453 = tpu.memref_squeeze %dma_start3A_452 : memref<1x256xf32, #tpu.memory_space<hbm>> -> memref<256xf32, #tpu.memory_space<hbm>>
      %dma_start3A_454 = arith.constant 0 : i32
      %dma_start3A_455 = tpu.memref_slice %arg26[%dma_start3A_447, %dma_start3A_454] : memref<8x256xf32, #tpu.memory_space<vmem>> -> memref<1x256xf32, #tpu.memory_space<vmem>>
      %dma_start3A_456 = tpu.memref_squeeze %dma_start3A_455 : memref<1x256xf32, #tpu.memory_space<vmem>> -> memref<256xf32, #tpu.memory_space<vmem>>
      %dma_start3A_457 = arith.constant 0 : i32
      %dma_start3A_458 = tpu.memref_slice %arg13[%squeeze3A_446, %dma_start3A_457] : memref<10000x256xf32, #tpu.memory_space<hbm>> -> memref<1x256xf32, #tpu.memory_space<hbm>>
      %dma_start3A_459 = tpu.memref_squeeze %dma_start3A_458 : memref<1x256xf32, #tpu.memory_space<hbm>> -> memref<256xf32, #tpu.memory_space<hbm>>
      tpu.enqueue_dma source(%dma_start3A_459 : memref<256xf32, #tpu.memory_space<hbm>>) target(%dma_start3A_456 : memref<256xf32, #tpu.memory_space<vmem>>) target_semaphore(%arg29 : memref<!tpu.dma_semaphore, #tpu.memory_space<semaphore_mem>>)
      %add3A_460 = arith.constant 7 : i32
      %add3A_461 = arith.addi %mul3A_329, %add3A_460 : i32
      %get3A_462 = arith.index_cast %add3A_461 : i32 to index
      %get3A_463 = tpu.vector_load %arg23[%get3A_462] {strides = array<i32>} : memref<528xi32, #tpu.memory_space<vmem>>, vector<16xi32>,
      %slice3A_464 = vector.extract_strided_slice %get3A_463 {offsets = [0], sizes = [1], strides = [1]} : vector<16xi32> to vector<1xi32>
      %squeeze3A_465 = vector.extract %slice3A_464[0] : i32 from vector<1xi32>
      %dma_start3A_466 = arith.constant 7 : i32
      %dma_start3A_467 = arith.constant 0 : i32
      %dma_start3A_468 = tpu.memref_slice %arg26[%dma_start3A_466, %dma_start3A_467] : memref<8x256xf32, #tpu.memory_space<vmem>> -> memref<1x256xf32, #tpu.memory_space<vmem>>
      %dma_start3A_469 = tpu.memref_squeeze %dma_start3A_468 : memref<1x256xf32, #tpu.memory_space<vmem>> -> memref<256xf32, #tpu.memory_space<vmem>>
      %dma_start3A_470 = arith.constant 0 : i32
      %dma_start3A_471 = tpu.memref_slice %arg13[%squeeze3A_465, %dma_start3A_470] : memref<10000x256xf32, #tpu.memory_space<hbm>> -> memref<1x256xf32, #tpu.memory_space<hbm>>
      %dma_start3A_472 = tpu.memref_squeeze %dma_start3A_471 : memref<1x256xf32, #tpu.memory_space<hbm>> -> memref<256xf32, #tpu.memory_space<hbm>>
      %dma_start3A_473 = arith.constant 0 : i32
      %dma_start3A_474 = tpu.memref_slice %arg26[%dma_start3A_466, %dma_start3A_473] : memref<8x256xf32, #tpu.memory_space<vmem>> -> memref<1x256xf32, #tpu.memory_space<vmem>>
      %dma_start3A_475 = tpu.memref_squeeze %dma_start3A_474 : memref<1x256xf32, #tpu.memory_space<vmem>> -> memref<256xf32, #tpu.memory_space<vmem>>
      %dma_start3A_476 = arith.constant 0 : i32
      %dma_start3A_477 = tpu.memref_slice %arg13[%squeeze3A_465, %dma_start3A_476] : memref<10000x256xf32, #tpu.memory_space<hbm>> -> memref<1x256xf32, #tpu.memory_space<hbm>>
      %dma_start3A_478 = tpu.memref_squeeze %dma_start3A_477 : memref<1x256xf32, #tpu.memory_space<hbm>> -> memref<256xf32, #tpu.memory_space<hbm>>
      tpu.enqueue_dma source(%dma_start3A_478 : memref<256xf32, #tpu.memory_space<hbm>>) target(%dma_start3A_475 : memref<256xf32, #tpu.memory_space<vmem>>) target_semaphore(%arg29 : memref<!tpu.dma_semaphore, #tpu.memory_space<semaphore_mem>>)
      %dma_wait3A_479 = arith.constant 0 : i32
      %dma_wait3A_480 = arith.constant 0 : i32
      %dma_wait3A_481 = tpu.memref_slice %arg26[%dma_wait3A_479, %dma_wait3A_480] : memref<8x256xf32, #tpu.memory_space<vmem>> -> memref<1x256xf32, #tpu.memory_space<vmem>>
      %dma_wait3A_482 = tpu.memref_squeeze %dma_wait3A_481 : memref<1x256xf32, #tpu.memory_space<vmem>> -> memref<256xf32, #tpu.memory_space<vmem>>
      %dma_wait3A_483 = arith.constant 0 : i32
      %dma_wait3A_484 = tpu.memref_slice %arg13[%squeeze3A, %dma_wait3A_483] : memref<10000x256xf32, #tpu.memory_space<hbm>> -> memref<1x256xf32, #tpu.memory_space<hbm>>
      %dma_wait3A_485 = tpu.memref_squeeze %dma_wait3A_484 : memref<1x256xf32, #tpu.memory_space<hbm>> -> memref<256xf32, #tpu.memory_space<hbm>>
      %dma_wait3A_486 = arith.constant 0 : i32
      %dma_wait3A_487 = tpu.memref_slice %arg26[%dma_wait3A_479, %dma_wait3A_486] : memref<8x256xf32, #tpu.memory_space<vmem>> -> memref<1x256xf32, #tpu.memory_space<vmem>>
      %dma_wait3A_488 = tpu.memref_squeeze %dma_wait3A_487 : memref<1x256xf32, #tpu.memory_space<vmem>> -> memref<256xf32, #tpu.memory_space<vmem>>
      %dma_wait3A_489 = arith.constant 0 : i32
      %dma_wait3A_490 = tpu.memref_slice %arg13[%squeeze3A, %dma_wait3A_489] : memref<10000x256xf32, #tpu.memory_space<hbm>> -> memref<1x256xf32, #tpu.memory_space<hbm>>
      %dma_wait3A_491 = tpu.memref_squeeze %dma_wait3A_490 : memref<1x256xf32, #tpu.memory_space<hbm>> -> memref<256xf32, #tpu.memory_space<hbm>>
      tpu.wait_dma2 semaphore(%arg29 : memref<!tpu.dma_semaphore, #tpu.memory_space<semaphore_mem>>) src(%dma_wait3A_491 : memref<256xf32, #tpu.memory_space<hbm>>) dst(%dma_wait3A_488 : memref<256xf32, #tpu.memory_space<vmem>>)
      %dma_wait3A_492 = arith.constant 1 : i32
      %dma_wait3A_493 = arith.constant 0 : i32
      %dma_wait3A_494 = tpu.memref_slice %arg26[%dma_wait3A_492, %dma_wait3A_493] : memref<8x256xf32, #tpu.memory_space<vmem>> -> memref<1x256xf32, #tpu.memory_space<vmem>>
      %dma_wait3A_495 = tpu.memref_squeeze %dma_wait3A_494 : memref<1x256xf32, #tpu.memory_space<vmem>> -> memref<256xf32, #tpu.memory_space<vmem>>
      %dma_wait3A_496 = arith.constant 0 : i32
      %dma_wait3A_497 = tpu.memref_slice %arg13[%squeeze3A_351, %dma_wait3A_496] : memref<10000x256xf32, #tpu.memory_space<hbm>> -> memref<1x256xf32, #tpu.memory_space<hbm>>
      %dma_wait3A_498 = tpu.memref_squeeze %dma_wait3A_497 : memref<1x256xf32, #tpu.memory_space<hbm>> -> memref<256xf32, #tpu.memory_space<hbm>>
      %dma_wait3A_499 = arith.constant 0 : i32
      %dma_wait3A_500 = tpu.memref_slice %arg26[%dma_wait3A_492, %dma_wait3A_499] : memref<8x256xf32, #tpu.memory_space<vmem>> -> memref<1x256xf32, #tpu.memory_space<vmem>>
      %dma_wait3A_501 = tpu.memref_squeeze %dma_wait3A_500 : memref<1x256xf32, #tpu.memory_space<vmem>> -> memref<256xf32, #tpu.memory_space<vmem>>
      %dma_wait3A_502 = arith.constant 0 : i32
      %dma_wait3A_503 = tpu.memref_slice %arg13[%squeeze3A_351, %dma_wait3A_502] : memref<10000x256xf32, #tpu.memory_space<hbm>> -> memref<1x256xf32, #tpu.memory_space<hbm>>
      %dma_wait3A_504 = tpu.memref_squeeze %dma_wait3A_503 : memref<1x256xf32, #tpu.memory_space<hbm>> -> memref<256xf32, #tpu.memory_space<hbm>>
      tpu.wait_dma2 semaphore(%arg29 : memref<!tpu.dma_semaphore, #tpu.memory_space<semaphore_mem>>) src(%dma_wait3A_504 : memref<256xf32, #tpu.memory_space<hbm>>) dst(%dma_wait3A_501 : memref<256xf32, #tpu.memory_space<vmem>>)
      %dma_wait3A_505 = arith.constant 2 : i32
      %dma_wait3A_506 = arith.constant 0 : i32
      %dma_wait3A_507 = tpu.memref_slice %arg26[%dma_wait3A_505, %dma_wait3A_506] : memref<8x256xf32, #tpu.memory_space<vmem>> -> memref<1x256xf32, #tpu.memory_space<vmem>>
      %dma_wait3A_508 = tpu.memref_squeeze %dma_wait3A_507 : memref<1x256xf32, #tpu.memory_space<vmem>> -> memref<256xf32, #tpu.memory_space<vmem>>
      %dma_wait3A_509 = arith.constant 0 : i32
      %dma_wait3A_510 = tpu.memref_slice %arg13[%squeeze3A_370, %dma_wait3A_509] : memref<10000x256xf32, #tpu.memory_space<hbm>> -> memref<1x256xf32, #tpu.memory_space<hbm>>
      %dma_wait3A_511 = tpu.memref_squeeze %dma_wait3A_510 : memref<1x256xf32, #tpu.memory_space<hbm>> -> memref<256xf32, #tpu.memory_space<hbm>>
      %dma_wait3A_512 = arith.constant 0 : i32
      %dma_wait3A_513 = tpu.memref_slice %arg26[%dma_wait3A_505, %dma_wait3A_512] : memref<8x256xf32, #tpu.memory_space<vmem>> -> memref<1x256xf32, #tpu.memory_space<vmem>>
      %dma_wait3A_514 = tpu.memref_squeeze %dma_wait3A_513 : memref<1x256xf32, #tpu.memory_space<vmem>> -> memref<256xf32, #tpu.memory_space<vmem>>
      %dma_wait3A_515 = arith.constant 0 : i32
      %dma_wait3A_516 = tpu.memref_slice %arg13[%squeeze3A_370, %dma_wait3A_515] : memref<10000x256xf32, #tpu.memory_space<hbm>> -> memref<1x256xf32, #tpu.memory_space<hbm>>
      %dma_wait3A_517 = tpu.memref_squeeze %dma_wait3A_516 : memref<1x256xf32, #tpu.memory_space<hbm>> -> memref<256xf32, #tpu.memory_space<hbm>>
      tpu.wait_dma2 semaphore(%arg29 : memref<!tpu.dma_semaphore, #tpu.memory_space<semaphore_mem>>) src(%dma_wait3A_517 : memref<256xf32, #tpu.memory_space<hbm>>) dst(%dma_wait3A_514 : memref<256xf32, #tpu.memory_space<vmem>>)
      %dma_wait3A_518 = arith.constant 3 : i32
      %dma_wait3A_519 = arith.constant 0 : i32
      %dma_wait3A_520 = tpu.memref_slice %arg26[%dma_wait3A_518, %dma_wait3A_519] : memref<8x256xf32, #tpu.memory_space<vmem>> -> memref<1x256xf32, #tpu.memory_space<vmem>>
      %dma_wait3A_521 = tpu.memref_squeeze %dma_wait3A_520 : memref<1x256xf32, #tpu.memory_space<vmem>> -> memref<256xf32, #tpu.memory_space<vmem>>
      %dma_wait3A_522 = arith.constant 0 : i32
      %dma_wait3A_523 = tpu.memref_slice %arg13[%squeeze3A_389, %dma_wait3A_522] : memref<10000x256xf32, #tpu.memory_space<hbm>> -> memref<1x256xf32, #tpu.memory_space<hbm>>
      %dma_wait3A_524 = tpu.memref_squeeze %dma_wait3A_523 : memref<1x256xf32, #tpu.memory_space<hbm>> -> memref<256xf32, #tpu.memory_space<hbm>>
      %dma_wait3A_525 = arith.constant 0 : i32
      %dma_wait3A_526 = tpu.memref_slice %arg26[%dma_wait3A_518, %dma_wait3A_525] : memref<8x256xf32, #tpu.memory_space<vmem>> -> memref<1x256xf32, #tpu.memory_space<vmem>>
      %dma_wait3A_527 = tpu.memref_squeeze %dma_wait3A_526 : memref<1x256xf32, #tpu.memory_space<vmem>> -> memref<256xf32, #tpu.memory_space<vmem>>
      %dma_wait3A_528 = arith.constant 0 : i32
      %dma_wait3A_529 = tpu.memref_slice %arg13[%squeeze3A_389, %dma_wait3A_528] : memref<10000x256xf32, #tpu.memory_space<hbm>> -> memref<1x256xf32, #tpu.memory_space<hbm>>
      %dma_wait3A_530 = tpu.memref_squeeze %dma_wait3A_529 : memref<1x256xf32, #tpu.memory_space<hbm>> -> memref<256xf32, #tpu.memory_space<hbm>>
      tpu.wait_dma2 semaphore(%arg29 : memref<!tpu.dma_semaphore, #tpu.memory_space<semaphore_mem>>) src(%dma_wait3A_530 : memref<256xf32, #tpu.memory_space<hbm>>) dst(%dma_wait3A_527 : memref<256xf32, #tpu.memory_space<vmem>>)
      %dma_wait3A_531 = arith.constant 4 : i32
      %dma_wait3A_532 = arith.constant 0 : i32
      %dma_wait3A_533 = tpu.memref_slice %arg26[%dma_wait3A_531, %dma_wait3A_532] : memref<8x256xf32, #tpu.memory_space<vmem>> -> memref<1x256xf32, #tpu.memory_space<vmem>>
      %dma_wait3A_534 = tpu.memref_squeeze %dma_wait3A_533 : memref<1x256xf32, #tpu.memory_space<vmem>> -> memref<256xf32, #tpu.memory_space<vmem>>
      %dma_wait3A_535 = arith.constant 0 : i32
      %dma_wait3A_536 = tpu.memref_slice %arg13[%squeeze3A_408, %dma_wait3A_535] : memref<10000x256xf32, #tpu.memory_space<hbm>> -> memref<1x256xf32, #tpu.memory_space<hbm>>
      %dma_wait3A_537 = tpu.memref_squeeze %dma_wait3A_536 : memref<1x256xf32, #tpu.memory_space<hbm>> -> memref<256xf32, #tpu.memory_space<hbm>>
      %dma_wait3A_538 = arith.constant 0 : i32
      %dma_wait3A_539 = tpu.memref_slice %arg26[%dma_wait3A_531, %dma_wait3A_538] : memref<8x256xf32, #tpu.memory_space<vmem>> -> memref<1x256xf32, #tpu.memory_space<vmem>>
      %dma_wait3A_540 = tpu.memref_squeeze %dma_wait3A_539 : memref<1x256xf32, #tpu.memory_space<vmem>> -> memref<256xf32, #tpu.memory_space<vmem>>
      %dma_wait3A_541 = arith.constant 0 : i32
      %dma_wait3A_542 = tpu.memref_slice %arg13[%squeeze3A_408, %dma_wait3A_541] : memref<10000x256xf32, #tpu.memory_space<hbm>> -> memref<1x256xf32, #tpu.memory_space<hbm>>
      %dma_wait3A_543 = tpu.memref_squeeze %dma_wait3A_542 : memref<1x256xf32, #tpu.memory_space<hbm>> -> memref<256xf32, #tpu.memory_space<hbm>>
      tpu.wait_dma2 semaphore(%arg29 : memref<!tpu.dma_semaphore, #tpu.memory_space<semaphore_mem>>) src(%dma_wait3A_543 : memref<256xf32, #tpu.memory_space<hbm>>) dst(%dma_wait3A_540 : memref<256xf32, #tpu.memory_space<vmem>>)
      %dma_wait3A_544 = arith.constant 5 : i32
      %dma_wait3A_545 = arith.constant 0 : i32
      %dma_wait3A_546 = tpu.memref_slice %arg26[%dma_wait3A_544, %dma_wait3A_545] : memref<8x256xf32, #tpu.memory_space<vmem>> -> memref<1x256xf32, #tpu.memory_space<vmem>>
      %dma_wait3A_547 = tpu.memref_squeeze %dma_wait3A_546 : memref<1x256xf32, #tpu.memory_space<vmem>> -> memref<256xf32, #tpu.memory_space<vmem>>
      %dma_wait3A_548 = arith.constant 0 : i32
      %dma_wait3A_549 = tpu.memref_slice %arg13[%squeeze3A_427, %dma_wait3A_548] : memref<10000x256xf32, #tpu.memory_space<hbm>> -> memref<1x256xf32, #tpu.memory_space<hbm>>
      %dma_wait3A_550 = tpu.memref_squeeze %dma_wait3A_549 : memref<1x256xf32, #tpu.memory_space<hbm>> -> memref<256xf32, #tpu.memory_space<hbm>>
      %dma_wait3A_551 = arith.constant 0 : i32
      %dma_wait3A_552 = tpu.memref_slice %arg26[%dma_wait3A_544, %dma_wait3A_551] : memref<8x256xf32, #tpu.memory_space<vmem>> -> memref<1x256xf32, #tpu.memory_space<vmem>>
      %dma_wait3A_553 = tpu.memref_squeeze %dma_wait3A_552 : memref<1x256xf32, #tpu.memory_space<vmem>> -> memref<256xf32, #tpu.memory_space<vmem>>
      %dma_wait3A_554 = arith.constant 0 : i32
      %dma_wait3A_555 = tpu.memref_slice %arg13[%squeeze3A_427, %dma_wait3A_554] : memref<10000x256xf32, #tpu.memory_space<hbm>> -> memref<1x256xf32, #tpu.memory_space<hbm>>
      %dma_wait3A_556 = tpu.memref_squeeze %dma_wait3A_555 : memref<1x256xf32, #tpu.memory_space<hbm>> -> memref<256xf32, #tpu.memory_space<hbm>>
      tpu.wait_dma2 semaphore(%arg29 : memref<!tpu.dma_semaphore, #tpu.memory_space<semaphore_mem>>) src(%dma_wait3A_556 : memref<256xf32, #tpu.memory_space<hbm>>) dst(%dma_wait3A_553 : memref<256xf32, #tpu.memory_space<vmem>>)
      %dma_wait3A_557 = arith.constant 6 : i32
      %dma_wait3A_558 = arith.constant 0 : i32
      %dma_wait3A_559 = tpu.memref_slice %arg26[%dma_wait3A_557, %dma_wait3A_558] : memref<8x256xf32, #tpu.memory_space<vmem>> -> memref<1x256xf32, #tpu.memory_space<vmem>>
      %dma_wait3A_560 = tpu.memref_squeeze %dma_wait3A_559 : memref<1x256xf32, #tpu.memory_space<vmem>> -> memref<256xf32, #tpu.memory_space<vmem>>
      %dma_wait3A_561 = arith.constant 0 : i32
      %dma_wait3A_562 = tpu.memref_slice %arg13[%squeeze3A_446, %dma_wait3A_561] : memref<10000x256xf32, #tpu.memory_space<hbm>> -> memref<1x256xf32, #tpu.memory_space<hbm>>
      %dma_wait3A_563 = tpu.memref_squeeze %dma_wait3A_562 : memref<1x256xf32, #tpu.memory_space<hbm>> -> memref<256xf32, #tpu.memory_space<hbm>>
      %dma_wait3A_564 = arith.constant 0 : i32
      %dma_wait3A_565 = tpu.memref_slice %arg26[%dma_wait3A_557, %dma_wait3A_564] : memref<8x256xf32, #tpu.memory_space<vmem>> -> memref<1x256xf32, #tpu.memory_space<vmem>>
      %dma_wait3A_566 = tpu.memref_squeeze %dma_wait3A_565 : memref<1x256xf32, #tpu.memory_space<vmem>> -> memref<256xf32, #tpu.memory_space<vmem>>
      %dma_wait3A_567 = arith.constant 0 : i32
      %dma_wait3A_568 = tpu.memref_slice %arg13[%squeeze3A_446, %dma_wait3A_567] : memref<10000x256xf32, #tpu.memory_space<hbm>> -> memref<1x256xf32, #tpu.memory_space<hbm>>
      %dma_wait3A_569 = tpu.memref_squeeze %dma_wait3A_568 : memref<1x256xf32, #tpu.memory_space<hbm>> -> memref<256xf32, #tpu.memory_space<hbm>>
      tpu.wait_dma2 semaphore(%arg29 : memref<!tpu.dma_semaphore, #tpu.memory_space<semaphore_mem>>) src(%dma_wait3A_569 : memref<256xf32, #tpu.memory_space<hbm>>) dst(%dma_wait3A_566 : memref<256xf32, #tpu.memory_space<vmem>>)
      %dma_wait3A_570 = arith.constant 7 : i32
      %dma_wait3A_571 = arith.constant 0 : i32
      %dma_wait3A_572 = tpu.memref_slice %arg26[%dma_wait3A_570, %dma_wait3A_571] : memref<8x256xf32, #tpu.memory_space<vmem>> -> memref<1x256xf32, #tpu.memory_space<vmem>>
      %dma_wait3A_573 = tpu.memref_squeeze %dma_wait3A_572 : memref<1x256xf32, #tpu.memory_space<vmem>> -> memref<256xf32, #tpu.memory_space<vmem>>
      %dma_wait3A_574 = arith.constant 0 : i32
      %dma_wait3A_575 = tpu.memref_slice %arg13[%squeeze3A_465, %dma_wait3A_574] : memref<10000x256xf32, #tpu.memory_space<hbm>> -> memref<1x256xf32, #tpu.memory_space<hbm>>
      %dma_wait3A_576 = tpu.memref_squeeze %dma_wait3A_575 : memref<1x256xf32, #tpu.memory_space<hbm>> -> memref<256xf32, #tpu.memory_space<hbm>>
      %dma_wait3A_577 = arith.constant 0 : i32
      %dma_wait3A_578 = tpu.memref_slice %arg26[%dma_wait3A_570, %dma_wait3A_577] : memref<8x256xf32, #tpu.memory_space<vmem>> -> memref<1x256xf32, #tpu.memory_space<vmem>>
      %dma_wait3A_579 = tpu.memref_squeeze %dma_wait3A_578 : memref<1x256xf32, #tpu.memory_space<vmem>> -> memref<256xf32, #tpu.memory_space<vmem>>
      %dma_wait3A_580 = arith.constant 0 : i32
      %dma_wait3A_581 = tpu.memref_slice %arg13[%squeeze3A_465, %dma_wait3A_580] : memref<10000x256xf32, #tpu.memory_space<hbm>> -> memref<1x256xf32, #tpu.memory_space<hbm>>
      %dma_wait3A_582 = tpu.memref_squeeze %dma_wait3A_581 : memref<1x256xf32, #tpu.memory_space<hbm>> -> memref<256xf32, #tpu.memory_space<hbm>>
      tpu.wait_dma2 semaphore(%arg29 : memref<!tpu.dma_semaphore, #tpu.memory_space<semaphore_mem>>) src(%dma_wait3A_582 : memref<256xf32, #tpu.memory_space<hbm>>) dst(%dma_wait3A_579 : memref<256xf32, #tpu.memory_space<vmem>>)
      "tpu.trace_stop"() : () -> ()
      %sub3A_583 = arith.subi %min3A_288, %mul3A_329 : i32
      %min3A_584 = arith.constant 8 : i32
      %min3A_585 = arith.minsi %sub3A_583, %min3A_584 : i32
      %while3A_586 = arith.constant 0 : i32
      %while3A_587 = arith.constant 0 : i32
      %while3A_588 = arith.subi %min3A_585, %while3A_587 : i32
      %while3A_589 = arith.addi %while3A_587, %while3A_588 : i32
      %while3A_590 = arith.constant 1 : i32
      %while3A_591 = arith.divsi %while3A_588, %while3A_590 : i32
      %while3A_592 = arith.muli %while3A_591, %while3A_590 : i32
      %while3A_593 = arith.addi %while3A_587, %while3A_592 : i32
      %while3A_594 = arith.constant 1 : i32
      scf.for %while3A_596 = %while3A_587 to %while3A_593 step %while3A_594  : i32 {
        %add3A_597 = arith.addi %mul3A_329, %while3A_596 : i32
        %get3A_598 = arith.index_cast %add3A_597 : i32 to index
        %get3A_599 = tpu.vector_load %arg24[%get3A_598] {strides = array<i32>} : memref<528xi32, #tpu.memory_space<vmem>>, vector<16xi32>,
        %slice3A_600 = vector.extract_strided_slice %get3A_599 {offsets = [0], sizes = [1], strides = [1]} : vector<16xi32> to vector<1xi32>
        %squeeze3A_601 = vector.extract %slice3A_600[0] : i32 from vector<1xi32>
        %add3A_602 = arith.addi %mul3A_329, %while3A_596 : i32
        %get3A_603 = arith.index_cast %add3A_602 : i32 to index
        %get3A_604 = tpu.vector_load %arg25[%get3A_603] {strides = array<i32>} : memref<528xf32, #tpu.memory_space<vmem>>, vector<16xf32>,
        %slice3A_605 = vector.extract_strided_slice %get3A_604 {offsets = [0], sizes = [1], strides = [1]} : vector<16xf32> to vector<1xf32>
        %squeeze3A_606 = vector.extract %slice3A_605[0] : f32 from vector<1xf32>
        %broadcast_in_dim3A_607 = vector.broadcast %squeeze3A_606 : f32 to vector<16xf32>
        %mul3A_608 = arith.constant 256 : i32
        %mul3A_609 = arith.muli %squeeze3A_601, %mul3A_608 : i32
        %get3A_610 = arith.index_cast %while3A_596 : i32 to index
        %get3A_611 = arith.constant 0 : index
        %get3A_612 = tpu.vector_load %arg26[%get3A_610, %get3A_611] {strides = array<i32>} : memref<8x256xf32, #tpu.memory_space<vmem>>, vector<16xf32>,
        %add3A_613 = arith.constant 0 : i32
        %add3A_614 = arith.addi %mul3A_609, %add3A_613 : i32
        %mul3A_615 = arith.mulf %broadcast_in_dim3A_607, %get3A_612 : vector<16xf32>
        %swap3A_616 = arith.index_cast %add3A_614 : i32 to index
        %swap3A_617 = tpu.vector_load %arg27[%swap3A_616] {strides = array<i32>} : memref<16384xf32, #tpu.memory_space<vmem>>, vector<16xf32>,
        tpu.vector_store %arg27[%swap3A_616], %mul3A_615 {add = true, strides = array<i32>} : memref<16384xf32, #tpu.memory_space<vmem>>, vector<16xf32>,
        %get3A_618 = arith.index_cast %while3A_596 : i32 to index
        %get3A_619 = arith.constant 16 : index
        %get3A_620 = tpu.vector_load %arg26[%get3A_618, %get3A_619] {strides = array<i32>} : memref<8x256xf32, #tpu.memory_space<vmem>>, vector<16xf32>,
        %add3A_621 = arith.constant 16 : i32
        %add3A_622 = arith.addi %mul3A_609, %add3A_621 : i32
        %mul3A_623 = arith.mulf %broadcast_in_dim3A_607, %get3A_620 : vector<16xf32>
        %swap3A_624 = arith.index_cast %add3A_622 : i32 to index
        %swap3A_625 = tpu.vector_load %arg27[%swap3A_624] {strides = array<i32>} : memref<16384xf32, #tpu.memory_space<vmem>>, vector<16xf32>,
        tpu.vector_store %arg27[%swap3A_624], %mul3A_623 {add = true, strides = array<i32>} : memref<16384xf32, #tpu.memory_space<vmem>>, vector<16xf32>,
        %get3A_626 = arith.index_cast %while3A_596 : i32 to index
        %get3A_627 = arith.constant 32 : index
        %get3A_628 = tpu.vector_load %arg26[%get3A_626, %get3A_627] {strides = array<i32>} : memref<8x256xf32, #tpu.memory_space<vmem>>, vector<16xf32>,
        %add3A_629 = arith.constant 32 : i32
        %add3A_630 = arith.addi %mul3A_609, %add3A_629 : i32
        %mul3A_631 = arith.mulf %broadcast_in_dim3A_607, %get3A_628 : vector<16xf32>
        %swap3A_632 = arith.index_cast %add3A_630 : i32 to index
        %swap3A_633 = tpu.vector_load %arg27[%swap3A_632] {strides = array<i32>} : memref<16384xf32, #tpu.memory_space<vmem>>, vector<16xf32>,
        tpu.vector_store %arg27[%swap3A_632], %mul3A_631 {add = true, strides = array<i32>} : memref<16384xf32, #tpu.memory_space<vmem>>, vector<16xf32>,
        %get3A_634 = arith.index_cast %while3A_596 : i32 to index
        %get3A_635 = arith.constant 48 : index
        %get3A_636 = tpu.vector_load %arg26[%get3A_634, %get3A_635] {strides = array<i32>} : memref<8x256xf32, #tpu.memory_space<vmem>>, vector<16xf32>,
        %add3A_637 = arith.constant 48 : i32
        %add3A_638 = arith.addi %mul3A_609, %add3A_637 : i32
        %mul3A_639 = arith.mulf %broadcast_in_dim3A_607, %get3A_636 : vector<16xf32>
        %swap3A_640 = arith.index_cast %add3A_638 : i32 to index
        %swap3A_641 = tpu.vector_load %arg27[%swap3A_640] {strides = array<i32>} : memref<16384xf32, #tpu.memory_space<vmem>>, vector<16xf32>,
        tpu.vector_store %arg27[%swap3A_640], %mul3A_639 {add = true, strides = array<i32>} : memref<16384xf32, #tpu.memory_space<vmem>>, vector<16xf32>,
        %get3A_642 = arith.index_cast %while3A_596 : i32 to index
        %get3A_643 = arith.constant 64 : index
        %get3A_644 = tpu.vector_load %arg26[%get3A_642, %get3A_643] {strides = array<i32>} : memref<8x256xf32, #tpu.memory_space<vmem>>, vector<16xf32>,
        %add3A_645 = arith.constant 64 : i32
        %add3A_646 = arith.addi %mul3A_609, %add3A_645 : i32
        %mul3A_647 = arith.mulf %broadcast_in_dim3A_607, %get3A_644 : vector<16xf32>
        %swap3A_648 = arith.index_cast %add3A_646 : i32 to index
        %swap3A_649 = tpu.vector_load %arg27[%swap3A_648] {strides = array<i32>} : memref<16384xf32, #tpu.memory_space<vmem>>, vector<16xf32>,
        tpu.vector_store %arg27[%swap3A_648], %mul3A_647 {add = true, strides = array<i32>} : memref<16384xf32, #tpu.memory_space<vmem>>, vector<16xf32>,
        %get3A_650 = arith.index_cast %while3A_596 : i32 to index
        %get3A_651 = arith.constant 80 : index
        %get3A_652 = tpu.vector_load %arg26[%get3A_650, %get3A_651] {strides = array<i32>} : memref<8x256xf32, #tpu.memory_space<vmem>>, vector<16xf32>,
        %add3A_653 = arith.constant 80 : i32
        %add3A_654 = arith.addi %mul3A_609, %add3A_653 : i32
        %mul3A_655 = arith.mulf %broadcast_in_dim3A_607, %get3A_652 : vector<16xf32>
        %swap3A_656 = arith.index_cast %add3A_654 : i32 to index
        %swap3A_657 = tpu.vector_load %arg27[%swap3A_656] {strides = array<i32>} : memref<16384xf32, #tpu.memory_space<vmem>>, vector<16xf32>,
        tpu.vector_store %arg27[%swap3A_656], %mul3A_655 {add = true, strides = array<i32>} : memref<16384xf32, #tpu.memory_space<vmem>>, vector<16xf32>,
        %get3A_658 = arith.index_cast %while3A_596 : i32 to index
        %get3A_659 = arith.constant 96 : index
        %get3A_660 = tpu.vector_load %arg26[%get3A_658, %get3A_659] {strides = array<i32>} : memref<8x256xf32, #tpu.memory_space<vmem>>, vector<16xf32>,
        %add3A_661 = arith.constant 96 : i32
        %add3A_662 = arith.addi %mul3A_609, %add3A_661 : i32
        %mul3A_663 = arith.mulf %broadcast_in_dim3A_607, %get3A_660 : vector<16xf32>
        %swap3A_664 = arith.index_cast %add3A_662 : i32 to index
        %swap3A_665 = tpu.vector_load %arg27[%swap3A_664] {strides = array<i32>} : memref<16384xf32, #tpu.memory_space<vmem>>, vector<16xf32>,
        tpu.vector_store %arg27[%swap3A_664], %mul3A_663 {add = true, strides = array<i32>} : memref<16384xf32, #tpu.memory_space<vmem>>, vector<16xf32>,
        %get3A_666 = arith.index_cast %while3A_596 : i32 to index
        %get3A_667 = arith.constant 112 : index
        %get3A_668 = tpu.vector_load %arg26[%get3A_666, %get3A_667] {strides = array<i32>} : memref<8x256xf32, #tpu.memory_space<vmem>>, vector<16xf32>,
        %add3A_669 = arith.constant 112 : i32
        %add3A_670 = arith.addi %mul3A_609, %add3A_669 : i32
        %mul3A_671 = arith.mulf %broadcast_in_dim3A_607, %get3A_668 : vector<16xf32>
        %swap3A_672 = arith.index_cast %add3A_670 : i32 to index
        %swap3A_673 = tpu.vector_load %arg27[%swap3A_672] {strides = array<i32>} : memref<16384xf32, #tpu.memory_space<vmem>>, vector<16xf32>,
        tpu.vector_store %arg27[%swap3A_672], %mul3A_671 {add = true, strides = array<i32>} : memref<16384xf32, #tpu.memory_space<vmem>>, vector<16xf32>,
        %get3A_674 = arith.index_cast %while3A_596 : i32 to index
        %get3A_675 = arith.constant 128 : index
        %get3A_676 = tpu.vector_load %arg26[%get3A_674, %get3A_675] {strides = array<i32>} : memref<8x256xf32, #tpu.memory_space<vmem>>, vector<16xf32>,
        %add3A_677 = arith.constant 128 : i32
        %add3A_678 = arith.addi %mul3A_609, %add3A_677 : i32
        %mul3A_679 = arith.mulf %broadcast_in_dim3A_607, %get3A_676 : vector<16xf32>
        %swap3A_680 = arith.index_cast %add3A_678 : i32 to index
        %swap3A_681 = tpu.vector_load %arg27[%swap3A_680] {strides = array<i32>} : memref<16384xf32, #tpu.memory_space<vmem>>, vector<16xf32>,
        tpu.vector_store %arg27[%swap3A_680], %mul3A_679 {add = true, strides = array<i32>} : memref<16384xf32, #tpu.memory_space<vmem>>, vector<16xf32>,
        %get3A_682 = arith.index_cast %while3A_596 : i32 to index
        %get3A_683 = arith.constant 144 : index
        %get3A_684 = tpu.vector_load %arg26[%get3A_682, %get3A_683] {strides = array<i32>} : memref<8x256xf32, #tpu.memory_space<vmem>>, vector<16xf32>,
        %add3A_685 = arith.constant 144 : i32
        %add3A_686 = arith.addi %mul3A_609, %add3A_685 : i32
        %mul3A_687 = arith.mulf %broadcast_in_dim3A_607, %get3A_684 : vector<16xf32>
        %swap3A_688 = arith.index_cast %add3A_686 : i32 to index
        %swap3A_689 = tpu.vector_load %arg27[%swap3A_688] {strides = array<i32>} : memref<16384xf32, #tpu.memory_space<vmem>>, vector<16xf32>,
        tpu.vector_store %arg27[%swap3A_688], %mul3A_687 {add = true, strides = array<i32>} : memref<16384xf32, #tpu.memory_space<vmem>>, vector<16xf32>,
        %get3A_690 = arith.index_cast %while3A_596 : i32 to index
        %get3A_691 = arith.constant 160 : index
        %get3A_692 = tpu.vector_load %arg26[%get3A_690, %get3A_691] {strides = array<i32>} : memref<8x256xf32, #tpu.memory_space<vmem>>, vector<16xf32>,
        %add3A_693 = arith.constant 160 : i32
        %add3A_694 = arith.addi %mul3A_609, %add3A_693 : i32
        %mul3A_695 = arith.mulf %broadcast_in_dim3A_607, %get3A_692 : vector<16xf32>
        %swap3A_696 = arith.index_cast %add3A_694 : i32 to index
        %swap3A_697 = tpu.vector_load %arg27[%swap3A_696] {strides = array<i32>} : memref<16384xf32, #tpu.memory_space<vmem>>, vector<16xf32>,
        tpu.vector_store %arg27[%swap3A_696], %mul3A_695 {add = true, strides = array<i32>} : memref<16384xf32, #tpu.memory_space<vmem>>, vector<16xf32>,
        %get3A_698 = arith.index_cast %while3A_596 : i32 to index
        %get3A_699 = arith.constant 176 : index
        %get3A_700 = tpu.vector_load %arg26[%get3A_698, %get3A_699] {strides = array<i32>} : memref<8x256xf32, #tpu.memory_space<vmem>>, vector<16xf32>,
        %add3A_701 = arith.constant 176 : i32
        %add3A_702 = arith.addi %mul3A_609, %add3A_701 : i32
        %mul3A_703 = arith.mulf %broadcast_in_dim3A_607, %get3A_700 : vector<16xf32>
        %swap3A_704 = arith.index_cast %add3A_702 : i32 to index
        %swap3A_705 = tpu.vector_load %arg27[%swap3A_704] {strides = array<i32>} : memref<16384xf32, #tpu.memory_space<vmem>>, vector<16xf32>,
        tpu.vector_store %arg27[%swap3A_704], %mul3A_703 {add = true, strides = array<i32>} : memref<16384xf32, #tpu.memory_space<vmem>>, vector<16xf32>,
        %get3A_706 = arith.index_cast %while3A_596 : i32 to index
        %get3A_707 = arith.constant 192 : index
        %get3A_708 = tpu.vector_load %arg26[%get3A_706, %get3A_707] {strides = array<i32>} : memref<8x256xf32, #tpu.memory_space<vmem>>, vector<16xf32>,
        %add3A_709 = arith.constant 192 : i32
        %add3A_710 = arith.addi %mul3A_609, %add3A_709 : i32
        %mul3A_711 = arith.mulf %broadcast_in_dim3A_607, %get3A_708 : vector<16xf32>
        %swap3A_712 = arith.index_cast %add3A_710 : i32 to index
        %swap3A_713 = tpu.vector_load %arg27[%swap3A_712] {strides = array<i32>} : memref<16384xf32, #tpu.memory_space<vmem>>, vector<16xf32>,
        tpu.vector_store %arg27[%swap3A_712], %mul3A_711 {add = true, strides = array<i32>} : memref<16384xf32, #tpu.memory_space<vmem>>, vector<16xf32>,
        %get3A_714 = arith.index_cast %while3A_596 : i32 to index
        %get3A_715 = arith.constant 208 : index
        %get3A_716 = tpu.vector_load %arg26[%get3A_714, %get3A_715] {strides = array<i32>} : memref<8x256xf32, #tpu.memory_space<vmem>>, vector<16xf32>,
        %add3A_717 = arith.constant 208 : i32
        %add3A_718 = arith.addi %mul3A_609, %add3A_717 : i32
        %mul3A_719 = arith.mulf %broadcast_in_dim3A_607, %get3A_716 : vector<16xf32>
        %swap3A_720 = arith.index_cast %add3A_718 : i32 to index
        %swap3A_721 = tpu.vector_load %arg27[%swap3A_720] {strides = array<i32>} : memref<16384xf32, #tpu.memory_space<vmem>>, vector<16xf32>,
        tpu.vector_store %arg27[%swap3A_720], %mul3A_719 {add = true, strides = array<i32>} : memref<16384xf32, #tpu.memory_space<vmem>>, vector<16xf32>,
        %get3A_722 = arith.index_cast %while3A_596 : i32 to index
        %get3A_723 = arith.constant 224 : index
        %get3A_724 = tpu.vector_load %arg26[%get3A_722, %get3A_723] {strides = array<i32>} : memref<8x256xf32, #tpu.memory_space<vmem>>, vector<16xf32>,
        %add3A_725 = arith.constant 224 : i32
        %add3A_726 = arith.addi %mul3A_609, %add3A_725 : i32
        %mul3A_727 = arith.mulf %broadcast_in_dim3A_607, %get3A_724 : vector<16xf32>
        %swap3A_728 = arith.index_cast %add3A_726 : i32 to index
        %swap3A_729 = tpu.vector_load %arg27[%swap3A_728] {strides = array<i32>} : memref<16384xf32, #tpu.memory_space<vmem>>, vector<16xf32>,
        tpu.vector_store %arg27[%swap3A_728], %mul3A_727 {add = true, strides = array<i32>} : memref<16384xf32, #tpu.memory_space<vmem>>, vector<16xf32>,
        %get3A_730 = arith.index_cast %while3A_596 : i32 to index
        %get3A_731 = arith.constant 240 : index
        %get3A_732 = tpu.vector_load %arg26[%get3A_730, %get3A_731] {strides = array<i32>} : memref<8x256xf32, #tpu.memory_space<vmem>>, vector<16xf32>,
        %add3A_733 = arith.constant 240 : i32
        %add3A_734 = arith.addi %mul3A_609, %add3A_733 : i32
        %mul3A_735 = arith.mulf %broadcast_in_dim3A_607, %get3A_732 : vector<16xf32>
        %swap3A_736 = arith.index_cast %add3A_734 : i32 to index
        %swap3A_737 = tpu.vector_load %arg27[%swap3A_736] {strides = array<i32>} : memref<16384xf32, #tpu.memory_space<vmem>>, vector<16xf32>,
        tpu.vector_store %arg27[%swap3A_736], %mul3A_735 {add = true, strides = array<i32>} : memref<16384xf32, #tpu.memory_space<vmem>>, vector<16xf32>,
        %broadcast_in_dim3A_738 = vector.broadcast %squeeze3A_601 : i32 to vector<16xi32>
        tpu.vector_store_idx %arg28[%broadcast_in_dim3A_738], %broadcast_in_dim3A_607 masked %eq3A_7 {add = true} : memref<64xf32, #tpu.memory_space<vmem>>[vector<16xi32>], vector<16xf32>, vector<16xi1>
      }
      %while3A_595 = arith.constant 1 : i32
      scf.for %while3A_596 = %while3A_593 to %while3A_589 step %while3A_595  : i32 {
        %add3A_597 = arith.addi %mul3A_329, %while3A_596 : i32
        %get3A_598 = arith.index_cast %add3A_597 : i32 to index
        %get3A_599 = tpu.vector_load %arg24[%get3A_598] {strides = array<i32>} : memref<528xi32, #tpu.memory_space<vmem>>, vector<16xi32>,
        %slice3A_600 = vector.extract_strided_slice %get3A_599 {offsets = [0], sizes = [1], strides = [1]} : vector<16xi32> to vector<1xi32>
        %squeeze3A_601 = vector.extract %slice3A_600[0] : i32 from vector<1xi32>
        %add3A_602 = arith.addi %mul3A_329, %while3A_596 : i32
        %get3A_603 = arith.index_cast %add3A_602 : i32 to index
        %get3A_604 = tpu.vector_load %arg25[%get3A_603] {strides = array<i32>} : memref<528xf32, #tpu.memory_space<vmem>>, vector<16xf32>,
        %slice3A_605 = vector.extract_strided_slice %get3A_604 {offsets = [0], sizes = [1], strides = [1]} : vector<16xf32> to vector<1xf32>
        %squeeze3A_606 = vector.extract %slice3A_605[0] : f32 from vector<1xf32>
        %broadcast_in_dim3A_607 = vector.broadcast %squeeze3A_606 : f32 to vector<16xf32>
        %mul3A_608 = arith.constant 256 : i32
        %mul3A_609 = arith.muli %squeeze3A_601, %mul3A_608 : i32
        %get3A_610 = arith.index_cast %while3A_596 : i32 to index
        %get3A_611 = arith.constant 0 : index
        %get3A_612 = tpu.vector_load %arg26[%get3A_610, %get3A_611] {strides = array<i32>} : memref<8x256xf32, #tpu.memory_space<vmem>>, vector<16xf32>,
        %add3A_613 = arith.constant 0 : i32
        %add3A_614 = arith.addi %mul3A_609, %add3A_613 : i32
        %mul3A_615 = arith.mulf %broadcast_in_dim3A_607, %get3A_612 : vector<16xf32>
        %swap3A_616 = arith.index_cast %add3A_614 : i32 to index
        %swap3A_617 = tpu.vector_load %arg27[%swap3A_616] {strides = array<i32>} : memref<16384xf32, #tpu.memory_space<vmem>>, vector<16xf32>,
        tpu.vector_store %arg27[%swap3A_616], %mul3A_615 {add = true, strides = array<i32>} : memref<16384xf32, #tpu.memory_space<vmem>>, vector<16xf32>,
        %get3A_618 = arith.index_cast %while3A_596 : i32 to index
        %get3A_619 = arith.constant 16 : index
        %get3A_620 = tpu.vector_load %arg26[%get3A_618, %get3A_619] {strides = array<i32>} : memref<8x256xf32, #tpu.memory_space<vmem>>, vector<16xf32>,
        %add3A_621 = arith.constant 16 : i32
        %add3A_622 = arith.addi %mul3A_609, %add3A_621 : i32
        %mul3A_623 = arith.mulf %broadcast_in_dim3A_607, %get3A_620 : vector<16xf32>
        %swap3A_624 = arith.index_cast %add3A_622 : i32 to index
        %swap3A_625 = tpu.vector_load %arg27[%swap3A_624] {strides = array<i32>} : memref<16384xf32, #tpu.memory_space<vmem>>, vector<16xf32>,
        tpu.vector_store %arg27[%swap3A_624], %mul3A_623 {add = true, strides = array<i32>} : memref<16384xf32, #tpu.memory_space<vmem>>, vector<16xf32>,
        %get3A_626 = arith.index_cast %while3A_596 : i32 to index
        %get3A_627 = arith.constant 32 : index
        %get3A_628 = tpu.vector_load %arg26[%get3A_626, %get3A_627] {strides = array<i32>} : memref<8x256xf32, #tpu.memory_space<vmem>>, vector<16xf32>,
        %add3A_629 = arith.constant 32 : i32
        %add3A_630 = arith.addi %mul3A_609, %add3A_629 : i32
        %mul3A_631 = arith.mulf %broadcast_in_dim3A_607, %get3A_628 : vector<16xf32>
        %swap3A_632 = arith.index_cast %add3A_630 : i32 to index
        %swap3A_633 = tpu.vector_load %arg27[%swap3A_632] {strides = array<i32>} : memref<16384xf32, #tpu.memory_space<vmem>>, vector<16xf32>,
        tpu.vector_store %arg27[%swap3A_632], %mul3A_631 {add = true, strides = array<i32>} : memref<16384xf32, #tpu.memory_space<vmem>>, vector<16xf32>,
        %get3A_634 = arith.index_cast %while3A_596 : i32 to index
        %get3A_635 = arith.constant 48 : index
        %get3A_636 = tpu.vector_load %arg26[%get3A_634, %get3A_635] {strides = array<i32>} : memref<8x256xf32, #tpu.memory_space<vmem>>, vector<16xf32>,
        %add3A_637 = arith.constant 48 : i32
        %add3A_638 = arith.addi %mul3A_609, %add3A_637 : i32
        %mul3A_639 = arith.mulf %broadcast_in_dim3A_607, %get3A_636 : vector<16xf32>
        %swap3A_640 = arith.index_cast %add3A_638 : i32 to index
        %swap3A_641 = tpu.vector_load %arg27[%swap3A_640] {strides = array<i32>} : memref<16384xf32, #tpu.memory_space<vmem>>, vector<16xf32>,
        tpu.vector_store %arg27[%swap3A_640], %mul3A_639 {add = true, strides = array<i32>} : memref<16384xf32, #tpu.memory_space<vmem>>, vector<16xf32>,
        %get3A_642 = arith.index_cast %while3A_596 : i32 to index
        %get3A_643 = arith.constant 64 : index
        %get3A_644 = tpu.vector_load %arg26[%get3A_642, %get3A_643] {strides = array<i32>} : memref<8x256xf32, #tpu.memory_space<vmem>>, vector<16xf32>,
        %add3A_645 = arith.constant 64 : i32
        %add3A_646 = arith.addi %mul3A_609, %add3A_645 : i32
        %mul3A_647 = arith.mulf %broadcast_in_dim3A_607, %get3A_644 : vector<16xf32>
        %swap3A_648 = arith.index_cast %add3A_646 : i32 to index
        %swap3A_649 = tpu.vector_load %arg27[%swap3A_648] {strides = array<i32>} : memref<16384xf32, #tpu.memory_space<vmem>>, vector<16xf32>,
        tpu.vector_store %arg27[%swap3A_648], %mul3A_647 {add = true, strides = array<i32>} : memref<16384xf32, #tpu.memory_space<vmem>>, vector<16xf32>,
        %get3A_650 = arith.index_cast %while3A_596 : i32 to index
        %get3A_651 = arith.constant 80 : index
        %get3A_652 = tpu.vector_load %arg26[%get3A_650, %get3A_651] {strides = array<i32>} : memref<8x256xf32, #tpu.memory_space<vmem>>, vector<16xf32>,
        %add3A_653 = arith.constant 80 : i32
        %add3A_654 = arith.addi %mul3A_609, %add3A_653 : i32
        %mul3A_655 = arith.mulf %broadcast_in_dim3A_607, %get3A_652 : vector<16xf32>
        %swap3A_656 = arith.index_cast %add3A_654 : i32 to index
        %swap3A_657 = tpu.vector_load %arg27[%swap3A_656] {strides = array<i32>} : memref<16384xf32, #tpu.memory_space<vmem>>, vector<16xf32>,
        tpu.vector_store %arg27[%swap3A_656], %mul3A_655 {add = true, strides = array<i32>} : memref<16384xf32, #tpu.memory_space<vmem>>, vector<16xf32>,
        %get3A_658 = arith.index_cast %while3A_596 : i32 to index
        %get3A_659 = arith.constant 96 : index
        %get3A_660 = tpu.vector_load %arg26[%get3A_658, %get3A_659] {strides = array<i32>} : memref<8x256xf32, #tpu.memory_space<vmem>>, vector<16xf32>,
        %add3A_661 = arith.constant 96 : i32
        %add3A_662 = arith.addi %mul3A_609, %add3A_661 : i32
        %mul3A_663 = arith.mulf %broadcast_in_dim3A_607, %get3A_660 : vector<16xf32>
        %swap3A_664 = arith.index_cast %add3A_662 : i32 to index
        %swap3A_665 = tpu.vector_load %arg27[%swap3A_664] {strides = array<i32>} : memref<16384xf32, #tpu.memory_space<vmem>>, vector<16xf32>,
        tpu.vector_store %arg27[%swap3A_664], %mul3A_663 {add = true, strides = array<i32>} : memref<16384xf32, #tpu.memory_space<vmem>>, vector<16xf32>,
        %get3A_666 = arith.index_cast %while3A_596 : i32 to index
        %get3A_667 = arith.constant 112 : index
        %get3A_668 = tpu.vector_load %arg26[%get3A_666, %get3A_667] {strides = array<i32>} : memref<8x256xf32, #tpu.memory_space<vmem>>, vector<16xf32>,
        %add3A_669 = arith.constant 112 : i32
        %add3A_670 = arith.addi %mul3A_609, %add3A_669 : i32
        %mul3A_671 = arith.mulf %broadcast_in_dim3A_607, %get3A_668 : vector<16xf32>
        %swap3A_672 = arith.index_cast %add3A_670 : i32 to index
        %swap3A_673 = tpu.vector_load %arg27[%swap3A_672] {strides = array<i32>} : memref<16384xf32, #tpu.memory_space<vmem>>, vector<16xf32>,
        tpu.vector_store %arg27[%swap3A_672], %mul3A_671 {add = true, strides = array<i32>} : memref<16384xf32, #tpu.memory_space<vmem>>, vector<16xf32>,
        %get3A_674 = arith.index_cast %while3A_596 : i32 to index
        %get3A_675 = arith.constant 128 : index
        %get3A_676 = tpu.vector_load %arg26[%get3A_674, %get3A_675] {strides = array<i32>} : memref<8x256xf32, #tpu.memory_space<vmem>>, vector<16xf32>,
        %add3A_677 = arith.constant 128 : i32
        %add3A_678 = arith.addi %mul3A_609, %add3A_677 : i32
        %mul3A_679 = arith.mulf %broadcast_in_dim3A_607, %get3A_676 : vector<16xf32>
        %swap3A_680 = arith.index_cast %add3A_678 : i32 to index
        %swap3A_681 = tpu.vector_load %arg27[%swap3A_680] {strides = array<i32>} : memref<16384xf32, #tpu.memory_space<vmem>>, vector<16xf32>,
        tpu.vector_store %arg27[%swap3A_680], %mul3A_679 {add = true, strides = array<i32>} : memref<16384xf32, #tpu.memory_space<vmem>>, vector<16xf32>,
        %get3A_682 = arith.index_cast %while3A_596 : i32 to index
        %get3A_683 = arith.constant 144 : index
        %get3A_684 = tpu.vector_load %arg26[%get3A_682, %get3A_683] {strides = array<i32>} : memref<8x256xf32, #tpu.memory_space<vmem>>, vector<16xf32>,
        %add3A_685 = arith.constant 144 : i32
        %add3A_686 = arith.addi %mul3A_609, %add3A_685 : i32
        %mul3A_687 = arith.mulf %broadcast_in_dim3A_607, %get3A_684 : vector<16xf32>
        %swap3A_688 = arith.index_cast %add3A_686 : i32 to index
        %swap3A_689 = tpu.vector_load %arg27[%swap3A_688] {strides = array<i32>} : memref<16384xf32, #tpu.memory_space<vmem>>, vector<16xf32>,
        tpu.vector_store %arg27[%swap3A_688], %mul3A_687 {add = true, strides = array<i32>} : memref<16384xf32, #tpu.memory_space<vmem>>, vector<16xf32>,
        %get3A_690 = arith.index_cast %while3A_596 : i32 to index
        %get3A_691 = arith.constant 160 : index
        %get3A_692 = tpu.vector_load %arg26[%get3A_690, %get3A_691] {strides = array<i32>} : memref<8x256xf32, #tpu.memory_space<vmem>>, vector<16xf32>,
        %add3A_693 = arith.constant 160 : i32
        %add3A_694 = arith.addi %mul3A_609, %add3A_693 : i32
        %mul3A_695 = arith.mulf %broadcast_in_dim3A_607, %get3A_692 : vector<16xf32>
        %swap3A_696 = arith.index_cast %add3A_694 : i32 to index
        %swap3A_697 = tpu.vector_load %arg27[%swap3A_696] {strides = array<i32>} : memref<16384xf32, #tpu.memory_space<vmem>>, vector<16xf32>,
        tpu.vector_store %arg27[%swap3A_696], %mul3A_695 {add = true, strides = array<i32>} : memref<16384xf32, #tpu.memory_space<vmem>>, vector<16xf32>,
        %get3A_698 = arith.index_cast %while3A_596 : i32 to index
        %get3A_699 = arith.constant 176 : index
        %get3A_700 = tpu.vector_load %arg26[%get3A_698, %get3A_699] {strides = array<i32>} : memref<8x256xf32, #tpu.memory_space<vmem>>, vector<16xf32>,
        %add3A_701 = arith.constant 176 : i32
        %add3A_702 = arith.addi %mul3A_609, %add3A_701 : i32
        %mul3A_703 = arith.mulf %broadcast_in_dim3A_607, %get3A_700 : vector<16xf32>
        %swap3A_704 = arith.index_cast %add3A_702 : i32 to index
        %swap3A_705 = tpu.vector_load %arg27[%swap3A_704] {strides = array<i32>} : memref<16384xf32, #tpu.memory_space<vmem>>, vector<16xf32>,
        tpu.vector_store %arg27[%swap3A_704], %mul3A_703 {add = true, strides = array<i32>} : memref<16384xf32, #tpu.memory_space<vmem>>, vector<16xf32>,
        %get3A_706 = arith.index_cast %while3A_596 : i32 to index
        %get3A_707 = arith.constant 192 : index
        %get3A_708 = tpu.vector_load %arg26[%get3A_706, %get3A_707] {strides = array<i32>} : memref<8x256xf32, #tpu.memory_space<vmem>>, vector<16xf32>,
        %add3A_709 = arith.constant 192 : i32
        %add3A_710 = arith.addi %mul3A_609, %add3A_709 : i32
        %mul3A_711 = arith.mulf %broadcast_in_dim3A_607, %get3A_708 : vector<16xf32>
        %swap3A_712 = arith.index_cast %add3A_710 : i32 to index
        %swap3A_713 = tpu.vector_load %arg27[%swap3A_712] {strides = array<i32>} : memref<16384xf32, #tpu.memory_space<vmem>>, vector<16xf32>,
        tpu.vector_store %arg27[%swap3A_712], %mul3A_711 {add = true, strides = array<i32>} : memref<16384xf32, #tpu.memory_space<vmem>>, vector<16xf32>,
        %get3A_714 = arith.index_cast %while3A_596 : i32 to index
        %get3A_715 = arith.constant 208 : index
        %get3A_716 = tpu.vector_load %arg26[%get3A_714, %get3A_715] {strides = array<i32>} : memref<8x256xf32, #tpu.memory_space<vmem>>, vector<16xf32>,
        %add3A_717 = arith.constant 208 : i32
        %add3A_718 = arith.addi %mul3A_609, %add3A_717 : i32
        %mul3A_719 = arith.mulf %broadcast_in_dim3A_607, %get3A_716 : vector<16xf32>
        %swap3A_720 = arith.index_cast %add3A_718 : i32 to index
        %swap3A_721 = tpu.vector_load %arg27[%swap3A_720] {strides = array<i32>} : memref<16384xf32, #tpu.memory_space<vmem>>, vector<16xf32>,
        tpu.vector_store %arg27[%swap3A_720], %mul3A_719 {add = true, strides = array<i32>} : memref<16384xf32, #tpu.memory_space<vmem>>, vector<16xf32>,
        %get3A_722 = arith.index_cast %while3A_596 : i32 to index
        %get3A_723 = arith.constant 224 : index
        %get3A_724 = tpu.vector_load %arg26[%get3A_722, %get3A_723] {strides = array<i32>} : memref<8x256xf32, #tpu.memory_space<vmem>>, vector<16xf32>,
        %add3A_725 = arith.constant 224 : i32
        %add3A_726 = arith.addi %mul3A_609, %add3A_725 : i32
        %mul3A_727 = arith.mulf %broadcast_in_dim3A_607, %get3A_724 : vector<16xf32>
        %swap3A_728 = arith.index_cast %add3A_726 : i32 to index
        %swap3A_729 = tpu.vector_load %arg27[%swap3A_728] {strides = array<i32>} : memref<16384xf32, #tpu.memory_space<vmem>>, vector<16xf32>,
        tpu.vector_store %arg27[%swap3A_728], %mul3A_727 {add = true, strides = array<i32>} : memref<16384xf32, #tpu.memory_space<vmem>>, vector<16xf32>,
        %get3A_730 = arith.index_cast %while3A_596 : i32 to index
        %get3A_731 = arith.constant 240 : index
        %get3A_732 = tpu.vector_load %arg26[%get3A_730, %get3A_731] {strides = array<i32>} : memref<8x256xf32, #tpu.memory_space<vmem>>, vector<16xf32>,
        %add3A_733 = arith.constant 240 : i32
        %add3A_734 = arith.addi %mul3A_609, %add3A_733 : i32
        %mul3A_735 = arith.mulf %broadcast_in_dim3A_607, %get3A_732 : vector<16xf32>
        %swap3A_736 = arith.index_cast %add3A_734 : i32 to index
        %swap3A_737 = tpu.vector_load %arg27[%swap3A_736] {strides = array<i32>} : memref<16384xf32, #tpu.memory_space<vmem>>, vector<16xf32>,
        tpu.vector_store %arg27[%swap3A_736], %mul3A_735 {add = true, strides = array<i32>} : memref<16384xf32, #tpu.memory_space<vmem>>, vector<16xf32>,
        %broadcast_in_dim3A_738 = vector.broadcast %squeeze3A_601 : i32 to vector<16xi32>
        tpu.vector_store_idx %arg28[%broadcast_in_dim3A_738], %broadcast_in_dim3A_607 masked %eq3A_7 {add = true} : memref<64xf32, #tpu.memory_space<vmem>>[vector<16xi32>], vector<16xf32>, vector<16xi1>
      }
    }
    "tpu.trace_stop"() : () -> ()
    "tpu.trace_start"() <{level = 10 : i32, message = "out1"}> : () -> ()
    "tpu.region"() ({
      %run_scoped3A = tpu.sem_alloc : memref<!tpu.dma_semaphore, #tpu.memory_space<semaphore_mem>>
      %dma_start3A_327 = arith.constant 0 : i32
      %dma_start3A_328 = tpu.memref_slice %arg16[%add3A, %dma_start3A_327] : memref<32x16384xf32, #tpu.memory_space<hbm>> -> memref<1x16384xf32, #tpu.memory_space<hbm>>
      %dma_start3A_329 = tpu.memref_squeeze %dma_start3A_328 : memref<1x16384xf32, #tpu.memory_space<hbm>> -> memref<16384xf32, #tpu.memory_space<hbm>>
      %dma_start3A_330 = arith.constant 0 : i32
      %dma_start3A_331 = tpu.memref_slice %arg16[%add3A, %dma_start3A_330] : memref<32x16384xf32, #tpu.memory_space<hbm>> -> memref<1x16384xf32, #tpu.memory_space<hbm>>
      %dma_start3A_332 = tpu.memref_squeeze %dma_start3A_331 : memref<1x16384xf32, #tpu.memory_space<hbm>> -> memref<16384xf32, #tpu.memory_space<hbm>>
      tpu.enqueue_dma source(%arg27 : memref<16384xf32, #tpu.memory_space<vmem>>) target(%dma_start3A_332 : memref<16384xf32, #tpu.memory_space<hbm>>) target_semaphore(%run_scoped3A : memref<!tpu.dma_semaphore, #tpu.memory_space<semaphore_mem>>)
      %dma_wait3A_333 = arith.constant 0 : i32
      %dma_wait3A_334 = tpu.memref_slice %arg16[%add3A, %dma_wait3A_333] : memref<32x16384xf32, #tpu.memory_space<hbm>> -> memref<1x16384xf32, #tpu.memory_space<hbm>>
      %dma_wait3A_335 = tpu.memref_squeeze %dma_wait3A_334 : memref<1x16384xf32, #tpu.memory_space<hbm>> -> memref<16384xf32, #tpu.memory_space<hbm>>
      %dma_wait3A_336 = arith.constant 0 : i32
      %dma_wait3A_337 = tpu.memref_slice %arg16[%add3A, %dma_wait3A_336] : memref<32x16384xf32, #tpu.memory_space<hbm>> -> memref<1x16384xf32, #tpu.memory_space<hbm>>
      %dma_wait3A_338 = tpu.memref_squeeze %dma_wait3A_337 : memref<1x16384xf32, #tpu.memory_space<hbm>> -> memref<16384xf32, #tpu.memory_space<hbm>>
      tpu.wait_dma2 semaphore(%run_scoped3A : memref<!tpu.dma_semaphore, #tpu.memory_space<semaphore_mem>>) src(%arg27 : memref<16384xf32, #tpu.memory_space<vmem>>) dst(%dma_wait3A_338 : memref<16384xf32, #tpu.memory_space<hbm>>)
      tpu.yield
    }) : () -> ()
    "tpu.region"() ({
      %run_scoped3A = tpu.sem_alloc : memref<!tpu.dma_semaphore, #tpu.memory_space<semaphore_mem>>
      %dma_start3A_327 = arith.constant 0 : i32
      %dma_start3A_328 = tpu.memref_slice %arg17[%add3A, %dma_start3A_327] : memref<32x64xf32, #tpu.memory_space<hbm>> -> memref<1x64xf32, #tpu.memory_space<hbm>>
      %dma_start3A_329 = tpu.memref_squeeze %dma_start3A_328 : memref<1x64xf32, #tpu.memory_space<hbm>> -> memref<64xf32, #tpu.memory_space<hbm>>
      %dma_start3A_330 = arith.constant 0 : i32
      %dma_start3A_331 = tpu.memref_slice %arg17[%add3A, %dma_start3A_330] : memref<32x64xf32, #tpu.memory_space<hbm>> -> memref<1x64xf32, #tpu.memory_space<hbm>>
      %dma_start3A_332 = tpu.memref_squeeze %dma_start3A_331 : memref<1x64xf32, #tpu.memory_space<hbm>> -> memref<64xf32, #tpu.memory_space<hbm>>
      tpu.enqueue_dma source(%arg28 : memref<64xf32, #tpu.memory_space<vmem>>) target(%dma_start3A_332 : memref<64xf32, #tpu.memory_space<hbm>>) target_semaphore(%run_scoped3A : memref<!tpu.dma_semaphore, #tpu.memory_space<semaphore_mem>>)
      %dma_wait3A_333 = arith.constant 0 : i32
      %dma_wait3A_334 = tpu.memref_slice %arg17[%add3A, %dma_wait3A_333] : memref<32x64xf32, #tpu.memory_space<hbm>> -> memref<1x64xf32, #tpu.memory_space<hbm>>
      %dma_wait3A_335 = tpu.memref_squeeze %dma_wait3A_334 : memref<1x64xf32, #tpu.memory_space<hbm>> -> memref<64xf32, #tpu.memory_space<hbm>>
      %dma_wait3A_336 = arith.constant 0 : i32
      %dma_wait3A_337 = tpu.memref_slice %arg17[%add3A, %dma_wait3A_336] : memref<32x64xf32, #tpu.memory_space<hbm>> -> memref<1x64xf32, #tpu.memory_space<hbm>>
      %dma_wait3A_338 = tpu.memref_squeeze %dma_wait3A_337 : memref<1x64xf32, #tpu.memory_space<hbm>> -> memref<64xf32, #tpu.memory_space<hbm>>
      tpu.wait_dma2 semaphore(%run_scoped3A : memref<!tpu.dma_semaphore, #tpu.memory_space<semaphore_mem>>) src(%arg28 : memref<64xf32, #tpu.memory_space<vmem>>) dst(%dma_wait3A_338 : memref<64xf32, #tpu.memory_space<hbm>>)
      tpu.yield
    }) : () -> ()
    "tpu.trace_stop"() : () -> ()
    return
  }
}

module attributes {stable_mosaic.version = 14 : i64} {
  func.func @_k1_body(%arg0: memref<10000x256xf32, #tpu.memory_space<vmem>>, %arg1: memref<256x256xf32, #tpu.memory_space<vmem>>, %arg2: memref<256x1xf32, #tpu.memory_space<vmem>>, %arg3: memref<256x1xf32, #tpu.memory_space<vmem>>, %arg4: memref<1x10000xi32, #tpu.memory_space<vmem>>, %arg5: memref<10000x256xf32, #tpu.memory_space<vmem>>, %arg6: memref<256x256xf32, #tpu.memory_space<vmem>>, %arg7: memref<256x1xf32, #tpu.memory_space<vmem>>, %arg8: memref<256x1xf32, #tpu.memory_space<vmem>>, %arg9: memref<1x10000xi32, #tpu.memory_space<vmem>>, %arg10: memref<10000x1xf32, #tpu.memory_space<vmem>>, %arg11: memref<64x1xf32, #tpu.memory_space<vmem>>, %arg12: memref<10080x1xi32, #tpu.memory_space<vmem>>, %arg13: memref<64x64xf32, #tpu.memory_space<vmem>>, %arg14: memref<10000x1xf32, #tpu.memory_space<vmem>>, %arg15: memref<64x1xf32, #tpu.memory_space<vmem>>, %arg16: memref<10080x1xi32, #tpu.memory_space<vmem>>, %arg17: memref<64x64xf32, #tpu.memory_space<vmem>>) attributes {dimension_semantics = [], scalar_prefetch = 0 : i64, scratch_operands = 0 : i64, tpu.core_type = #tpu.core_type<tc>} {
    %get3A = arith.constant 0 : index
    %get3A_0 = arith.constant 0 : index
    %get3A_1 = vector.load %arg0[%get3A, %get3A_0] : memref<10000x256xf32, #tpu.memory_space<vmem>>, vector<10000x256xf32>
    %get3A_2 = arith.constant 0 : index
    %get3A_3 = arith.constant 0 : index
    %get3A_4 = vector.load %arg1[%get3A_2, %get3A_3] : memref<256x256xf32, #tpu.memory_space<vmem>>, vector<256x256xf32>
    %get3A_5 = arith.constant 0 : index
    %get3A_6 = arith.constant 0 : index
    %get3A_7 = vector.load %arg2[%get3A_5, %get3A_6] : memref<256x1xf32, #tpu.memory_space<vmem>>, vector<256x1xf32>
    %get3A_8 = arith.constant 0 : index
    %get3A_9 = arith.constant 0 : index
    %get3A_10 = vector.load %arg3[%get3A_8, %get3A_9] : memref<256x1xf32, #tpu.memory_space<vmem>>, vector<256x1xf32>
    %get3A_11 = arith.constant 0 : index
    %get3A_12 = arith.constant 0 : index
    %get3A_13 = vector.load %arg4[%get3A_11, %get3A_12] : memref<1x10000xi32, #tpu.memory_space<vmem>>, vector<1x10000xi32>
    %dot_general3A = arith.constant dense<0.000000e+00> : vector<256x1xf32>
    %dot_general3A_14 = tpu.matmul %get3A_4, %get3A_7, %dot_general3A {dimension_numbers = #tpu.dot_dimension_numbers<[1], [0], [0], [1], [0, 0, 1, 1], [], []>, transpose_lhs_hint = false} : vector<256x256xf32>, vector<256x1xf32>, vector<256x1xf32> -> vector<256x1xf32>
    %dot_general3A_15 = arith.constant dense<0.000000e+00> : vector<256x1xf32>
    %dot_general3A_16 = tpu.matmul %get3A_4, %get3A_10, %dot_general3A_15 {dimension_numbers = #tpu.dot_dimension_numbers<[1], [0], [0], [1], [0, 0, 1, 1], [], []>, transpose_lhs_hint = false} : vector<256x256xf32>, vector<256x1xf32>, vector<256x1xf32> -> vector<256x1xf32>
    %dot_general3A_17 = arith.constant dense<0.000000e+00> : vector<10000x1xf32>
    %dot_general3A_18 = tpu.matmul %get3A_1, %dot_general3A_14, %dot_general3A_17 {dimension_numbers = #tpu.dot_dimension_numbers<[1], [0], [0], [1], [0, 0, 1, 1], [], []>, transpose_lhs_hint = false} : vector<10000x256xf32>, vector<256x1xf32>, vector<10000x1xf32> -> vector<10000x1xf32>
    %dot_general3A_19 = arith.constant dense<0.000000e+00> : vector<10000x1xf32>
    %dot_general3A_20 = tpu.matmul %get3A_1, %dot_general3A_16, %dot_general3A_19 {dimension_numbers = #tpu.dot_dimension_numbers<[1], [0], [0], [1], [0, 0, 1, 1], [], []>, transpose_lhs_hint = false} : vector<10000x256xf32>, vector<256x1xf32>, vector<10000x1xf32> -> vector<10000x1xf32>
    %swap3A = arith.constant 0 : index
    %swap3A_21 = arith.constant 0 : index
    %swap3A_22 = vector.load %arg10[%swap3A, %swap3A_21] : memref<10000x1xf32, #tpu.memory_space<vmem>>, vector<10000x1xf32>
    tpu.vector_store %arg10[%swap3A, %swap3A_21], %dot_general3A_18 {strides = array<i32>} : memref<10000x1xf32, #tpu.memory_space<vmem>>, vector<10000x1xf32>,
    %iota3A = tpu.iota {dimensions = array<i32: 0>} : vector<64x1xi32>
    %eq3A = vector.broadcast %iota3A : vector<64x1xi32> to vector<64x10000xi32>
    %eq3A_23 = vector.broadcast %get3A_13 : vector<1x10000xi32> to vector<64x10000xi32>
    %eq3A_24 = arith.cmpi eq, %eq3A, %eq3A_23 : vector<64x10000xi32>
    %convert_element_type3A = arith.extui %eq3A_24 : vector<64x10000xi1> to vector<64x10000xi32>
    %convert_element_type3A_25 = arith.sitofp %convert_element_type3A : vector<64x10000xi32> to vector<64x10000xf32>
    %broadcast_in_dim3A = arith.constant 1.000000e+00 : f32
    %broadcast_in_dim3A_26 = vector.broadcast %broadcast_in_dim3A : f32 to vector<10000x1xf32>
    %dot_general3A_27 = arith.constant dense<0.000000e+00> : vector<64x1xf32>
    %dot_general3A_28 = tpu.matmul %convert_element_type3A_25, %broadcast_in_dim3A_26, %dot_general3A_27 {dimension_numbers = #tpu.dot_dimension_numbers<[1], [0], [0], [1], [0, 0, 1, 1], [], []>, transpose_lhs_hint = false} : vector<64x10000xf32>, vector<10000x1xf32>, vector<64x1xf32> -> vector<64x1xf32>
    %iota3A_29 = tpu.iota {dimensions = array<i32: 0>} : vector<64x64xi32>
    %iota3A_30 = tpu.iota {dimensions = array<i32: 1>} : vector<64x64xi32>
    %le3A = arith.cmpi sle, %iota3A_30, %iota3A_29 : vector<64x64xi32>
    %convert_element_type3A_31 = arith.extui %le3A : vector<64x64xi1> to vector<64x64xi32>
    %convert_element_type3A_32 = arith.sitofp %convert_element_type3A_31 : vector<64x64xi32> to vector<64x64xf32>
    %dot_general3A_33 = arith.constant dense<0.000000e+00> : vector<64x1xf32>
    %dot_general3A_34 = tpu.matmul %convert_element_type3A_32, %dot_general3A_28, %dot_general3A_33 {dimension_numbers = #tpu.dot_dimension_numbers<[1], [0], [0], [1], [0, 0, 1, 1], [], []>, transpose_lhs_hint = false} : vector<64x64xf32>, vector<64x1xf32>, vector<64x1xf32> -> vector<64x1xf32>
    %convert_element_type3A_35 = arith.fptosi %dot_general3A_34 : vector<64x1xf32> to vector<64x1xi32>
    %sub3A = arith.constant 1 : i32
    %sub3A_36 = vector.broadcast %sub3A : i32 to vector<64x1xi32>
    %sub3A_37 = arith.subi %convert_element_type3A_35, %sub3A_36 : vector<64x1xi32>
    %lt3A = arith.constant 0 : i32
    %lt3A_38 = vector.broadcast %lt3A : i32 to vector<64x1xi32>
    %lt3A_39 = arith.cmpi slt, %sub3A_37, %lt3A_38 : vector<64x1xi32>
    %add3A = arith.constant 10000 : i32
    %add3A_40 = vector.broadcast %add3A : i32 to vector<64x1xi32>
    %add3A_41 = arith.addi %sub3A_37, %add3A_40 : vector<64x1xi32>
    %select_n3A = arith.select %lt3A_39, %add3A_41, %sub3A_37 : vector<64x1xi1>, vector<64x1xi32>
    %iota3A_42 = tpu.iota {dimensions = array<i32: 1>} : vector<64x10080xi32>
    %eq3A_43 = vector.broadcast %select_n3A : vector<64x1xi32> to vector<64x10080xi32>
    %eq3A_44 = arith.cmpi eq, %eq3A_43, %iota3A_42 : vector<64x10080xi32>
    %convert_element_type3A_45 = arith.extui %eq3A_44 : vector<64x10080xi1> to vector<64x10080xi32>
    %convert_element_type3A_46 = arith.sitofp %convert_element_type3A_45 : vector<64x10080xi32> to vector<64x10080xf32>
    %dot_general3A_47 = arith.constant dense<0.000000e+00> : vector<64x64xf32>
    %dot_general3A_48 = tpu.matmul %convert_element_type3A_46, %convert_element_type3A_46, %dot_general3A_47 {dimension_numbers = #tpu.dot_dimension_numbers<[1], [1], [0], [0], [0, 0, 1, 0], [], []>, transpose_lhs_hint = false} : vector<64x10080xf32>, vector<64x10080xf32>, vector<64x64xf32> -> vector<64x64xf32>
    %lt3A_49 = arith.cmpi slt, %iota3A_30, %iota3A_29 : vector<64x64xi32>
    %convert_element_type3A_50 = arith.extui %lt3A_49 : vector<64x64xi1> to vector<64x64xi32>
    %convert_element_type3A_51 = arith.sitofp %convert_element_type3A_50 : vector<64x64xi32> to vector<64x64xf32>
    %mul3A = arith.mulf %dot_general3A_48, %convert_element_type3A_51 : vector<64x64xf32>
    %broadcast_in_dim3A_52 = arith.constant 1.000000e+00 : f32
    %broadcast_in_dim3A_53 = vector.broadcast %broadcast_in_dim3A_52 : f32 to vector<64x1xf32>
    %dot_general3A_54 = arith.constant dense<0.000000e+00> : vector<64x1xf32>
    %dot_general3A_55 = tpu.matmul %mul3A, %broadcast_in_dim3A_53, %dot_general3A_54 {dimension_numbers = #tpu.dot_dimension_numbers<[1], [0], [0], [1], [0, 0, 1, 1], [], []>, transpose_lhs_hint = false} : vector<64x64xf32>, vector<64x1xf32>, vector<64x1xf32> -> vector<64x1xf32>
    %lt3A_56 = arith.constant 5.000000e-01 : f32
    %lt3A_57 = vector.broadcast %lt3A_56 : f32 to vector<64x1xf32>
    %lt3A_58 = arith.cmpf olt, %dot_general3A_55, %lt3A_57 : vector<64x1xf32>
    %add3A_59 = arith.constant 10000 : i32
    %add3A_60 = vector.broadcast %add3A_59 : i32 to vector<64x1xi32>
    %add3A_61 = arith.addi %add3A_60, %iota3A : vector<64x1xi32>
    %select_n3A_62 = arith.select %lt3A_58, %select_n3A, %add3A_61 : vector<64x1xi1>, vector<64x1xi32>
    %eq3A_63 = vector.broadcast %select_n3A_62 : vector<64x1xi32> to vector<64x10080xi32>
    %eq3A_64 = arith.cmpi eq, %eq3A_63, %iota3A_42 : vector<64x10080xi32>
    %convert_element_type3A_65 = arith.extui %eq3A_64 : vector<64x10080xi1> to vector<64x10080xi32>
    %convert_element_type3A_66 = arith.sitofp %convert_element_type3A_65 : vector<64x10080xi32> to vector<64x10080xf32>
    %add3A_67 = arith.constant 1 : i32
    %add3A_68 = vector.broadcast %add3A_67 : i32 to vector<64x1xi32>
    %add3A_69 = arith.addi %iota3A, %add3A_68 : vector<64x1xi32>
    %convert_element_type3A_70 = arith.sitofp %add3A_69 : vector<64x1xi32> to vector<64x1xf32>
    %dot_general3A_71 = arith.constant dense<0.000000e+00> : vector<10080x1xf32>
    %dot_general3A_72 = tpu.matmul %convert_element_type3A_66, %convert_element_type3A_70, %dot_general3A_71 {dimension_numbers = #tpu.dot_dimension_numbers<[0], [0], [1], [1], [0, 1, 1, 1], [], []>, transpose_lhs_hint = false} : vector<64x10080xf32>, vector<64x1xf32>, vector<10080x1xf32> -> vector<10080x1xf32>
    %convert_element_type3A_73 = arith.fptosi %dot_general3A_72 : vector<10080x1xf32> to vector<10080x1xi32>
    %sub3A_74 = arith.constant 1 : i32
    %sub3A_75 = vector.broadcast %sub3A_74 : i32 to vector<10080x1xi32>
    %sub3A_76 = arith.subi %convert_element_type3A_73, %sub3A_75 : vector<10080x1xi32>
    %swap3A_77 = arith.constant 0 : index
    %swap3A_78 = arith.constant 0 : index
    %swap3A_79 = vector.load %arg12[%swap3A_77, %swap3A_78] : memref<10080x1xi32, #tpu.memory_space<vmem>>, vector<10080x1xi32>
    tpu.vector_store %arg12[%swap3A_77, %swap3A_78], %sub3A_76 {strides = array<i32>} : memref<10080x1xi32, #tpu.memory_space<vmem>>, vector<10080x1xi32>,
    %dot_general3A_80 = arith.constant dense<0.000000e+00> : vector<64x1xf32>
    %dot_general3A_81 = tpu.matmul %convert_element_type3A_46, %dot_general3A_72, %dot_general3A_80 {dimension_numbers = #tpu.dot_dimension_numbers<[1], [0], [0], [1], [0, 0, 1, 1], [], []>, transpose_lhs_hint = false} : vector<64x10080xf32>, vector<10080x1xf32>, vector<64x1xf32> -> vector<64x1xf32>
    %convert_element_type3A_82 = arith.fptosi %dot_general3A_81 : vector<64x1xf32> to vector<64x1xi32>
    %sub3A_83 = arith.constant 1 : i32
    %sub3A_84 = vector.broadcast %sub3A_83 : i32 to vector<64x1xi32>
    %sub3A_85 = arith.subi %convert_element_type3A_82, %sub3A_84 : vector<64x1xi32>
    %eq3A_86 = vector.broadcast %sub3A_85 : vector<64x1xi32> to vector<64x64xi32>
    %eq3A_87 = arith.cmpi eq, %eq3A_86, %iota3A_30 : vector<64x64xi32>
    %convert_element_type3A_88 = arith.extui %eq3A_87 : vector<64x64xi1> to vector<64x64xi32>
    %convert_element_type3A_89 = arith.sitofp %convert_element_type3A_88 : vector<64x64xi32> to vector<64x64xf32>
    %swap3A_90 = arith.constant 0 : index
    %swap3A_91 = arith.constant 0 : index
    %swap3A_92 = vector.load %arg13[%swap3A_90, %swap3A_91] : memref<64x64xf32, #tpu.memory_space<vmem>>, vector<64x64xf32>
    tpu.vector_store %arg13[%swap3A_90, %swap3A_91], %convert_element_type3A_89 {strides = array<i32>} : memref<64x64xf32, #tpu.memory_space<vmem>>, vector<64x64xf32>,
    %slice3A = vector.extract_strided_slice %convert_element_type3A_66 {offsets = [0, 0], sizes = [64, 10000], strides = [1, 1]} : vector<64x10080xf32> to vector<64x10000xf32>
    %dot_general3A_93 = arith.constant dense<0.000000e+00> : vector<64x1xf32>
    %dot_general3A_94 = tpu.matmul %slice3A, %dot_general3A_20, %dot_general3A_93 {dimension_numbers = #tpu.dot_dimension_numbers<[1], [0], [0], [1], [0, 0, 1, 1], [], []>, transpose_lhs_hint = false} : vector<64x10000xf32>, vector<10000x1xf32>, vector<64x1xf32> -> vector<64x1xf32>
    %swap3A_95 = arith.constant 0 : index
    %swap3A_96 = arith.constant 0 : index
    %swap3A_97 = vector.load %arg11[%swap3A_95, %swap3A_96] : memref<64x1xf32, #tpu.memory_space<vmem>>, vector<64x1xf32>
    tpu.vector_store %arg11[%swap3A_95, %swap3A_96], %dot_general3A_94 {strides = array<i32>} : memref<64x1xf32, #tpu.memory_space<vmem>>, vector<64x1xf32>,
    %get3A_98 = arith.constant 0 : index
    %get3A_99 = arith.constant 0 : index
    %get3A_100 = vector.load %arg5[%get3A_98, %get3A_99] : memref<10000x256xf32, #tpu.memory_space<vmem>>, vector<10000x256xf32>
    %get3A_101 = arith.constant 0 : index
    %get3A_102 = arith.constant 0 : index
    %get3A_103 = vector.load %arg6[%get3A_101, %get3A_102] : memref<256x256xf32, #tpu.memory_space<vmem>>, vector<256x256xf32>
    %get3A_104 = arith.constant 0 : index
    %get3A_105 = arith.constant 0 : index
    %get3A_106 = vector.load %arg7[%get3A_104, %get3A_105] : memref<256x1xf32, #tpu.memory_space<vmem>>, vector<256x1xf32>
    %get3A_107 = arith.constant 0 : index
    %get3A_108 = arith.constant 0 : index
    %get3A_109 = vector.load %arg8[%get3A_107, %get3A_108] : memref<256x1xf32, #tpu.memory_space<vmem>>, vector<256x1xf32>
    %get3A_110 = arith.constant 0 : index
    %get3A_111 = arith.constant 0 : index
    %get3A_112 = vector.load %arg9[%get3A_110, %get3A_111] : memref<1x10000xi32, #tpu.memory_space<vmem>>, vector<1x10000xi32>
    %dot_general3A_113 = arith.constant dense<0.000000e+00> : vector<256x1xf32>
    %dot_general3A_114 = tpu.matmul %get3A_103, %get3A_106, %dot_general3A_113 {dimension_numbers = #tpu.dot_dimension_numbers<[1], [0], [0], [1], [0, 0, 1, 1], [], []>, transpose_lhs_hint = false} : vector<256x256xf32>, vector<256x1xf32>, vector<256x1xf32> -> vector<256x1xf32>
    %dot_general3A_115 = arith.constant dense<0.000000e+00> : vector<256x1xf32>
    %dot_general3A_116 = tpu.matmul %get3A_103, %get3A_109, %dot_general3A_115 {dimension_numbers = #tpu.dot_dimension_numbers<[1], [0], [0], [1], [0, 0, 1, 1], [], []>, transpose_lhs_hint = false} : vector<256x256xf32>, vector<256x1xf32>, vector<256x1xf32> -> vector<256x1xf32>
    %dot_general3A_117 = arith.constant dense<0.000000e+00> : vector<10000x1xf32>
    %dot_general3A_118 = tpu.matmul %get3A_100, %dot_general3A_114, %dot_general3A_117 {dimension_numbers = #tpu.dot_dimension_numbers<[1], [0], [0], [1], [0, 0, 1, 1], [], []>, transpose_lhs_hint = false} : vector<10000x256xf32>, vector<256x1xf32>, vector<10000x1xf32> -> vector<10000x1xf32>
    %dot_general3A_119 = arith.constant dense<0.000000e+00> : vector<10000x1xf32>
    %dot_general3A_120 = tpu.matmul %get3A_100, %dot_general3A_116, %dot_general3A_119 {dimension_numbers = #tpu.dot_dimension_numbers<[1], [0], [0], [1], [0, 0, 1, 1], [], []>, transpose_lhs_hint = false} : vector<10000x256xf32>, vector<256x1xf32>, vector<10000x1xf32> -> vector<10000x1xf32>
    %swap3A_121 = arith.constant 0 : index
    %swap3A_122 = arith.constant 0 : index
    %swap3A_123 = vector.load %arg14[%swap3A_121, %swap3A_122] : memref<10000x1xf32, #tpu.memory_space<vmem>>, vector<10000x1xf32>
    tpu.vector_store %arg14[%swap3A_121, %swap3A_122], %dot_general3A_118 {strides = array<i32>} : memref<10000x1xf32, #tpu.memory_space<vmem>>, vector<10000x1xf32>,
    %iota3A_124 = tpu.iota {dimensions = array<i32: 0>} : vector<64x1xi32>
    %eq3A_125 = vector.broadcast %iota3A_124 : vector<64x1xi32> to vector<64x10000xi32>
    %eq3A_126 = vector.broadcast %get3A_112 : vector<1x10000xi32> to vector<64x10000xi32>
    %eq3A_127 = arith.cmpi eq, %eq3A_125, %eq3A_126 : vector<64x10000xi32>
    %convert_element_type3A_128 = arith.extui %eq3A_127 : vector<64x10000xi1> to vector<64x10000xi32>
    %convert_element_type3A_129 = arith.sitofp %convert_element_type3A_128 : vector<64x10000xi32> to vector<64x10000xf32>
    %broadcast_in_dim3A_130 = arith.constant 1.000000e+00 : f32
    %broadcast_in_dim3A_131 = vector.broadcast %broadcast_in_dim3A_130 : f32 to vector<10000x1xf32>
    %dot_general3A_132 = arith.constant dense<0.000000e+00> : vector<64x1xf32>
    %dot_general3A_133 = tpu.matmul %convert_element_type3A_129, %broadcast_in_dim3A_131, %dot_general3A_132 {dimension_numbers = #tpu.dot_dimension_numbers<[1], [0], [0], [1], [0, 0, 1, 1], [], []>, transpose_lhs_hint = false} : vector<64x10000xf32>, vector<10000x1xf32>, vector<64x1xf32> -> vector<64x1xf32>
    %iota3A_134 = tpu.iota {dimensions = array<i32: 0>} : vector<64x64xi32>
    %iota3A_135 = tpu.iota {dimensions = array<i32: 1>} : vector<64x64xi32>
    %le3A_136 = arith.cmpi sle, %iota3A_135, %iota3A_134 : vector<64x64xi32>
    %convert_element_type3A_137 = arith.extui %le3A_136 : vector<64x64xi1> to vector<64x64xi32>
    %convert_element_type3A_138 = arith.sitofp %convert_element_type3A_137 : vector<64x64xi32> to vector<64x64xf32>
    %dot_general3A_139 = arith.constant dense<0.000000e+00> : vector<64x1xf32>
    %dot_general3A_140 = tpu.matmul %convert_element_type3A_138, %dot_general3A_133, %dot_general3A_139 {dimension_numbers = #tpu.dot_dimension_numbers<[1], [0], [0], [1], [0, 0, 1, 1], [], []>, transpose_lhs_hint = false} : vector<64x64xf32>, vector<64x1xf32>, vector<64x1xf32> -> vector<64x1xf32>
    %convert_element_type3A_141 = arith.fptosi %dot_general3A_140 : vector<64x1xf32> to vector<64x1xi32>
    %sub3A_142 = arith.constant 1 : i32
    %sub3A_143 = vector.broadcast %sub3A_142 : i32 to vector<64x1xi32>
    %sub3A_144 = arith.subi %convert_element_type3A_141, %sub3A_143 : vector<64x1xi32>
    %lt3A_145 = arith.constant 0 : i32
    %lt3A_146 = vector.broadcast %lt3A_145 : i32 to vector<64x1xi32>
    %lt3A_147 = arith.cmpi slt, %sub3A_144, %lt3A_146 : vector<64x1xi32>
    %add3A_148 = arith.constant 10000 : i32
    %add3A_149 = vector.broadcast %add3A_148 : i32 to vector<64x1xi32>
    %add3A_150 = arith.addi %sub3A_144, %add3A_149 : vector<64x1xi32>
    %select_n3A_151 = arith.select %lt3A_147, %add3A_150, %sub3A_144 : vector<64x1xi1>, vector<64x1xi32>
    %iota3A_152 = tpu.iota {dimensions = array<i32: 1>} : vector<64x10080xi32>
    %eq3A_153 = vector.broadcast %select_n3A_151 : vector<64x1xi32> to vector<64x10080xi32>
    %eq3A_154 = arith.cmpi eq, %eq3A_153, %iota3A_152 : vector<64x10080xi32>
    %convert_element_type3A_155 = arith.extui %eq3A_154 : vector<64x10080xi1> to vector<64x10080xi32>
    %convert_element_type3A_156 = arith.sitofp %convert_element_type3A_155 : vector<64x10080xi32> to vector<64x10080xf32>
    %dot_general3A_157 = arith.constant dense<0.000000e+00> : vector<64x64xf32>
    %dot_general3A_158 = tpu.matmul %convert_element_type3A_156, %convert_element_type3A_156, %dot_general3A_157 {dimension_numbers = #tpu.dot_dimension_numbers<[1], [1], [0], [0], [0, 0, 1, 0], [], []>, transpose_lhs_hint = false} : vector<64x10080xf32>, vector<64x10080xf32>, vector<64x64xf32> -> vector<64x64xf32>
    %lt3A_159 = arith.cmpi slt, %iota3A_135, %iota3A_134 : vector<64x64xi32>
    %convert_element_type3A_160 = arith.extui %lt3A_159 : vector<64x64xi1> to vector<64x64xi32>
    %convert_element_type3A_161 = arith.sitofp %convert_element_type3A_160 : vector<64x64xi32> to vector<64x64xf32>
    %mul3A_162 = arith.mulf %dot_general3A_158, %convert_element_type3A_161 : vector<64x64xf32>
    %broadcast_in_dim3A_163 = arith.constant 1.000000e+00 : f32
    %broadcast_in_dim3A_164 = vector.broadcast %broadcast_in_dim3A_163 : f32 to vector<64x1xf32>
    %dot_general3A_165 = arith.constant dense<0.000000e+00> : vector<64x1xf32>
    %dot_general3A_166 = tpu.matmul %mul3A_162, %broadcast_in_dim3A_164, %dot_general3A_165 {dimension_numbers = #tpu.dot_dimension_numbers<[1], [0], [0], [1], [0, 0, 1, 1], [], []>, transpose_lhs_hint = false} : vector<64x64xf32>, vector<64x1xf32>, vector<64x1xf32> -> vector<64x1xf32>
    %lt3A_167 = arith.constant 5.000000e-01 : f32
    %lt3A_168 = vector.broadcast %lt3A_167 : f32 to vector<64x1xf32>
    %lt3A_169 = arith.cmpf olt, %dot_general3A_166, %lt3A_168 : vector<64x1xf32>
    %add3A_170 = arith.constant 10000 : i32
    %add3A_171 = vector.broadcast %add3A_170 : i32 to vector<64x1xi32>
    %add3A_172 = arith.addi %add3A_171, %iota3A_124 : vector<64x1xi32>
    %select_n3A_173 = arith.select %lt3A_169, %select_n3A_151, %add3A_172 : vector<64x1xi1>, vector<64x1xi32>
    %eq3A_174 = vector.broadcast %select_n3A_173 : vector<64x1xi32> to vector<64x10080xi32>
    %eq3A_175 = arith.cmpi eq, %eq3A_174, %iota3A_152 : vector<64x10080xi32>
    %convert_element_type3A_176 = arith.extui %eq3A_175 : vector<64x10080xi1> to vector<64x10080xi32>
    %convert_element_type3A_177 = arith.sitofp %convert_element_type3A_176 : vector<64x10080xi32> to vector<64x10080xf32>
    %add3A_178 = arith.constant 1 : i32
    %add3A_179 = vector.broadcast %add3A_178 : i32 to vector<64x1xi32>
    %add3A_180 = arith.addi %iota3A_124, %add3A_179 : vector<64x1xi32>
    %convert_element_type3A_181 = arith.sitofp %add3A_180 : vector<64x1xi32> to vector<64x1xf32>
    %dot_general3A_182 = arith.constant dense<0.000000e+00> : vector<10080x1xf32>
    %dot_general3A_183 = tpu.matmul %convert_element_type3A_177, %convert_element_type3A_181, %dot_general3A_182 {dimension_numbers = #tpu.dot_dimension_numbers<[0], [0], [1], [1], [0, 1, 1, 1], [], []>, transpose_lhs_hint = false} : vector<64x10080xf32>, vector<64x1xf32>, vector<10080x1xf32> -> vector<10080x1xf32>
    %convert_element_type3A_184 = arith.fptosi %dot_general3A_183 : vector<10080x1xf32> to vector<10080x1xi32>
    %sub3A_185 = arith.constant 1 : i32
    %sub3A_186 = vector.broadcast %sub3A_185 : i32 to vector<10080x1xi32>
    %sub3A_187 = arith.subi %convert_element_type3A_184, %sub3A_186 : vector<10080x1xi32>
    %swap3A_188 = arith.constant 0 : index
    %swap3A_189 = arith.constant 0 : index
    %swap3A_190 = vector.load %arg16[%swap3A_188, %swap3A_189] : memref<10080x1xi32, #tpu.memory_space<vmem>>, vector<10080x1xi32>
    tpu.vector_store %arg16[%swap3A_188, %swap3A_189], %sub3A_187 {strides = array<i32>} : memref<10080x1xi32, #tpu.memory_space<vmem>>, vector<10080x1xi32>,
    %dot_general3A_191 = arith.constant dense<0.000000e+00> : vector<64x1xf32>
    %dot_general3A_192 = tpu.matmul %convert_element_type3A_156, %dot_general3A_183, %dot_general3A_191 {dimension_numbers = #tpu.dot_dimension_numbers<[1], [0], [0], [1], [0, 0, 1, 1], [], []>, transpose_lhs_hint = false} : vector<64x10080xf32>, vector<10080x1xf32>, vector<64x1xf32> -> vector<64x1xf32>
    %convert_element_type3A_193 = arith.fptosi %dot_general3A_192 : vector<64x1xf32> to vector<64x1xi32>
    %sub3A_194 = arith.constant 1 : i32
    %sub3A_195 = vector.broadcast %sub3A_194 : i32 to vector<64x1xi32>
    %sub3A_196 = arith.subi %convert_element_type3A_193, %sub3A_195 : vector<64x1xi32>
    %eq3A_197 = vector.broadcast %sub3A_196 : vector<64x1xi32> to vector<64x64xi32>
    %eq3A_198 = arith.cmpi eq, %eq3A_197, %iota3A_135 : vector<64x64xi32>
    %convert_element_type3A_199 = arith.extui %eq3A_198 : vector<64x64xi1> to vector<64x64xi32>
    %convert_element_type3A_200 = arith.sitofp %convert_element_type3A_199 : vector<64x64xi32> to vector<64x64xf32>
    %swap3A_201 = arith.constant 0 : index
    %swap3A_202 = arith.constant 0 : index
    %swap3A_203 = vector.load %arg17[%swap3A_201, %swap3A_202] : memref<64x64xf32, #tpu.memory_space<vmem>>, vector<64x64xf32>
    tpu.vector_store %arg17[%swap3A_201, %swap3A_202], %convert_element_type3A_200 {strides = array<i32>} : memref<64x64xf32, #tpu.memory_space<vmem>>, vector<64x64xf32>,
    %slice3A_204 = vector.extract_strided_slice %convert_element_type3A_177 {offsets = [0, 0], sizes = [64, 10000], strides = [1, 1]} : vector<64x10080xf32> to vector<64x10000xf32>
    %dot_general3A_205 = arith.constant dense<0.000000e+00> : vector<64x1xf32>
    %dot_general3A_206 = tpu.matmul %slice3A_204, %dot_general3A_120, %dot_general3A_205 {dimension_numbers = #tpu.dot_dimension_numbers<[1], [0], [0], [1], [0, 0, 1, 1], [], []>, transpose_lhs_hint = false} : vector<64x10000xf32>, vector<10000x1xf32>, vector<64x1xf32> -> vector<64x1xf32>
    %swap3A_207 = arith.constant 0 : index
    %swap3A_208 = arith.constant 0 : index
    %swap3A_209 = vector.load %arg15[%swap3A_207, %swap3A_208] : memref<64x1xf32, #tpu.memory_space<vmem>>, vector<64x1xf32>
    tpu.vector_store %arg15[%swap3A_207, %swap3A_208], %dot_general3A_206 {strides = array<i32>} : memref<64x1xf32, #tpu.memory_space<vmem>>, vector<64x1xf32>,
    return
  }
}

module attributes {stable_mosaic.version = 14 : i64} {
  func.func @_k3_body(%arg0: memref<32x64x256xf32, #tpu.memory_space<vmem>>, %arg1: memref<32x64xf32, #tpu.memory_space<vmem>>, %arg2: memref<64x64xf32, #tpu.memory_space<vmem>>, %arg3: memref<256x256xf32, #tpu.memory_space<vmem>>, %arg4: memref<1x256xf32, #tpu.memory_space<vmem>>, %arg5: memref<32x64x256xf32, #tpu.memory_space<vmem>>, %arg6: memref<32x64xf32, #tpu.memory_space<vmem>>, %arg7: memref<64x64xf32, #tpu.memory_space<vmem>>, %arg8: memref<256x256xf32, #tpu.memory_space<vmem>>, %arg9: memref<1x256xf32, #tpu.memory_space<vmem>>, %arg10: memref<256x1xf32, #tpu.memory_space<vmem>>, %arg11: memref<1x1xf32, #tpu.memory_space<vmem>>, %arg12: memref<64x1xf32, #tpu.memory_space<vmem>>) attributes {dimension_semantics = [], scalar_prefetch = 0 : i64, scratch_operands = 0 : i64, tpu.core_type = #tpu.core_type<tc>} {
    %get3A = arith.constant 0 : index
    %get3A_0 = arith.constant 0 : index
    %get3A_1 = arith.constant 0 : index
    %get3A_2 = vector.load %arg0[%get3A, %get3A_0, %get3A_1] : memref<32x64x256xf32, #tpu.memory_space<vmem>>, vector<32x64x256xf32>
    %reduce_sum3A = arith.constant dense<0.000000e+00> : vector<64x256xf32>
    %reduce_sum3A_3 = vector.multi_reduction <add>, %get3A_2, %reduce_sum3A [0] : vector<32x64x256xf32> to vector<64x256xf32>
    %get3A_4 = arith.constant 0 : index
    %get3A_5 = arith.constant 0 : index
    %get3A_6 = vector.load %arg1[%get3A_4, %get3A_5] : memref<32x64xf32, #tpu.memory_space<vmem>>, vector<32x64xf32>
    %broadcast_in_dim3A = arith.constant 1.000000e+00 : f32
    %broadcast_in_dim3A_7 = vector.broadcast %broadcast_in_dim3A : f32 to vector<32x1xf32>
    %dot_general3A = arith.constant dense<0.000000e+00> : vector<64x1xf32>
    %dot_general3A_8 = tpu.matmul %get3A_6, %broadcast_in_dim3A_7, %dot_general3A {dimension_numbers = #tpu.dot_dimension_numbers<[0], [0], [1], [1], [0, 1, 1, 1], [], []>, transpose_lhs_hint = false} : vector<32x64xf32>, vector<32x1xf32>, vector<64x1xf32> -> vector<64x1xf32>
    %add3A = arith.constant 1.000000e-16 : f32
    %add3A_9 = vector.broadcast %add3A : f32 to vector<64x1xf32>
    %add3A_10 = arith.addf %dot_general3A_8, %add3A_9 : vector<64x1xf32>
    %div3A = vector.broadcast %add3A_10 : vector<64x1xf32> to vector<64x256xf32>
    %div3A_11 = arith.divf %reduce_sum3A_3, %div3A : vector<64x256xf32>
    %get3A_12 = arith.constant 0 : index
    %get3A_13 = arith.constant 0 : index
    %get3A_14 = vector.load %arg3[%get3A_12, %get3A_13] : memref<256x256xf32, #tpu.memory_space<vmem>>, vector<256x256xf32>
    %dot_general3A_15 = arith.constant dense<0.000000e+00> : vector<64x256xf32>
    %dot_general3A_16 = tpu.matmul %div3A_11, %get3A_14, %dot_general3A_15 {dimension_numbers = #tpu.dot_dimension_numbers<[1], [0], [0], [1], [0, 0, 1, 1], [], []>, transpose_lhs_hint = false} : vector<64x256xf32>, vector<256x256xf32>, vector<64x256xf32> -> vector<64x256xf32>
    %get3A_17 = arith.constant 0 : index
    %get3A_18 = arith.constant 0 : index
    %get3A_19 = vector.load %arg4[%get3A_17, %get3A_18] : memref<1x256xf32, #tpu.memory_space<vmem>>, vector<1x256xf32>
    %add3A_20 = vector.broadcast %get3A_19 : vector<1x256xf32> to vector<64x256xf32>
    %add3A_21 = arith.addf %dot_general3A_16, %add3A_20 : vector<64x256xf32>
    %logistic3A = arith.negf %add3A_21 : vector<64x256xf32>
    %logistic3A_22 = math.exp %logistic3A : vector<64x256xf32>
    %logistic3A_23 = arith.constant 1.000000e+00 : f32
    %logistic3A_24 = vector.broadcast %logistic3A_23 : f32 to vector<64x256xf32>
    %logistic3A_25 = arith.addf %logistic3A_24, %logistic3A_22 : vector<64x256xf32>
    %logistic3A_26 = arith.divf %logistic3A_24, %logistic3A_25 : vector<64x256xf32>
    %get3A_27 = arith.constant 0 : index
    %get3A_28 = arith.constant 0 : index
    %get3A_29 = vector.load %arg2[%get3A_27, %get3A_28] : memref<64x64xf32, #tpu.memory_space<vmem>>, vector<64x64xf32>
    %dot_general3A_30 = arith.constant dense<0.000000e+00> : vector<64x256xf32>
    %dot_general3A_31 = tpu.matmul %get3A_29, %logistic3A_26, %dot_general3A_30 {dimension_numbers = #tpu.dot_dimension_numbers<[1], [0], [0], [1], [0, 0, 1, 1], [], []>, transpose_lhs_hint = false} : vector<64x64xf32>, vector<64x256xf32>, vector<64x256xf32> -> vector<64x256xf32>
    %get3A_32 = arith.constant 0 : index
    %get3A_33 = arith.constant 0 : index
    %get3A_34 = arith.constant 0 : index
    %get3A_35 = vector.load %arg5[%get3A_32, %get3A_33, %get3A_34] : memref<32x64x256xf32, #tpu.memory_space<vmem>>, vector<32x64x256xf32>
    %reduce_sum3A_36 = arith.constant dense<0.000000e+00> : vector<64x256xf32>
    %reduce_sum3A_37 = vector.multi_reduction <add>, %get3A_35, %reduce_sum3A_36 [0] : vector<32x64x256xf32> to vector<64x256xf32>
    %get3A_38 = arith.constant 0 : index
    %get3A_39 = arith.constant 0 : index
    %get3A_40 = vector.load %arg6[%get3A_38, %get3A_39] : memref<32x64xf32, #tpu.memory_space<vmem>>, vector<32x64xf32>
    %broadcast_in_dim3A_41 = arith.constant 1.000000e+00 : f32
    %broadcast_in_dim3A_42 = vector.broadcast %broadcast_in_dim3A_41 : f32 to vector<32x1xf32>
    %dot_general3A_43 = arith.constant dense<0.000000e+00> : vector<64x1xf32>
    %dot_general3A_44 = tpu.matmul %get3A_40, %broadcast_in_dim3A_42, %dot_general3A_43 {dimension_numbers = #tpu.dot_dimension_numbers<[0], [0], [1], [1], [0, 1, 1, 1], [], []>, transpose_lhs_hint = false} : vector<32x64xf32>, vector<32x1xf32>, vector<64x1xf32> -> vector<64x1xf32>
    %add3A_45 = arith.constant 1.000000e-16 : f32
    %add3A_46 = vector.broadcast %add3A_45 : f32 to vector<64x1xf32>
    %add3A_47 = arith.addf %dot_general3A_44, %add3A_46 : vector<64x1xf32>
    %div3A_48 = vector.broadcast %add3A_47 : vector<64x1xf32> to vector<64x256xf32>
    %div3A_49 = arith.divf %reduce_sum3A_37, %div3A_48 : vector<64x256xf32>
    %get3A_50 = arith.constant 0 : index
    %get3A_51 = arith.constant 0 : index
    %get3A_52 = vector.load %arg8[%get3A_50, %get3A_51] : memref<256x256xf32, #tpu.memory_space<vmem>>, vector<256x256xf32>
    %dot_general3A_53 = arith.constant dense<0.000000e+00> : vector<64x256xf32>
    %dot_general3A_54 = tpu.matmul %div3A_49, %get3A_52, %dot_general3A_53 {dimension_numbers = #tpu.dot_dimension_numbers<[1], [0], [0], [1], [0, 0, 1, 1], [], []>, transpose_lhs_hint = false} : vector<64x256xf32>, vector<256x256xf32>, vector<64x256xf32> -> vector<64x256xf32>
    %get3A_55 = arith.constant 0 : index
    %get3A_56 = arith.constant 0 : index
    %get3A_57 = vector.load %arg9[%get3A_55, %get3A_56] : memref<1x256xf32, #tpu.memory_space<vmem>>, vector<1x256xf32>
    %add3A_58 = vector.broadcast %get3A_57 : vector<1x256xf32> to vector<64x256xf32>
    %add3A_59 = arith.addf %dot_general3A_54, %add3A_58 : vector<64x256xf32>
    %logistic3A_60 = arith.negf %add3A_59 : vector<64x256xf32>
    %logistic3A_61 = math.exp %logistic3A_60 : vector<64x256xf32>
    %logistic3A_62 = arith.constant 1.000000e+00 : f32
    %logistic3A_63 = vector.broadcast %logistic3A_62 : f32 to vector<64x256xf32>
    %logistic3A_64 = arith.addf %logistic3A_63, %logistic3A_61 : vector<64x256xf32>
    %logistic3A_65 = arith.divf %logistic3A_63, %logistic3A_64 : vector<64x256xf32>
    %get3A_66 = arith.constant 0 : index
    %get3A_67 = arith.constant 0 : index
    %get3A_68 = vector.load %arg7[%get3A_66, %get3A_67] : memref<64x64xf32, #tpu.memory_space<vmem>>, vector<64x64xf32>
    %dot_general3A_69 = arith.constant dense<0.000000e+00> : vector<64x256xf32>
    %dot_general3A_70 = tpu.matmul %get3A_68, %logistic3A_65, %dot_general3A_69 {dimension_numbers = #tpu.dot_dimension_numbers<[1], [0], [0], [1], [0, 0, 1, 1], [], []>, transpose_lhs_hint = false} : vector<64x64xf32>, vector<64x256xf32>, vector<64x256xf32> -> vector<64x256xf32>
    %add3A_71 = arith.addf %dot_general3A_31, %dot_general3A_70 : vector<64x256xf32>
    %get3A_72 = arith.constant 0 : index
    %get3A_73 = arith.constant 0 : index
    %get3A_74 = vector.load %arg10[%get3A_72, %get3A_73] : memref<256x1xf32, #tpu.memory_space<vmem>>, vector<256x1xf32>
    %dot_general3A_75 = arith.constant dense<0.000000e+00> : vector<64x1xf32>
    %dot_general3A_76 = tpu.matmul %add3A_71, %get3A_74, %dot_general3A_75 {dimension_numbers = #tpu.dot_dimension_numbers<[1], [0], [0], [1], [0, 0, 1, 1], [], []>, transpose_lhs_hint = false} : vector<64x256xf32>, vector<256x1xf32>, vector<64x1xf32> -> vector<64x1xf32>
    %get3A_77 = arith.constant 0 : index
    %get3A_78 = arith.constant 0 : index
    %get3A_79 = vector.load %arg11[%get3A_77, %get3A_78] : memref<1x1xf32, #tpu.memory_space<vmem>>, vector<1x1xf32>
    %add3A_80 = vector.broadcast %get3A_79 : vector<1x1xf32> to vector<64x1xf32>
    %add3A_81 = arith.addf %dot_general3A_76, %add3A_80 : vector<64x1xf32>
    %swap3A = arith.constant 0 : index
    %swap3A_82 = arith.constant 0 : index
    %swap3A_83 = vector.load %arg12[%swap3A, %swap3A_82] : memref<64x1xf32, #tpu.memory_space<vmem>>, vector<64x1xf32>
    tpu.vector_store %arg12[%swap3A, %swap3A_82], %add3A_81 {strides = array<i32>} : memref<64x1xf32, #tpu.memory_space<vmem>>, vector<64x1xf32>,
    return
  }
}

</mosaic_0001>

<sc_bundles>
// kernel: kernel.5.cloned.1.call-start
scs
__scs_entry_jumppad:
0x0: {  	(pc) =	sbr.rel $0x88, $3  }
0x1: {  	(tag) =	ssettag $0x0;
	lr =	simm.s32 $0x1  }
0x2: {  	[smem:$0x3F91] =	sst lr;
	_ =	strace $0xD0000000  }
0x3: {  	_ = 	snop  }
0x4: {  	_ = 	snop  }
0x5: {  	_ = 	snop  }
0x6: {  	_ = 	snop  }
0x7: {  	_ = 	snop  }
__scs_overlays_trampoline_lowered:
0x8: {  	[smem:$0x3FA0] =	sst s0  }
0x9: {  	[smem:$0x3FA1] =	sst s1  }
0xa: {  	[smem:$0x3FA2] =	sst s2  }
0xb: {  	[smem:$0x3FA3] =	sst s3  }
0xc: {  	[smem:$0x3FA4] =	sst s4  }
0xd: {  	[smem:$0x3FA5] =	sst s5  }
0xe: {  	[smem:$0x3FA6] =	sst s6  }
0xf: {  	[smem:$0x3FA7] =	sst s7  }
0x10: {  	[smem:$0x3FA8] =	sst s8  }
0x11: {  	[smem:$0x3FA9] =	sst s9;
	s0 =	simm.s32 @!p0 $0x0  }
0x12: {  	s1 =	sld [smem:$0x3F8F];
	s0 =	simm.s32 @p0 $0x1  }
0x13: {  	[smem:$0x3FAA] =	sst s0;
	s0 =	simm.s32 @!p1 $0x0  }
0x14: {  	s2 =	sld [smem:$0x3F8E];
	s0 =	simm.s32 @p1 $0x1  }
0x15: {  	[smem:$0x3FAB] =	sst s0;
	s0 =	simm.s32 @!p2 $0x0  }
0x16: {  	s3 =	sld [smem:$0x3FDB];
	s0 =	simm.s32 @p2 $0x1  }
0x17: {  	s4 =	simm.s32 $0x1BF5;
	[smem:$0x3FAD] =	sst s0  }
0x18: {  	s0 =	sld [smem:$0x3F90];
	_ =	swait.ge [sflag:s4], $0x0  }
0x19: {  	s7 =	sld [smem:$0x3F91]  }
0x1a: {  	s8 =	sadd.s32 $0xFFFFE003, lr  }
0x1b: {  	s9 =	sadd.s32 $0xFFFFFEF7, lr;
	s5 =	simm.s32 $0xFFFFFFFF;
	p2 =	slt.u32 s8, $0xFFFFF086  }
0x1c: {  	p1 =	slt.u32 s9, $0xF7A;
	s5 =	simm.s32 @!p2 $0x0  }
0x1d: {  	s5 =	simm.s32 @p1 $0x1;
	p0 =	seq.s32 s7, s2  }
0x1e: {  	s7 =	smul.u32 @!p0 $0xF7A, s2;
	p2 =	seq.s32 @!p0 s5, $0x0  }
0x1f: {  	s9 =	smul.u32 $0xF7A, s1;
	s8 =	simm.s32 @!p0 $0x1BF5;
	p2 =	por !p2, p0  }
0x20: {  	[sflag:s8] =	ssyncset.s32 @!p0 $0xFFFFF086;
	s6 =	sadd.s32 @!p0 s3, s7;
	s7 =	simm.s32 @!p0 $0x108  }
0x21: {  	s3 =	sadd.s32 s3, s9;
	s6 =	sadd.s32 @!p0 $0x88, s6;
	s7 =	simm.s32 @p2 $0x1082  }
0x22: {  	[simem:s7], [sflag:s8] =	dma.local @!p0 [hbm:s6], $0xF7A  }
0x23: {  	s9 =	sor.u32 $0xD0000000, s2;
	s6 =	simm.s32 $0x108;
	_ =	swait.ge @!p0 [sflag:s8], $0x0  }
0x24: {  	s3 =	sadd.s32 $0x88, s3;
	s6 =	simm.s32 @!p1 $0x1082;
	[sflag:s4] =	ssyncset.s32 $0xFFFFF086  }
0x25: {  	[simem:s6], [sflag:s4] =	dma.local [hbm:s3], $0xF7A  }
0x26: {  	[smem:$0x3F91] =	sst s1;
	(tag) =	ssettag s2;
	_ =	strace s9  }
0x27: {  	s1 =	sld [smem:$0x3FA1]  }
0x28: {  	s2 =	sld [smem:$0x3FA2]  }
0x29: {  	s4 =	sld [smem:$0x3FA4]  }
0x2a: {  	p0 =	seq.s32 s5, $0x0;
	s5 =	sld [smem:$0x3FA5]  }
0x2b: {  	s6 =	sld [smem:$0x3FA6]  }
0x2c: {  	s7 =	sld [smem:$0x3FA7]  }
0x2d: {  	s3 =	simm.s32 $0x108;
	s8 =	sld [smem:$0x3FA8]  }
0x2e: {  	s3 =	simm.s32 @!p0 $0x1082;
	s9 =	sld [smem:$0x3FA9]  }
0x2f: {  	lr =	sadd.s32 s0, s3;
	s0 =	sld [smem:$0x3FA0]  }
0x30: {  	s3 =	sld [smem:$0x3FA3]  }
0x31: {  	[smem:$0x3FAC] =	sst s10  }
0x32: {  	s10 =	sld [smem:$0x3FAA];
	_ =	sdelay $0x3  }
0x33: {  	p0 =	seq.s32 s10, $0x1;
	s10 =	sld [smem:$0x3FAC];
	_ =	sdelay $0x3  }
0x34: {  	[smem:$0x3FAC] =	sst s10  }
0x35: {  	s10 =	sld [smem:$0x3FAB];
	_ =	sdelay $0x3  }
0x36: {  	p1 =	seq.s32 s10, $0x1;
	s10 =	sld [smem:$0x3FAC];
	_ =	sdelay $0x3  }
0x37: {  	[smem:$0x3FAC] =	sst s10  }
0x38: {  	s10 =	sld [smem:$0x3FAD]  }
0x39: {  	_ = 	snop;
	(pc) =	sbr.ind lr, $3  }
0x3a: {  	_ = 	snop  }
0x3b: {  	_ = 	snop  }
0x3c: {  	p2 =	seq.s32 s10, $0x1;
	s10 =	sld [smem:$0x3FAC]  }
0x3d: {  	_ =	shalt  }
0x3e: {  	_ =	shalt  }
0x3f: {  	_ =	shalt  }
0x40: {  	_ =	shalt  }
0x41: {  	_ =	shalt  }
0x42: {  	_ =	shalt  }
0x43: {  	_ =	shalt  }
0x44: {  	_ =	shalt  }
0x45: {  	_ =	shalt  }
0x46: {  	_ =	shalt  }
0x47: {  	_ =	shalt  }
0x48: {  	_ =	shalt  }
0x49: {  	_ =	shalt  }
0x4a: {  	_ =	shalt  }
0x4b: {  	_ =	shalt  }
0x4c: {  	_ =	shalt  }
0x4d: {  	_ =	shalt  }
0x4e: {  	_ =	shalt  }
0x4f: {  	_ =	shalt  }
0x50: {  	_ =	shalt  }
0x51: {  	_ =	shalt  }
0x52: {  	_ =	shalt  }
0x53: {  	_ =	shalt  }
0x54: {  	_ =	shalt  }
0x55: {  	_ =	shalt  }
0x56: {  	_ =	shalt  }
0x57: {  	_ =	shalt  }
0x58: {  	_ =	shalt  }
0x59: {  	_ =	shalt  }
0x5a: {  	_ =	shalt  }
0x5b: {  	_ =	shalt  }
0x5c: {  	_ =	shalt  }
0x5d: {  	_ =	shalt  }
0x5e: {  	_ =	shalt  }
0x5f: {  	_ =	shalt  }
0x60: {  	_ =	shalt  }
0x61: {  	_ =	shalt  }
0x62: {  	_ =	shalt  }
0x63: {  	_ =	shalt  }
0x64: {  	_ =	shalt  }
0x65: {  	_ =	shalt  }
0x66: {  	_ =	shalt  }
0x67: {  	_ =	shalt  }
0x68: {  	_ =	shalt  }
0x69: {  	_ =	shalt  }
0x6a: {  	_ =	shalt  }
0x6b: {  	_ =	shalt  }
0x6c: {  	_ =	shalt  }
0x6d: {  	_ =	shalt  }
0x6e: {  	_ =	shalt  }
0x6f: {  	_ =	shalt  }
0x70: {  	_ =	shalt  }
0x71: {  	_ =	shalt  }
0x72: {  	_ =	shalt  }
0x73: {  	_ =	shalt  }
0x74: {  	_ =	shalt  }
0x75: {  	_ =	shalt  }
0x76: {  	_ =	shalt  }
0x77: {  	_ =	shalt  }
0x78: {  	_ =	shalt  }
0x79: {  	_ =	shalt  }
0x7a: {  	_ =	shalt  }
0x7b: {  	_ =	shalt  }
0x7c: {  	_ =	shalt  }
0x7d: {  	_ =	shalt  }
0x7e: {  	_ =	shalt  }
0x7f: {  	_ =	shalt  }
0x80: {  	_ =	shalt  }
0x81: {  	_ =	shalt  }
0x82: {  	_ =	shalt  }
0x83: {  	_ =	shalt  }
0x84: {  	_ =	shalt  }
0x85: {  	_ =	shalt  }
0x86: {  	_ =	shalt  }
0x87: {  	_ =	shalt  }
.Lfunc_end0:
.L_simem_size_0:
called_computation_lowered:
.L_overlay_start_0:
0x88: {  	s2 =	sld [smem:$0x3FD9]  }
0x89: {  	s3 =	sld [smem:$0x3FFE];
	_ =	sdelay $0x1  }
0x8a: {  	s1 =	srdreg.scid  }
0x8b: {  	s0 =	sand.u32 $0x1, s1  }
0x8c: {  	s17 =	sshll.u32 s0, $0xA;
	s2 =	sadd.s32 s3, s2  }
0x8d: {  	s2 =	sadd.s32 s2, s17  }
0x8e: {  	[smem:$0x3FB8] =	sst s2  }
0x8f: {  	_ = 	snop  }
0x90: {  	s2 =	sld [smem:$0x3FC9]  }
0x91: {  	s18 =	sld [smem:$0x3FC6]  }
0x92: {  	s4 =	sld [smem:$0x3FD0];
	(tm) =	ssettm $0x1  }
0x93: {  	s5 =	sld [smem:$0x3FFB];
	_ =	sdelay $0x3  }
0x94: {  	_ =	strace s5  }
0x95: {  	s5 =	sld [smem:$0x3FFC];
	_ =	sdelay $0x3  }
0x96: {  	_ =	strace s5  }
0x97: {  	s5 =	sld [smem:$0x3FFD];
	_ =	sdelay $0x3  }
0x98: {  	_ =	strace s5  }
0x99: {  	_ =	strace $0x8FFFFFFF  }
0x9a: {  	s19 =	sld [smem:$0x3FDB];
	_ =	sdelay $0x1  }
0x9b: {  	s6 =	simm.s32 $_scs_section_size  }
0x9c: {  	s7 =	simm.s32 $_size__tile_overlayer_lowered;
	s8 =	simm.s32 $_tile_overlayer_lowered  }
0x9d: {  	s22 =	simm.s32 $0x1BFF;
	s21 =	sshll.u32 s8, $0x1;
	s5 =	sadd.s32 s6, s19  }
0x9e: {  	s9 =	simm.s32 $0x0;
	s20 =	sshll.u32 s7, $0x1;
	s7 =	sadd.s32 s21, s5  }
0x9f: {  	[timem:s9], [sflag:s22] =	dma.local [hbm:s7], s20  }
0xa0: {  	_ =	swait.ge [sflag:s22], s20  }
0xa1: {  	s6 =	ssub.s32 $0x0, s20;
	[sflag:s22] =	ssyncset.done $0x0  }
0xa2: {  	[sflag:s22] =	ssyncadd.s32 s6;
	_ =	sdelay $0x1  }
0xa3: {  	s23 =	simm.s32 $0x1B8B  }
0xa4: {  	_ =	swait.ge [sflag:s23], $0x1  }
0xa5: {  	[sflag:s23] =	ssyncset.done $0x0  }
0xa6: {  	s25 =	simm.s32 $0x1B8E;
	s24 =	sld [smem:$0x3FFE];
	[sflag:s23] =	ssyncadd.s32 $0xFFFFFFFF  }
0xa7: {  	s26 =	simm.s32 $execute0_lowered;
	[smem:$0x3FD2] =	sst s25  }
0xa8: {  	s7 =	sshll.u32 s26, $0x1;
	_ =	strace $0x80000046;
	[dreg:$0x1] =	wrdreg $0xFFFFFFFF  }
0xa9: {  	s28 =	simm.s32 $_size_execute0_lowered;
	s5 =	sadd.s32 s5, s7;
	[dreg:$0x0] =	wrdreg $0x0  }
0xaa: {  	s7 =	sshll.u32 s28, $0x1;
	[dreg:$0x2] =	wrdreg s5  }
0xab: {  	[dreg:$0x3] =	wrdreg s7  }
0xac: {  	[dreg:$0x4] =	wrdreg $0xC0  }
0xad: {  	_ =	task [dreg:s9], $0x5FFFF  }
0xae: {  	[dreg:$0x1] =	wrdreg $0xFFFFFFFF  }
0xaf: {  	[dreg:$0x0] =	wrdreg $0x60  }
0xb0: {  	[dreg:$0x2] =	wrdreg s24  }
0xb1: {  	[dreg:$0x3] =	wrdreg s4  }
0xb2: {  	[dreg:$0x4] =	wrdreg s2  }
0xb3: {  	[dreg:$0x5] =	wrdreg s18  }
0xb4: {  	[dreg:$0x6] =	wrdreg $0x9  }
0xb5: {  	_ =	task.clear_ibuf [dreg:s9], $0x7FFFF;
	_ =	strace $0x90000046  }
0xb6: {  	s29 =	simm.s32 $0x9;
	_ =	strace $0x80000052  }
0xb7: {  	_ =	swait.ge [sflag:s29], $0x1  }
0xb8: {  	[sflag:s29] =	ssyncadd.s32 $0xFFFFFFFF  }
0xb9: {  	_ =	strace $0x90000052  }
0xba: {  	_ =	sfence  }
0xbb: {  	s30 =	sld [smem:$0x0];
	_ =	sdelay $0x2  }
0xbc: {  	s31 =	sshll.u32 s1, $0xD;
	s1 =	sshrl.u32 s1, $0x2  }
0xbd: {  	s3 =	sand.u32 $0x4000, s31;
	s1 =	sadd.s32 s1, s30  }
0xbe: {  	s0 =	sor.u32 s3, s0;
	s1 =	sshll.u32 s1, $0x11  }
0xbf: {  	s0 =	sor.u32 s1, s0  }
0xc0: {  	s0 =	sadd.s32 $0x8F2B, s0  }
0xc1: {  	[sflag:s0] =	ssyncadd.remote.s32 $0x1  }
0xc2: {  	_ =	sfence.sel $0xFFFF  }
0xc3: {  	[dreg:$0x0] =	wrdreg $0xFFFFFFFF;
	(pc) =	sbr.abs _section_cstart, $3  }
0xc4: {  	[dreg:$0x1] =	wrdreg $0xFFFFFFFF  }
0xc5: {  	_ =	task.clear_ibuf [dreg:s9], $0x2FFFF;
	_ =	strace $0x9FFFFFFF  }
0xc6: {  	(tm) =	ssettm $0x7FFFFFFF  }
0xc7: {  	_ =	shalt  }
tec
execute0_lowered:
.L_overlay_start_1:
0x0: {  	(tag) =	ssettag $0x1  }
0x1: {  	s7 =	rddreg [dreg:$0x0]  }
0x2: {  	s0 =	srdreg.scid;
	s4 =	rddreg [dreg:$0x2]  }
0x3: {  	s3 =	stileid.u32;
	s5 =	rddreg [dreg:$0x3]  }
0x4: {  	s8 =	simm.s32 $0x0;
	s28 =	simm.s32 $0x7C80;
	s9 =	simm.s32 $0x8500  }
0x5: {  	s10 =	simm.s32 $0x8180;
	s11 =	simm.s32 $0x8580;
	s12 =	simm.s32 $0x8200  }
0x6: {  	s13 =	simm.s32 $0x8600;
	s14 =	simm.s32 $0x8280;
	s15 =	simm.s32 $0x8680  }
0x7: {  	s16 =	simm.s32 $0xC700;
	[smem:$0x7FF] =	sst s8;
	s6 =	sadd.s32 $0x600, s7  }
0x8: {  	s18 =	sadd.s32 $0x1800, s7;
	_ =	strace $0x80000047;
	[dreg:$0x5] =	wrdreg s6  }
0x9: {  	s0 =	sand.u32 $0x1, s0;
	s19 =	sadd.s32 $0xC00, s7;
	[dreg:$0x6] =	wrdreg s18  }
0xa: {  	s1 =	sshll.u32 s3, $0x1;
	s20 =	sadd.s32 $0x1200, s7;
	[dreg:$0x7] =	wrdreg s19  }
0xb: {  	s3 =	sshrl.u32 s3, $0x2;
	s1 =	sor.u32 s0, s1;
	[dreg:$0x8] =	wrdreg s20  }
0xc: {  	s21 =	sshll.u32 s3, $0x11;
	s3 =	sshll.u32 s3, $0xA;
	s0 =	ssub.s32 $0x2, s0  }
0xd: {  	s2 =	smul.u32 $0x271, s1;
	s1 =	sshll.u32 s1, $0x7;
	s23 =	sshrl.u32 s0, $0x1  }
0xe: {  	s1 =	sand.u32 $0x380, s1;
	s0 =	ssub.s32 s0, s23;
	s23 =	simm.s32 $0x7700  }
0xf: {  	s2 =	sadd.s32 s2, s7;
	s6 =	sor.u32 s21, s1;
	s0 =	smax.u32 s0, $0x1  }
0x10: {  	s1 =	sor.u32 s3, s1;
	s24 =	sadd.s32 $0xBA00, s2;
	[dreg:$0x11] =	wrdreg s0  }
0x11: {  	s21 =	simm.s32 $0x2800;
	s25 =	sadd.s32 $0x10A00, s2;
	[dreg:$0x9] =	wrdreg s24  }
0x12: {  	s22 =	sshrl.u32 s6, $0x3;
	s30 =	sadd.s32 $0x6A00, s2;
	[dreg:$0xa] =	wrdreg s25  }
0x13: {  	s1 =	sshrl.u32 s1, $0x3;
	s2 =	sadd.s32 $0x1A00, s2;
	[dreg:$0xd] =	wrdreg s30  }
0x14: {  	s3 =	sadd.s32 s22, s7;
	s1 =	sadd.s32 s1, s7;
	[dreg:$0xe] =	wrdreg s2  }
.Ltmp0:
0x15: {  	s2 =	simm.s32 $0x1400;
	s26 =	sadd.s32 $0x25A00, s3;
	(pc) =	sbr.rel .LBB2_1-.Ltmp0, $4  }
0x16: {  	s22 =	simm.s32 $0x4F80;
	s29 =	sadd.s32 $0x35A00, s1;
	[dreg:$0xb] =	wrdreg s26  }
0x17: {  	s24 =	simm.s32 $0x1;
	s31 =	sadd.s32 $0x15A00, s3;
	[dreg:$0xc] =	wrdreg s29  }
0x18: {  	v1 =	vlaneseq.u32;
	v0 =	vimm.f32 $0.0e+00;
	vm0 =	vcmask $0x3F20;
	s25 =	simm.s32 $0x7780;
	s1 =	sadd.s32 $0x35C00, s1;
	[dreg:$0xf] =	wrdreg s31  }
0x19: {  	v2 =	vimm.s32 $0x275F;
	v3 =	vimm.s32 $0x0;
	v1 =	vor.u32 $0x1380, v1;
	s3 =	simm.s32 $0x0;
	[dreg:$0x10] =	wrdreg s1;
	s26 =	simm.s32 $0x7A00  }
.LBB2_23:
0x1a: {  	_ =	strace $0x9000004F  }
0x1b: {  	s1 =	simm.s32 $0x80;
	s2 =	simm.s32 $0x400;
	_ =	strace $0x80000051  }
0x1c: {  	s3 =	simm.s32 $0x8700;
	s20 =	simm.s32 $0x2;
	s0 =	rddreg [dreg:$0xf]  }
0x1d: {  	[hbm4b:s0+s1] =	stream.strided.scatter [tilespmem:s3], [sflag:$0x2], $0x4000, s2, s1, $0x200038;
	[tilespmem:$0xC780] =	vst v63  }
0x1e: {  	_ =	swait.ge [sflag:s20], $0x4000  }
0x1f: {  	[sflag:s20] =	ssyncset.done $0x0  }
0x20: {  	s8 =	simm.s32 $0x0;
	s29 =	rddreg [dreg:$0x10];
	[sflag:s20] =	ssyncadd.s32 $0xFFFFC000  }
0x21: {  	[hbm4b:s29+s8] =	stream.linear.scatter [tilespmem:s16], [sflag:$0x2], $0x80, $0x200038;
	[tilespmem:$0xC780] =	vst v63  }
0x22: {  	_ =	swait.ge [sflag:s20], $0x80  }
0x23: {  	s30 =	rddreg [dreg:$0x12]  }
0x24: {  	s31 =	rddreg [dreg:$0x11];
	s3 =	sadd.s32 $0x1, s30  }
0x25: {  	p0 =	sne.s32 s3, s31  }
.Ltmp1:
0x26: {  	_ = 	snop;
	(pc) =	sbr.rel @!p0 .LBB2_24-.Ltmp1, $4  }
0x27: {  	_ = 	snop  }
0x28: {  	[sflag:s20] =	ssyncset.done $0x0  }
0x29: {  	[sflag:s20] =	ssyncadd.s32 $0xFFFFFF80  }
0x2a: {  	s2 =	simm.s32 $0x1400;
	_ =	strace $0x90000051  }
.LBB2_1:
0x2b: {  	_ =	strace $0x80000048  }
0x2c: {  	s0 =	rddreg [dreg:$0x9]  }
0x2d: {  	[tilespmem:s8], [sflag:$0x1] =	stream.linear.gather [hbm4b:s0+s8], $0x1388, $0x200038;
	[tilespmem:$0xC780] =	vst v63  }
0x2e: {  	s20 =	rddreg [dreg:$0xa]  }
0x2f: {  	[tilespmem:s2], [sflag:$0x1] =	stream.linear.gather [hbm4b:s20+s8], $0x1388, $0x200038;
	[tilespmem:$0xC780] =	vst v63  }
0x30: {  	s29 =	rddreg [dreg:$0x0]  }
0x31: {  	[tilespmem:s21], [sflag:$0x1] =	stream.linear.gather [hbm4b:s29+s8], $0x2780, $0x200038;
	[tilespmem:$0xC780] =	vst v63  }
0x32: {  	s30 =	rddreg [dreg:$0x7]  }
0x33: {  	[tilespmem:s22], [sflag:$0x1] =	stream.linear.gather [hbm4b:s30+s8], $0x2780, $0x200038;
	[tilespmem:$0xC780] =	vst v63  }
0x34: {  	s1 =	simm.s32 $0x0;
	s31 =	rddreg [dreg:$0x1];
	s0 =	simm.s32 $0x40  }
0x35: {  	[tilespmem:s23], [sflag:$0x1] =	stream.linear.gather [hbm4b:s31+s8], $0x80, $0x200038;
	[tilespmem:$0xC780] =	vst v63  }
.LBB2_2:
0x36: {  	p0 =	sne.s32 s0, $0xFFC0;
	[tilespmem:s1+$0x8700] =	vst v0;
	s1 =	smov.u32 s0;
	s0 =	sadd.s32 $0x40, s0  }
.Ltmp2:
0x37: {  	(pc) =	sbr.rel @p0 .LBB2_2-.Ltmp2, $2  }
0x38: {  	_ =	sdelay $0x2  }
0x39: {  	s1 =	sshra.s32 s1, $0x2  }
0x3a: {  	[tilespmem:s1+$0x8700] =	vst v0  }
0x3b: {  	[tilespmem:$0xC700] =	vst v0  }
0x3c: {  	[tilespmem:$0xC710] =	vst v0  }
0x3d: {  	[tilespmem:$0xC720] =	vst v0  }
0x3e: {  	v4 =	vimm.s32 $0x0;
	[tilespmem:$0xC730] =	vst v0  }
0x3f: {  	[tilespmem:$0x7780] =	vst v4  }
0x40: {  	[tilespmem:$0x7790] =	vst v4  }
0x41: {  	[tilespmem:$0x77A0] =	vst v4  }
0x42: {  	[tilespmem:$0x77B0] =	vst v4  }
0x43: {  	[tilespmem:$0x77C0] =	vst v4  }
0x44: {  	[tilespmem:$0x77D0] =	vst v4  }
0x45: {  	[tilespmem:$0x77E0] =	vst v4  }
0x46: {  	[tilespmem:$0x77F0] =	vst v4  }
0x47: {  	[tilespmem:$0x7800] =	vst v4  }
0x48: {  	[tilespmem:$0x7810] =	vst v4  }
0x49: {  	[tilespmem:$0x7820] =	vst v4  }
0x4a: {  	[tilespmem:$0x7830] =	vst v4  }
0x4b: {  	[tilespmem:$0x7840] =	vst v4  }
0x4c: {  	[tilespmem:$0x7850] =	vst v4  }
0x4d: {  	[tilespmem:$0x7860] =	vst v4  }
0x4e: {  	[tilespmem:$0x7870] =	vst v4  }
0x4f: {  	[tilespmem:$0x7880] =	vst v4  }
0x50: {  	[tilespmem:$0x7890] =	vst v4  }
0x51: {  	[tilespmem:$0x78A0] =	vst v4  }
0x52: {  	[tilespmem:$0x78B0] =	vst v4  }
0x53: {  	[tilespmem:$0x78C0] =	vst v4  }
0x54: {  	[tilespmem:$0x78D0] =	vst v4  }
0x55: {  	[tilespmem:$0x78E0] =	vst v4  }
0x56: {  	[tilespmem:$0x78F0] =	vst v4  }
0x57: {  	[tilespmem:$0x7900] =	vst v4  }
0x58: {  	[tilespmem:$0x7910] =	vst v4  }
0x59: {  	[tilespmem:$0x7920] =	vst v4  }
0x5a: {  	[tilespmem:$0x7930] =	vst v4  }
0x5b: {  	[tilespmem:$0x7940] =	vst v4  }
0x5c: {  	[tilespmem:$0x7950] =	vst v4  }
0x5d: {  	[tilespmem:$0x7960] =	vst v4  }
0x5e: {  	[dreg:$0x12] =	wrdreg s3;
	[tilespmem:$0x7970] =	vst v4  }
0x5f: {  	_ =	swait.ge [sflag:s24], $0x1388  }
0x60: {  	[sflag:s24] =	ssyncset.done $0x0  }
0x61: {  	[sflag:s24] =	ssyncadd.s32 $0xFFFFEC78  }
0x62: {  	_ =	swait.ge [sflag:s24], $0x1388  }
0x63: {  	[sflag:s24] =	ssyncset.done $0x0  }
0x64: {  	[sflag:s24] =	ssyncadd.s32 $0xFFFFEC78  }
0x65: {  	_ =	swait.ge [sflag:s24], $0x2780  }
0x66: {  	[sflag:s24] =	ssyncset.done $0x0  }
0x67: {  	[sflag:s24] =	ssyncadd.s32 $0xFFFFD880  }
0x68: {  	_ =	swait.ge [sflag:s24], $0x2780  }
0x69: {  	[sflag:s24] =	ssyncset.done $0x0  }
0x6a: {  	[sflag:s24] =	ssyncadd.s32 $0xFFFFD880  }
0x6b: {  	_ =	swait.ge [sflag:s24], $0x80  }
0x6c: {  	[sflag:s24] =	ssyncset.done $0x0  }
0x6d: {  	s0 =	simm.s32 $0x0;
	[sflag:s24] =	ssyncadd.s32 $0xFFFFFF80  }
0x6e: {  	[tilespmem:v1+s0+$0x0] =	vst.idx.msk vm0, v4  }
0x6f: {  	[tilespmem:v1+s2+$0x0] =	vst.idx.msk vm0, v2  }
0x70: {  	_ =	strace $0x90000048  }
0x71: {  	_ =	strace $0x80000049  }
.LBB2_4:
0x72: {  	s1 =	sshra.s32 s0, $0x2  }
0x73: {  	v5 =	vld [tilespmem:s1+$0x1400];
	_ =	sdelay $0x7  }
0x74: {  	v5 =	vld.idx.msk [tilespmem:v5+s22+$0x0], $0xffff;
	_ =	sdelay $0x2  }
0x75: {  	v6 =	vld [tilespmem:s1+$0x0];
	_ =	sdelay $0x1  }
0x76: {  	vm1 =	vgt.s32 v5, $0xFFFFFFFF  }
0x77: {  	vm2 =	vgt.s32 v5, $0x0  }
0x78: {  	v7 =	vnsel vm2, $0x0, v5;
	_ =	sdelay $0x3  }
0x79: {  	v8 =	vld.idx.msk [tilespmem:v6+s21+$0x0], vm1  }
0x7a: {  	v7 =	vld.idx.msk [tilespmem:v7+s23+$0x0], vm1;
	_ =	sdelay $0x3  }
0x7b: {  	v9 =	vsel vm1, $0x1, v3  }
0x7c: {  	(xrf0) =	vadd.scan.msk.s32 $0xffff, v9;
	v7 =	vadd.f32 v7, v8;
	_ =	sdelay $0x1  }
0x7d: {  	v8 =	vmul.f32 $2.000000030e-01, v7  }
0x7e: {  	vm2 =	vge.f32 v7, $0.0e+00  }
0x7f: {  	v7 =	vsel vm2, v7, v8  }
0x80: {  	v7 =	vmul.f32 $1.442695020e+00, v7  }
0x81: {  	v62, _, _ =	vpop (xrf0)  }
0x82: {  	(erf) = vpow2.f32 v7;
	v7 =	vadd.s32 v62, v4  }
0x83: {  	v7 =	vadd.s32 $0xFFFFFFFF, v7  }
0x84: {  	vm2 =	vgt.s32 v7, $0x0  }
0x85: {  	v7 =	vnsel vm2, $0x0, v7  }
0x86: {  	v7 =	vmin.u32 v7, $0x1FF;
	_ =	sdelay $0x1  }
0x87: {  	p0 =	sne.s32 s0, $0x4E00  }
.Ltmp3:
0x88: {  	_ = 	snop;
	(pc) =	sbr.rel @p0 .LBB2_4-.Ltmp3, $4  }
0x89: {  	_ = 	snop  }
0x8a: {  	v63 =	vpop (erf);
	[tilespmem:v7+s25+$0x0] =	vst.idx.msk vm1, v6;
	v6 =	vmpcnt.ones.xlane vm1  }
0x8b: {  	v8 =	vnsel vm1, $0x0, v63;
	[tilespmem:v7+s26+$0x0] =	vst.idx.msk vm1, v5  }
0x8c: {  	s0 =	sadd.s32 $0x40, s0;
	[tilespmem:v7+s28+$0x0] =	vst.idx.msk vm1, v8;
	v4 =	vadd.s32 v4, v6  }
0x8d: {  	v4 =	vxor.u32 $0x80000000, v4  }
0x8e: {  	(xrf0) =	vmax.scan.msk.u32 $0xffff, v4;
	_ =	sdelay $0x5  }
0x8f: {  	v4, _, _ =	vpop (xrf0)  }
0x90: {  	(v2sf) =	vpush v4, $0xF;
	_ =	sdelay $0xe  }
0x91: {  	s0 =	spop (v2sf)  }
0x92: {  	s0 =	sxor.u32 $0x80000000, s0  }
0x93: {  	p0 =	slt.s32 s0, $0x200;
	s29 =	smov.u32 s0  }
0x94: {  	s29 =	simm.s32 @!p0 $0x200  }
0x95: {  	s1 =	sadd.s32 $0x7, s29  }
0x96: {  	s2 =	sand.u32 $0x7, s1  }
0x97: {  	p6 =	slt.s32 s0, $0xFFFFFFFA;
	s31 =	sshra.s32 s1, $0x1F;
	p1 =	sne.s32 s2, $0x0  }
0x98: {  	s0 =	sshrl.u32 s31, $0x1D;
	p0 =	por !p6, !p1  }
0x99: {  	s0 =	sadd.s32 s0, s1;
	s1 =	simm.s32 $0x1;
	p0 =	por !p0, !p0  }
0x9a: {  	s0 =	sshra.s32 s0, $0x3;
	s1 =	simm.s32 @!p0 $0x0  }
0x9b: {  	s20 =	ssub.s32 s0, s1  }
0x9c: {  	p0 =	slt.s32 s20, $0x1  }
.Ltmp4:
0x9d: {  	_ = 	snop;
	(pc) =	sbr.rel @p0 .LBB2_12-.Ltmp4, $3  }
0x9e: {  	_ =	sdelay $0x1  }
0x9f: {  	_ =	strace $0x90000049  }
0xa0: {  	_ =	strace $0x8000004A  }
.Ltmp5:
0xa1: {  	(pc) =	sbr.rel .LBB2_7-.Ltmp5, $3  }
0xa2: {  	_ =	sdelay $0x1  }
0xa3: {  	s6 =	simm.s32 $0x0;
	s1 =	simm.s32 $0x7A00  }
0xa4: {  	s18 =	simm.s32 $0x7C80;
	s19 =	smov.u32 s29;
	s30 =	simm.s32 $0x0  }
.LBB2_10:
0xa5: {  	_ =	sdelay $0x3  }
0xa6: {  	[tilespmem:v5+s16+$0x0] =	vst.idx.add.f32.msk $0x1, v4  }
.LBB2_11:
0xa7: {  	s30 =	sadd.s32 $0x1, s30  }
0xa8: {  	p0 =	sne.s32 s30, s20  }
.Ltmp6:
0xa9: {  	_ = 	snop;
	(pc) =	sbr.rel @!p0 .LBB2_12-.Ltmp6, $2  }
0xaa: {  	_ =	sdelay $0x2  }
0xab: {  	s19 =	sadd.s32 $0xFFFFFFF8, s19;
	s1 =	sadd.s32 $0x8, s1;
	s18 =	sadd.s32 $0x8, s18  }
.LBB2_7:
0xac: {  	s0 =	sshll.u32 s30, $0x3;
	_ =	strace $0x8000004B  }
0xad: {  	v4 =	vld [tilespmem:s0+$0x7780];
	_ =	sdelay $0x4  }
0xae: {  	(v2sf) =	vpush v4, $0x0;
	_ =	sdelay $0xe  }
0xaf: {  	s2 =	spop (v2sf)  }
0xb0: {  	s3 =	sshll.u32 s2, $0x8;
	s2 =	sshll.u32 s2, $0x7  }
0xb1: {  	s3 =	sand.u32 $0xFFFFF800, s3;
	s2 =	sand.u32 $0x380, s2  }
0xb2: {  	s2 =	sor.u32 s2, s3  }
0xb3: {  	s2 =	sshrl.u32 s2, $0x3  }
0xb4: {  	s17 =	simm.s32 $0x7F00;
	s2 =	sadd.s32 s4, s2  }
0xb5: {  	[tilespmem:s17], [sflag:$0x1] =	stream.linear.gather [hbm4b:s2+s6], $0x80, $0x200038;
	[tilespmem:$0xC780] =	vst v63  }
0xb6: {  	s31 =	simm.s32 $0x8300;
	s2 =	sadd.s32 $0x80, s2  }
0xb7: {  	[tilespmem:s31], [sflag:$0x1] =	stream.linear.gather [hbm4b:s2+s6], $0x80, $0x200038;
	[tilespmem:$0xC780] =	vst v63  }
0xb8: {  	v4 =	vld [tilespmem:s0+$0x7781];
	_ =	sdelay $0x4  }
0xb9: {  	(v2sf) =	vpush v4, $0x0;
	_ =	sdelay $0xe  }
0xba: {  	s7 =	spop (v2sf)  }
0xbb: {  	s8 =	sshll.u32 s7, $0x8;
	s2 =	sshll.u32 s7, $0x7  }
0xbc: {  	s3 =	sand.u32 $0xFFFFF800, s8;
	s2 =	sand.u32 $0x380, s2  }
0xbd: {  	s2 =	sor.u32 s2, s3  }
0xbe: {  	s2 =	sshrl.u32 s2, $0x3  }
0xbf: {  	s17 =	simm.s32 $0x7F80;
	s2 =	sadd.s32 s4, s2  }
0xc0: {  	[tilespmem:s17], [sflag:$0x1] =	stream.linear.gather [hbm4b:s2+s6], $0x80, $0x200038;
	[tilespmem:$0xC780] =	vst v63  }
0xc1: {  	s31 =	simm.s32 $0x8380;
	s2 =	sadd.s32 $0x80, s2  }
0xc2: {  	[tilespmem:s31], [sflag:$0x1] =	stream.linear.gather [hbm4b:s2+s6], $0x80, $0x200038;
	[tilespmem:$0xC780] =	vst v63  }
0xc3: {  	v4 =	vld [tilespmem:s0+$0x7782];
	_ =	sdelay $0x4  }
0xc4: {  	(v2sf) =	vpush v4, $0x0;
	_ =	sdelay $0xe  }
0xc5: {  	s7 =	spop (v2sf)  }
0xc6: {  	s8 =	sshll.u32 s7, $0x8;
	s2 =	sshll.u32 s7, $0x7  }
0xc7: {  	s3 =	sand.u32 $0xFFFFF800, s8;
	s2 =	sand.u32 $0x380, s2  }
0xc8: {  	s2 =	sor.u32 s2, s3  }
0xc9: {  	s2 =	sshrl.u32 s2, $0x3  }
0xca: {  	s17 =	simm.s32 $0x8000;
	s2 =	sadd.s32 s4, s2  }
0xcb: {  	[tilespmem:s17], [sflag:$0x1] =	stream.linear.gather [hbm4b:s2+s6], $0x80, $0x200038;
	[tilespmem:$0xC780] =	vst v63  }
0xcc: {  	s31 =	simm.s32 $0x8400;
	s2 =	sadd.s32 $0x80, s2  }
0xcd: {  	[tilespmem:s31], [sflag:$0x1] =	stream.linear.gather [hbm4b:s2+s6], $0x80, $0x200038;
	[tilespmem:$0xC780] =	vst v63  }
0xce: {  	v4 =	vld [tilespmem:s0+$0x7783];
	_ =	sdelay $0x4  }
0xcf: {  	(v2sf) =	vpush v4, $0x0;
	_ =	sdelay $0xe  }
0xd0: {  	s7 =	spop (v2sf)  }
0xd1: {  	s8 =	sshll.u32 s7, $0x8;
	s2 =	sshll.u32 s7, $0x7  }
0xd2: {  	s3 =	sand.u32 $0xFFFFF800, s8;
	s2 =	sand.u32 $0x380, s2  }
0xd3: {  	s2 =	sor.u32 s2, s3  }
0xd4: {  	s2 =	sshrl.u32 s2, $0x3  }
0xd5: {  	s17 =	simm.s32 $0x8080;
	s2 =	sadd.s32 s4, s2  }
0xd6: {  	[tilespmem:s17], [sflag:$0x1] =	stream.linear.gather [hbm4b:s2+s6], $0x80, $0x200038;
	[tilespmem:$0xC780] =	vst v63  }
0xd7: {  	s31 =	simm.s32 $0x8480;
	s2 =	sadd.s32 $0x80, s2  }
0xd8: {  	[tilespmem:s31], [sflag:$0x1] =	stream.linear.gather [hbm4b:s2+s6], $0x80, $0x200038;
	[tilespmem:$0xC780] =	vst v63  }
0xd9: {  	v4 =	vld [tilespmem:s0+$0x7784];
	_ =	sdelay $0x4  }
0xda: {  	(v2sf) =	vpush v4, $0x0;
	_ =	sdelay $0xe  }
0xdb: {  	s3 =	spop (v2sf)  }
0xdc: {  	s7 =	sshll.u32 s3, $0x8;
	s2 =	sshll.u32 s3, $0x7  }
0xdd: {  	s3 =	sand.u32 $0xFFFFF800, s7;
	s2 =	sand.u32 $0x380, s2  }
0xde: {  	s2 =	sor.u32 s2, s3  }
0xdf: {  	s2 =	sshrl.u32 s2, $0x3  }
0xe0: {  	s8 =	simm.s32 $0x8100;
	s2 =	sadd.s32 s4, s2  }
0xe1: {  	[tilespmem:s8], [sflag:$0x1] =	stream.linear.gather [hbm4b:s2+s6], $0x80, $0x200038;
	[tilespmem:$0xC780] =	vst v63  }
0xe2: {  	s2 =	sadd.s32 $0x80, s2  }
0xe3: {  	[tilespmem:s9], [sflag:$0x1] =	stream.linear.gather [hbm4b:s2+s6], $0x80, $0x200038;
	[tilespmem:$0xC780] =	vst v63  }
0xe4: {  	v4 =	vld [tilespmem:s0+$0x7785];
	_ =	sdelay $0x4  }
0xe5: {  	(v2sf) =	vpush v4, $0x0;
	_ =	sdelay $0xe  }
0xe6: {  	s17 =	spop (v2sf)  }
0xe7: {  	s31 =	sshll.u32 s17, $0x8;
	s2 =	sshll.u32 s17, $0x7  }
0xe8: {  	s3 =	sand.u32 $0xFFFFF800, s31;
	s2 =	sand.u32 $0x380, s2  }
0xe9: {  	s2 =	sor.u32 s2, s3  }
0xea: {  	s2 =	sshrl.u32 s2, $0x3  }
0xeb: {  	s2 =	sadd.s32 s4, s2  }
0xec: {  	[tilespmem:s10], [sflag:$0x1] =	stream.linear.gather [hbm4b:s2+s6], $0x80, $0x200038;
	[tilespmem:$0xC780] =	vst v63  }
0xed: {  	s2 =	sadd.s32 $0x80, s2  }
0xee: {  	[tilespmem:s11], [sflag:$0x1] =	stream.linear.gather [hbm4b:s2+s6], $0x80, $0x200038;
	[tilespmem:$0xC780] =	vst v63  }
0xef: {  	v4 =	vld [tilespmem:s0+$0x7786];
	_ =	sdelay $0x4  }
0xf0: {  	(v2sf) =	vpush v4, $0x0;
	_ =	sdelay $0xe  }
0xf1: {  	s7 =	spop (v2sf)  }
0xf2: {  	s8 =	sshll.u32 s7, $0x8;
	s2 =	sshll.u32 s7, $0x7  }
0xf3: {  	s3 =	sand.u32 $0xFFFFF800, s8;
	s2 =	sand.u32 $0x380, s2  }
0xf4: {  	s2 =	sor.u32 s2, s3  }
0xf5: {  	s2 =	sshrl.u32 s2, $0x3  }
0xf6: {  	s2 =	sadd.s32 s4, s2  }
0xf7: {  	[tilespmem:s12], [sflag:$0x1] =	stream.linear.gather [hbm4b:s2+s6], $0x80, $0x200038;
	[tilespmem:$0xC780] =	vst v63  }
0xf8: {  	s2 =	sadd.s32 $0x80, s2  }
0xf9: {  	[tilespmem:s13], [sflag:$0x1] =	stream.linear.gather [hbm4b:s2+s6], $0x80, $0x200038;
	[tilespmem:$0xC780] =	vst v63  }
0xfa: {  	v4 =	vld [tilespmem:s0+$0x7787];
	_ =	sdelay $0x4  }
0xfb: {  	(v2sf) =	vpush v4, $0x0;
	_ =	sdelay $0xe  }
0xfc: {  	s17 =	spop (v2sf)  }
0xfd: {  	s31 =	sshll.u32 s17, $0x8;
	s2 =	sshll.u32 s17, $0x7  }
0xfe: {  	s3 =	sand.u32 $0xFFFFF800, s31;
	s2 =	sand.u32 $0x380, s2  }
0xff: {  	s2 =	sor.u32 s2, s3  }
0x100: {  	s2 =	sshrl.u32 s2, $0x3  }
0x101: {  	s2 =	sadd.s32 s4, s2  }
0x102: {  	[tilespmem:s14], [sflag:$0x1] =	stream.linear.gather [hbm4b:s2+s6], $0x80, $0x200038;
	[tilespmem:$0xC780] =	vst v63  }
0x103: {  	s2 =	sadd.s32 $0x80, s2  }
0x104: {  	[tilespmem:s15], [sflag:$0x1] =	stream.linear.gather [hbm4b:s2+s6], $0x80, $0x200038;
	[tilespmem:$0xC780] =	vst v63  }
0x105: {  	_ =	swait.ge [sflag:s24], $0x100  }
0x106: {  	[sflag:s24] =	ssyncset.done $0x0  }
0x107: {  	[sflag:s24] =	ssyncadd.s32 $0xFFFFFF00  }
0x108: {  	_ =	swait.ge [sflag:s24], $0x100  }
0x109: {  	[sflag:s24] =	ssyncset.done $0x0  }
0x10a: {  	[sflag:s24] =	ssyncadd.s32 $0xFFFFFF00  }
0x10b: {  	_ =	swait.ge [sflag:s24], $0x100  }
0x10c: {  	[sflag:s24] =	ssyncset.done $0x0  }
0x10d: {  	[sflag:s24] =	ssyncadd.s32 $0xFFFFFF00  }
0x10e: {  	_ =	swait.ge [sflag:s24], $0x100  }
0x10f: {  	[sflag:s24] =	ssyncset.done $0x0  }
0x110: {  	[sflag:s24] =	ssyncadd.s32 $0xFFFFFF00  }
0x111: {  	_ =	swait.ge [sflag:s24], $0x100  }
0x112: {  	[sflag:s24] =	ssyncset.done $0x0  }
0x113: {  	[sflag:s24] =	ssyncadd.s32 $0xFFFFFF00  }
0x114: {  	_ =	swait.ge [sflag:s24], $0x100  }
0x115: {  	[sflag:s24] =	ssyncset.done $0x0  }
0x116: {  	[sflag:s24] =	ssyncadd.s32 $0xFFFFFF00  }
0x117: {  	s0 =	ssub.s32 s29, s0;
	_ =	swait.ge [sflag:s24], $0x100  }
0x118: {  	p0 =	slt.s32 s0, $0x1;
	[sflag:s24] =	ssyncset.done $0x0  }
.Ltmp7:
0x119: {  	[sflag:s24] =	ssyncadd.s32 $0xFFFFFF00;
	(pc) =	sbr.rel @p0 .LBB2_11-.Ltmp7, $4  }
0x11a: {  	_ =	swait.ge [sflag:s24], $0x100  }
0x11b: {  	[sflag:s24] =	ssyncset.done $0x0  }
0x11c: {  	[sflag:s24] =	ssyncadd.s32 $0xFFFFFF00  }
0x11d: {  	_ =	strace $0x9000004B  }
0x11e: {  	v5 =	vld [tilespmem:s1+$0x0];
	_ =	sdelay $0x4  }
0x11f: {  	(v2sf) =	vpush v5, $0x0;
	_ =	sdelay $0x8  }
0x120: {  	s0 =	sand.u32 $0x3FFFF800, s6  }
0x121: {  	v4 =	vld.msk [tilespmem:s18+$0x0 ss:$0x0], $0xffff;
	s0 =	sadd.s32 $0x0, s0  }
0x122: {  	v6 =	vld [tilespmem:s0+$0x7F00];
	_ =	sdelay $0x3  }
0x123: {  	s2 =	spop (v2sf)  }
0x124: {  	v6 =	vmul.f32 v6, v4;
	s2 =	sshll.u32 s2, $0xA  }
0x125: {  	s2 =	sshra.s32 s2, $0x2  }
0x126: {  	[tilespmem:s2+$0x8700] =	vst.add.f32.msk $0xffff, v6  }
0x127: {  	v6 =	vld [tilespmem:s0+$0x7F10];
	_ =	sdelay $0x4  }
0x128: {  	v6 =	vmul.f32 v6, v4;
	_ =	sdelay $0x1  }
0x129: {  	[tilespmem:s2+$0x8710] =	vst.add.f32.msk $0xffff, v6  }
0x12a: {  	v6 =	vld [tilespmem:s0+$0x7F20];
	_ =	sdelay $0x4  }
0x12b: {  	v6 =	vmul.f32 v6, v4;
	_ =	sdelay $0x1  }
0x12c: {  	[tilespmem:s2+$0x8720] =	vst.add.f32.msk $0xffff, v6  }
0x12d: {  	v6 =	vld [tilespmem:s0+$0x7F30];
	_ =	sdelay $0x4  }
0x12e: {  	v6 =	vmul.f32 v6, v4;
	_ =	sdelay $0x1  }
0x12f: {  	[tilespmem:s2+$0x8730] =	vst.add.f32.msk $0xffff, v6  }
0x130: {  	v6 =	vld [tilespmem:s0+$0x7F40];
	_ =	sdelay $0x4  }
0x131: {  	v6 =	vmul.f32 v6, v4;
	_ =	sdelay $0x1  }
0x132: {  	[tilespmem:s2+$0x8740] =	vst.add.f32.msk $0xffff, v6  }
0x133: {  	v6 =	vld [tilespmem:s0+$0x7F50];
	_ =	sdelay $0x4  }
0x134: {  	v6 =	vmul.f32 v6, v4;
	_ =	sdelay $0x1  }
0x135: {  	[tilespmem:s2+$0x8750] =	vst.add.f32.msk $0xffff, v6  }
0x136: {  	v6 =	vld [tilespmem:s0+$0x7F60];
	_ =	sdelay $0x4  }
0x137: {  	v6 =	vmul.f32 v6, v4;
	_ =	sdelay $0x1  }
0x138: {  	[tilespmem:s2+$0x8760] =	vst.add.f32.msk $0xffff, v6  }
0x139: {  	v6 =	vld [tilespmem:s0+$0x7F70];
	_ =	sdelay $0x4  }
0x13a: {  	v6 =	vmul.f32 v6, v4;
	_ =	sdelay $0x1  }
0x13b: {  	[tilespmem:s2+$0x8770] =	vst.add.f32.msk $0xffff, v6  }
0x13c: {  	v6 =	vld [tilespmem:s0+$0x8300];
	_ =	sdelay $0x4  }
0x13d: {  	v6 =	vmul.f32 v6, v4;
	_ =	sdelay $0x1  }
0x13e: {  	[tilespmem:s2+$0x8780] =	vst.add.f32.msk $0xffff, v6  }
0x13f: {  	v6 =	vld [tilespmem:s0+$0x8310];
	_ =	sdelay $0x4  }
0x140: {  	v6 =	vmul.f32 v6, v4;
	_ =	sdelay $0x1  }
0x141: {  	[tilespmem:s2+$0x8790] =	vst.add.f32.msk $0xffff, v6  }
0x142: {  	v6 =	vld [tilespmem:s0+$0x8320];
	_ =	sdelay $0x4  }
0x143: {  	v6 =	vmul.f32 v6, v4;
	_ =	sdelay $0x1  }
0x144: {  	[tilespmem:s2+$0x87A0] =	vst.add.f32.msk $0xffff, v6  }
0x145: {  	v6 =	vld [tilespmem:s0+$0x8330];
	_ =	sdelay $0x4  }
0x146: {  	v6 =	vmul.f32 v6, v4;
	_ =	sdelay $0x1  }
0x147: {  	[tilespmem:s2+$0x87B0] =	vst.add.f32.msk $0xffff, v6  }
0x148: {  	v6 =	vld [tilespmem:s0+$0x8340];
	_ =	sdelay $0x4  }
0x149: {  	v6 =	vmul.f32 v6, v4;
	_ =	sdelay $0x1  }
0x14a: {  	[tilespmem:s2+$0x87C0] =	vst.add.f32.msk $0xffff, v6  }
0x14b: {  	v6 =	vld [tilespmem:s0+$0x8350];
	_ =	sdelay $0x4  }
0x14c: {  	v6 =	vmul.f32 v6, v4;
	_ =	sdelay $0x1  }
0x14d: {  	[tilespmem:s2+$0x87D0] =	vst.add.f32.msk $0xffff, v6  }
0x14e: {  	v6 =	vld [tilespmem:s0+$0x8360];
	_ =	sdelay $0x4  }
0x14f: {  	v6 =	vmul.f32 v6, v4;
	_ =	sdelay $0x1  }
0x150: {  	[tilespmem:s2+$0x87E0] =	vst.add.f32.msk $0xffff, v6  }
0x151: {  	p0 =	sgt.s32 s19, $0x1;
	v6 =	vld [tilespmem:s0+$0x8370];
	s0 =	smov.u32 s19  }
0x152: {  	s0 =	simm.s32 @!p0 $0x1  }
0x153: {  	s0 =	smin.u32 s0, $0x8  }
0x154: {  	s31 =	sshll.u32 s0, $0x9  }
0x155: {  	p0 =	sne.s32 s31, $0x200  }
.Ltmp8:
0x156: {  	v5 =	vbroadcast v5, $0x0;
	(pc) =	sbr.rel @!p0 .LBB2_10-.Ltmp8, $4  }
0x157: {  	_ = 	snop  }
0x158: {  	v6 =	vmul.f32 v6, v4  }
0x159: {  	s3 =	simm.s32 $0x200  }
0x15a: {  	s17 =	smov.u32 s1;
	s0 =	sadd.s32 $0x1, s18;
	[tilespmem:s2+$0x87F0] =	vst.add.f32.msk $0xffff, v6;
	s2 =	simm.s32 $0x0  }
.LBB2_9:
0x15b: {  	s2 =	sadd.s32 $0x100, s2  }
0x15c: {  	[tilespmem:v5+s16+$0x0] =	vst.idx.add.f32.msk $0x1, v4;
	s17 =	sadd.s32 $0x1, s17;
	s7 =	smov.u32 s3;
	s3 =	sadd.s32 $0x200, s3  }
0x15d: {  	v5 =	vld [tilespmem:s17+$0x0];
	p0 =	sne.s32 s31, s3;
	_ =	sdelay $0x4  }
0x15e: {  	(v2sf) =	vpush v5, $0x0;
	_ =	sdelay $0x8  }
0x15f: {  	s8 =	sand.u32 $0x3FFFF800, s2;
	s7 =	sshra.s32 s7, $0x2  }
0x160: {  	s7 =	sadd.s32 s7, s8;
	v4 =	vld.msk [tilespmem:s0+$0x0 ss:$0x0], $0xffff  }
0x161: {  	v6 =	vld [tilespmem:s7+$0x7F00];
	_ =	sdelay $0x3  }
0x162: {  	s8 =	spop (v2sf)  }
0x163: {  	v6 =	vmul.f32 v6, v4;
	s8 =	sshll.u32 s8, $0xA  }
0x164: {  	s8 =	sshra.s32 s8, $0x2  }
0x165: {  	[tilespmem:s8+$0x8700] =	vst.add.f32.msk $0xffff, v6  }
0x166: {  	v6 =	vld [tilespmem:s7+$0x7F10];
	_ =	sdelay $0x4  }
0x167: {  	v6 =	vmul.f32 v6, v4;
	_ =	sdelay $0x1  }
0x168: {  	[tilespmem:s8+$0x8710] =	vst.add.f32.msk $0xffff, v6  }
0x169: {  	v6 =	vld [tilespmem:s7+$0x7F20];
	_ =	sdelay $0x4  }
0x16a: {  	v6 =	vmul.f32 v6, v4;
	_ =	sdelay $0x1  }
0x16b: {  	[tilespmem:s8+$0x8720] =	vst.add.f32.msk $0xffff, v6  }
0x16c: {  	v6 =	vld [tilespmem:s7+$0x7F30];
	_ =	sdelay $0x4  }
0x16d: {  	v6 =	vmul.f32 v6, v4;
	_ =	sdelay $0x1  }
0x16e: {  	[tilespmem:s8+$0x8730] =	vst.add.f32.msk $0xffff, v6  }
0x16f: {  	v6 =	vld [tilespmem:s7+$0x7F40];
	_ =	sdelay $0x4  }
0x170: {  	v6 =	vmul.f32 v6, v4;
	_ =	sdelay $0x1  }
0x171: {  	[tilespmem:s8+$0x8740] =	vst.add.f32.msk $0xffff, v6  }
0x172: {  	v6 =	vld [tilespmem:s7+$0x7F50];
	_ =	sdelay $0x4  }
0x173: {  	v6 =	vmul.f32 v6, v4;
	_ =	sdelay $0x1  }
0x174: {  	[tilespmem:s8+$0x8750] =	vst.add.f32.msk $0xffff, v6  }
0x175: {  	v6 =	vld [tilespmem:s7+$0x7F60];
	_ =	sdelay $0x4  }
0x176: {  	v6 =	vmul.f32 v6, v4;
	_ =	sdelay $0x1  }
0x177: {  	[tilespmem:s8+$0x8760] =	vst.add.f32.msk $0xffff, v6  }
0x178: {  	v6 =	vld [tilespmem:s7+$0x7F70];
	_ =	sdelay $0x4  }
0x179: {  	v6 =	vmul.f32 v6, v4;
	_ =	sdelay $0x1  }
0x17a: {  	[tilespmem:s8+$0x8770] =	vst.add.f32.msk $0xffff, v6  }
0x17b: {  	v6 =	vld [tilespmem:s7+$0x8300];
	_ =	sdelay $0x4  }
0x17c: {  	v6 =	vmul.f32 v6, v4;
	_ =	sdelay $0x1  }
0x17d: {  	[tilespmem:s8+$0x8780] =	vst.add.f32.msk $0xffff, v6  }
0x17e: {  	v6 =	vld [tilespmem:s7+$0x8310];
	_ =	sdelay $0x4  }
0x17f: {  	v6 =	vmul.f32 v6, v4;
	_ =	sdelay $0x1  }
0x180: {  	[tilespmem:s8+$0x8790] =	vst.add.f32.msk $0xffff, v6  }
0x181: {  	v6 =	vld [tilespmem:s7+$0x8320];
	_ =	sdelay $0x4  }
0x182: {  	v6 =	vmul.f32 v6, v4;
	_ =	sdelay $0x1  }
0x183: {  	[tilespmem:s8+$0x87A0] =	vst.add.f32.msk $0xffff, v6  }
0x184: {  	v6 =	vld [tilespmem:s7+$0x8330];
	_ =	sdelay $0x4  }
0x185: {  	v6 =	vmul.f32 v6, v4;
	_ =	sdelay $0x1  }
0x186: {  	[tilespmem:s8+$0x87B0] =	vst.add.f32.msk $0xffff, v6  }
0x187: {  	v6 =	vld [tilespmem:s7+$0x8340];
	_ =	sdelay $0x4  }
0x188: {  	v6 =	vmul.f32 v6, v4;
	_ =	sdelay $0x1  }
0x189: {  	[tilespmem:s8+$0x87C0] =	vst.add.f32.msk $0xffff, v6  }
0x18a: {  	v6 =	vld [tilespmem:s7+$0x8350];
	_ =	sdelay $0x4  }
0x18b: {  	v6 =	vmul.f32 v6, v4;
	_ =	sdelay $0x1  }
0x18c: {  	[tilespmem:s8+$0x87D0] =	vst.add.f32.msk $0xffff, v6  }
0x18d: {  	v6 =	vld [tilespmem:s7+$0x8360];
	_ =	sdelay $0x4  }
0x18e: {  	v6 =	vmul.f32 v6, v4;
	_ =	sdelay $0x1  }
0x18f: {  	[tilespmem:s8+$0x87E0] =	vst.add.f32.msk $0xffff, v6  }
0x190: {  	v6 =	vld [tilespmem:s7+$0x8370];
	_ =	sdelay $0x1  }
0x191: {  	v5 =	vbroadcast v5, $0x0  }
.Ltmp9:
0x192: {  	(pc) =	sbr.rel @p0 .LBB2_9-.Ltmp9, $3  }
0x193: {  	_ = 	snop  }
0x194: {  	v6 =	vmul.f32 v6, v4;
	_ =	sdelay $0x1  }
0x195: {  	s0 =	sadd.s32 $0x1, s0;
	[tilespmem:s8+$0x87F0] =	vst.add.f32.msk $0xffff, v6  }
.Ltmp10:
0x196: {  	_ = 	snop;
	(pc) =	sbr.rel .LBB2_10-.Ltmp10, $1  }
0x197: {  	_ =	sdelay $0x3  }
.LBB2_12:
0x198: {  	_ =	strace $0x9000004A  }
0x199: {  	s1 =	simm.s32 $0x80;
	s2 =	simm.s32 $0x400;
	_ =	strace $0x8000004C  }
0x19a: {  	s3 =	simm.s32 $0x8700;
	s8 =	simm.s32 $0x2;
	s0 =	rddreg [dreg:$0xb]  }
0x19b: {  	[hbm4b:s0+s1] =	stream.strided.scatter [tilespmem:s3], [sflag:$0x2], $0x4000, s2, s1, $0x200038;
	[tilespmem:$0xC780] =	vst v63  }
0x19c: {  	_ =	swait.ge [sflag:s8], $0x4000  }
0x19d: {  	[sflag:s8] =	ssyncset.done $0x0  }
0x19e: {  	s17 =	simm.s32 $0x0;
	s18 =	rddreg [dreg:$0xc];
	[sflag:s8] =	ssyncadd.s32 $0xFFFFC000  }
0x19f: {  	[hbm4b:s18+s17] =	stream.linear.scatter [tilespmem:s16], [sflag:$0x2], $0x80, $0x200038;
	[tilespmem:$0xC780] =	vst v63  }
0x1a0: {  	_ =	swait.ge [sflag:s8], $0x80  }
0x1a1: {  	[sflag:s8] =	ssyncset.done $0x0  }
0x1a2: {  	[sflag:s8] =	ssyncadd.s32 $0xFFFFFF80  }
0x1a3: {  	_ =	strace $0x9000004C  }
0x1a4: {  	_ =	strace $0x8000004D  }
0x1a5: {  	s19 =	rddreg [dreg:$0xd]  }
0x1a6: {  	[tilespmem:s17], [sflag:$0x1] =	stream.linear.gather [hbm4b:s19+s17], $0x1388, $0x200038;
	[tilespmem:$0xC780] =	vst v63  }
0x1a7: {  	s2 =	simm.s32 $0x1400;
	s20 =	rddreg [dreg:$0xe]  }
0x1a8: {  	[tilespmem:s2], [sflag:$0x1] =	stream.linear.gather [hbm4b:s20+s17], $0x1388, $0x200038;
	[tilespmem:$0xC780] =	vst v63  }
0x1a9: {  	s29 =	rddreg [dreg:$0x5]  }
0x1aa: {  	[tilespmem:s21], [sflag:$0x1] =	stream.linear.gather [hbm4b:s29+s17], $0x2780, $0x200038;
	[tilespmem:$0xC780] =	vst v63  }
0x1ab: {  	s30 =	rddreg [dreg:$0x8]  }
0x1ac: {  	[tilespmem:s22], [sflag:$0x1] =	stream.linear.gather [hbm4b:s30+s17], $0x2780, $0x200038;
	[tilespmem:$0xC780] =	vst v63  }
0x1ad: {  	s0 =	simm.s32 $0x40;
	s1 =	simm.s32 $0x0;
	s31 =	rddreg [dreg:$0x6]  }
0x1ae: {  	[tilespmem:s23], [sflag:$0x1] =	stream.linear.gather [hbm4b:s31+s17], $0x80, $0x200038;
	[tilespmem:$0xC780] =	vst v63  }
.LBB2_13:
0x1af: {  	p0 =	sne.s32 s0, $0xFFC0;
	[tilespmem:s1+$0x8700] =	vst v0;
	s1 =	smov.u32 s0;
	s0 =	sadd.s32 $0x40, s0  }
.Ltmp11:
0x1b0: {  	(pc) =	sbr.rel @p0 .LBB2_13-.Ltmp11, $2  }
0x1b1: {  	_ =	sdelay $0x2  }
0x1b2: {  	s1 =	sshra.s32 s1, $0x2  }
0x1b3: {  	[tilespmem:s1+$0x8700] =	vst v0  }
0x1b4: {  	[tilespmem:$0xC700] =	vst v0  }
0x1b5: {  	[tilespmem:$0xC710] =	vst v0  }
0x1b6: {  	[tilespmem:$0xC720] =	vst v0  }
0x1b7: {  	v4 =	vimm.s32 $0x0;
	[tilespmem:$0xC730] =	vst v0  }
0x1b8: {  	[tilespmem:$0x7780] =	vst v4  }
0x1b9: {  	[tilespmem:$0x7790] =	vst v4  }
0x1ba: {  	[tilespmem:$0x77A0] =	vst v4  }
0x1bb: {  	[tilespmem:$0x77B0] =	vst v4  }
0x1bc: {  	[tilespmem:$0x77C0] =	vst v4  }
0x1bd: {  	[tilespmem:$0x77D0] =	vst v4  }
0x1be: {  	[tilespmem:$0x77E0] =	vst v4  }
0x1bf: {  	[tilespmem:$0x77F0] =	vst v4  }
0x1c0: {  	[tilespmem:$0x7800] =	vst v4  }
0x1c1: {  	[tilespmem:$0x7810] =	vst v4  }
0x1c2: {  	[tilespmem:$0x7820] =	vst v4  }
0x1c3: {  	[tilespmem:$0x7830] =	vst v4  }
0x1c4: {  	[tilespmem:$0x7840] =	vst v4  }
0x1c5: {  	[tilespmem:$0x7850] =	vst v4  }
0x1c6: {  	[tilespmem:$0x7860] =	vst v4  }
0x1c7: {  	[tilespmem:$0x7870] =	vst v4  }
0x1c8: {  	[tilespmem:$0x7880] =	vst v4  }
0x1c9: {  	[tilespmem:$0x7890] =	vst v4  }
0x1ca: {  	[tilespmem:$0x78A0] =	vst v4  }
0x1cb: {  	[tilespmem:$0x78B0] =	vst v4  }
0x1cc: {  	[tilespmem:$0x78C0] =	vst v4  }
0x1cd: {  	[tilespmem:$0x78D0] =	vst v4  }
0x1ce: {  	[tilespmem:$0x78E0] =	vst v4  }
0x1cf: {  	[tilespmem:$0x78F0] =	vst v4  }
0x1d0: {  	[tilespmem:$0x7900] =	vst v4  }
0x1d1: {  	[tilespmem:$0x7910] =	vst v4  }
0x1d2: {  	[tilespmem:$0x7920] =	vst v4  }
0x1d3: {  	[tilespmem:$0x7930] =	vst v4  }
0x1d4: {  	[tilespmem:$0x7940] =	vst v4  }
0x1d5: {  	[tilespmem:$0x7950] =	vst v4  }
0x1d6: {  	[tilespmem:$0x7960] =	vst v4  }
0x1d7: {  	[tilespmem:$0x7970] =	vst v4  }
0x1d8: {  	_ =	swait.ge [sflag:s24], $0x1388  }
0x1d9: {  	[sflag:s24] =	ssyncset.done $0x0  }
0x1da: {  	[sflag:s24] =	ssyncadd.s32 $0xFFFFEC78  }
0x1db: {  	_ =	swait.ge [sflag:s24], $0x1388  }
0x1dc: {  	[sflag:s24] =	ssyncset.done $0x0  }
0x1dd: {  	[sflag:s24] =	ssyncadd.s32 $0xFFFFEC78  }
0x1de: {  	_ =	swait.ge [sflag:s24], $0x2780  }
0x1df: {  	[sflag:s24] =	ssyncset.done $0x0  }
0x1e0: {  	[sflag:s24] =	ssyncadd.s32 $0xFFFFD880  }
0x1e1: {  	_ =	swait.ge [sflag:s24], $0x2780  }
0x1e2: {  	[sflag:s24] =	ssyncset.done $0x0  }
0x1e3: {  	[sflag:s24] =	ssyncadd.s32 $0xFFFFD880  }
0x1e4: {  	_ =	swait.ge [sflag:s24], $0x80  }
0x1e5: {  	[sflag:s24] =	ssyncset.done $0x0  }
0x1e6: {  	s0 =	simm.s32 $0x0;
	[sflag:s24] =	ssyncadd.s32 $0xFFFFFF80  }
0x1e7: {  	[tilespmem:v1+s0+$0x0] =	vst.idx.msk vm0, v4  }
0x1e8: {  	[tilespmem:v1+s2+$0x0] =	vst.idx.msk vm0, v2  }
0x1e9: {  	_ =	strace $0x9000004D  }
0x1ea: {  	_ =	strace $0x8000004E  }
.LBB2_15:
0x1eb: {  	s1 =	sshra.s32 s0, $0x2  }
0x1ec: {  	v5 =	vld [tilespmem:s1+$0x1400];
	_ =	sdelay $0x7  }
0x1ed: {  	v5 =	vld.idx.msk [tilespmem:v5+s22+$0x0], $0xffff;
	_ =	sdelay $0x2  }
0x1ee: {  	v6 =	vld [tilespmem:s1+$0x0];
	_ =	sdelay $0x1  }
0x1ef: {  	vm1 =	vgt.s32 v5, $0xFFFFFFFF  }
0x1f0: {  	vm2 =	vgt.s32 v5, $0x0  }
0x1f1: {  	v7 =	vnsel vm2, $0x0, v5;
	_ =	sdelay $0x3  }
0x1f2: {  	v8 =	vld.idx.msk [tilespmem:v6+s21+$0x0], vm1  }
0x1f3: {  	v7 =	vld.idx.msk [tilespmem:v7+s23+$0x0], vm1;
	_ =	sdelay $0x3  }
0x1f4: {  	v9 =	vsel vm1, $0x1, v3  }
0x1f5: {  	(xrf0) =	vadd.scan.msk.s32 $0xffff, v9;
	v7 =	vadd.f32 v7, v8;
	_ =	sdelay $0x1  }
0x1f6: {  	v8 =	vmul.f32 $2.000000030e-01, v7  }
0x1f7: {  	vm2 =	vge.f32 v7, $0.0e+00  }
0x1f8: {  	v7 =	vsel vm2, v7, v8  }
0x1f9: {  	v7 =	vmul.f32 $1.442695020e+00, v7  }
0x1fa: {  	v62, _, _ =	vpop (xrf0)  }
0x1fb: {  	(erf) = vpow2.f32 v7;
	v7 =	vadd.s32 v62, v4  }
0x1fc: {  	v7 =	vadd.s32 $0xFFFFFFFF, v7  }
0x1fd: {  	vm2 =	vgt.s32 v7, $0x0  }
0x1fe: {  	v7 =	vnsel vm2, $0x0, v7  }
0x1ff: {  	v7 =	vmin.u32 v7, $0x1FF;
	_ =	sdelay $0x1  }
0x200: {  	p0 =	sne.s32 s0, $0x4E00  }
.Ltmp12:
0x201: {  	_ = 	snop;
	(pc) =	sbr.rel @p0 .LBB2_15-.Ltmp12, $4  }
0x202: {  	_ = 	snop  }
0x203: {  	v63 =	vpop (erf);
	[tilespmem:v7+s25+$0x0] =	vst.idx.msk vm1, v6;
	v6 =	vmpcnt.ones.xlane vm1  }
0x204: {  	v8 =	vnsel vm1, $0x0, v63;
	[tilespmem:v7+s26+$0x0] =	vst.idx.msk vm1, v5  }
0x205: {  	s0 =	sadd.s32 $0x40, s0;
	[tilespmem:v7+s28+$0x0] =	vst.idx.msk vm1, v8;
	v4 =	vadd.s32 v4, v6  }
0x206: {  	v4 =	vxor.u32 $0x80000000, v4  }
0x207: {  	(xrf0) =	vmax.scan.msk.u32 $0xffff, v4;
	_ =	sdelay $0x5  }
0x208: {  	v4, _, _ =	vpop (xrf0)  }
0x209: {  	(v2sf) =	vpush v4, $0xF;
	_ =	sdelay $0xe  }
0x20a: {  	s0 =	spop (v2sf)  }
0x20b: {  	s0 =	sxor.u32 $0x80000000, s0  }
0x20c: {  	p0 =	slt.s32 s0, $0x200;
	s19 =	smov.u32 s0  }
0x20d: {  	s19 =	simm.s32 @!p0 $0x200  }
0x20e: {  	s1 =	sadd.s32 $0x7, s19  }
0x20f: {  	s2 =	sand.u32 $0x7, s1  }
0x210: {  	p6 =	slt.s32 s0, $0xFFFFFFFA;
	s31 =	sshra.s32 s1, $0x1F;
	p1 =	sne.s32 s2, $0x0  }
0x211: {  	s0 =	sshrl.u32 s31, $0x1D;
	p0 =	por !p6, !p1  }
0x212: {  	s0 =	sadd.s32 s0, s1;
	s1 =	simm.s32 $0x1;
	p0 =	por !p0, !p0  }
0x213: {  	s0 =	sshra.s32 s0, $0x3;
	s1 =	simm.s32 @!p0 $0x0  }
0x214: {  	s20 =	ssub.s32 s0, s1  }
0x215: {  	p0 =	slt.s32 s20, $0x1  }
.Ltmp13:
0x216: {  	_ = 	snop;
	(pc) =	sbr.rel @p0 .LBB2_23-.Ltmp13, $3  }
0x217: {  	_ =	sdelay $0x1  }
0x218: {  	_ =	strace $0x9000004E  }
0x219: {  	_ =	strace $0x8000004F  }
.Ltmp14:
0x21a: {  	(pc) =	sbr.rel .LBB2_18-.Ltmp14, $3  }
0x21b: {  	_ =	sdelay $0x1  }
0x21c: {  	s6 =	simm.s32 $0x0;
	s17 =	simm.s32 $0x7A00  }
0x21d: {  	s18 =	simm.s32 $0x7C80;
	s29 =	smov.u32 s19;
	s30 =	simm.s32 $0x0  }
.LBB2_21:
0x21e: {  	_ =	sdelay $0x3  }
0x21f: {  	[tilespmem:v5+s16+$0x0] =	vst.idx.add.f32.msk $0x1, v4  }
.LBB2_22:
0x220: {  	s30 =	sadd.s32 $0x1, s30  }
0x221: {  	p0 =	sne.s32 s30, s20  }
.Ltmp15:
0x222: {  	_ = 	snop;
	(pc) =	sbr.rel @!p0 .LBB2_23-.Ltmp15, $2  }
0x223: {  	_ =	sdelay $0x2  }
0x224: {  	s29 =	sadd.s32 $0xFFFFFFF8, s29;
	s17 =	sadd.s32 $0x8, s17;
	s18 =	sadd.s32 $0x8, s18  }
.LBB2_18:
0x225: {  	s0 =	sshll.u32 s30, $0x3;
	_ =	strace $0x80000050  }
0x226: {  	v4 =	vld [tilespmem:s0+$0x7780];
	_ =	sdelay $0x4  }
0x227: {  	(v2sf) =	vpush v4, $0x0;
	_ =	sdelay $0xe  }
0x228: {  	s1 =	spop (v2sf)  }
0x229: {  	s2 =	sshll.u32 s1, $0x8;
	s1 =	sshll.u32 s1, $0x7  }
0x22a: {  	s2 =	sand.u32 $0xFFFFF800, s2;
	s1 =	sand.u32 $0x380, s1  }
0x22b: {  	s1 =	sor.u32 s1, s2  }
0x22c: {  	s1 =	sshrl.u32 s1, $0x3  }
0x22d: {  	s8 =	simm.s32 $0x7F00;
	s1 =	sadd.s32 s5, s1  }
0x22e: {  	[tilespmem:s8], [sflag:$0x1] =	stream.linear.gather [hbm4b:s1+s6], $0x80, $0x200038;
	[tilespmem:$0xC780] =	vst v63  }
0x22f: {  	s31 =	simm.s32 $0x8300;
	s1 =	sadd.s32 $0x80, s1  }
0x230: {  	[tilespmem:s31], [sflag:$0x1] =	stream.linear.gather [hbm4b:s1+s6], $0x80, $0x200038;
	[tilespmem:$0xC780] =	vst v63  }
0x231: {  	v4 =	vld [tilespmem:s0+$0x7781];
	_ =	sdelay $0x4  }
0x232: {  	(v2sf) =	vpush v4, $0x0;
	_ =	sdelay $0xe  }
0x233: {  	s3 =	spop (v2sf)  }
0x234: {  	s7 =	sshll.u32 s3, $0x8;
	s1 =	sshll.u32 s3, $0x7  }
0x235: {  	s2 =	sand.u32 $0xFFFFF800, s7;
	s1 =	sand.u32 $0x380, s1  }
0x236: {  	s1 =	sor.u32 s1, s2  }
0x237: {  	s1 =	sshrl.u32 s1, $0x3  }
0x238: {  	s8 =	simm.s32 $0x7F80;
	s1 =	sadd.s32 s5, s1  }
0x239: {  	[tilespmem:s8], [sflag:$0x1] =	stream.linear.gather [hbm4b:s1+s6], $0x80, $0x200038;
	[tilespmem:$0xC780] =	vst v63  }
0x23a: {  	s31 =	simm.s32 $0x8380;
	s1 =	sadd.s32 $0x80, s1  }
0x23b: {  	[tilespmem:s31], [sflag:$0x1] =	stream.linear.gather [hbm4b:s1+s6], $0x80, $0x200038;
	[tilespmem:$0xC780] =	vst v63  }
0x23c: {  	v4 =	vld [tilespmem:s0+$0x7782];
	_ =	sdelay $0x4  }
0x23d: {  	(v2sf) =	vpush v4, $0x0;
	_ =	sdelay $0xe  }
0x23e: {  	s3 =	spop (v2sf)  }
0x23f: {  	s7 =	sshll.u32 s3, $0x8;
	s1 =	sshll.u32 s3, $0x7  }
0x240: {  	s2 =	sand.u32 $0xFFFFF800, s7;
	s1 =	sand.u32 $0x380, s1  }
0x241: {  	s1 =	sor.u32 s1, s2  }
0x242: {  	s1 =	sshrl.u32 s1, $0x3  }
0x243: {  	s8 =	simm.s32 $0x8000;
	s1 =	sadd.s32 s5, s1  }
0x244: {  	[tilespmem:s8], [sflag:$0x1] =	stream.linear.gather [hbm4b:s1+s6], $0x80, $0x200038;
	[tilespmem:$0xC780] =	vst v63  }
0x245: {  	s31 =	simm.s32 $0x8400;
	s1 =	sadd.s32 $0x80, s1  }
0x246: {  	[tilespmem:s31], [sflag:$0x1] =	stream.linear.gather [hbm4b:s1+s6], $0x80, $0x200038;
	[tilespmem:$0xC780] =	vst v63  }
0x247: {  	v4 =	vld [tilespmem:s0+$0x7783];
	_ =	sdelay $0x4  }
0x248: {  	(v2sf) =	vpush v4, $0x0;
	_ =	sdelay $0xe  }
0x249: {  	s3 =	spop (v2sf)  }
0x24a: {  	s7 =	sshll.u32 s3, $0x8;
	s1 =	sshll.u32 s3, $0x7  }
0x24b: {  	s2 =	sand.u32 $0xFFFFF800, s7;
	s1 =	sand.u32 $0x380, s1  }
0x24c: {  	s1 =	sor.u32 s1, s2  }
0x24d: {  	s1 =	sshrl.u32 s1, $0x3  }
0x24e: {  	s8 =	simm.s32 $0x8080;
	s1 =	sadd.s32 s5, s1  }
0x24f: {  	[tilespmem:s8], [sflag:$0x1] =	stream.linear.gather [hbm4b:s1+s6], $0x80, $0x200038;
	[tilespmem:$0xC780] =	vst v63  }
0x250: {  	s31 =	simm.s32 $0x8480;
	s1 =	sadd.s32 $0x80, s1  }
0x251: {  	[tilespmem:s31], [sflag:$0x1] =	stream.linear.gather [hbm4b:s1+s6], $0x80, $0x200038;
	[tilespmem:$0xC780] =	vst v63  }
0x252: {  	v4 =	vld [tilespmem:s0+$0x7784];
	_ =	sdelay $0x4  }
0x253: {  	(v2sf) =	vpush v4, $0x0;
	_ =	sdelay $0xe  }
0x254: {  	s2 =	spop (v2sf)  }
0x255: {  	s3 =	sshll.u32 s2, $0x8;
	s1 =	sshll.u32 s2, $0x7  }
0x256: {  	s2 =	sand.u32 $0xFFFFF800, s3;
	s1 =	sand.u32 $0x380, s1  }
0x257: {  	s1 =	sor.u32 s1, s2  }
0x258: {  	s1 =	sshrl.u32 s1, $0x3  }
0x259: {  	s7 =	simm.s32 $0x8100;
	s1 =	sadd.s32 s5, s1  }
0x25a: {  	[tilespmem:s7], [sflag:$0x1] =	stream.linear.gather [hbm4b:s1+s6], $0x80, $0x200038;
	[tilespmem:$0xC780] =	vst v63  }
0x25b: {  	s1 =	sadd.s32 $0x80, s1  }
0x25c: {  	[tilespmem:s9], [sflag:$0x1] =	stream.linear.gather [hbm4b:s1+s6], $0x80, $0x200038;
	[tilespmem:$0xC780] =	vst v63  }
0x25d: {  	v4 =	vld [tilespmem:s0+$0x7785];
	_ =	sdelay $0x4  }
0x25e: {  	(v2sf) =	vpush v4, $0x0;
	_ =	sdelay $0xe  }
0x25f: {  	s8 =	spop (v2sf)  }
0x260: {  	s31 =	sshll.u32 s8, $0x8;
	s1 =	sshll.u32 s8, $0x7  }
0x261: {  	s2 =	sand.u32 $0xFFFFF800, s31;
	s1 =	sand.u32 $0x380, s1  }
0x262: {  	s1 =	sor.u32 s1, s2  }
0x263: {  	s1 =	sshrl.u32 s1, $0x3  }
0x264: {  	s1 =	sadd.s32 s5, s1  }
0x265: {  	[tilespmem:s10], [sflag:$0x1] =	stream.linear.gather [hbm4b:s1+s6], $0x80, $0x200038;
	[tilespmem:$0xC780] =	vst v63  }
0x266: {  	s1 =	sadd.s32 $0x80, s1  }
0x267: {  	[tilespmem:s11], [sflag:$0x1] =	stream.linear.gather [hbm4b:s1+s6], $0x80, $0x200038;
	[tilespmem:$0xC780] =	vst v63  }
0x268: {  	v4 =	vld [tilespmem:s0+$0x7786];
	_ =	sdelay $0x4  }
0x269: {  	(v2sf) =	vpush v4, $0x0;
	_ =	sdelay $0xe  }
0x26a: {  	s3 =	spop (v2sf)  }
0x26b: {  	s7 =	sshll.u32 s3, $0x8;
	s1 =	sshll.u32 s3, $0x7  }
0x26c: {  	s2 =	sand.u32 $0xFFFFF800, s7;
	s1 =	sand.u32 $0x380, s1  }
0x26d: {  	s1 =	sor.u32 s1, s2  }
0x26e: {  	s1 =	sshrl.u32 s1, $0x3  }
0x26f: {  	s1 =	sadd.s32 s5, s1  }
0x270: {  	[tilespmem:s12], [sflag:$0x1] =	stream.linear.gather [hbm4b:s1+s6], $0x80, $0x200038;
	[tilespmem:$0xC780] =	vst v63  }
0x271: {  	s1 =	sadd.s32 $0x80, s1  }
0x272: {  	[tilespmem:s13], [sflag:$0x1] =	stream.linear.gather [hbm4b:s1+s6], $0x80, $0x200038;
	[tilespmem:$0xC780] =	vst v63  }
0x273: {  	v4 =	vld [tilespmem:s0+$0x7787];
	_ =	sdelay $0x4  }
0x274: {  	(v2sf) =	vpush v4, $0x0;
	_ =	sdelay $0xe  }
0x275: {  	s8 =	spop (v2sf)  }
0x276: {  	s31 =	sshll.u32 s8, $0x8;
	s1 =	sshll.u32 s8, $0x7  }
0x277: {  	s2 =	sand.u32 $0xFFFFF800, s31;
	s1 =	sand.u32 $0x380, s1  }
0x278: {  	s1 =	sor.u32 s1, s2  }
0x279: {  	s1 =	sshrl.u32 s1, $0x3  }
0x27a: {  	s1 =	sadd.s32 s5, s1  }
0x27b: {  	[tilespmem:s14], [sflag:$0x1] =	stream.linear.gather [hbm4b:s1+s6], $0x80, $0x200038;
	[tilespmem:$0xC780] =	vst v63  }
0x27c: {  	s1 =	sadd.s32 $0x80, s1  }
0x27d: {  	[tilespmem:s15], [sflag:$0x1] =	stream.linear.gather [hbm4b:s1+s6], $0x80, $0x200038;
	[tilespmem:$0xC780] =	vst v63  }
0x27e: {  	_ =	swait.ge [sflag:s24], $0x100  }
0x27f: {  	[sflag:s24] =	ssyncset.done $0x0  }
0x280: {  	[sflag:s24] =	ssyncadd.s32 $0xFFFFFF00  }
0x281: {  	_ =	swait.ge [sflag:s24], $0x100  }
0x282: {  	[sflag:s24] =	ssyncset.done $0x0  }
0x283: {  	[sflag:s24] =	ssyncadd.s32 $0xFFFFFF00  }
0x284: {  	_ =	swait.ge [sflag:s24], $0x100  }
0x285: {  	[sflag:s24] =	ssyncset.done $0x0  }
0x286: {  	[sflag:s24] =	ssyncadd.s32 $0xFFFFFF00  }
0x287: {  	_ =	swait.ge [sflag:s24], $0x100  }
0x288: {  	[sflag:s24] =	ssyncset.done $0x0  }
0x289: {  	[sflag:s24] =	ssyncadd.s32 $0xFFFFFF00  }
0x28a: {  	_ =	swait.ge [sflag:s24], $0x100  }
0x28b: {  	[sflag:s24] =	ssyncset.done $0x0  }
0x28c: {  	[sflag:s24] =	ssyncadd.s32 $0xFFFFFF00  }
0x28d: {  	_ =	swait.ge [sflag:s24], $0x100  }
0x28e: {  	[sflag:s24] =	ssyncset.done $0x0  }
0x28f: {  	[sflag:s24] =	ssyncadd.s32 $0xFFFFFF00  }
0x290: {  	s0 =	ssub.s32 s19, s0;
	_ =	swait.ge [sflag:s24], $0x100  }
0x291: {  	p0 =	slt.s32 s0, $0x1;
	[sflag:s24] =	ssyncset.done $0x0  }
.Ltmp16:
0x292: {  	[sflag:s24] =	ssyncadd.s32 $0xFFFFFF00;
	(pc) =	sbr.rel @p0 .LBB2_22-.Ltmp16, $4  }
0x293: {  	_ =	swait.ge [sflag:s24], $0x100  }
0x294: {  	[sflag:s24] =	ssyncset.done $0x0  }
0x295: {  	[sflag:s24] =	ssyncadd.s32 $0xFFFFFF00  }
0x296: {  	_ =	strace $0x90000050  }
0x297: {  	v5 =	vld [tilespmem:s17+$0x0];
	_ =	sdelay $0x4  }
0x298: {  	(v2sf) =	vpush v5, $0x0;
	_ =	sdelay $0x8  }
0x299: {  	s0 =	sand.u32 $0x3FFFF800, s6  }
0x29a: {  	v4 =	vld.msk [tilespmem:s18+$0x0 ss:$0x0], $0xffff;
	s0 =	sadd.s32 $0x0, s0  }
0x29b: {  	v6 =	vld [tilespmem:s0+$0x7F00];
	_ =	sdelay $0x3  }
0x29c: {  	s1 =	spop (v2sf)  }
0x29d: {  	v6 =	vmul.f32 v6, v4;
	s1 =	sshll.u32 s1, $0xA  }
0x29e: {  	s1 =	sshra.s32 s1, $0x2  }
0x29f: {  	[tilespmem:s1+$0x8700] =	vst.add.f32.msk $0xffff, v6  }
0x2a0: {  	v6 =	vld [tilespmem:s0+$0x7F10];
	_ =	sdelay $0x4  }
0x2a1: {  	v6 =	vmul.f32 v6, v4;
	_ =	sdelay $0x1  }
0x2a2: {  	[tilespmem:s1+$0x8710] =	vst.add.f32.msk $0xffff, v6  }
0x2a3: {  	v6 =	vld [tilespmem:s0+$0x7F20];
	_ =	sdelay $0x4  }
0x2a4: {  	v6 =	vmul.f32 v6, v4;
	_ =	sdelay $0x1  }
0x2a5: {  	[tilespmem:s1+$0x8720] =	vst.add.f32.msk $0xffff, v6  }
0x2a6: {  	v6 =	vld [tilespmem:s0+$0x7F30];
	_ =	sdelay $0x4  }
0x2a7: {  	v6 =	vmul.f32 v6, v4;
	_ =	sdelay $0x1  }
0x2a8: {  	[tilespmem:s1+$0x8730] =	vst.add.f32.msk $0xffff, v6  }
0x2a9: {  	v6 =	vld [tilespmem:s0+$0x7F40];
	_ =	sdelay $0x4  }
0x2aa: {  	v6 =	vmul.f32 v6, v4;
	_ =	sdelay $0x1  }
0x2ab: {  	[tilespmem:s1+$0x8740] =	vst.add.f32.msk $0xffff, v6  }
0x2ac: {  	v6 =	vld [tilespmem:s0+$0x7F50];
	_ =	sdelay $0x4  }
0x2ad: {  	v6 =	vmul.f32 v6, v4;
	_ =	sdelay $0x1  }
0x2ae: {  	[tilespmem:s1+$0x8750] =	vst.add.f32.msk $0xffff, v6  }
0x2af: {  	v6 =	vld [tilespmem:s0+$0x7F60];
	_ =	sdelay $0x4  }
0x2b0: {  	v6 =	vmul.f32 v6, v4;
	_ =	sdelay $0x1  }
0x2b1: {  	[tilespmem:s1+$0x8760] =	vst.add.f32.msk $0xffff, v6  }
0x2b2: {  	v6 =	vld [tilespmem:s0+$0x7F70];
	_ =	sdelay $0x4  }
0x2b3: {  	v6 =	vmul.f32 v6, v4;
	_ =	sdelay $0x1  }
0x2b4: {  	[tilespmem:s1+$0x8770] =	vst.add.f32.msk $0xffff, v6  }
0x2b5: {  	v6 =	vld [tilespmem:s0+$0x8300];
	_ =	sdelay $0x4  }
0x2b6: {  	v6 =	vmul.f32 v6, v4;
	_ =	sdelay $0x1  }
0x2b7: {  	[tilespmem:s1+$0x8780] =	vst.add.f32.msk $0xffff, v6  }
0x2b8: {  	v6 =	vld [tilespmem:s0+$0x8310];
	_ =	sdelay $0x4  }
0x2b9: {  	v6 =	vmul.f32 v6, v4;
	_ =	sdelay $0x1  }
0x2ba: {  	[tilespmem:s1+$0x8790] =	vst.add.f32.msk $0xffff, v6  }
0x2bb: {  	v6 =	vld [tilespmem:s0+$0x8320];
	_ =	sdelay $0x4  }
0x2bc: {  	v6 =	vmul.f32 v6, v4;
	_ =	sdelay $0x1  }
0x2bd: {  	[tilespmem:s1+$0x87A0] =	vst.add.f32.msk $0xffff, v6  }
0x2be: {  	v6 =	vld [tilespmem:s0+$0x8330];
	_ =	sdelay $0x4  }
0x2bf: {  	v6 =	vmul.f32 v6, v4;
	_ =	sdelay $0x1  }
0x2c0: {  	[tilespmem:s1+$0x87B0] =	vst.add.f32.msk $0xffff, v6  }
0x2c1: {  	v6 =	vld [tilespmem:s0+$0x8340];
	_ =	sdelay $0x4  }
0x2c2: {  	v6 =	vmul.f32 v6, v4;
	_ =	sdelay $0x1  }
0x2c3: {  	[tilespmem:s1+$0x87C0] =	vst.add.f32.msk $0xffff, v6  }
0x2c4: {  	v6 =	vld [tilespmem:s0+$0x8350];
	_ =	sdelay $0x4  }
0x2c5: {  	v6 =	vmul.f32 v6, v4;
	_ =	sdelay $0x1  }
0x2c6: {  	[tilespmem:s1+$0x87D0] =	vst.add.f32.msk $0xffff, v6  }
0x2c7: {  	v6 =	vld [tilespmem:s0+$0x8360];
	_ =	sdelay $0x4  }
0x2c8: {  	v6 =	vmul.f32 v6, v4;
	_ =	sdelay $0x1  }
0x2c9: {  	[tilespmem:s1+$0x87E0] =	vst.add.f32.msk $0xffff, v6  }
0x2ca: {  	p0 =	sgt.s32 s29, $0x1;
	v6 =	vld [tilespmem:s0+$0x8370];
	s0 =	smov.u32 s29  }
0x2cb: {  	s0 =	simm.s32 @!p0 $0x1  }
0x2cc: {  	s0 =	smin.u32 s0, $0x8  }
0x2cd: {  	s31 =	sshll.u32 s0, $0x9  }
0x2ce: {  	p0 =	sne.s32 s31, $0x200  }
.Ltmp17:
0x2cf: {  	v5 =	vbroadcast v5, $0x0;
	(pc) =	sbr.rel @!p0 .LBB2_21-.Ltmp17, $4  }
0x2d0: {  	_ = 	snop  }
0x2d1: {  	v6 =	vmul.f32 v6, v4  }
0x2d2: {  	s3 =	simm.s32 $0x200  }
0x2d3: {  	s2 =	simm.s32 $0x0;
	s0 =	sadd.s32 $0x1, s18;
	[tilespmem:s1+$0x87F0] =	vst.add.f32.msk $0xffff, v6;
	s1 =	smov.u32 s17  }
.LBB2_20:
0x2d4: {  	s2 =	sadd.s32 $0x100, s2  }
0x2d5: {  	[tilespmem:v5+s16+$0x0] =	vst.idx.add.f32.msk $0x1, v4;
	s1 =	sadd.s32 $0x1, s1;
	s7 =	smov.u32 s3;
	s3 =	sadd.s32 $0x200, s3  }
0x2d6: {  	v5 =	vld [tilespmem:s1+$0x0];
	p0 =	sne.s32 s31, s3;
	_ =	sdelay $0x4  }
0x2d7: {  	(v2sf) =	vpush v5, $0x0;
	_ =	sdelay $0x8  }
0x2d8: {  	s8 =	sand.u32 $0x3FFFF800, s2;
	s7 =	sshra.s32 s7, $0x2  }
0x2d9: {  	s7 =	sadd.s32 s7, s8;
	v4 =	vld.msk [tilespmem:s0+$0x0 ss:$0x0], $0xffff  }
0x2da: {  	v6 =	vld [tilespmem:s7+$0x7F00];
	_ =	sdelay $0x3  }
0x2db: {  	s8 =	spop (v2sf)  }
0x2dc: {  	v6 =	vmul.f32 v6, v4;
	s8 =	sshll.u32 s8, $0xA  }
0x2dd: {  	s8 =	sshra.s32 s8, $0x2  }
0x2de: {  	[tilespmem:s8+$0x8700] =	vst.add.f32.msk $0xffff, v6  }
0x2df: {  	v6 =	vld [tilespmem:s7+$0x7F10];
	_ =	sdelay $0x4  }
0x2e0: {  	v6 =	vmul.f32 v6, v4;
	_ =	sdelay $0x1  }
0x2e1: {  	[tilespmem:s8+$0x8710] =	vst.add.f32.msk $0xffff, v6  }
0x2e2: {  	v6 =	vld [tilespmem:s7+$0x7F20];
	_ =	sdelay $0x4  }
0x2e3: {  	v6 =	vmul.f32 v6, v4;
	_ =	sdelay $0x1  }
0x2e4: {  	[tilespmem:s8+$0x8720] =	vst.add.f32.msk $0xffff, v6  }
0x2e5: {  	v6 =	vld [tilespmem:s7+$0x7F30];
	_ =	sdelay $0x4  }
0x2e6: {  	v6 =	vmul.f32 v6, v4;
	_ =	sdelay $0x1  }
0x2e7: {  	[tilespmem:s8+$0x8730] =	vst.add.f32.msk $0xffff, v6  }
0x2e8: {  	v6 =	vld [tilespmem:s7+$0x7F40];
	_ =	sdelay $0x4  }
0x2e9: {  	v6 =	vmul.f32 v6, v4;
	_ =	sdelay $0x1  }
0x2ea: {  	[tilespmem:s8+$0x8740] =	vst.add.f32.msk $0xffff, v6  }
0x2eb: {  	v6 =	vld [tilespmem:s7+$0x7F50];
	_ =	sdelay $0x4  }
0x2ec: {  	v6 =	vmul.f32 v6, v4;
	_ =	sdelay $0x1  }
0x2ed: {  	[tilespmem:s8+$0x8750] =	vst.add.f32.msk $0xffff, v6  }
0x2ee: {  	v6 =	vld [tilespmem:s7+$0x7F60];
	_ =	sdelay $0x4  }
0x2ef: {  	v6 =	vmul.f32 v6, v4;
	_ =	sdelay $0x1  }
0x2f0: {  	[tilespmem:s8+$0x8760] =	vst.add.f32.msk $0xffff, v6  }
0x2f1: {  	v6 =	vld [tilespmem:s7+$0x7F70];
	_ =	sdelay $0x4  }
0x2f2: {  	v6 =	vmul.f32 v6, v4;
	_ =	sdelay $0x1  }
0x2f3: {  	[tilespmem:s8+$0x8770] =	vst.add.f32.msk $0xffff, v6  }
0x2f4: {  	v6 =	vld [tilespmem:s7+$0x8300];
	_ =	sdelay $0x4  }
0x2f5: {  	v6 =	vmul.f32 v6, v4;
	_ =	sdelay $0x1  }
0x2f6: {  	[tilespmem:s8+$0x8780] =	vst.add.f32.msk $0xffff, v6  }
0x2f7: {  	v6 =	vld [tilespmem:s7+$0x8310];
	_ =	sdelay $0x4  }
0x2f8: {  	v6 =	vmul.f32 v6, v4;
	_ =	sdelay $0x1  }
0x2f9: {  	[tilespmem:s8+$0x8790] =	vst.add.f32.msk $0xffff, v6  }
0x2fa: {  	v6 =	vld [tilespmem:s7+$0x8320];
	_ =	sdelay $0x4  }
0x2fb: {  	v6 =	vmul.f32 v6, v4;
	_ =	sdelay $0x1  }
0x2fc: {  	[tilespmem:s8+$0x87A0] =	vst.add.f32.msk $0xffff, v6  }
0x2fd: {  	v6 =	vld [tilespmem:s7+$0x8330];
	_ =	sdelay $0x4  }
0x2fe: {  	v6 =	vmul.f32 v6, v4;
	_ =	sdelay $0x1  }
0x2ff: {  	[tilespmem:s8+$0x87B0] =	vst.add.f32.msk $0xffff, v6  }
0x300: {  	v6 =	vld [tilespmem:s7+$0x8340];
	_ =	sdelay $0x4  }
0x301: {  	v6 =	vmul.f32 v6, v4;
	_ =	sdelay $0x1  }
0x302: {  	[tilespmem:s8+$0x87C0] =	vst.add.f32.msk $0xffff, v6  }
0x303: {  	v6 =	vld [tilespmem:s7+$0x8350];
	_ =	sdelay $0x4  }
0x304: {  	v6 =	vmul.f32 v6, v4;
	_ =	sdelay $0x1  }
0x305: {  	[tilespmem:s8+$0x87D0] =	vst.add.f32.msk $0xffff, v6  }
0x306: {  	v6 =	vld [tilespmem:s7+$0x8360];
	_ =	sdelay $0x4  }
0x307: {  	v6 =	vmul.f32 v6, v4;
	_ =	sdelay $0x1  }
0x308: {  	[tilespmem:s8+$0x87E0] =	vst.add.f32.msk $0xffff, v6  }
0x309: {  	v6 =	vld [tilespmem:s7+$0x8370];
	_ =	sdelay $0x1  }
0x30a: {  	v5 =	vbroadcast v5, $0x0  }
.Ltmp18:
0x30b: {  	(pc) =	sbr.rel @p0 .LBB2_20-.Ltmp18, $3  }
0x30c: {  	_ = 	snop  }
0x30d: {  	v6 =	vmul.f32 v6, v4;
	_ =	sdelay $0x1  }
0x30e: {  	s0 =	sadd.s32 $0x1, s0;
	[tilespmem:s8+$0x87F0] =	vst.add.f32.msk $0xffff, v6  }
.Ltmp19:
0x30f: {  	_ = 	snop;
	(pc) =	sbr.rel .LBB2_21-.Ltmp19, $1  }
0x310: {  	_ =	sdelay $0x3  }
.LBB2_24:
0x311: {  	_ =	sfence.sel $0x180000  }
0x312: {  	[bflag:$0x0] =	sbarrier.arrive $0xFFFF  }
0x313: {  	_ =	strace $0x90000047  }
0x314: {  	s0 =	stileid.u32;
	[bflag:$0x2] =	sbarrier.arrive $0xFFFF  }
0x315: {  	p0 =	sne.s32 s0, $0x0;
	s0 =	rddreg [dreg:$0x4]  }
0x316: {  	s0 =	sadd.s32 @!p0 $0x100000, s0  }
0x317: {  	[sflag:s0] =	ssyncadd.tile.s32 @!p0 $0x1;
	_ =	shalt  }
.Lfunc_end2:
_tile_overlayer_lowered:
.L_overlay_start_2:
0x318: {  	(tag) =	ssettag $0x2  }
0x319: {  	s0 =	rddreg [dreg:$0x0];
	s2 =	stileid.u32  }
0x31a: {  	s1 =	rddreg [dreg:$0x1];
	p0 =	sne.s32 s2, $0x0  }
0x31b: {  	s3 =	rddreg [dreg:$0x2];
	[bflag:$0x3] =	sbarrier.arrive $0xFFFF;
	s2 =	simm.s32 @!p0 $0x1C02  }
0x31c: {  	[timem:s3], [sflag:s2] =	dma.local @!p0 [hbm:s0], s1  }
0x31d: {  	s0 =	simm.s32 @!p0 $0x2  }
0x31e: {  	_ =	swait.ge @!p0 [sflag:s0], s1  }
0x31f: {  	s1 =	ssub.s32 @!p0 $0x0, s1;
	[sflag:s0] =	ssyncset.done @!p0 $0x0  }
0x320: {  	[sflag:s0] =	ssyncadd.s32 @!p0 s1  }
0x321: {  	[bflag:$0x3] =	sbarrier.arrive $0xFFFF  }
0x322: {  	_ =	shalt  }

</sc_bundles>
